<compile_context>
chip_gen: v7x
topology: tpu7x:2x2x1
jax: 0.10.2.dev20260603
libtpu: 0.0.44.dev20260713+nightly
codegen_flags: <defaults>
</compile_context>

<pallas_src>
import jax
import jax.numpy as jnp
from jax import lax
from jax.experimental import pallas as pl
from jax.experimental.pallas import tpu as pltpu
from jax.experimental.pallas import tpu_sc as plsc

N = 10000
E = 320000
D = 128
HD = D // 2
L = 4

NC = 2
NS = 16
CHUNK = 128
NBUF = 2
DBUF = 3
EPT = E // NS
GROUPS = -(-EPT // CHUNK)
EPT_PAD = GROUPS * CHUNK
N_PAD = 10112
ZROWS = N_PAD // NS
BROWS = 624
BTAIL = N - NS * BROWS


def _make_sc_seg_sum():
    mesh = plsc.VectorSubcoreMesh(core_axis_name="c", subcore_axis_name="s",
                                  num_cores=NC)

    def body(hh_hbm, src_hbm, dst_hbm, zeros_hbm, out_hbm,
             h_sp, agg_sp, src_i, dst_i, rows_v, isem, dsem, gsem, ssem):
        c = lax.axis_index("c")
        s = lax.axis_index("s")

        pltpu.async_copy(zeros_hbm, agg_sp.at[pl.ds(s * ZROWS, ZROWS)],
                         gsem.at[0])
        pltpu.async_copy(hh_hbm.at[c, pl.ds(s * BROWS, BROWS)],
                         h_sp.at[pl.ds(s * BROWS, BROWS)], gsem.at[1])

        @pl.when(s == NS - 1)
        def _():
            pltpu.sync_copy(hh_hbm.at[c, pl.ds(NS * BROWS, BTAIL)],
                            h_sp.at[pl.ds(NS * BROWS, BTAIL)])

        pltpu.make_async_copy(zeros_hbm, agg_sp.at[pl.ds(s * ZROWS, ZROWS)],
                              gsem.at[0]).wait()
        pltpu.make_async_copy(hh_hbm.at[c, pl.ds(s * BROWS, BROWS)],
                              h_sp.at[pl.ds(s * BROWS, BROWS)],
                              gsem.at[1]).wait()
        plsc.subcore_barrier()

        def stage_src(g, slot):
            pltpu.async_copy(src_hbm.at[s, g], src_i.at[slot], isem.at[slot])

        def stage_dst(g, slot):
            pltpu.async_copy(dst_hbm.at[s, g], dst_i.at[slot], dsem.at[slot])

        def wait_src(g, slot):
            pltpu.make_async_copy(src_hbm.at[s, g], src_i.at[slot],
                                  isem.at[slot]).wait()

        def wait_dst(g, slot):
            pltpu.make_async_copy(dst_hbm.at[s, g], dst_i.at[slot],
                                  dsem.at[slot]).wait()

        def wait_scatter(slot):
            pltpu.make_async_copy(rows_v.at[slot], agg_sp.at[dst_i.at[0]],
                                  ssem.at[slot]).wait()

        for g in range(2):
            stage_src(g, g)
            stage_dst(g, g)
        wait_src(0, 0)
        pltpu.async_copy(h_sp.at[src_i.at[0]], rows_v.at[0], gsem.at[0])

        def step(g, carry):
            b = lax.rem(g, NBUF)
            nb = lax.rem(g + 1, NBUF)
            ds = lax.rem(g, DBUF)

            @pl.when(g + 1 < GROUPS)
            def _():
                wait_src(g + 1, nb)

                @pl.when(g >= NBUF - 1)
                def _():
                    wait_scatter(nb)

                pltpu.async_copy(h_sp.at[src_i.at[nb]], rows_v.at[nb],
                                 gsem.at[nb])

            pltpu.make_async_copy(h_sp.at[src_i.at[b]], rows_v.at[b],
                                  gsem.at[b]).wait()
            wait_dst(g, ds)
            pltpu.async_copy(rows_v.at[b], agg_sp.at[dst_i.at[ds]],
                             ssem.at[b], add=True)

            @pl.when(g + 2 < GROUPS)
            def _():
                stage_src(g + 2, lax.rem(g + 2, NBUF))
                stage_dst(g + 2, lax.rem(g + 2, DBUF))

            return carry

        lax.fori_loop(0, GROUPS, step, 0)
        for k in range(NBUF):
            wait_scatter(k)
        plsc.subcore_barrier()

        pltpu.sync_copy(agg_sp.at[pl.ds(s * BROWS, BROWS)],
                        out_hbm.at[c, pl.ds(s * BROWS, BROWS)])

        @pl.when(s == NS - 1)
        def _():
            pltpu.sync_copy(agg_sp.at[pl.ds(NS * BROWS, BTAIL)],
                            out_hbm.at[c, pl.ds(NS * BROWS, BTAIL)])

    return pl.kernel(
        body,
        out_type=jax.ShapeDtypeStruct((NC, N, HD), jnp.float32),
        mesh=mesh,
        scratch_types=[
            pltpu.VMEM_SHARED((N, HD), jnp.float32),
            pltpu.VMEM_SHARED((N_PAD, HD), jnp.float32),
            pltpu.VMEM((NBUF, CHUNK), jnp.int32),
            pltpu.VMEM((DBUF, CHUNK), jnp.int32),
            pltpu.VMEM((NBUF, CHUNK, HD), jnp.float32),
            pltpu.SemaphoreType.DMA((NBUF,)),
            pltpu.SemaphoreType.DMA((DBUF,)),
            pltpu.SemaphoreType.DMA((NBUF,)),
            pltpu.SemaphoreType.DMA((NBUF,)),
        ],
    )


_sc_seg_sum = _make_sc_seg_sum()


ROWS_BLK = 2000
NB = N // ROWS_BLK


def _tc_layer_body(h_ref, agg_ref, w1_ref, w2_ref, g1_ref, b1_ref,
                   g2_ref, b2_ref, out_ref, hsplit_ref, y_scr, st_scr):
    p = pl.program_id(0)
    i = pl.program_id(1)
    cdims = (((1,), (1,)), ((), ()))

    @pl.when(p == 0)
    def _():
        agg = jnp.concatenate([agg_ref[0], agg_ref[1]], axis=-1)
        x = h_ref[...] + agg
        y = lax.dot_general(x, w1_ref[...], cdims,
                            preferred_element_type=jnp.float32)
        y_scr[pl.ds(i * ROWS_BLK, ROWS_BLK), :] = y
        cs = jnp.sum(y, axis=0, keepdims=True)
        cq = jnp.sum(y * y, axis=0, keepdims=True)

        @pl.when(i == 0)
        def _():
            st_scr[0:1, :] = cs
            st_scr[1:2, :] = cq

        @pl.when(i > 0)
        def _():
            st_scr[0:1, :] += cs
            st_scr[1:2, :] += cq

    @pl.when(p == 1)
    def _():
        m = st_scr[0:1, :] / N
        v = st_scr[1:2, :] / N - m * m
        s1 = g1_ref[...] * lax.rsqrt(v + 1e-5)
        t1 = b1_ref[...] - m * s1
        y = y_scr[pl.ds(i * ROWS_BLK, ROWS_BLK), :]
        u = y * s1 + t1
        u = jnp.where(u >= 0, u, 0.01 * u)
        z = lax.dot_general(u, w2_ref[...], cdims,
                            preferred_element_type=jnp.float32)
        y_scr[pl.ds(i * ROWS_BLK, ROWS_BLK), :] = z
        cs = jnp.sum(z, axis=0, keepdims=True)
        cq = jnp.sum(z * z, axis=0, keepdims=True)

        @pl.when(i == 0)
        def _():
            st_scr[2:3, :] = cs
            st_scr[3:4, :] = cq

        @pl.when(i > 0)
        def _():
            st_scr[2:3, :] += cs
            st_scr[3:4, :] += cq

    @pl.when(p == 2)
    def _():
        m = st_scr[2:3, :] / N
        v = st_scr[3:4, :] / N - m * m
        s2 = g2_ref[...] * lax.rsqrt(v + 1e-5)
        t2 = b2_ref[...] - m * s2
        z = y_scr[pl.ds(i * ROWS_BLK, ROWS_BLK), :]
        o = z * s2 + t2
        o = jnp.where(o >= 0, o, 0.01 * o)
        out_ref[...] = o
        hsplit_ref[0] = o[:, :HD]
        hsplit_ref[1] = o[:, HD:]


def _tc_layer(h, agg2, w1, w2, g1, b1, g2, b2):
    vec = lambda: pl.BlockSpec((1, D), lambda p, i: (0, 0))
    return pl.pallas_call(
        _tc_layer_body,
        grid=(3, NB),
        in_specs=[
            pl.BlockSpec((ROWS_BLK, D),
                         lambda p, i: (jnp.where(p == 0, i, 0), 0)),
            pl.BlockSpec((NC, ROWS_BLK, HD),
                         lambda p, i: (0, jnp.where(p == 0, i, 0), 0)),
            pl.BlockSpec((D, D), lambda p, i: (0, 0)),
            pl.BlockSpec((D, D), lambda p, i: (0, 0)),
            vec(), vec(), vec(), vec(),
        ],
        out_specs=[
            pl.BlockSpec((ROWS_BLK, D),
                         lambda p, i: (jnp.where(p == 2, i, 0), 0)),
            pl.BlockSpec((NC, ROWS_BLK, HD),
                         lambda p, i: (0, jnp.where(p == 2, i, 0), 0)),
        ],
        out_shape=[
            jax.ShapeDtypeStruct((N, D), jnp.float32),
            jax.ShapeDtypeStruct((NC, N, HD), jnp.float32),
        ],
        scratch_shapes=[
            pltpu.VMEM((N, D), jnp.float32),
            pltpu.VMEM((8, D), jnp.float32),
        ],
    )(h, agg2, w1, w2, g1, b1, g2, b2)


def kernel(h, edge_index, W1, W2, mlp_gamma, mlp_beta, out_gamma, out_beta):
    src = edge_index[0]
    dst = edge_index[1]
    pad = NS * EPT_PAD - E
    src_p = jnp.pad(src, (0, pad))
    dst_p = jnp.pad(dst, (0, pad), constant_values=N)
    src_r = src_p.reshape(NS, GROUPS, CHUNK)
    dst_r = dst_p.reshape(NS, GROUPS, CHUNK)
    zeros_hbm = jnp.zeros((ZROWS, HD), jnp.float32)

    g1 = mlp_gamma.reshape(L, 1, D)
    b1 = mlp_beta.reshape(L, 1, D)
    g2 = out_gamma.reshape(L, 1, D)
    b2 = out_beta.reshape(L, 1, D)

    hh = jnp.stack([h[:, :HD], h[:, HD:]])
    hs = [h]
    for i in range(L):
        agg2 = _sc_seg_sum(hh, src_r, dst_r, zeros_hbm)
        h, hh = _tc_layer(h, agg2, W1[i], W2[i], g1[i], b1[i], g2[i], b2[i])
        hs.append(h)
    return jnp.concatenate(hs, axis=-1)

# --- scband reference (transcript-rebuilt; emitter-appended) ---
"""Pipeline reference for scband-gin-15796889714690 (READ-ONLY COPY).

The authoritative reference and input builder live on the scoring server;
editing this copy changes nothing except your own understanding.
"""

import jax, jax.numpy as jnp
import numpy as np

N, E, D, L = 10000, 320000, 128, 4


def setup_inputs(seed: int = 0):
    key = jax.random.key(seed)
    ks = jax.random.split(key, 9)
    h = jax.random.normal(ks[0], (N, D), dtype=jnp.float32)
    edge_index = jax.random.randint(ks[1], (2, E), 0, N, dtype=jnp.int32)
    W1 = jax.random.normal(ks[2], (L, D, D), dtype=jnp.float32) * 0.05
    W2 = jax.random.normal(ks[3], (L, D, D), dtype=jnp.float32) * 0.05
    mlp_gamma = jnp.ones((L, D), dtype=jnp.float32)
    mlp_beta = jnp.zeros((L, D), dtype=jnp.float32)
    out_gamma = jnp.ones((L, D), dtype=jnp.float32)
    out_beta = jnp.zeros((L, D), dtype=jnp.float32)
    return {"h": h, "edge_index": edge_index, "W1": W1, "W2": W2,
            "mlp_gamma": mlp_gamma, "mlp_beta": mlp_beta,
            "out_gamma": out_gamma, "out_beta": out_beta}


def _bn(x, g, b):
    m = jnp.mean(x, axis=0)
    v = jnp.var(x, axis=0)
    return g * (x - m) * jax.lax.rsqrt(v + 1e-5) + b


def reference(h, edge_index, W1, W2, mlp_gamma, mlp_beta, out_gamma, out_beta):
    # DGL GINConv, aggregator='sum', learn_eps=False (eps=0):
    #   rst = apply_func(feat + sum_{j in N(i)} feat_j)
    # apply_func = Linear(D,D,bias=False) -> BatchNorm1d -> LeakyReLU -> Linear(D,D,bias=False)
    # then outer BatchNorm1d + LeakyReLU per layer; concat all layer outputs.
    src = edge_index[0]
    dst = edge_index[1]
    n = h.shape[0]
    hs = [h]
    for i in range(L):
        agg = jax.ops.segment_sum(h[src], dst, num_segments=n)
        x = h + agg
        x = x @ W1[i].T
        x = _bn(x, mlp_gamma[i], mlp_beta[i])
        x = jax.nn.leaky_relu(x, 0.01)
        x = x @ W2[i].T
        x = _bn(x, out_gamma[i], out_beta[i])
        h = jax.nn.leaky_relu(x, 0.01)
        hs.append(h)
    return jnp.concatenate(hs, axis=-1)

if __name__ == "__main__":
    import jax
    _d = setup_inputs()
    print(jax.jit(kernel)(*tuple(_d.values())))

</pallas_src>

<mosaic_0001>
#map = affine_map<(d0, d1) -> (0, 0, 0)>
#map1 = affine_map<(d0, d1) -> (0, 0)>
module attributes {stable_mosaic.version = 14 : i64} {
  func.func @body(%arg0: i32, %arg1: i32, %arg2: memref<2x10000x64xf32, #tpu.memory_space<hbm>>, %arg3: memref<16x157x128xi32, #tpu.memory_space<hbm>>, %arg4: memref<16x157x128xi32, #tpu.memory_space<hbm>>, %arg5: memref<632x64xf32, #tpu.memory_space<hbm>>, %arg6: memref<2x10000x64xf32, #tpu.memory_space<hbm>>, %arg7: memref<10000x64xf32, #tpu.memory_space<vmem_shared>>, %arg8: memref<10112x64xf32, #tpu.memory_space<vmem_shared>>, %arg9: memref<2x128xi32, #tpu.memory_space<vmem>>, %arg10: memref<3x128xi32, #tpu.memory_space<vmem>>, %arg11: memref<2x128x64xf32, #tpu.memory_space<vmem>>, %arg12: memref<2x!tpu.dma_semaphore, #tpu.memory_space<semaphore_mem>>, %arg13: memref<3x!tpu.dma_semaphore, #tpu.memory_space<semaphore_mem>>, %arg14: memref<2x!tpu.dma_semaphore, #tpu.memory_space<semaphore_mem>>, %arg15: memref<2x!tpu.dma_semaphore, #tpu.memory_space<semaphore_mem>>) attributes {dimension_semantics = [#tpu.dimension_semantics<core_parallel>, #tpu.dimension_semantics<subcore_parallel>], iteration_bounds = array<i64: 2, 16>, scalar_prefetch = 0 : i64, scratch_operands = 9 : i64, tpu.core_type = #tpu.core_type<sc_vector_subcore>, window_params = [{transform_indices = #map}, {transform_indices = #map}, {transform_indices = #map}, {transform_indices = #map1}, {transform_indices = #map}]} {
    %mul3A = arith.constant 632 : i32
    %mul3A_0 = arith.muli %arg1, %mul3A : i32
    %dma_start3A = arith.constant 0 : i32
    %dma_start3A_1 = tpu.memref_slice %arg14[%dma_start3A] : memref<2x!tpu.dma_semaphore, #tpu.memory_space<semaphore_mem>> -> memref<1x!tpu.dma_semaphore, #tpu.memory_space<semaphore_mem>>
    %dma_start3A_2 = tpu.memref_squeeze %dma_start3A_1 : memref<1x!tpu.dma_semaphore, #tpu.memory_space<semaphore_mem>> -> memref<!tpu.dma_semaphore, #tpu.memory_space<semaphore_mem>>
    %dma_start3A_3 = arith.constant 0 : i32
    %dma_start3A_4 = tpu.memref_slice %arg8[%mul3A_0, %dma_start3A_3] : memref<10112x64xf32, #tpu.memory_space<vmem_shared>> -> memref<632x64xf32, #tpu.memory_space<vmem_shared>>
    tpu.enqueue_dma source(%arg5 : memref<632x64xf32, #tpu.memory_space<hbm>>) target(%dma_start3A_4 : memref<632x64xf32, #tpu.memory_space<vmem_shared>>) target_semaphore(%dma_start3A_2 : memref<!tpu.dma_semaphore, #tpu.memory_space<semaphore_mem>>)
    %mul3A_5 = arith.constant 624 : i32
    %mul3A_6 = arith.muli %arg1, %mul3A_5 : i32
    %mul3A_7 = arith.constant 624 : i32
    %mul3A_8 = arith.muli %arg1, %mul3A_7 : i32
    %dma_start3A_9 = arith.constant 1 : i32
    %dma_start3A_10 = tpu.memref_slice %arg14[%dma_start3A_9] : memref<2x!tpu.dma_semaphore, #tpu.memory_space<semaphore_mem>> -> memref<1x!tpu.dma_semaphore, #tpu.memory_space<semaphore_mem>>
    %dma_start3A_11 = tpu.memref_squeeze %dma_start3A_10 : memref<1x!tpu.dma_semaphore, #tpu.memory_space<semaphore_mem>> -> memref<!tpu.dma_semaphore, #tpu.memory_space<semaphore_mem>>
    %dma_start3A_12 = arith.constant 0 : i32
    %dma_start3A_13 = tpu.memref_slice %arg7[%mul3A_8, %dma_start3A_12] : memref<10000x64xf32, #tpu.memory_space<vmem_shared>> -> memref<624x64xf32, #tpu.memory_space<vmem_shared>>
    %dma_start3A_14 = arith.constant 0 : i32
    %dma_start3A_15 = tpu.memref_slice %arg2[%arg0, %mul3A_6, %dma_start3A_14] : memref<2x10000x64xf32, #tpu.memory_space<hbm>> -> memref<1x624x64xf32, #tpu.memory_space<hbm>>
    %dma_start3A_16 = tpu.memref_squeeze %dma_start3A_15 : memref<1x624x64xf32, #tpu.memory_space<hbm>> -> memref<624x64xf32, #tpu.memory_space<hbm>>
    tpu.enqueue_dma source(%dma_start3A_16 : memref<624x64xf32, #tpu.memory_space<hbm>>) target(%dma_start3A_13 : memref<624x64xf32, #tpu.memory_space<vmem_shared>>) target_semaphore(%dma_start3A_11 : memref<!tpu.dma_semaphore, #tpu.memory_space<semaphore_mem>>)
    %eq3A = arith.constant 15 : i32
    %eq3A_17 = arith.cmpi eq, %arg1, %eq3A : i32
    %convert_element_type3A = arith.extui %eq3A_17 : i1 to i32
    %cond3A = arith.constant 0 : i32
    %cond3A_18 = arith.cmpi ne, %convert_element_type3A, %cond3A : i32
    scf.if %cond3A_18 {
      "tpu.region"() ({
        %run_scoped3A = tpu.sem_alloc : memref<!tpu.dma_semaphore, #tpu.memory_space<semaphore_mem>>
        %dma_start3A_182 = arith.constant 9984 : i32
        %dma_start3A_183 = arith.constant 0 : i32
        %dma_start3A_184 = tpu.memref_slice %arg7[%dma_start3A_182, %dma_start3A_183] : memref<10000x64xf32, #tpu.memory_space<vmem_shared>> -> memref<16x64xf32, #tpu.memory_space<vmem_shared>>
        %dma_start3A_185 = arith.constant 9984 : i32
        %dma_start3A_186 = arith.constant 0 : i32
        %dma_start3A_187 = tpu.memref_slice %arg2[%arg0, %dma_start3A_185, %dma_start3A_186] : memref<2x10000x64xf32, #tpu.memory_space<hbm>> -> memref<1x16x64xf32, #tpu.memory_space<hbm>>
        %dma_start3A_188 = tpu.memref_squeeze %dma_start3A_187 : memref<1x16x64xf32, #tpu.memory_space<hbm>> -> memref<16x64xf32, #tpu.memory_space<hbm>>
        tpu.enqueue_dma source(%dma_start3A_188 : memref<16x64xf32, #tpu.memory_space<hbm>>) target(%dma_start3A_184 : memref<16x64xf32, #tpu.memory_space<vmem_shared>>) target_semaphore(%run_scoped3A : memref<!tpu.dma_semaphore, #tpu.memory_space<semaphore_mem>>)
        %dma_wait3A_189 = arith.constant 9984 : i32
        %dma_wait3A_190 = arith.constant 0 : i32
        %dma_wait3A_191 = tpu.memref_slice %arg7[%dma_wait3A_189, %dma_wait3A_190] : memref<10000x64xf32, #tpu.memory_space<vmem_shared>> -> memref<16x64xf32, #tpu.memory_space<vmem_shared>>
        %dma_wait3A_192 = arith.constant 9984 : i32
        %dma_wait3A_193 = arith.constant 0 : i32
        %dma_wait3A_194 = tpu.memref_slice %arg2[%arg0, %dma_wait3A_192, %dma_wait3A_193] : memref<2x10000x64xf32, #tpu.memory_space<hbm>> -> memref<1x16x64xf32, #tpu.memory_space<hbm>>
        %dma_wait3A_195 = tpu.memref_squeeze %dma_wait3A_194 : memref<1x16x64xf32, #tpu.memory_space<hbm>> -> memref<16x64xf32, #tpu.memory_space<hbm>>
        tpu.wait_dma2 semaphore(%run_scoped3A : memref<!tpu.dma_semaphore, #tpu.memory_space<semaphore_mem>>) src(%dma_wait3A_195 : memref<16x64xf32, #tpu.memory_space<hbm>>) dst(%dma_wait3A_191 : memref<16x64xf32, #tpu.memory_space<vmem_shared>>)
        tpu.yield
      }) : () -> ()
    } else {
    }
    %mul3A_19 = arith.constant 632 : i32
    %mul3A_20 = arith.muli %arg1, %mul3A_19 : i32
    %dma_wait3A = arith.constant 0 : i32
    %dma_wait3A_21 = tpu.memref_slice %arg14[%dma_wait3A] : memref<2x!tpu.dma_semaphore, #tpu.memory_space<semaphore_mem>> -> memref<1x!tpu.dma_semaphore, #tpu.memory_space<semaphore_mem>>
    %dma_wait3A_22 = tpu.memref_squeeze %dma_wait3A_21 : memref<1x!tpu.dma_semaphore, #tpu.memory_space<semaphore_mem>> -> memref<!tpu.dma_semaphore, #tpu.memory_space<semaphore_mem>>
    %dma_wait3A_23 = arith.constant 0 : i32
    %dma_wait3A_24 = tpu.memref_slice %arg8[%mul3A_20, %dma_wait3A_23] : memref<10112x64xf32, #tpu.memory_space<vmem_shared>> -> memref<632x64xf32, #tpu.memory_space<vmem_shared>>
    tpu.wait_dma2 semaphore(%dma_wait3A_22 : memref<!tpu.dma_semaphore, #tpu.memory_space<semaphore_mem>>) src(%arg5 : memref<632x64xf32, #tpu.memory_space<hbm>>) dst(%dma_wait3A_24 : memref<632x64xf32, #tpu.memory_space<vmem_shared>>)
    %mul3A_25 = arith.constant 624 : i32
    %mul3A_26 = arith.muli %arg1, %mul3A_25 : i32
    %mul3A_27 = arith.constant 624 : i32
    %mul3A_28 = arith.muli %arg1, %mul3A_27 : i32
    %dma_wait3A_29 = arith.constant 1 : i32
    %dma_wait3A_30 = tpu.memref_slice %arg14[%dma_wait3A_29] : memref<2x!tpu.dma_semaphore, #tpu.memory_space<semaphore_mem>> -> memref<1x!tpu.dma_semaphore, #tpu.memory_space<semaphore_mem>>
    %dma_wait3A_31 = tpu.memref_squeeze %dma_wait3A_30 : memref<1x!tpu.dma_semaphore, #tpu.memory_space<semaphore_mem>> -> memref<!tpu.dma_semaphore, #tpu.memory_space<semaphore_mem>>
    %dma_wait3A_32 = arith.constant 0 : i32
    %dma_wait3A_33 = tpu.memref_slice %arg7[%mul3A_28, %dma_wait3A_32] : memref<10000x64xf32, #tpu.memory_space<vmem_shared>> -> memref<624x64xf32, #tpu.memory_space<vmem_shared>>
    %dma_wait3A_34 = arith.constant 0 : i32
    %dma_wait3A_35 = tpu.memref_slice %arg2[%arg0, %mul3A_26, %dma_wait3A_34] : memref<2x10000x64xf32, #tpu.memory_space<hbm>> -> memref<1x624x64xf32, #tpu.memory_space<hbm>>
    %dma_wait3A_36 = tpu.memref_squeeze %dma_wait3A_35 : memref<1x624x64xf32, #tpu.memory_space<hbm>> -> memref<624x64xf32, #tpu.memory_space<hbm>>
    tpu.wait_dma2 semaphore(%dma_wait3A_31 : memref<!tpu.dma_semaphore, #tpu.memory_space<semaphore_mem>>) src(%dma_wait3A_36 : memref<624x64xf32, #tpu.memory_space<hbm>>) dst(%dma_wait3A_33 : memref<624x64xf32, #tpu.memory_space<vmem_shared>>)
    %barrier3A = arith.constant 0 : index
    tpu.barrier barrier_id(%barrier3A)
    %dma_start3A_37 = arith.constant 0 : i32
    %dma_start3A_38 = arith.constant 0 : i32
    %dma_start3A_39 = arith.constant 0 : i32
    %dma_start3A_40 = arith.constant 0 : i32
    %dma_start3A_41 = tpu.memref_slice %arg9[%dma_start3A_38, %dma_start3A_40] : memref<2x128xi32, #tpu.memory_space<vmem>> -> memref<1x128xi32, #tpu.memory_space<vmem>>
    %dma_start3A_42 = tpu.memref_squeeze %dma_start3A_41 : memref<1x128xi32, #tpu.memory_space<vmem>> -> memref<128xi32, #tpu.memory_space<vmem>>
    %dma_start3A_43 = arith.constant 0 : i32
    %dma_start3A_44 = tpu.memref_slice %arg3[%arg1, %dma_start3A_37, %dma_start3A_43] : memref<16x157x128xi32, #tpu.memory_space<hbm>> -> memref<1x1x128xi32, #tpu.memory_space<hbm>>
    %dma_start3A_45 = tpu.memref_squeeze %dma_start3A_44 : memref<1x1x128xi32, #tpu.memory_space<hbm>> -> memref<128xi32, #tpu.memory_space<hbm>>
    %dma_start3A_46 = tpu.memref_slice %arg12[%dma_start3A_39] : memref<2x!tpu.dma_semaphore, #tpu.memory_space<semaphore_mem>> -> memref<1x!tpu.dma_semaphore, #tpu.memory_space<semaphore_mem>>
    %dma_start3A_47 = tpu.memref_squeeze %dma_start3A_46 : memref<1x!tpu.dma_semaphore, #tpu.memory_space<semaphore_mem>> -> memref<!tpu.dma_semaphore, #tpu.memory_space<semaphore_mem>>
    %dma_start3A_48 = arith.constant 0 : i32
    %dma_start3A_49 = tpu.memref_slice %arg9[%dma_start3A_38, %dma_start3A_48] : memref<2x128xi32, #tpu.memory_space<vmem>> -> memref<1x128xi32, #tpu.memory_space<vmem>>
    %dma_start3A_50 = tpu.memref_squeeze %dma_start3A_49 : memref<1x128xi32, #tpu.memory_space<vmem>> -> memref<128xi32, #tpu.memory_space<vmem>>
    %dma_start3A_51 = arith.constant 0 : i32
    %dma_start3A_52 = tpu.memref_slice %arg3[%arg1, %dma_start3A_37, %dma_start3A_51] : memref<16x157x128xi32, #tpu.memory_space<hbm>> -> memref<1x1x128xi32, #tpu.memory_space<hbm>>
    %dma_start3A_53 = tpu.memref_squeeze %dma_start3A_52 : memref<1x1x128xi32, #tpu.memory_space<hbm>> -> memref<128xi32, #tpu.memory_space<hbm>>
    tpu.enqueue_dma source(%dma_start3A_53 : memref<128xi32, #tpu.memory_space<hbm>>) target(%dma_start3A_50 : memref<128xi32, #tpu.memory_space<vmem>>) target_semaphore(%dma_start3A_47 : memref<!tpu.dma_semaphore, #tpu.memory_space<semaphore_mem>>)
    %dma_start3A_54 = arith.constant 0 : i32
    %dma_start3A_55 = arith.constant 0 : i32
    %dma_start3A_56 = arith.constant 0 : i32
    %dma_start3A_57 = arith.constant 0 : i32
    %dma_start3A_58 = tpu.memref_slice %arg10[%dma_start3A_55, %dma_start3A_57] : memref<3x128xi32, #tpu.memory_space<vmem>> -> memref<1x128xi32, #tpu.memory_space<vmem>>
    %dma_start3A_59 = tpu.memref_squeeze %dma_start3A_58 : memref<1x128xi32, #tpu.memory_space<vmem>> -> memref<128xi32, #tpu.memory_space<vmem>>
    %dma_start3A_60 = arith.constant 0 : i32
    %dma_start3A_61 = tpu.memref_slice %arg4[%arg1, %dma_start3A_54, %dma_start3A_60] : memref<16x157x128xi32, #tpu.memory_space<hbm>> -> memref<1x1x128xi32, #tpu.memory_space<hbm>>
    %dma_start3A_62 = tpu.memref_squeeze %dma_start3A_61 : memref<1x1x128xi32, #tpu.memory_space<hbm>> -> memref<128xi32, #tpu.memory_space<hbm>>
    %dma_start3A_63 = tpu.memref_slice %arg13[%dma_start3A_56] : memref<3x!tpu.dma_semaphore, #tpu.memory_space<semaphore_mem>> -> memref<1x!tpu.dma_semaphore, #tpu.memory_space<semaphore_mem>>
    %dma_start3A_64 = tpu.memref_squeeze %dma_start3A_63 : memref<1x!tpu.dma_semaphore, #tpu.memory_space<semaphore_mem>> -> memref<!tpu.dma_semaphore, #tpu.memory_space<semaphore_mem>>
    %dma_start3A_65 = arith.constant 0 : i32
    %dma_start3A_66 = tpu.memref_slice %arg10[%dma_start3A_55, %dma_start3A_65] : memref<3x128xi32, #tpu.memory_space<vmem>> -> memref<1x128xi32, #tpu.memory_space<vmem>>
    %dma_start3A_67 = tpu.memref_squeeze %dma_start3A_66 : memref<1x128xi32, #tpu.memory_space<vmem>> -> memref<128xi32, #tpu.memory_space<vmem>>
    %dma_start3A_68 = arith.constant 0 : i32
    %dma_start3A_69 = tpu.memref_slice %arg4[%arg1, %dma_start3A_54, %dma_start3A_68] : memref<16x157x128xi32, #tpu.memory_space<hbm>> -> memref<1x1x128xi32, #tpu.memory_space<hbm>>
    %dma_start3A_70 = tpu.memref_squeeze %dma_start3A_69 : memref<1x1x128xi32, #tpu.memory_space<hbm>> -> memref<128xi32, #tpu.memory_space<hbm>>
    tpu.enqueue_dma source(%dma_start3A_70 : memref<128xi32, #tpu.memory_space<hbm>>) target(%dma_start3A_67 : memref<128xi32, #tpu.memory_space<vmem>>) target_semaphore(%dma_start3A_64 : memref<!tpu.dma_semaphore, #tpu.memory_space<semaphore_mem>>)
    %dma_start3A_71 = arith.constant 1 : i32
    %dma_start3A_72 = arith.constant 1 : i32
    %dma_start3A_73 = arith.constant 1 : i32
    %dma_start3A_74 = arith.constant 0 : i32
    %dma_start3A_75 = tpu.memref_slice %arg9[%dma_start3A_72, %dma_start3A_74] : memref<2x128xi32, #tpu.memory_space<vmem>> -> memref<1x128xi32, #tpu.memory_space<vmem>>
    %dma_start3A_76 = tpu.memref_squeeze %dma_start3A_75 : memref<1x128xi32, #tpu.memory_space<vmem>> -> memref<128xi32, #tpu.memory_space<vmem>>
    %dma_start3A_77 = arith.constant 0 : i32
    %dma_start3A_78 = tpu.memref_slice %arg3[%arg1, %dma_start3A_71, %dma_start3A_77] : memref<16x157x128xi32, #tpu.memory_space<hbm>> -> memref<1x1x128xi32, #tpu.memory_space<hbm>>
    %dma_start3A_79 = tpu.memref_squeeze %dma_start3A_78 : memref<1x1x128xi32, #tpu.memory_space<hbm>> -> memref<128xi32, #tpu.memory_space<hbm>>
    %dma_start3A_80 = tpu.memref_slice %arg12[%dma_start3A_73] : memref<2x!tpu.dma_semaphore, #tpu.memory_space<semaphore_mem>> -> memref<1x!tpu.dma_semaphore, #tpu.memory_space<semaphore_mem>>
    %dma_start3A_81 = tpu.memref_squeeze %dma_start3A_80 : memref<1x!tpu.dma_semaphore, #tpu.memory_space<semaphore_mem>> -> memref<!tpu.dma_semaphore, #tpu.memory_space<semaphore_mem>>
    %dma_start3A_82 = arith.constant 0 : i32
    %dma_start3A_83 = tpu.memref_slice %arg9[%dma_start3A_72, %dma_start3A_82] : memref<2x128xi32, #tpu.memory_space<vmem>> -> memref<1x128xi32, #tpu.memory_space<vmem>>
    %dma_start3A_84 = tpu.memref_squeeze %dma_start3A_83 : memref<1x128xi32, #tpu.memory_space<vmem>> -> memref<128xi32, #tpu.memory_space<vmem>>
    %dma_start3A_85 = arith.constant 0 : i32
    %dma_start3A_86 = tpu.memref_slice %arg3[%arg1, %dma_start3A_71, %dma_start3A_85] : memref<16x157x128xi32, #tpu.memory_space<hbm>> -> memref<1x1x128xi32, #tpu.memory_space<hbm>>
    %dma_start3A_87 = tpu.memref_squeeze %dma_start3A_86 : memref<1x1x128xi32, #tpu.memory_space<hbm>> -> memref<128xi32, #tpu.memory_space<hbm>>
    tpu.enqueue_dma source(%dma_start3A_87 : memref<128xi32, #tpu.memory_space<hbm>>) target(%dma_start3A_84 : memref<128xi32, #tpu.memory_space<vmem>>) target_semaphore(%dma_start3A_81 : memref<!tpu.dma_semaphore, #tpu.memory_space<semaphore_mem>>)
    %dma_start3A_88 = arith.constant 1 : i32
    %dma_start3A_89 = arith.constant 1 : i32
    %dma_start3A_90 = arith.constant 1 : i32
    %dma_start3A_91 = arith.constant 0 : i32
    %dma_start3A_92 = tpu.memref_slice %arg10[%dma_start3A_89, %dma_start3A_91] : memref<3x128xi32, #tpu.memory_space<vmem>> -> memref<1x128xi32, #tpu.memory_space<vmem>>
    %dma_start3A_93 = tpu.memref_squeeze %dma_start3A_92 : memref<1x128xi32, #tpu.memory_space<vmem>> -> memref<128xi32, #tpu.memory_space<vmem>>
    %dma_start3A_94 = arith.constant 0 : i32
    %dma_start3A_95 = tpu.memref_slice %arg4[%arg1, %dma_start3A_88, %dma_start3A_94] : memref<16x157x128xi32, #tpu.memory_space<hbm>> -> memref<1x1x128xi32, #tpu.memory_space<hbm>>
    %dma_start3A_96 = tpu.memref_squeeze %dma_start3A_95 : memref<1x1x128xi32, #tpu.memory_space<hbm>> -> memref<128xi32, #tpu.memory_space<hbm>>
    %dma_start3A_97 = tpu.memref_slice %arg13[%dma_start3A_90] : memref<3x!tpu.dma_semaphore, #tpu.memory_space<semaphore_mem>> -> memref<1x!tpu.dma_semaphore, #tpu.memory_space<semaphore_mem>>
    %dma_start3A_98 = tpu.memref_squeeze %dma_start3A_97 : memref<1x!tpu.dma_semaphore, #tpu.memory_space<semaphore_mem>> -> memref<!tpu.dma_semaphore, #tpu.memory_space<semaphore_mem>>
    %dma_start3A_99 = arith.constant 0 : i32
    %dma_start3A_100 = tpu.memref_slice %arg10[%dma_start3A_89, %dma_start3A_99] : memref<3x128xi32, #tpu.memory_space<vmem>> -> memref<1x128xi32, #tpu.memory_space<vmem>>
    %dma_start3A_101 = tpu.memref_squeeze %dma_start3A_100 : memref<1x128xi32, #tpu.memory_space<vmem>> -> memref<128xi32, #tpu.memory_space<vmem>>
    %dma_start3A_102 = arith.constant 0 : i32
    %dma_start3A_103 = tpu.memref_slice %arg4[%arg1, %dma_start3A_88, %dma_start3A_102] : memref<16x157x128xi32, #tpu.memory_space<hbm>> -> memref<1x1x128xi32, #tpu.memory_space<hbm>>
    %dma_start3A_104 = tpu.memref_squeeze %dma_start3A_103 : memref<1x1x128xi32, #tpu.memory_space<hbm>> -> memref<128xi32, #tpu.memory_space<hbm>>
    tpu.enqueue_dma source(%dma_start3A_104 : memref<128xi32, #tpu.memory_space<hbm>>) target(%dma_start3A_101 : memref<128xi32, #tpu.memory_space<vmem>>) target_semaphore(%dma_start3A_98 : memref<!tpu.dma_semaphore, #tpu.memory_space<semaphore_mem>>)
    %dma_wait3A_105 = arith.constant 0 : i32
    %dma_wait3A_106 = arith.constant 0 : i32
    %dma_wait3A_107 = arith.constant 0 : i32
    %dma_wait3A_108 = arith.constant 0 : i32
    %dma_wait3A_109 = tpu.memref_slice %arg9[%dma_wait3A_106, %dma_wait3A_108] : memref<2x128xi32, #tpu.memory_space<vmem>> -> memref<1x128xi32, #tpu.memory_space<vmem>>
    %dma_wait3A_110 = tpu.memref_squeeze %dma_wait3A_109 : memref<1x128xi32, #tpu.memory_space<vmem>> -> memref<128xi32, #tpu.memory_space<vmem>>
    %dma_wait3A_111 = arith.constant 0 : i32
    %dma_wait3A_112 = tpu.memref_slice %arg3[%arg1, %dma_wait3A_105, %dma_wait3A_111] : memref<16x157x128xi32, #tpu.memory_space<hbm>> -> memref<1x1x128xi32, #tpu.memory_space<hbm>>
    %dma_wait3A_113 = tpu.memref_squeeze %dma_wait3A_112 : memref<1x1x128xi32, #tpu.memory_space<hbm>> -> memref<128xi32, #tpu.memory_space<hbm>>
    %dma_wait3A_114 = tpu.memref_slice %arg12[%dma_wait3A_107] : memref<2x!tpu.dma_semaphore, #tpu.memory_space<semaphore_mem>> -> memref<1x!tpu.dma_semaphore, #tpu.memory_space<semaphore_mem>>
    %dma_wait3A_115 = tpu.memref_squeeze %dma_wait3A_114 : memref<1x!tpu.dma_semaphore, #tpu.memory_space<semaphore_mem>> -> memref<!tpu.dma_semaphore, #tpu.memory_space<semaphore_mem>>
    %dma_wait3A_116 = arith.constant 0 : i32
    %dma_wait3A_117 = tpu.memref_slice %arg9[%dma_wait3A_106, %dma_wait3A_116] : memref<2x128xi32, #tpu.memory_space<vmem>> -> memref<1x128xi32, #tpu.memory_space<vmem>>
    %dma_wait3A_118 = tpu.memref_squeeze %dma_wait3A_117 : memref<1x128xi32, #tpu.memory_space<vmem>> -> memref<128xi32, #tpu.memory_space<vmem>>
    %dma_wait3A_119 = arith.constant 0 : i32
    %dma_wait3A_120 = tpu.memref_slice %arg3[%arg1, %dma_wait3A_105, %dma_wait3A_119] : memref<16x157x128xi32, #tpu.memory_space<hbm>> -> memref<1x1x128xi32, #tpu.memory_space<hbm>>
    %dma_wait3A_121 = tpu.memref_squeeze %dma_wait3A_120 : memref<1x1x128xi32, #tpu.memory_space<hbm>> -> memref<128xi32, #tpu.memory_space<hbm>>
    tpu.wait_dma2 semaphore(%dma_wait3A_115 : memref<!tpu.dma_semaphore, #tpu.memory_space<semaphore_mem>>) src(%dma_wait3A_121 : memref<128xi32, #tpu.memory_space<hbm>>) dst(%dma_wait3A_118 : memref<128xi32, #tpu.memory_space<vmem>>)
    %dma_start3A_122 = arith.constant 0 : i32
    %dma_start3A_123 = arith.constant 0 : i32
    %dma_start3A_124 = arith.constant 0 : i32
    %dma_start3A_125 = arith.constant 0 : i32
    %dma_start3A_126 = arith.constant 0 : i32
    %dma_start3A_127 = tpu.memref_slice %arg11[%dma_start3A_123, %dma_start3A_125, %dma_start3A_126] : memref<2x128x64xf32, #tpu.memory_space<vmem>> -> memref<1x128x64xf32, #tpu.memory_space<vmem>>
    %dma_start3A_128 = tpu.memref_squeeze %dma_start3A_127 : memref<1x128x64xf32, #tpu.memory_space<vmem>> -> memref<128x64xf32, #tpu.memory_space<vmem>>
    %dma_start3A_129 = arith.constant 0 : i32
    %dma_start3A_130 = tpu.memref_slice %arg9[%dma_start3A_122, %dma_start3A_129] : memref<2x128xi32, #tpu.memory_space<vmem>> -> memref<1x128xi32, #tpu.memory_space<vmem>>
    %dma_start3A_131 = tpu.memref_squeeze %dma_start3A_130 : memref<1x128xi32, #tpu.memory_space<vmem>> -> memref<128xi32, #tpu.memory_space<vmem>>
    %dma_start3A_132 = arith.constant 0 : i32
    %dma_start3A_133 = arith.constant 0 : i32
    %dma_start3A_134 = tpu.memref_slice %arg7[%dma_start3A_132, %dma_start3A_133] : memref<10000x64xf32, #tpu.memory_space<vmem_shared>> -> memref<10000x64xf32, #tpu.memory_space<vmem_shared>>
    %dma_start3A_135 = tpu.memref_slice %arg14[%dma_start3A_124] : memref<2x!tpu.dma_semaphore, #tpu.memory_space<semaphore_mem>> -> memref<1x!tpu.dma_semaphore, #tpu.memory_space<semaphore_mem>>
    %dma_start3A_136 = tpu.memref_squeeze %dma_start3A_135 : memref<1x!tpu.dma_semaphore, #tpu.memory_space<semaphore_mem>> -> memref<!tpu.dma_semaphore, #tpu.memory_space<semaphore_mem>>
    tpu.enqueue_indirect_dma source(%dma_start3A_134 : memref<10000x64xf32, #tpu.memory_space<vmem_shared>>) target(%dma_start3A_128 : memref<128x64xf32, #tpu.memory_space<vmem>>) offsets(%dma_start3A_131 : memref<128xi32, #tpu.memory_space<vmem>>) semaphore(%dma_start3A_136 : memref<!tpu.dma_semaphore, #tpu.memory_space<semaphore_mem>>)
    %scan3A = arith.constant 0 : i32
    %scan3A_137 = arith.constant 0 : i32
    %scan3A_138 = arith.constant 157 : i32
    %scan3A_139 = arith.addi %scan3A_137, %scan3A_138 : i32
    %scan3A_140 = arith.constant 1 : i32
    scf.for %scan3A_182 = %scan3A_137 to %scan3A_139 step %scan3A_140  : i32 {
      %rem3A = arith.constant 2 : i32
      %rem3A_183 = arith.remsi %scan3A_182, %rem3A : i32
      %add3A = arith.constant 1 : i32
      %add3A_184 = arith.addi %scan3A_182, %add3A : i32
      %rem3A_185 = arith.constant 2 : i32
      %rem3A_186 = arith.remsi %add3A_184, %rem3A_185 : i32
      %rem3A_187 = arith.constant 3 : i32
      %rem3A_188 = arith.remsi %scan3A_182, %rem3A_187 : i32
      %add3A_189 = arith.constant 1 : i32
      %add3A_190 = arith.addi %scan3A_182, %add3A_189 : i32
      %lt3A = arith.constant 157 : i32
      %lt3A_191 = arith.cmpi slt, %add3A_190, %lt3A : i32
      %convert_element_type3A_192 = arith.extui %lt3A_191 : i1 to i32
      %cond3A_193 = arith.constant 0 : i32
      %cond3A_194 = arith.cmpi ne, %convert_element_type3A_192, %cond3A_193 : i32
      scf.if %cond3A_194 {
        %add3A_240 = arith.constant 1 : i32
        %add3A_241 = arith.addi %scan3A_182, %add3A_240 : i32
        %dma_wait3A_242 = arith.constant 0 : i32
        %dma_wait3A_243 = tpu.memref_slice %arg9[%rem3A_186, %dma_wait3A_242] : memref<2x128xi32, #tpu.memory_space<vmem>> -> memref<1x128xi32, #tpu.memory_space<vmem>>
        %dma_wait3A_244 = tpu.memref_squeeze %dma_wait3A_243 : memref<1x128xi32, #tpu.memory_space<vmem>> -> memref<128xi32, #tpu.memory_space<vmem>>
        %dma_wait3A_245 = arith.constant 0 : i32
        %dma_wait3A_246 = tpu.memref_slice %arg3[%arg1, %add3A_241, %dma_wait3A_245] : memref<16x157x128xi32, #tpu.memory_space<hbm>> -> memref<1x1x128xi32, #tpu.memory_space<hbm>>
        %dma_wait3A_247 = tpu.memref_squeeze %dma_wait3A_246 : memref<1x1x128xi32, #tpu.memory_space<hbm>> -> memref<128xi32, #tpu.memory_space<hbm>>
        %dma_wait3A_248 = tpu.memref_slice %arg12[%rem3A_186] : memref<2x!tpu.dma_semaphore, #tpu.memory_space<semaphore_mem>> -> memref<1x!tpu.dma_semaphore, #tpu.memory_space<semaphore_mem>>
        %dma_wait3A_249 = tpu.memref_squeeze %dma_wait3A_248 : memref<1x!tpu.dma_semaphore, #tpu.memory_space<semaphore_mem>> -> memref<!tpu.dma_semaphore, #tpu.memory_space<semaphore_mem>>
        %dma_wait3A_250 = arith.constant 0 : i32
        %dma_wait3A_251 = tpu.memref_slice %arg9[%rem3A_186, %dma_wait3A_250] : memref<2x128xi32, #tpu.memory_space<vmem>> -> memref<1x128xi32, #tpu.memory_space<vmem>>
        %dma_wait3A_252 = tpu.memref_squeeze %dma_wait3A_251 : memref<1x128xi32, #tpu.memory_space<vmem>> -> memref<128xi32, #tpu.memory_space<vmem>>
        %dma_wait3A_253 = arith.constant 0 : i32
        %dma_wait3A_254 = tpu.memref_slice %arg3[%arg1, %add3A_241, %dma_wait3A_253] : memref<16x157x128xi32, #tpu.memory_space<hbm>> -> memref<1x1x128xi32, #tpu.memory_space<hbm>>
        %dma_wait3A_255 = tpu.memref_squeeze %dma_wait3A_254 : memref<1x1x128xi32, #tpu.memory_space<hbm>> -> memref<128xi32, #tpu.memory_space<hbm>>
        tpu.wait_dma2 semaphore(%dma_wait3A_249 : memref<!tpu.dma_semaphore, #tpu.memory_space<semaphore_mem>>) src(%dma_wait3A_255 : memref<128xi32, #tpu.memory_space<hbm>>) dst(%dma_wait3A_252 : memref<128xi32, #tpu.memory_space<vmem>>)
        %ge3A = arith.constant 1 : i32
        %ge3A_256 = arith.cmpi sge, %scan3A_182, %ge3A : i32
        %convert_element_type3A_257 = arith.extui %ge3A_256 : i1 to i32
        %cond3A_258 = arith.constant 0 : i32
        %cond3A_259 = arith.cmpi ne, %convert_element_type3A_257, %cond3A_258 : i32
        scf.if %cond3A_259 {
          %dma_wait3A_272 = arith.constant 0 : i32
          %dma_wait3A_273 = arith.constant 0 : i32
          %dma_wait3A_274 = arith.constant 0 : i32
          %dma_wait3A_275 = tpu.memref_slice %arg11[%rem3A_186, %dma_wait3A_273, %dma_wait3A_274] : memref<2x128x64xf32, #tpu.memory_space<vmem>> -> memref<1x128x64xf32, #tpu.memory_space<vmem>>
          %dma_wait3A_276 = tpu.memref_squeeze %dma_wait3A_275 : memref<1x128x64xf32, #tpu.memory_space<vmem>> -> memref<128x64xf32, #tpu.memory_space<vmem>>
          %dma_wait3A_277 = arith.constant 0 : i32
          %dma_wait3A_278 = tpu.memref_slice %arg10[%dma_wait3A_272, %dma_wait3A_277] : memref<3x128xi32, #tpu.memory_space<vmem>> -> memref<1x128xi32, #tpu.memory_space<vmem>>
          %dma_wait3A_279 = tpu.memref_squeeze %dma_wait3A_278 : memref<1x128xi32, #tpu.memory_space<vmem>> -> memref<128xi32, #tpu.memory_space<vmem>>
          %dma_wait3A_280 = arith.constant 0 : i32
          %dma_wait3A_281 = arith.constant 0 : i32
          %dma_wait3A_282 = tpu.memref_slice %arg8[%dma_wait3A_280, %dma_wait3A_281] : memref<10112x64xf32, #tpu.memory_space<vmem_shared>> -> memref<10112x64xf32, #tpu.memory_space<vmem_shared>>
          %dma_wait3A_283 = tpu.memref_slice %arg15[%rem3A_186] : memref<2x!tpu.dma_semaphore, #tpu.memory_space<semaphore_mem>> -> memref<1x!tpu.dma_semaphore, #tpu.memory_space<semaphore_mem>>
          %dma_wait3A_284 = tpu.memref_squeeze %dma_wait3A_283 : memref<1x!tpu.dma_semaphore, #tpu.memory_space<semaphore_mem>> -> memref<!tpu.dma_semaphore, #tpu.memory_space<semaphore_mem>>
          tpu.wait_indirect_dma semaphore(%dma_wait3A_284 : memref<!tpu.dma_semaphore, #tpu.memory_space<semaphore_mem>>) src(%dma_wait3A_276 : memref<128x64xf32, #tpu.memory_space<vmem>>) dst(%dma_wait3A_282 : memref<10112x64xf32, #tpu.memory_space<vmem_shared>>)
        } else {
        }
        %dma_start3A_260 = arith.constant 0 : i32
        %dma_start3A_261 = arith.constant 0 : i32
        %dma_start3A_262 = tpu.memref_slice %arg11[%rem3A_186, %dma_start3A_260, %dma_start3A_261] : memref<2x128x64xf32, #tpu.memory_space<vmem>> -> memref<1x128x64xf32, #tpu.memory_space<vmem>>
        %dma_start3A_263 = tpu.memref_squeeze %dma_start3A_262 : memref<1x128x64xf32, #tpu.memory_space<vmem>> -> memref<128x64xf32, #tpu.memory_space<vmem>>
        %dma_start3A_264 = arith.constant 0 : i32
        %dma_start3A_265 = tpu.memref_slice %arg9[%rem3A_186, %dma_start3A_264] : memref<2x128xi32, #tpu.memory_space<vmem>> -> memref<1x128xi32, #tpu.memory_space<vmem>>
        %dma_start3A_266 = tpu.memref_squeeze %dma_start3A_265 : memref<1x128xi32, #tpu.memory_space<vmem>> -> memref<128xi32, #tpu.memory_space<vmem>>
        %dma_start3A_267 = arith.constant 0 : i32
        %dma_start3A_268 = arith.constant 0 : i32
        %dma_start3A_269 = tpu.memref_slice %arg7[%dma_start3A_267, %dma_start3A_268] : memref<10000x64xf32, #tpu.memory_space<vmem_shared>> -> memref<10000x64xf32, #tpu.memory_space<vmem_shared>>
        %dma_start3A_270 = tpu.memref_slice %arg14[%rem3A_186] : memref<2x!tpu.dma_semaphore, #tpu.memory_space<semaphore_mem>> -> memref<1x!tpu.dma_semaphore, #tpu.memory_space<semaphore_mem>>
        %dma_start3A_271 = tpu.memref_squeeze %dma_start3A_270 : memref<1x!tpu.dma_semaphore, #tpu.memory_space<semaphore_mem>> -> memref<!tpu.dma_semaphore, #tpu.memory_space<semaphore_mem>>
        tpu.enqueue_indirect_dma source(%dma_start3A_269 : memref<10000x64xf32, #tpu.memory_space<vmem_shared>>) target(%dma_start3A_263 : memref<128x64xf32, #tpu.memory_space<vmem>>) offsets(%dma_start3A_266 : memref<128xi32, #tpu.memory_space<vmem>>) semaphore(%dma_start3A_271 : memref<!tpu.dma_semaphore, #tpu.memory_space<semaphore_mem>>)
      } else {
      }
      %dma_wait3A_195 = arith.constant 0 : i32
      %dma_wait3A_196 = arith.constant 0 : i32
      %dma_wait3A_197 = tpu.memref_slice %arg11[%rem3A_183, %dma_wait3A_195, %dma_wait3A_196] : memref<2x128x64xf32, #tpu.memory_space<vmem>> -> memref<1x128x64xf32, #tpu.memory_space<vmem>>
      %dma_wait3A_198 = tpu.memref_squeeze %dma_wait3A_197 : memref<1x128x64xf32, #tpu.memory_space<vmem>> -> memref<128x64xf32, #tpu.memory_space<vmem>>
      %dma_wait3A_199 = arith.constant 0 : i32
      %dma_wait3A_200 = tpu.memref_slice %arg9[%rem3A_183, %dma_wait3A_199] : memref<2x128xi32, #tpu.memory_space<vmem>> -> memref<1x128xi32, #tpu.memory_space<vmem>>
      %dma_wait3A_201 = tpu.memref_squeeze %dma_wait3A_200 : memref<1x128xi32, #tpu.memory_space<vmem>> -> memref<128xi32, #tpu.memory_space<vmem>>
      %dma_wait3A_202 = arith.constant 0 : i32
      %dma_wait3A_203 = arith.constant 0 : i32
      %dma_wait3A_204 = tpu.memref_slice %arg7[%dma_wait3A_202, %dma_wait3A_203] : memref<10000x64xf32, #tpu.memory_space<vmem_shared>> -> memref<10000x64xf32, #tpu.memory_space<vmem_shared>>
      %dma_wait3A_205 = tpu.memref_slice %arg14[%rem3A_183] : memref<2x!tpu.dma_semaphore, #tpu.memory_space<semaphore_mem>> -> memref<1x!tpu.dma_semaphore, #tpu.memory_space<semaphore_mem>>
      %dma_wait3A_206 = tpu.memref_squeeze %dma_wait3A_205 : memref<1x!tpu.dma_semaphore, #tpu.memory_space<semaphore_mem>> -> memref<!tpu.dma_semaphore, #tpu.memory_space<semaphore_mem>>
      tpu.wait_indirect_dma semaphore(%dma_wait3A_206 : memref<!tpu.dma_semaphore, #tpu.memory_space<semaphore_mem>>) src(%dma_wait3A_204 : memref<10000x64xf32, #tpu.memory_space<vmem_shared>>) dst(%dma_wait3A_198 : memref<128x64xf32, #tpu.memory_space<vmem>>)
      %dma_wait3A_207 = arith.constant 0 : i32
      %dma_wait3A_208 = tpu.memref_slice %arg10[%rem3A_188, %dma_wait3A_207] : memref<3x128xi32, #tpu.memory_space<vmem>> -> memref<1x128xi32, #tpu.memory_space<vmem>>
      %dma_wait3A_209 = tpu.memref_squeeze %dma_wait3A_208 : memref<1x128xi32, #tpu.memory_space<vmem>> -> memref<128xi32, #tpu.memory_space<vmem>>
      %dma_wait3A_210 = arith.constant 0 : i32
      %dma_wait3A_211 = tpu.memref_slice %arg4[%arg1, %scan3A_182, %dma_wait3A_210] : memref<16x157x128xi32, #tpu.memory_space<hbm>> -> memref<1x1x128xi32, #tpu.memory_space<hbm>>
      %dma_wait3A_212 = tpu.memref_squeeze %dma_wait3A_211 : memref<1x1x128xi32, #tpu.memory_space<hbm>> -> memref<128xi32, #tpu.memory_space<hbm>>
      %dma_wait3A_213 = tpu.memref_slice %arg13[%rem3A_188] : memref<3x!tpu.dma_semaphore, #tpu.memory_space<semaphore_mem>> -> memref<1x!tpu.dma_semaphore, #tpu.memory_space<semaphore_mem>>
      %dma_wait3A_214 = tpu.memref_squeeze %dma_wait3A_213 : memref<1x!tpu.dma_semaphore, #tpu.memory_space<semaphore_mem>> -> memref<!tpu.dma_semaphore, #tpu.memory_space<semaphore_mem>>
      %dma_wait3A_215 = arith.constant 0 : i32
      %dma_wait3A_216 = tpu.memref_slice %arg10[%rem3A_188, %dma_wait3A_215] : memref<3x128xi32, #tpu.memory_space<vmem>> -> memref<1x128xi32, #tpu.memory_space<vmem>>
      %dma_wait3A_217 = tpu.memref_squeeze %dma_wait3A_216 : memref<1x128xi32, #tpu.memory_space<vmem>> -> memref<128xi32, #tpu.memory_space<vmem>>
      %dma_wait3A_218 = arith.constant 0 : i32
      %dma_wait3A_219 = tpu.memref_slice %arg4[%arg1, %scan3A_182, %dma_wait3A_218] : memref<16x157x128xi32, #tpu.memory_space<hbm>> -> memref<1x1x128xi32, #tpu.memory_space<hbm>>
      %dma_wait3A_220 = tpu.memref_squeeze %dma_wait3A_219 : memref<1x1x128xi32, #tpu.memory_space<hbm>> -> memref<128xi32, #tpu.memory_space<hbm>>
      tpu.wait_dma2 semaphore(%dma_wait3A_214 : memref<!tpu.dma_semaphore, #tpu.memory_space<semaphore_mem>>) src(%dma_wait3A_220 : memref<128xi32, #tpu.memory_space<hbm>>) dst(%dma_wait3A_217 : memref<128xi32, #tpu.memory_space<vmem>>)
      %dma_start3A_221 = arith.constant 0 : i32
      %dma_start3A_222 = arith.constant 0 : i32
      %dma_start3A_223 = tpu.memref_slice %arg11[%rem3A_183, %dma_start3A_221, %dma_start3A_222] : memref<2x128x64xf32, #tpu.memory_space<vmem>> -> memref<1x128x64xf32, #tpu.memory_space<vmem>>
      %dma_start3A_224 = tpu.memref_squeeze %dma_start3A_223 : memref<1x128x64xf32, #tpu.memory_space<vmem>> -> memref<128x64xf32, #tpu.memory_space<vmem>>
      %dma_start3A_225 = arith.constant 0 : i32
      %dma_start3A_226 = tpu.memref_slice %arg10[%rem3A_188, %dma_start3A_225] : memref<3x128xi32, #tpu.memory_space<vmem>> -> memref<1x128xi32, #tpu.memory_space<vmem>>
      %dma_start3A_227 = tpu.memref_squeeze %dma_start3A_226 : memref<1x128xi32, #tpu.memory_space<vmem>> -> memref<128xi32, #tpu.memory_space<vmem>>
      %dma_start3A_228 = arith.constant 0 : i32
      %dma_start3A_229 = arith.constant 0 : i32
      %dma_start3A_230 = tpu.memref_slice %arg8[%dma_start3A_228, %dma_start3A_229] : memref<10112x64xf32, #tpu.memory_space<vmem_shared>> -> memref<10112x64xf32, #tpu.memory_space<vmem_shared>>
      %dma_start3A_231 = tpu.memref_slice %arg15[%rem3A_183] : memref<2x!tpu.dma_semaphore, #tpu.memory_space<semaphore_mem>> -> memref<1x!tpu.dma_semaphore, #tpu.memory_space<semaphore_mem>>
      %dma_start3A_232 = tpu.memref_squeeze %dma_start3A_231 : memref<1x!tpu.dma_semaphore, #tpu.memory_space<semaphore_mem>> -> memref<!tpu.dma_semaphore, #tpu.memory_space<semaphore_mem>>
      tpu.enqueue_indirect_dma source(%dma_start3A_224 : memref<128x64xf32, #tpu.memory_space<vmem>>) target(%dma_start3A_230 : memref<10112x64xf32, #tpu.memory_space<vmem_shared>>) offsets(%dma_start3A_227 : memref<128xi32, #tpu.memory_space<vmem>>) semaphore(%dma_start3A_232 : memref<!tpu.dma_semaphore, #tpu.memory_space<semaphore_mem>>) {add = true}
      %add3A_233 = arith.constant 2 : i32
      %add3A_234 = arith.addi %scan3A_182, %add3A_233 : i32
      %lt3A_235 = arith.constant 157 : i32
      %lt3A_236 = arith.cmpi slt, %add3A_234, %lt3A_235 : i32
      %convert_element_type3A_237 = arith.extui %lt3A_236 : i1 to i32
      %cond3A_238 = arith.constant 0 : i32
      %cond3A_239 = arith.cmpi ne, %convert_element_type3A_237, %cond3A_238 : i32
      scf.if %cond3A_239 {
        %add3A_240 = arith.constant 2 : i32
        %add3A_241 = arith.addi %scan3A_182, %add3A_240 : i32
        %add3A_242 = arith.constant 2 : i32
        %add3A_243 = arith.addi %scan3A_182, %add3A_242 : i32
        %rem3A_244 = arith.constant 2 : i32
        %rem3A_245 = arith.remsi %add3A_243, %rem3A_244 : i32
        %dma_start3A_246 = arith.constant 0 : i32
        %dma_start3A_247 = tpu.memref_slice %arg9[%rem3A_245, %dma_start3A_246] : memref<2x128xi32, #tpu.memory_space<vmem>> -> memref<1x128xi32, #tpu.memory_space<vmem>>
        %dma_start3A_248 = tpu.memref_squeeze %dma_start3A_247 : memref<1x128xi32, #tpu.memory_space<vmem>> -> memref<128xi32, #tpu.memory_space<vmem>>
        %dma_start3A_249 = arith.constant 0 : i32
        %dma_start3A_250 = tpu.memref_slice %arg3[%arg1, %add3A_241, %dma_start3A_249] : memref<16x157x128xi32, #tpu.memory_space<hbm>> -> memref<1x1x128xi32, #tpu.memory_space<hbm>>
        %dma_start3A_251 = tpu.memref_squeeze %dma_start3A_250 : memref<1x1x128xi32, #tpu.memory_space<hbm>> -> memref<128xi32, #tpu.memory_space<hbm>>
        %dma_start3A_252 = tpu.memref_slice %arg12[%rem3A_245] : memref<2x!tpu.dma_semaphore, #tpu.memory_space<semaphore_mem>> -> memref<1x!tpu.dma_semaphore, #tpu.memory_space<semaphore_mem>>
        %dma_start3A_253 = tpu.memref_squeeze %dma_start3A_252 : memref<1x!tpu.dma_semaphore, #tpu.memory_space<semaphore_mem>> -> memref<!tpu.dma_semaphore, #tpu.memory_space<semaphore_mem>>
        %dma_start3A_254 = arith.constant 0 : i32
        %dma_start3A_255 = tpu.memref_slice %arg9[%rem3A_245, %dma_start3A_254] : memref<2x128xi32, #tpu.memory_space<vmem>> -> memref<1x128xi32, #tpu.memory_space<vmem>>
        %dma_start3A_256 = tpu.memref_squeeze %dma_start3A_255 : memref<1x128xi32, #tpu.memory_space<vmem>> -> memref<128xi32, #tpu.memory_space<vmem>>
        %dma_start3A_257 = arith.constant 0 : i32
        %dma_start3A_258 = tpu.memref_slice %arg3[%arg1, %add3A_241, %dma_start3A_257] : memref<16x157x128xi32, #tpu.memory_space<hbm>> -> memref<1x1x128xi32, #tpu.memory_space<hbm>>
        %dma_start3A_259 = tpu.memref_squeeze %dma_start3A_258 : memref<1x1x128xi32, #tpu.memory_space<hbm>> -> memref<128xi32, #tpu.memory_space<hbm>>
        tpu.enqueue_dma source(%dma_start3A_259 : memref<128xi32, #tpu.memory_space<hbm>>) target(%dma_start3A_256 : memref<128xi32, #tpu.memory_space<vmem>>) target_semaphore(%dma_start3A_253 : memref<!tpu.dma_semaphore, #tpu.memory_space<semaphore_mem>>)
        %add3A_260 = arith.constant 2 : i32
        %add3A_261 = arith.addi %scan3A_182, %add3A_260 : i32
        %add3A_262 = arith.constant 2 : i32
        %add3A_263 = arith.addi %scan3A_182, %add3A_262 : i32
        %rem3A_264 = arith.constant 3 : i32
        %rem3A_265 = arith.remsi %add3A_263, %rem3A_264 : i32
        %dma_start3A_266 = arith.constant 0 : i32
        %dma_start3A_267 = tpu.memref_slice %arg10[%rem3A_265, %dma_start3A_266] : memref<3x128xi32, #tpu.memory_space<vmem>> -> memref<1x128xi32, #tpu.memory_space<vmem>>
        %dma_start3A_268 = tpu.memref_squeeze %dma_start3A_267 : memref<1x128xi32, #tpu.memory_space<vmem>> -> memref<128xi32, #tpu.memory_space<vmem>>
        %dma_start3A_269 = arith.constant 0 : i32
        %dma_start3A_270 = tpu.memref_slice %arg4[%arg1, %add3A_261, %dma_start3A_269] : memref<16x157x128xi32, #tpu.memory_space<hbm>> -> memref<1x1x128xi32, #tpu.memory_space<hbm>>
        %dma_start3A_271 = tpu.memref_squeeze %dma_start3A_270 : memref<1x1x128xi32, #tpu.memory_space<hbm>> -> memref<128xi32, #tpu.memory_space<hbm>>
        %dma_start3A_272 = tpu.memref_slice %arg13[%rem3A_265] : memref<3x!tpu.dma_semaphore, #tpu.memory_space<semaphore_mem>> -> memref<1x!tpu.dma_semaphore, #tpu.memory_space<semaphore_mem>>
        %dma_start3A_273 = tpu.memref_squeeze %dma_start3A_272 : memref<1x!tpu.dma_semaphore, #tpu.memory_space<semaphore_mem>> -> memref<!tpu.dma_semaphore, #tpu.memory_space<semaphore_mem>>
        %dma_start3A_274 = arith.constant 0 : i32
        %dma_start3A_275 = tpu.memref_slice %arg10[%rem3A_265, %dma_start3A_274] : memref<3x128xi32, #tpu.memory_space<vmem>> -> memref<1x128xi32, #tpu.memory_space<vmem>>
        %dma_start3A_276 = tpu.memref_squeeze %dma_start3A_275 : memref<1x128xi32, #tpu.memory_space<vmem>> -> memref<128xi32, #tpu.memory_space<vmem>>
        %dma_start3A_277 = arith.constant 0 : i32
        %dma_start3A_278 = tpu.memref_slice %arg4[%arg1, %add3A_261, %dma_start3A_277] : memref<16x157x128xi32, #tpu.memory_space<hbm>> -> memref<1x1x128xi32, #tpu.memory_space<hbm>>
        %dma_start3A_279 = tpu.memref_squeeze %dma_start3A_278 : memref<1x1x128xi32, #tpu.memory_space<hbm>> -> memref<128xi32, #tpu.memory_space<hbm>>
        tpu.enqueue_dma source(%dma_start3A_279 : memref<128xi32, #tpu.memory_space<hbm>>) target(%dma_start3A_276 : memref<128xi32, #tpu.memory_space<vmem>>) target_semaphore(%dma_start3A_273 : memref<!tpu.dma_semaphore, #tpu.memory_space<semaphore_mem>>)
      } else {
      }
    }
    %scan3A_141 = arith.constant 157 : i32
    %dma_wait3A_142 = arith.constant 0 : i32
    %dma_wait3A_143 = arith.constant 0 : i32
    %dma_wait3A_144 = arith.constant 0 : i32
    %dma_wait3A_145 = arith.constant 0 : i32
    %dma_wait3A_146 = arith.constant 0 : i32
    %dma_wait3A_147 = tpu.memref_slice %arg11[%dma_wait3A_142, %dma_wait3A_145, %dma_wait3A_146] : memref<2x128x64xf32, #tpu.memory_space<vmem>> -> memref<1x128x64xf32, #tpu.memory_space<vmem>>
    %dma_wait3A_148 = tpu.memref_squeeze %dma_wait3A_147 : memref<1x128x64xf32, #tpu.memory_space<vmem>> -> memref<128x64xf32, #tpu.memory_space<vmem>>
    %dma_wait3A_149 = arith.constant 0 : i32
    %dma_wait3A_150 = tpu.memref_slice %arg10[%dma_wait3A_143, %dma_wait3A_149] : memref<3x128xi32, #tpu.memory_space<vmem>> -> memref<1x128xi32, #tpu.memory_space<vmem>>
    %dma_wait3A_151 = tpu.memref_squeeze %dma_wait3A_150 : memref<1x128xi32, #tpu.memory_space<vmem>> -> memref<128xi32, #tpu.memory_space<vmem>>
    %dma_wait3A_152 = arith.constant 0 : i32
    %dma_wait3A_153 = arith.constant 0 : i32
    %dma_wait3A_154 = tpu.memref_slice %arg8[%dma_wait3A_152, %dma_wait3A_153] : memref<10112x64xf32, #tpu.memory_space<vmem_shared>> -> memref<10112x64xf32, #tpu.memory_space<vmem_shared>>
    %dma_wait3A_155 = tpu.memref_slice %arg15[%dma_wait3A_144] : memref<2x!tpu.dma_semaphore, #tpu.memory_space<semaphore_mem>> -> memref<1x!tpu.dma_semaphore, #tpu.memory_space<semaphore_mem>>
    %dma_wait3A_156 = tpu.memref_squeeze %dma_wait3A_155 : memref<1x!tpu.dma_semaphore, #tpu.memory_space<semaphore_mem>> -> memref<!tpu.dma_semaphore, #tpu.memory_space<semaphore_mem>>
    tpu.wait_indirect_dma semaphore(%dma_wait3A_156 : memref<!tpu.dma_semaphore, #tpu.memory_space<semaphore_mem>>) src(%dma_wait3A_148 : memref<128x64xf32, #tpu.memory_space<vmem>>) dst(%dma_wait3A_154 : memref<10112x64xf32, #tpu.memory_space<vmem_shared>>)
    %dma_wait3A_157 = arith.constant 1 : i32
    %dma_wait3A_158 = arith.constant 0 : i32
    %dma_wait3A_159 = arith.constant 1 : i32
    %dma_wait3A_160 = arith.constant 0 : i32
    %dma_wait3A_161 = arith.constant 0 : i32
    %dma_wait3A_162 = tpu.memref_slice %arg11[%dma_wait3A_157, %dma_wait3A_160, %dma_wait3A_161] : memref<2x128x64xf32, #tpu.memory_space<vmem>> -> memref<1x128x64xf32, #tpu.memory_space<vmem>>
    %dma_wait3A_163 = tpu.memref_squeeze %dma_wait3A_162 : memref<1x128x64xf32, #tpu.memory_space<vmem>> -> memref<128x64xf32, #tpu.memory_space<vmem>>
    %dma_wait3A_164 = arith.constant 0 : i32
    %dma_wait3A_165 = tpu.memref_slice %arg10[%dma_wait3A_158, %dma_wait3A_164] : memref<3x128xi32, #tpu.memory_space<vmem>> -> memref<1x128xi32, #tpu.memory_space<vmem>>
    %dma_wait3A_166 = tpu.memref_squeeze %dma_wait3A_165 : memref<1x128xi32, #tpu.memory_space<vmem>> -> memref<128xi32, #tpu.memory_space<vmem>>
    %dma_wait3A_167 = arith.constant 0 : i32
    %dma_wait3A_168 = arith.constant 0 : i32
    %dma_wait3A_169 = tpu.memref_slice %arg8[%dma_wait3A_167, %dma_wait3A_168] : memref<10112x64xf32, #tpu.memory_space<vmem_shared>> -> memref<10112x64xf32, #tpu.memory_space<vmem_shared>>
    %dma_wait3A_170 = tpu.memref_slice %arg15[%dma_wait3A_159] : memref<2x!tpu.dma_semaphore, #tpu.memory_space<semaphore_mem>> -> memref<1x!tpu.dma_semaphore, #tpu.memory_space<semaphore_mem>>
    %dma_wait3A_171 = tpu.memref_squeeze %dma_wait3A_170 : memref<1x!tpu.dma_semaphore, #tpu.memory_space<semaphore_mem>> -> memref<!tpu.dma_semaphore, #tpu.memory_space<semaphore_mem>>
    tpu.wait_indirect_dma semaphore(%dma_wait3A_171 : memref<!tpu.dma_semaphore, #tpu.memory_space<semaphore_mem>>) src(%dma_wait3A_163 : memref<128x64xf32, #tpu.memory_space<vmem>>) dst(%dma_wait3A_169 : memref<10112x64xf32, #tpu.memory_space<vmem_shared>>)
    %barrier3A_172 = arith.constant 0 : index
    tpu.barrier barrier_id(%barrier3A_172)
    %mul3A_173 = arith.constant 624 : i32
    %mul3A_174 = arith.muli %arg1, %mul3A_173 : i32
    %mul3A_175 = arith.constant 624 : i32
    %mul3A_176 = arith.muli %arg1, %mul3A_175 : i32
    "tpu.region"() ({
      %run_scoped3A = tpu.sem_alloc : memref<!tpu.dma_semaphore, #tpu.memory_space<semaphore_mem>>
      %dma_start3A_182 = arith.constant 0 : i32
      %dma_start3A_183 = tpu.memref_slice %arg6[%arg0, %mul3A_176, %dma_start3A_182] : memref<2x10000x64xf32, #tpu.memory_space<hbm>> -> memref<1x624x64xf32, #tpu.memory_space<hbm>>
      %dma_start3A_184 = tpu.memref_squeeze %dma_start3A_183 : memref<1x624x64xf32, #tpu.memory_space<hbm>> -> memref<624x64xf32, #tpu.memory_space<hbm>>
      %dma_start3A_185 = arith.constant 0 : i32
      %dma_start3A_186 = tpu.memref_slice %arg8[%mul3A_174, %dma_start3A_185] : memref<10112x64xf32, #tpu.memory_space<vmem_shared>> -> memref<624x64xf32, #tpu.memory_space<vmem_shared>>
      tpu.enqueue_dma source(%dma_start3A_186 : memref<624x64xf32, #tpu.memory_space<vmem_shared>>) target(%dma_start3A_184 : memref<624x64xf32, #tpu.memory_space<hbm>>) target_semaphore(%run_scoped3A : memref<!tpu.dma_semaphore, #tpu.memory_space<semaphore_mem>>)
      %dma_wait3A_187 = arith.constant 0 : i32
      %dma_wait3A_188 = tpu.memref_slice %arg6[%arg0, %mul3A_176, %dma_wait3A_187] : memref<2x10000x64xf32, #tpu.memory_space<hbm>> -> memref<1x624x64xf32, #tpu.memory_space<hbm>>
      %dma_wait3A_189 = tpu.memref_squeeze %dma_wait3A_188 : memref<1x624x64xf32, #tpu.memory_space<hbm>> -> memref<624x64xf32, #tpu.memory_space<hbm>>
      %dma_wait3A_190 = arith.constant 0 : i32
      %dma_wait3A_191 = tpu.memref_slice %arg8[%mul3A_174, %dma_wait3A_190] : memref<10112x64xf32, #tpu.memory_space<vmem_shared>> -> memref<624x64xf32, #tpu.memory_space<vmem_shared>>
      tpu.wait_dma2 semaphore(%run_scoped3A : memref<!tpu.dma_semaphore, #tpu.memory_space<semaphore_mem>>) src(%dma_wait3A_191 : memref<624x64xf32, #tpu.memory_space<vmem_shared>>) dst(%dma_wait3A_189 : memref<624x64xf32, #tpu.memory_space<hbm>>)
      tpu.yield
    }) : () -> ()
    %eq3A_177 = arith.constant 15 : i32
    %eq3A_178 = arith.cmpi eq, %arg1, %eq3A_177 : i32
    %convert_element_type3A_179 = arith.extui %eq3A_178 : i1 to i32
    %cond3A_180 = arith.constant 0 : i32
    %cond3A_181 = arith.cmpi ne, %convert_element_type3A_179, %cond3A_180 : i32
    scf.if %cond3A_181 {
      "tpu.region"() ({
        %run_scoped3A = tpu.sem_alloc : memref<!tpu.dma_semaphore, #tpu.memory_space<semaphore_mem>>
        %dma_start3A_182 = arith.constant 9984 : i32
        %dma_start3A_183 = arith.constant 0 : i32
        %dma_start3A_184 = tpu.memref_slice %arg6[%arg0, %dma_start3A_182, %dma_start3A_183] : memref<2x10000x64xf32, #tpu.memory_space<hbm>> -> memref<1x16x64xf32, #tpu.memory_space<hbm>>
        %dma_start3A_185 = tpu.memref_squeeze %dma_start3A_184 : memref<1x16x64xf32, #tpu.memory_space<hbm>> -> memref<16x64xf32, #tpu.memory_space<hbm>>
        %dma_start3A_186 = arith.constant 9984 : i32
        %dma_start3A_187 = arith.constant 0 : i32
        %dma_start3A_188 = tpu.memref_slice %arg8[%dma_start3A_186, %dma_start3A_187] : memref<10112x64xf32, #tpu.memory_space<vmem_shared>> -> memref<16x64xf32, #tpu.memory_space<vmem_shared>>
        tpu.enqueue_dma source(%dma_start3A_188 : memref<16x64xf32, #tpu.memory_space<vmem_shared>>) target(%dma_start3A_185 : memref<16x64xf32, #tpu.memory_space<hbm>>) target_semaphore(%run_scoped3A : memref<!tpu.dma_semaphore, #tpu.memory_space<semaphore_mem>>)
        %dma_wait3A_189 = arith.constant 9984 : i32
        %dma_wait3A_190 = arith.constant 0 : i32
        %dma_wait3A_191 = tpu.memref_slice %arg6[%arg0, %dma_wait3A_189, %dma_wait3A_190] : memref<2x10000x64xf32, #tpu.memory_space<hbm>> -> memref<1x16x64xf32, #tpu.memory_space<hbm>>
        %dma_wait3A_192 = tpu.memref_squeeze %dma_wait3A_191 : memref<1x16x64xf32, #tpu.memory_space<hbm>> -> memref<16x64xf32, #tpu.memory_space<hbm>>
        %dma_wait3A_193 = arith.constant 9984 : i32
        %dma_wait3A_194 = arith.constant 0 : i32
        %dma_wait3A_195 = tpu.memref_slice %arg8[%dma_wait3A_193, %dma_wait3A_194] : memref<10112x64xf32, #tpu.memory_space<vmem_shared>> -> memref<16x64xf32, #tpu.memory_space<vmem_shared>>
        tpu.wait_dma2 semaphore(%run_scoped3A : memref<!tpu.dma_semaphore, #tpu.memory_space<semaphore_mem>>) src(%dma_wait3A_195 : memref<16x64xf32, #tpu.memory_space<vmem_shared>>) dst(%dma_wait3A_192 : memref<16x64xf32, #tpu.memory_space<hbm>>)
        tpu.yield
      }) : () -> ()
    } else {
    }
    return
  }
}

#map = affine_map<(d0, d1) -> (0, 0, 0)>
#map1 = affine_map<(d0, d1) -> (0, 0)>
module attributes {stable_mosaic.version = 14 : i64} {
  func.func @body(%arg0: i32, %arg1: i32, %arg2: memref<2x10000x64xf32, #tpu.memory_space<hbm>>, %arg3: memref<16x157x128xi32, #tpu.memory_space<hbm>>, %arg4: memref<16x157x128xi32, #tpu.memory_space<hbm>>, %arg5: memref<632x64xf32, #tpu.memory_space<hbm>>, %arg6: memref<2x10000x64xf32, #tpu.memory_space<hbm>>, %arg7: memref<10000x64xf32, #tpu.memory_space<vmem_shared>>, %arg8: memref<10112x64xf32, #tpu.memory_space<vmem_shared>>, %arg9: memref<2x128xi32, #tpu.memory_space<vmem>>, %arg10: memref<3x128xi32, #tpu.memory_space<vmem>>, %arg11: memref<2x128x64xf32, #tpu.memory_space<vmem>>, %arg12: memref<2x!tpu.dma_semaphore, #tpu.memory_space<semaphore_mem>>, %arg13: memref<3x!tpu.dma_semaphore, #tpu.memory_space<semaphore_mem>>, %arg14: memref<2x!tpu.dma_semaphore, #tpu.memory_space<semaphore_mem>>, %arg15: memref<2x!tpu.dma_semaphore, #tpu.memory_space<semaphore_mem>>) attributes {dimension_semantics = [#tpu.dimension_semantics<core_parallel>, #tpu.dimension_semantics<subcore_parallel>], iteration_bounds = array<i64: 2, 16>, scalar_prefetch = 0 : i64, scratch_operands = 9 : i64, tpu.core_type = #tpu.core_type<sc_vector_subcore>, window_params = [{transform_indices = #map}, {transform_indices = #map}, {transform_indices = #map}, {transform_indices = #map1}, {transform_indices = #map}]} {
    %mul3A = arith.constant 632 : i32
    %mul3A_0 = arith.muli %arg1, %mul3A : i32
    %dma_start3A = arith.constant 0 : i32
    %dma_start3A_1 = tpu.memref_slice %arg14[%dma_start3A] : memref<2x!tpu.dma_semaphore, #tpu.memory_space<semaphore_mem>> -> memref<1x!tpu.dma_semaphore, #tpu.memory_space<semaphore_mem>>
    %dma_start3A_2 = tpu.memref_squeeze %dma_start3A_1 : memref<1x!tpu.dma_semaphore, #tpu.memory_space<semaphore_mem>> -> memref<!tpu.dma_semaphore, #tpu.memory_space<semaphore_mem>>
    %dma_start3A_3 = arith.constant 0 : i32
    %dma_start3A_4 = tpu.memref_slice %arg8[%mul3A_0, %dma_start3A_3] : memref<10112x64xf32, #tpu.memory_space<vmem_shared>> -> memref<632x64xf32, #tpu.memory_space<vmem_shared>>
    tpu.enqueue_dma source(%arg5 : memref<632x64xf32, #tpu.memory_space<hbm>>) target(%dma_start3A_4 : memref<632x64xf32, #tpu.memory_space<vmem_shared>>) target_semaphore(%dma_start3A_2 : memref<!tpu.dma_semaphore, #tpu.memory_space<semaphore_mem>>)
    %mul3A_5 = arith.constant 624 : i32
    %mul3A_6 = arith.muli %arg1, %mul3A_5 : i32
    %mul3A_7 = arith.constant 624 : i32
    %mul3A_8 = arith.muli %arg1, %mul3A_7 : i32
    %dma_start3A_9 = arith.constant 1 : i32
    %dma_start3A_10 = tpu.memref_slice %arg14[%dma_start3A_9] : memref<2x!tpu.dma_semaphore, #tpu.memory_space<semaphore_mem>> -> memref<1x!tpu.dma_semaphore, #tpu.memory_space<semaphore_mem>>
    %dma_start3A_11 = tpu.memref_squeeze %dma_start3A_10 : memref<1x!tpu.dma_semaphore, #tpu.memory_space<semaphore_mem>> -> memref<!tpu.dma_semaphore, #tpu.memory_space<semaphore_mem>>
    %dma_start3A_12 = arith.constant 0 : i32
    %dma_start3A_13 = tpu.memref_slice %arg7[%mul3A_8, %dma_start3A_12] : memref<10000x64xf32, #tpu.memory_space<vmem_shared>> -> memref<624x64xf32, #tpu.memory_space<vmem_shared>>
    %dma_start3A_14 = arith.constant 0 : i32
    %dma_start3A_15 = tpu.memref_slice %arg2[%arg0, %mul3A_6, %dma_start3A_14] : memref<2x10000x64xf32, #tpu.memory_space<hbm>> -> memref<1x624x64xf32, #tpu.memory_space<hbm>>
    %dma_start3A_16 = tpu.memref_squeeze %dma_start3A_15 : memref<1x624x64xf32, #tpu.memory_space<hbm>> -> memref<624x64xf32, #tpu.memory_space<hbm>>
    tpu.enqueue_dma source(%dma_start3A_16 : memref<624x64xf32, #tpu.memory_space<hbm>>) target(%dma_start3A_13 : memref<624x64xf32, #tpu.memory_space<vmem_shared>>) target_semaphore(%dma_start3A_11 : memref<!tpu.dma_semaphore, #tpu.memory_space<semaphore_mem>>)
    %eq3A = arith.constant 15 : i32
    %eq3A_17 = arith.cmpi eq, %arg1, %eq3A : i32
    %convert_element_type3A = arith.extui %eq3A_17 : i1 to i32
    %cond3A = arith.constant 0 : i32
    %cond3A_18 = arith.cmpi ne, %convert_element_type3A, %cond3A : i32
    scf.if %cond3A_18 {
      "tpu.region"() ({
        %run_scoped3A = tpu.sem_alloc : memref<!tpu.dma_semaphore, #tpu.memory_space<semaphore_mem>>
        %dma_start3A_182 = arith.constant 9984 : i32
        %dma_start3A_183 = arith.constant 0 : i32
        %dma_start3A_184 = tpu.memref_slice %arg7[%dma_start3A_182, %dma_start3A_183] : memref<10000x64xf32, #tpu.memory_space<vmem_shared>> -> memref<16x64xf32, #tpu.memory_space<vmem_shared>>
        %dma_start3A_185 = arith.constant 9984 : i32
        %dma_start3A_186 = arith.constant 0 : i32
        %dma_start3A_187 = tpu.memref_slice %arg2[%arg0, %dma_start3A_185, %dma_start3A_186] : memref<2x10000x64xf32, #tpu.memory_space<hbm>> -> memref<1x16x64xf32, #tpu.memory_space<hbm>>
        %dma_start3A_188 = tpu.memref_squeeze %dma_start3A_187 : memref<1x16x64xf32, #tpu.memory_space<hbm>> -> memref<16x64xf32, #tpu.memory_space<hbm>>
        tpu.enqueue_dma source(%dma_start3A_188 : memref<16x64xf32, #tpu.memory_space<hbm>>) target(%dma_start3A_184 : memref<16x64xf32, #tpu.memory_space<vmem_shared>>) target_semaphore(%run_scoped3A : memref<!tpu.dma_semaphore, #tpu.memory_space<semaphore_mem>>)
        %dma_wait3A_189 = arith.constant 9984 : i32
        %dma_wait3A_190 = arith.constant 0 : i32
        %dma_wait3A_191 = tpu.memref_slice %arg7[%dma_wait3A_189, %dma_wait3A_190] : memref<10000x64xf32, #tpu.memory_space<vmem_shared>> -> memref<16x64xf32, #tpu.memory_space<vmem_shared>>
        %dma_wait3A_192 = arith.constant 9984 : i32
        %dma_wait3A_193 = arith.constant 0 : i32
        %dma_wait3A_194 = tpu.memref_slice %arg2[%arg0, %dma_wait3A_192, %dma_wait3A_193] : memref<2x10000x64xf32, #tpu.memory_space<hbm>> -> memref<1x16x64xf32, #tpu.memory_space<hbm>>
        %dma_wait3A_195 = tpu.memref_squeeze %dma_wait3A_194 : memref<1x16x64xf32, #tpu.memory_space<hbm>> -> memref<16x64xf32, #tpu.memory_space<hbm>>
        tpu.wait_dma2 semaphore(%run_scoped3A : memref<!tpu.dma_semaphore, #tpu.memory_space<semaphore_mem>>) src(%dma_wait3A_195 : memref<16x64xf32, #tpu.memory_space<hbm>>) dst(%dma_wait3A_191 : memref<16x64xf32, #tpu.memory_space<vmem_shared>>)
        tpu.yield
      }) : () -> ()
    } else {
    }
    %mul3A_19 = arith.constant 632 : i32
    %mul3A_20 = arith.muli %arg1, %mul3A_19 : i32
    %dma_wait3A = arith.constant 0 : i32
    %dma_wait3A_21 = tpu.memref_slice %arg14[%dma_wait3A] : memref<2x!tpu.dma_semaphore, #tpu.memory_space<semaphore_mem>> -> memref<1x!tpu.dma_semaphore, #tpu.memory_space<semaphore_mem>>
    %dma_wait3A_22 = tpu.memref_squeeze %dma_wait3A_21 : memref<1x!tpu.dma_semaphore, #tpu.memory_space<semaphore_mem>> -> memref<!tpu.dma_semaphore, #tpu.memory_space<semaphore_mem>>
    %dma_wait3A_23 = arith.constant 0 : i32
    %dma_wait3A_24 = tpu.memref_slice %arg8[%mul3A_20, %dma_wait3A_23] : memref<10112x64xf32, #tpu.memory_space<vmem_shared>> -> memref<632x64xf32, #tpu.memory_space<vmem_shared>>
    tpu.wait_dma2 semaphore(%dma_wait3A_22 : memref<!tpu.dma_semaphore, #tpu.memory_space<semaphore_mem>>) src(%arg5 : memref<632x64xf32, #tpu.memory_space<hbm>>) dst(%dma_wait3A_24 : memref<632x64xf32, #tpu.memory_space<vmem_shared>>)
    %mul3A_25 = arith.constant 624 : i32
    %mul3A_26 = arith.muli %arg1, %mul3A_25 : i32
    %mul3A_27 = arith.constant 624 : i32
    %mul3A_28 = arith.muli %arg1, %mul3A_27 : i32
    %dma_wait3A_29 = arith.constant 1 : i32
    %dma_wait3A_30 = tpu.memref_slice %arg14[%dma_wait3A_29] : memref<2x!tpu.dma_semaphore, #tpu.memory_space<semaphore_mem>> -> memref<1x!tpu.dma_semaphore, #tpu.memory_space<semaphore_mem>>
    %dma_wait3A_31 = tpu.memref_squeeze %dma_wait3A_30 : memref<1x!tpu.dma_semaphore, #tpu.memory_space<semaphore_mem>> -> memref<!tpu.dma_semaphore, #tpu.memory_space<semaphore_mem>>
    %dma_wait3A_32 = arith.constant 0 : i32
    %dma_wait3A_33 = tpu.memref_slice %arg7[%mul3A_28, %dma_wait3A_32] : memref<10000x64xf32, #tpu.memory_space<vmem_shared>> -> memref<624x64xf32, #tpu.memory_space<vmem_shared>>
    %dma_wait3A_34 = arith.constant 0 : i32
    %dma_wait3A_35 = tpu.memref_slice %arg2[%arg0, %mul3A_26, %dma_wait3A_34] : memref<2x10000x64xf32, #tpu.memory_space<hbm>> -> memref<1x624x64xf32, #tpu.memory_space<hbm>>
    %dma_wait3A_36 = tpu.memref_squeeze %dma_wait3A_35 : memref<1x624x64xf32, #tpu.memory_space<hbm>> -> memref<624x64xf32, #tpu.memory_space<hbm>>
    tpu.wait_dma2 semaphore(%dma_wait3A_31 : memref<!tpu.dma_semaphore, #tpu.memory_space<semaphore_mem>>) src(%dma_wait3A_36 : memref<624x64xf32, #tpu.memory_space<hbm>>) dst(%dma_wait3A_33 : memref<624x64xf32, #tpu.memory_space<vmem_shared>>)
    %barrier3A = arith.constant 0 : index
    tpu.barrier barrier_id(%barrier3A)
    %dma_start3A_37 = arith.constant 0 : i32
    %dma_start3A_38 = arith.constant 0 : i32
    %dma_start3A_39 = arith.constant 0 : i32
    %dma_start3A_40 = arith.constant 0 : i32
    %dma_start3A_41 = tpu.memref_slice %arg9[%dma_start3A_38, %dma_start3A_40] : memref<2x128xi32, #tpu.memory_space<vmem>> -> memref<1x128xi32, #tpu.memory_space<vmem>>
    %dma_start3A_42 = tpu.memref_squeeze %dma_start3A_41 : memref<1x128xi32, #tpu.memory_space<vmem>> -> memref<128xi32, #tpu.memory_space<vmem>>
    %dma_start3A_43 = arith.constant 0 : i32
    %dma_start3A_44 = tpu.memref_slice %arg3[%arg1, %dma_start3A_37, %dma_start3A_43] : memref<16x157x128xi32, #tpu.memory_space<hbm>> -> memref<1x1x128xi32, #tpu.memory_space<hbm>>
    %dma_start3A_45 = tpu.memref_squeeze %dma_start3A_44 : memref<1x1x128xi32, #tpu.memory_space<hbm>> -> memref<128xi32, #tpu.memory_space<hbm>>
    %dma_start3A_46 = tpu.memref_slice %arg12[%dma_start3A_39] : memref<2x!tpu.dma_semaphore, #tpu.memory_space<semaphore_mem>> -> memref<1x!tpu.dma_semaphore, #tpu.memory_space<semaphore_mem>>
    %dma_start3A_47 = tpu.memref_squeeze %dma_start3A_46 : memref<1x!tpu.dma_semaphore, #tpu.memory_space<semaphore_mem>> -> memref<!tpu.dma_semaphore, #tpu.memory_space<semaphore_mem>>
    %dma_start3A_48 = arith.constant 0 : i32
    %dma_start3A_49 = tpu.memref_slice %arg9[%dma_start3A_38, %dma_start3A_48] : memref<2x128xi32, #tpu.memory_space<vmem>> -> memref<1x128xi32, #tpu.memory_space<vmem>>
    %dma_start3A_50 = tpu.memref_squeeze %dma_start3A_49 : memref<1x128xi32, #tpu.memory_space<vmem>> -> memref<128xi32, #tpu.memory_space<vmem>>
    %dma_start3A_51 = arith.constant 0 : i32
    %dma_start3A_52 = tpu.memref_slice %arg3[%arg1, %dma_start3A_37, %dma_start3A_51] : memref<16x157x128xi32, #tpu.memory_space<hbm>> -> memref<1x1x128xi32, #tpu.memory_space<hbm>>
    %dma_start3A_53 = tpu.memref_squeeze %dma_start3A_52 : memref<1x1x128xi32, #tpu.memory_space<hbm>> -> memref<128xi32, #tpu.memory_space<hbm>>
    tpu.enqueue_dma source(%dma_start3A_53 : memref<128xi32, #tpu.memory_space<hbm>>) target(%dma_start3A_50 : memref<128xi32, #tpu.memory_space<vmem>>) target_semaphore(%dma_start3A_47 : memref<!tpu.dma_semaphore, #tpu.memory_space<semaphore_mem>>)
    %dma_start3A_54 = arith.constant 0 : i32
    %dma_start3A_55 = arith.constant 0 : i32
    %dma_start3A_56 = arith.constant 0 : i32
    %dma_start3A_57 = arith.constant 0 : i32
    %dma_start3A_58 = tpu.memref_slice %arg10[%dma_start3A_55, %dma_start3A_57] : memref<3x128xi32, #tpu.memory_space<vmem>> -> memref<1x128xi32, #tpu.memory_space<vmem>>
    %dma_start3A_59 = tpu.memref_squeeze %dma_start3A_58 : memref<1x128xi32, #tpu.memory_space<vmem>> -> memref<128xi32, #tpu.memory_space<vmem>>
    %dma_start3A_60 = arith.constant 0 : i32
    %dma_start3A_61 = tpu.memref_slice %arg4[%arg1, %dma_start3A_54, %dma_start3A_60] : memref<16x157x128xi32, #tpu.memory_space<hbm>> -> memref<1x1x128xi32, #tpu.memory_space<hbm>>
    %dma_start3A_62 = tpu.memref_squeeze %dma_start3A_61 : memref<1x1x128xi32, #tpu.memory_space<hbm>> -> memref<128xi32, #tpu.memory_space<hbm>>
    %dma_start3A_63 = tpu.memref_slice %arg13[%dma_start3A_56] : memref<3x!tpu.dma_semaphore, #tpu.memory_space<semaphore_mem>> -> memref<1x!tpu.dma_semaphore, #tpu.memory_space<semaphore_mem>>
    %dma_start3A_64 = tpu.memref_squeeze %dma_start3A_63 : memref<1x!tpu.dma_semaphore, #tpu.memory_space<semaphore_mem>> -> memref<!tpu.dma_semaphore, #tpu.memory_space<semaphore_mem>>
    %dma_start3A_65 = arith.constant 0 : i32
    %dma_start3A_66 = tpu.memref_slice %arg10[%dma_start3A_55, %dma_start3A_65] : memref<3x128xi32, #tpu.memory_space<vmem>> -> memref<1x128xi32, #tpu.memory_space<vmem>>
    %dma_start3A_67 = tpu.memref_squeeze %dma_start3A_66 : memref<1x128xi32, #tpu.memory_space<vmem>> -> memref<128xi32, #tpu.memory_space<vmem>>
    %dma_start3A_68 = arith.constant 0 : i32
    %dma_start3A_69 = tpu.memref_slice %arg4[%arg1, %dma_start3A_54, %dma_start3A_68] : memref<16x157x128xi32, #tpu.memory_space<hbm>> -> memref<1x1x128xi32, #tpu.memory_space<hbm>>
    %dma_start3A_70 = tpu.memref_squeeze %dma_start3A_69 : memref<1x1x128xi32, #tpu.memory_space<hbm>> -> memref<128xi32, #tpu.memory_space<hbm>>
    tpu.enqueue_dma source(%dma_start3A_70 : memref<128xi32, #tpu.memory_space<hbm>>) target(%dma_start3A_67 : memref<128xi32, #tpu.memory_space<vmem>>) target_semaphore(%dma_start3A_64 : memref<!tpu.dma_semaphore, #tpu.memory_space<semaphore_mem>>)
    %dma_start3A_71 = arith.constant 1 : i32
    %dma_start3A_72 = arith.constant 1 : i32
    %dma_start3A_73 = arith.constant 1 : i32
    %dma_start3A_74 = arith.constant 0 : i32
    %dma_start3A_75 = tpu.memref_slice %arg9[%dma_start3A_72, %dma_start3A_74] : memref<2x128xi32, #tpu.memory_space<vmem>> -> memref<1x128xi32, #tpu.memory_space<vmem>>
    %dma_start3A_76 = tpu.memref_squeeze %dma_start3A_75 : memref<1x128xi32, #tpu.memory_space<vmem>> -> memref<128xi32, #tpu.memory_space<vmem>>
    %dma_start3A_77 = arith.constant 0 : i32
    %dma_start3A_78 = tpu.memref_slice %arg3[%arg1, %dma_start3A_71, %dma_start3A_77] : memref<16x157x128xi32, #tpu.memory_space<hbm>> -> memref<1x1x128xi32, #tpu.memory_space<hbm>>
    %dma_start3A_79 = tpu.memref_squeeze %dma_start3A_78 : memref<1x1x128xi32, #tpu.memory_space<hbm>> -> memref<128xi32, #tpu.memory_space<hbm>>
    %dma_start3A_80 = tpu.memref_slice %arg12[%dma_start3A_73] : memref<2x!tpu.dma_semaphore, #tpu.memory_space<semaphore_mem>> -> memref<1x!tpu.dma_semaphore, #tpu.memory_space<semaphore_mem>>
    %dma_start3A_81 = tpu.memref_squeeze %dma_start3A_80 : memref<1x!tpu.dma_semaphore, #tpu.memory_space<semaphore_mem>> -> memref<!tpu.dma_semaphore, #tpu.memory_space<semaphore_mem>>
    %dma_start3A_82 = arith.constant 0 : i32
    %dma_start3A_83 = tpu.memref_slice %arg9[%dma_start3A_72, %dma_start3A_82] : memref<2x128xi32, #tpu.memory_space<vmem>> -> memref<1x128xi32, #tpu.memory_space<vmem>>
    %dma_start3A_84 = tpu.memref_squeeze %dma_start3A_83 : memref<1x128xi32, #tpu.memory_space<vmem>> -> memref<128xi32, #tpu.memory_space<vmem>>
    %dma_start3A_85 = arith.constant 0 : i32
    %dma_start3A_86 = tpu.memref_slice %arg3[%arg1, %dma_start3A_71, %dma_start3A_85] : memref<16x157x128xi32, #tpu.memory_space<hbm>> -> memref<1x1x128xi32, #tpu.memory_space<hbm>>
    %dma_start3A_87 = tpu.memref_squeeze %dma_start3A_86 : memref<1x1x128xi32, #tpu.memory_space<hbm>> -> memref<128xi32, #tpu.memory_space<hbm>>
    tpu.enqueue_dma source(%dma_start3A_87 : memref<128xi32, #tpu.memory_space<hbm>>) target(%dma_start3A_84 : memref<128xi32, #tpu.memory_space<vmem>>) target_semaphore(%dma_start3A_81 : memref<!tpu.dma_semaphore, #tpu.memory_space<semaphore_mem>>)
    %dma_start3A_88 = arith.constant 1 : i32
    %dma_start3A_89 = arith.constant 1 : i32
    %dma_start3A_90 = arith.constant 1 : i32
    %dma_start3A_91 = arith.constant 0 : i32
    %dma_start3A_92 = tpu.memref_slice %arg10[%dma_start3A_89, %dma_start3A_91] : memref<3x128xi32, #tpu.memory_space<vmem>> -> memref<1x128xi32, #tpu.memory_space<vmem>>
    %dma_start3A_93 = tpu.memref_squeeze %dma_start3A_92 : memref<1x128xi32, #tpu.memory_space<vmem>> -> memref<128xi32, #tpu.memory_space<vmem>>
    %dma_start3A_94 = arith.constant 0 : i32
    %dma_start3A_95 = tpu.memref_slice %arg4[%arg1, %dma_start3A_88, %dma_start3A_94] : memref<16x157x128xi32, #tpu.memory_space<hbm>> -> memref<1x1x128xi32, #tpu.memory_space<hbm>>
    %dma_start3A_96 = tpu.memref_squeeze %dma_start3A_95 : memref<1x1x128xi32, #tpu.memory_space<hbm>> -> memref<128xi32, #tpu.memory_space<hbm>>
    %dma_start3A_97 = tpu.memref_slice %arg13[%dma_start3A_90] : memref<3x!tpu.dma_semaphore, #tpu.memory_space<semaphore_mem>> -> memref<1x!tpu.dma_semaphore, #tpu.memory_space<semaphore_mem>>
    %dma_start3A_98 = tpu.memref_squeeze %dma_start3A_97 : memref<1x!tpu.dma_semaphore, #tpu.memory_space<semaphore_mem>> -> memref<!tpu.dma_semaphore, #tpu.memory_space<semaphore_mem>>
    %dma_start3A_99 = arith.constant 0 : i32
    %dma_start3A_100 = tpu.memref_slice %arg10[%dma_start3A_89, %dma_start3A_99] : memref<3x128xi32, #tpu.memory_space<vmem>> -> memref<1x128xi32, #tpu.memory_space<vmem>>
    %dma_start3A_101 = tpu.memref_squeeze %dma_start3A_100 : memref<1x128xi32, #tpu.memory_space<vmem>> -> memref<128xi32, #tpu.memory_space<vmem>>
    %dma_start3A_102 = arith.constant 0 : i32
    %dma_start3A_103 = tpu.memref_slice %arg4[%arg1, %dma_start3A_88, %dma_start3A_102] : memref<16x157x128xi32, #tpu.memory_space<hbm>> -> memref<1x1x128xi32, #tpu.memory_space<hbm>>
    %dma_start3A_104 = tpu.memref_squeeze %dma_start3A_103 : memref<1x1x128xi32, #tpu.memory_space<hbm>> -> memref<128xi32, #tpu.memory_space<hbm>>
    tpu.enqueue_dma source(%dma_start3A_104 : memref<128xi32, #tpu.memory_space<hbm>>) target(%dma_start3A_101 : memref<128xi32, #tpu.memory_space<vmem>>) target_semaphore(%dma_start3A_98 : memref<!tpu.dma_semaphore, #tpu.memory_space<semaphore_mem>>)
    %dma_wait3A_105 = arith.constant 0 : i32
    %dma_wait3A_106 = arith.constant 0 : i32
    %dma_wait3A_107 = arith.constant 0 : i32
    %dma_wait3A_108 = arith.constant 0 : i32
    %dma_wait3A_109 = tpu.memref_slice %arg9[%dma_wait3A_106, %dma_wait3A_108] : memref<2x128xi32, #tpu.memory_space<vmem>> -> memref<1x128xi32, #tpu.memory_space<vmem>>
    %dma_wait3A_110 = tpu.memref_squeeze %dma_wait3A_109 : memref<1x128xi32, #tpu.memory_space<vmem>> -> memref<128xi32, #tpu.memory_space<vmem>>
    %dma_wait3A_111 = arith.constant 0 : i32
    %dma_wait3A_112 = tpu.memref_slice %arg3[%arg1, %dma_wait3A_105, %dma_wait3A_111] : memref<16x157x128xi32, #tpu.memory_space<hbm>> -> memref<1x1x128xi32, #tpu.memory_space<hbm>>
    %dma_wait3A_113 = tpu.memref_squeeze %dma_wait3A_112 : memref<1x1x128xi32, #tpu.memory_space<hbm>> -> memref<128xi32, #tpu.memory_space<hbm>>
    %dma_wait3A_114 = tpu.memref_slice %arg12[%dma_wait3A_107] : memref<2x!tpu.dma_semaphore, #tpu.memory_space<semaphore_mem>> -> memref<1x!tpu.dma_semaphore, #tpu.memory_space<semaphore_mem>>
    %dma_wait3A_115 = tpu.memref_squeeze %dma_wait3A_114 : memref<1x!tpu.dma_semaphore, #tpu.memory_space<semaphore_mem>> -> memref<!tpu.dma_semaphore, #tpu.memory_space<semaphore_mem>>
    %dma_wait3A_116 = arith.constant 0 : i32
    %dma_wait3A_117 = tpu.memref_slice %arg9[%dma_wait3A_106, %dma_wait3A_116] : memref<2x128xi32, #tpu.memory_space<vmem>> -> memref<1x128xi32, #tpu.memory_space<vmem>>
    %dma_wait3A_118 = tpu.memref_squeeze %dma_wait3A_117 : memref<1x128xi32, #tpu.memory_space<vmem>> -> memref<128xi32, #tpu.memory_space<vmem>>
    %dma_wait3A_119 = arith.constant 0 : i32
    %dma_wait3A_120 = tpu.memref_slice %arg3[%arg1, %dma_wait3A_105, %dma_wait3A_119] : memref<16x157x128xi32, #tpu.memory_space<hbm>> -> memref<1x1x128xi32, #tpu.memory_space<hbm>>
    %dma_wait3A_121 = tpu.memref_squeeze %dma_wait3A_120 : memref<1x1x128xi32, #tpu.memory_space<hbm>> -> memref<128xi32, #tpu.memory_space<hbm>>
    tpu.wait_dma2 semaphore(%dma_wait3A_115 : memref<!tpu.dma_semaphore, #tpu.memory_space<semaphore_mem>>) src(%dma_wait3A_121 : memref<128xi32, #tpu.memory_space<hbm>>) dst(%dma_wait3A_118 : memref<128xi32, #tpu.memory_space<vmem>>)
    %dma_start3A_122 = arith.constant 0 : i32
    %dma_start3A_123 = arith.constant 0 : i32
    %dma_start3A_124 = arith.constant 0 : i32
    %dma_start3A_125 = arith.constant 0 : i32
    %dma_start3A_126 = arith.constant 0 : i32
    %dma_start3A_127 = tpu.memref_slice %arg11[%dma_start3A_123, %dma_start3A_125, %dma_start3A_126] : memref<2x128x64xf32, #tpu.memory_space<vmem>> -> memref<1x128x64xf32, #tpu.memory_space<vmem>>
    %dma_start3A_128 = tpu.memref_squeeze %dma_start3A_127 : memref<1x128x64xf32, #tpu.memory_space<vmem>> -> memref<128x64xf32, #tpu.memory_space<vmem>>
    %dma_start3A_129 = arith.constant 0 : i32
    %dma_start3A_130 = tpu.memref_slice %arg9[%dma_start3A_122, %dma_start3A_129] : memref<2x128xi32, #tpu.memory_space<vmem>> -> memref<1x128xi32, #tpu.memory_space<vmem>>
    %dma_start3A_131 = tpu.memref_squeeze %dma_start3A_130 : memref<1x128xi32, #tpu.memory_space<vmem>> -> memref<128xi32, #tpu.memory_space<vmem>>
    %dma_start3A_132 = arith.constant 0 : i32
    %dma_start3A_133 = arith.constant 0 : i32
    %dma_start3A_134 = tpu.memref_slice %arg7[%dma_start3A_132, %dma_start3A_133] : memref<10000x64xf32, #tpu.memory_space<vmem_shared>> -> memref<10000x64xf32, #tpu.memory_space<vmem_shared>>
    %dma_start3A_135 = tpu.memref_slice %arg14[%dma_start3A_124] : memref<2x!tpu.dma_semaphore, #tpu.memory_space<semaphore_mem>> -> memref<1x!tpu.dma_semaphore, #tpu.memory_space<semaphore_mem>>
    %dma_start3A_136 = tpu.memref_squeeze %dma_start3A_135 : memref<1x!tpu.dma_semaphore, #tpu.memory_space<semaphore_mem>> -> memref<!tpu.dma_semaphore, #tpu.memory_space<semaphore_mem>>
    tpu.enqueue_indirect_dma source(%dma_start3A_134 : memref<10000x64xf32, #tpu.memory_space<vmem_shared>>) target(%dma_start3A_128 : memref<128x64xf32, #tpu.memory_space<vmem>>) offsets(%dma_start3A_131 : memref<128xi32, #tpu.memory_space<vmem>>) semaphore(%dma_start3A_136 : memref<!tpu.dma_semaphore, #tpu.memory_space<semaphore_mem>>)
    %scan3A = arith.constant 0 : i32
    %scan3A_137 = arith.constant 0 : i32
    %scan3A_138 = arith.constant 157 : i32
    %scan3A_139 = arith.addi %scan3A_137, %scan3A_138 : i32
    %scan3A_140 = arith.constant 1 : i32
    scf.for %scan3A_182 = %scan3A_137 to %scan3A_139 step %scan3A_140  : i32 {
      %rem3A = arith.constant 2 : i32
      %rem3A_183 = arith.remsi %scan3A_182, %rem3A : i32
      %add3A = arith.constant 1 : i32
      %add3A_184 = arith.addi %scan3A_182, %add3A : i32
      %rem3A_185 = arith.constant 2 : i32
      %rem3A_186 = arith.remsi %add3A_184, %rem3A_185 : i32
      %rem3A_187 = arith.constant 3 : i32
      %rem3A_188 = arith.remsi %scan3A_182, %rem3A_187 : i32
      %add3A_189 = arith.constant 1 : i32
      %add3A_190 = arith.addi %scan3A_182, %add3A_189 : i32
      %lt3A = arith.constant 157 : i32
      %lt3A_191 = arith.cmpi slt, %add3A_190, %lt3A : i32
      %convert_element_type3A_192 = arith.extui %lt3A_191 : i1 to i32
      %cond3A_193 = arith.constant 0 : i32
      %cond3A_194 = arith.cmpi ne, %convert_element_type3A_192, %cond3A_193 : i32
      scf.if %cond3A_194 {
        %add3A_240 = arith.constant 1 : i32
        %add3A_241 = arith.addi %scan3A_182, %add3A_240 : i32
        %dma_wait3A_242 = arith.constant 0 : i32
        %dma_wait3A_243 = tpu.memref_slice %arg9[%rem3A_186, %dma_wait3A_242] : memref<2x128xi32, #tpu.memory_space<vmem>> -> memref<1x128xi32, #tpu.memory_space<vmem>>
        %dma_wait3A_244 = tpu.memref_squeeze %dma_wait3A_243 : memref<1x128xi32, #tpu.memory_space<vmem>> -> memref<128xi32, #tpu.memory_space<vmem>>
        %dma_wait3A_245 = arith.constant 0 : i32
        %dma_wait3A_246 = tpu.memref_slice %arg3[%arg1, %add3A_241, %dma_wait3A_245] : memref<16x157x128xi32, #tpu.memory_space<hbm>> -> memref<1x1x128xi32, #tpu.memory_space<hbm>>
        %dma_wait3A_247 = tpu.memref_squeeze %dma_wait3A_246 : memref<1x1x128xi32, #tpu.memory_space<hbm>> -> memref<128xi32, #tpu.memory_space<hbm>>
        %dma_wait3A_248 = tpu.memref_slice %arg12[%rem3A_186] : memref<2x!tpu.dma_semaphore, #tpu.memory_space<semaphore_mem>> -> memref<1x!tpu.dma_semaphore, #tpu.memory_space<semaphore_mem>>
        %dma_wait3A_249 = tpu.memref_squeeze %dma_wait3A_248 : memref<1x!tpu.dma_semaphore, #tpu.memory_space<semaphore_mem>> -> memref<!tpu.dma_semaphore, #tpu.memory_space<semaphore_mem>>
        %dma_wait3A_250 = arith.constant 0 : i32
        %dma_wait3A_251 = tpu.memref_slice %arg9[%rem3A_186, %dma_wait3A_250] : memref<2x128xi32, #tpu.memory_space<vmem>> -> memref<1x128xi32, #tpu.memory_space<vmem>>
        %dma_wait3A_252 = tpu.memref_squeeze %dma_wait3A_251 : memref<1x128xi32, #tpu.memory_space<vmem>> -> memref<128xi32, #tpu.memory_space<vmem>>
        %dma_wait3A_253 = arith.constant 0 : i32
        %dma_wait3A_254 = tpu.memref_slice %arg3[%arg1, %add3A_241, %dma_wait3A_253] : memref<16x157x128xi32, #tpu.memory_space<hbm>> -> memref<1x1x128xi32, #tpu.memory_space<hbm>>
        %dma_wait3A_255 = tpu.memref_squeeze %dma_wait3A_254 : memref<1x1x128xi32, #tpu.memory_space<hbm>> -> memref<128xi32, #tpu.memory_space<hbm>>
        tpu.wait_dma2 semaphore(%dma_wait3A_249 : memref<!tpu.dma_semaphore, #tpu.memory_space<semaphore_mem>>) src(%dma_wait3A_255 : memref<128xi32, #tpu.memory_space<hbm>>) dst(%dma_wait3A_252 : memref<128xi32, #tpu.memory_space<vmem>>)
        %ge3A = arith.constant 1 : i32
        %ge3A_256 = arith.cmpi sge, %scan3A_182, %ge3A : i32
        %convert_element_type3A_257 = arith.extui %ge3A_256 : i1 to i32
        %cond3A_258 = arith.constant 0 : i32
        %cond3A_259 = arith.cmpi ne, %convert_element_type3A_257, %cond3A_258 : i32
        scf.if %cond3A_259 {
          %dma_wait3A_272 = arith.constant 0 : i32
          %dma_wait3A_273 = arith.constant 0 : i32
          %dma_wait3A_274 = arith.constant 0 : i32
          %dma_wait3A_275 = tpu.memref_slice %arg11[%rem3A_186, %dma_wait3A_273, %dma_wait3A_274] : memref<2x128x64xf32, #tpu.memory_space<vmem>> -> memref<1x128x64xf32, #tpu.memory_space<vmem>>
          %dma_wait3A_276 = tpu.memref_squeeze %dma_wait3A_275 : memref<1x128x64xf32, #tpu.memory_space<vmem>> -> memref<128x64xf32, #tpu.memory_space<vmem>>
          %dma_wait3A_277 = arith.constant 0 : i32
          %dma_wait3A_278 = tpu.memref_slice %arg10[%dma_wait3A_272, %dma_wait3A_277] : memref<3x128xi32, #tpu.memory_space<vmem>> -> memref<1x128xi32, #tpu.memory_space<vmem>>
          %dma_wait3A_279 = tpu.memref_squeeze %dma_wait3A_278 : memref<1x128xi32, #tpu.memory_space<vmem>> -> memref<128xi32, #tpu.memory_space<vmem>>
          %dma_wait3A_280 = arith.constant 0 : i32
          %dma_wait3A_281 = arith.constant 0 : i32
          %dma_wait3A_282 = tpu.memref_slice %arg8[%dma_wait3A_280, %dma_wait3A_281] : memref<10112x64xf32, #tpu.memory_space<vmem_shared>> -> memref<10112x64xf32, #tpu.memory_space<vmem_shared>>
          %dma_wait3A_283 = tpu.memref_slice %arg15[%rem3A_186] : memref<2x!tpu.dma_semaphore, #tpu.memory_space<semaphore_mem>> -> memref<1x!tpu.dma_semaphore, #tpu.memory_space<semaphore_mem>>
          %dma_wait3A_284 = tpu.memref_squeeze %dma_wait3A_283 : memref<1x!tpu.dma_semaphore, #tpu.memory_space<semaphore_mem>> -> memref<!tpu.dma_semaphore, #tpu.memory_space<semaphore_mem>>
          tpu.wait_indirect_dma semaphore(%dma_wait3A_284 : memref<!tpu.dma_semaphore, #tpu.memory_space<semaphore_mem>>) src(%dma_wait3A_276 : memref<128x64xf32, #tpu.memory_space<vmem>>) dst(%dma_wait3A_282 : memref<10112x64xf32, #tpu.memory_space<vmem_shared>>)
        } else {
        }
        %dma_start3A_260 = arith.constant 0 : i32
        %dma_start3A_261 = arith.constant 0 : i32
        %dma_start3A_262 = tpu.memref_slice %arg11[%rem3A_186, %dma_start3A_260, %dma_start3A_261] : memref<2x128x64xf32, #tpu.memory_space<vmem>> -> memref<1x128x64xf32, #tpu.memory_space<vmem>>
        %dma_start3A_263 = tpu.memref_squeeze %dma_start3A_262 : memref<1x128x64xf32, #tpu.memory_space<vmem>> -> memref<128x64xf32, #tpu.memory_space<vmem>>
        %dma_start3A_264 = arith.constant 0 : i32
        %dma_start3A_265 = tpu.memref_slice %arg9[%rem3A_186, %dma_start3A_264] : memref<2x128xi32, #tpu.memory_space<vmem>> -> memref<1x128xi32, #tpu.memory_space<vmem>>
        %dma_start3A_266 = tpu.memref_squeeze %dma_start3A_265 : memref<1x128xi32, #tpu.memory_space<vmem>> -> memref<128xi32, #tpu.memory_space<vmem>>
        %dma_start3A_267 = arith.constant 0 : i32
        %dma_start3A_268 = arith.constant 0 : i32
        %dma_start3A_269 = tpu.memref_slice %arg7[%dma_start3A_267, %dma_start3A_268] : memref<10000x64xf32, #tpu.memory_space<vmem_shared>> -> memref<10000x64xf32, #tpu.memory_space<vmem_shared>>
        %dma_start3A_270 = tpu.memref_slice %arg14[%rem3A_186] : memref<2x!tpu.dma_semaphore, #tpu.memory_space<semaphore_mem>> -> memref<1x!tpu.dma_semaphore, #tpu.memory_space<semaphore_mem>>
        %dma_start3A_271 = tpu.memref_squeeze %dma_start3A_270 : memref<1x!tpu.dma_semaphore, #tpu.memory_space<semaphore_mem>> -> memref<!tpu.dma_semaphore, #tpu.memory_space<semaphore_mem>>
        tpu.enqueue_indirect_dma source(%dma_start3A_269 : memref<10000x64xf32, #tpu.memory_space<vmem_shared>>) target(%dma_start3A_263 : memref<128x64xf32, #tpu.memory_space<vmem>>) offsets(%dma_start3A_266 : memref<128xi32, #tpu.memory_space<vmem>>) semaphore(%dma_start3A_271 : memref<!tpu.dma_semaphore, #tpu.memory_space<semaphore_mem>>)
      } else {
      }
      %dma_wait3A_195 = arith.constant 0 : i32
      %dma_wait3A_196 = arith.constant 0 : i32
      %dma_wait3A_197 = tpu.memref_slice %arg11[%rem3A_183, %dma_wait3A_195, %dma_wait3A_196] : memref<2x128x64xf32, #tpu.memory_space<vmem>> -> memref<1x128x64xf32, #tpu.memory_space<vmem>>
      %dma_wait3A_198 = tpu.memref_squeeze %dma_wait3A_197 : memref<1x128x64xf32, #tpu.memory_space<vmem>> -> memref<128x64xf32, #tpu.memory_space<vmem>>
      %dma_wait3A_199 = arith.constant 0 : i32
      %dma_wait3A_200 = tpu.memref_slice %arg9[%rem3A_183, %dma_wait3A_199] : memref<2x128xi32, #tpu.memory_space<vmem>> -> memref<1x128xi32, #tpu.memory_space<vmem>>
      %dma_wait3A_201 = tpu.memref_squeeze %dma_wait3A_200 : memref<1x128xi32, #tpu.memory_space<vmem>> -> memref<128xi32, #tpu.memory_space<vmem>>
      %dma_wait3A_202 = arith.constant 0 : i32
      %dma_wait3A_203 = arith.constant 0 : i32
      %dma_wait3A_204 = tpu.memref_slice %arg7[%dma_wait3A_202, %dma_wait3A_203] : memref<10000x64xf32, #tpu.memory_space<vmem_shared>> -> memref<10000x64xf32, #tpu.memory_space<vmem_shared>>
      %dma_wait3A_205 = tpu.memref_slice %arg14[%rem3A_183] : memref<2x!tpu.dma_semaphore, #tpu.memory_space<semaphore_mem>> -> memref<1x!tpu.dma_semaphore, #tpu.memory_space<semaphore_mem>>
      %dma_wait3A_206 = tpu.memref_squeeze %dma_wait3A_205 : memref<1x!tpu.dma_semaphore, #tpu.memory_space<semaphore_mem>> -> memref<!tpu.dma_semaphore, #tpu.memory_space<semaphore_mem>>
      tpu.wait_indirect_dma semaphore(%dma_wait3A_206 : memref<!tpu.dma_semaphore, #tpu.memory_space<semaphore_mem>>) src(%dma_wait3A_204 : memref<10000x64xf32, #tpu.memory_space<vmem_shared>>) dst(%dma_wait3A_198 : memref<128x64xf32, #tpu.memory_space<vmem>>)
      %dma_wait3A_207 = arith.constant 0 : i32
      %dma_wait3A_208 = tpu.memref_slice %arg10[%rem3A_188, %dma_wait3A_207] : memref<3x128xi32, #tpu.memory_space<vmem>> -> memref<1x128xi32, #tpu.memory_space<vmem>>
      %dma_wait3A_209 = tpu.memref_squeeze %dma_wait3A_208 : memref<1x128xi32, #tpu.memory_space<vmem>> -> memref<128xi32, #tpu.memory_space<vmem>>
      %dma_wait3A_210 = arith.constant 0 : i32
      %dma_wait3A_211 = tpu.memref_slice %arg4[%arg1, %scan3A_182, %dma_wait3A_210] : memref<16x157x128xi32, #tpu.memory_space<hbm>> -> memref<1x1x128xi32, #tpu.memory_space<hbm>>
      %dma_wait3A_212 = tpu.memref_squeeze %dma_wait3A_211 : memref<1x1x128xi32, #tpu.memory_space<hbm>> -> memref<128xi32, #tpu.memory_space<hbm>>
      %dma_wait3A_213 = tpu.memref_slice %arg13[%rem3A_188] : memref<3x!tpu.dma_semaphore, #tpu.memory_space<semaphore_mem>> -> memref<1x!tpu.dma_semaphore, #tpu.memory_space<semaphore_mem>>
      %dma_wait3A_214 = tpu.memref_squeeze %dma_wait3A_213 : memref<1x!tpu.dma_semaphore, #tpu.memory_space<semaphore_mem>> -> memref<!tpu.dma_semaphore, #tpu.memory_space<semaphore_mem>>
      %dma_wait3A_215 = arith.constant 0 : i32
      %dma_wait3A_216 = tpu.memref_slice %arg10[%rem3A_188, %dma_wait3A_215] : memref<3x128xi32, #tpu.memory_space<vmem>> -> memref<1x128xi32, #tpu.memory_space<vmem>>
      %dma_wait3A_217 = tpu.memref_squeeze %dma_wait3A_216 : memref<1x128xi32, #tpu.memory_space<vmem>> -> memref<128xi32, #tpu.memory_space<vmem>>
      %dma_wait3A_218 = arith.constant 0 : i32
      %dma_wait3A_219 = tpu.memref_slice %arg4[%arg1, %scan3A_182, %dma_wait3A_218] : memref<16x157x128xi32, #tpu.memory_space<hbm>> -> memref<1x1x128xi32, #tpu.memory_space<hbm>>
      %dma_wait3A_220 = tpu.memref_squeeze %dma_wait3A_219 : memref<1x1x128xi32, #tpu.memory_space<hbm>> -> memref<128xi32, #tpu.memory_space<hbm>>
      tpu.wait_dma2 semaphore(%dma_wait3A_214 : memref<!tpu.dma_semaphore, #tpu.memory_space<semaphore_mem>>) src(%dma_wait3A_220 : memref<128xi32, #tpu.memory_space<hbm>>) dst(%dma_wait3A_217 : memref<128xi32, #tpu.memory_space<vmem>>)
      %dma_start3A_221 = arith.constant 0 : i32
      %dma_start3A_222 = arith.constant 0 : i32
      %dma_start3A_223 = tpu.memref_slice %arg11[%rem3A_183, %dma_start3A_221, %dma_start3A_222] : memref<2x128x64xf32, #tpu.memory_space<vmem>> -> memref<1x128x64xf32, #tpu.memory_space<vmem>>
      %dma_start3A_224 = tpu.memref_squeeze %dma_start3A_223 : memref<1x128x64xf32, #tpu.memory_space<vmem>> -> memref<128x64xf32, #tpu.memory_space<vmem>>
      %dma_start3A_225 = arith.constant 0 : i32
      %dma_start3A_226 = tpu.memref_slice %arg10[%rem3A_188, %dma_start3A_225] : memref<3x128xi32, #tpu.memory_space<vmem>> -> memref<1x128xi32, #tpu.memory_space<vmem>>
      %dma_start3A_227 = tpu.memref_squeeze %dma_start3A_226 : memref<1x128xi32, #tpu.memory_space<vmem>> -> memref<128xi32, #tpu.memory_space<vmem>>
      %dma_start3A_228 = arith.constant 0 : i32
      %dma_start3A_229 = arith.constant 0 : i32
      %dma_start3A_230 = tpu.memref_slice %arg8[%dma_start3A_228, %dma_start3A_229] : memref<10112x64xf32, #tpu.memory_space<vmem_shared>> -> memref<10112x64xf32, #tpu.memory_space<vmem_shared>>
      %dma_start3A_231 = tpu.memref_slice %arg15[%rem3A_183] : memref<2x!tpu.dma_semaphore, #tpu.memory_space<semaphore_mem>> -> memref<1x!tpu.dma_semaphore, #tpu.memory_space<semaphore_mem>>
      %dma_start3A_232 = tpu.memref_squeeze %dma_start3A_231 : memref<1x!tpu.dma_semaphore, #tpu.memory_space<semaphore_mem>> -> memref<!tpu.dma_semaphore, #tpu.memory_space<semaphore_mem>>
      tpu.enqueue_indirect_dma source(%dma_start3A_224 : memref<128x64xf32, #tpu.memory_space<vmem>>) target(%dma_start3A_230 : memref<10112x64xf32, #tpu.memory_space<vmem_shared>>) offsets(%dma_start3A_227 : memref<128xi32, #tpu.memory_space<vmem>>) semaphore(%dma_start3A_232 : memref<!tpu.dma_semaphore, #tpu.memory_space<semaphore_mem>>) {add = true}
      %add3A_233 = arith.constant 2 : i32
      %add3A_234 = arith.addi %scan3A_182, %add3A_233 : i32
      %lt3A_235 = arith.constant 157 : i32
      %lt3A_236 = arith.cmpi slt, %add3A_234, %lt3A_235 : i32
      %convert_element_type3A_237 = arith.extui %lt3A_236 : i1 to i32
      %cond3A_238 = arith.constant 0 : i32
      %cond3A_239 = arith.cmpi ne, %convert_element_type3A_237, %cond3A_238 : i32
      scf.if %cond3A_239 {
        %add3A_240 = arith.constant 2 : i32
        %add3A_241 = arith.addi %scan3A_182, %add3A_240 : i32
        %add3A_242 = arith.constant 2 : i32
        %add3A_243 = arith.addi %scan3A_182, %add3A_242 : i32
        %rem3A_244 = arith.constant 2 : i32
        %rem3A_245 = arith.remsi %add3A_243, %rem3A_244 : i32
        %dma_start3A_246 = arith.constant 0 : i32
        %dma_start3A_247 = tpu.memref_slice %arg9[%rem3A_245, %dma_start3A_246] : memref<2x128xi32, #tpu.memory_space<vmem>> -> memref<1x128xi32, #tpu.memory_space<vmem>>
        %dma_start3A_248 = tpu.memref_squeeze %dma_start3A_247 : memref<1x128xi32, #tpu.memory_space<vmem>> -> memref<128xi32, #tpu.memory_space<vmem>>
        %dma_start3A_249 = arith.constant 0 : i32
        %dma_start3A_250 = tpu.memref_slice %arg3[%arg1, %add3A_241, %dma_start3A_249] : memref<16x157x128xi32, #tpu.memory_space<hbm>> -> memref<1x1x128xi32, #tpu.memory_space<hbm>>
        %dma_start3A_251 = tpu.memref_squeeze %dma_start3A_250 : memref<1x1x128xi32, #tpu.memory_space<hbm>> -> memref<128xi32, #tpu.memory_space<hbm>>
        %dma_start3A_252 = tpu.memref_slice %arg12[%rem3A_245] : memref<2x!tpu.dma_semaphore, #tpu.memory_space<semaphore_mem>> -> memref<1x!tpu.dma_semaphore, #tpu.memory_space<semaphore_mem>>
        %dma_start3A_253 = tpu.memref_squeeze %dma_start3A_252 : memref<1x!tpu.dma_semaphore, #tpu.memory_space<semaphore_mem>> -> memref<!tpu.dma_semaphore, #tpu.memory_space<semaphore_mem>>
        %dma_start3A_254 = arith.constant 0 : i32
        %dma_start3A_255 = tpu.memref_slice %arg9[%rem3A_245, %dma_start3A_254] : memref<2x128xi32, #tpu.memory_space<vmem>> -> memref<1x128xi32, #tpu.memory_space<vmem>>
        %dma_start3A_256 = tpu.memref_squeeze %dma_start3A_255 : memref<1x128xi32, #tpu.memory_space<vmem>> -> memref<128xi32, #tpu.memory_space<vmem>>
        %dma_start3A_257 = arith.constant 0 : i32
        %dma_start3A_258 = tpu.memref_slice %arg3[%arg1, %add3A_241, %dma_start3A_257] : memref<16x157x128xi32, #tpu.memory_space<hbm>> -> memref<1x1x128xi32, #tpu.memory_space<hbm>>
        %dma_start3A_259 = tpu.memref_squeeze %dma_start3A_258 : memref<1x1x128xi32, #tpu.memory_space<hbm>> -> memref<128xi32, #tpu.memory_space<hbm>>
        tpu.enqueue_dma source(%dma_start3A_259 : memref<128xi32, #tpu.memory_space<hbm>>) target(%dma_start3A_256 : memref<128xi32, #tpu.memory_space<vmem>>) target_semaphore(%dma_start3A_253 : memref<!tpu.dma_semaphore, #tpu.memory_space<semaphore_mem>>)
        %add3A_260 = arith.constant 2 : i32
        %add3A_261 = arith.addi %scan3A_182, %add3A_260 : i32
        %add3A_262 = arith.constant 2 : i32
        %add3A_263 = arith.addi %scan3A_182, %add3A_262 : i32
        %rem3A_264 = arith.constant 3 : i32
        %rem3A_265 = arith.remsi %add3A_263, %rem3A_264 : i32
        %dma_start3A_266 = arith.constant 0 : i32
        %dma_start3A_267 = tpu.memref_slice %arg10[%rem3A_265, %dma_start3A_266] : memref<3x128xi32, #tpu.memory_space<vmem>> -> memref<1x128xi32, #tpu.memory_space<vmem>>
        %dma_start3A_268 = tpu.memref_squeeze %dma_start3A_267 : memref<1x128xi32, #tpu.memory_space<vmem>> -> memref<128xi32, #tpu.memory_space<vmem>>
        %dma_start3A_269 = arith.constant 0 : i32
        %dma_start3A_270 = tpu.memref_slice %arg4[%arg1, %add3A_261, %dma_start3A_269] : memref<16x157x128xi32, #tpu.memory_space<hbm>> -> memref<1x1x128xi32, #tpu.memory_space<hbm>>
        %dma_start3A_271 = tpu.memref_squeeze %dma_start3A_270 : memref<1x1x128xi32, #tpu.memory_space<hbm>> -> memref<128xi32, #tpu.memory_space<hbm>>
        %dma_start3A_272 = tpu.memref_slice %arg13[%rem3A_265] : memref<3x!tpu.dma_semaphore, #tpu.memory_space<semaphore_mem>> -> memref<1x!tpu.dma_semaphore, #tpu.memory_space<semaphore_mem>>
        %dma_start3A_273 = tpu.memref_squeeze %dma_start3A_272 : memref<1x!tpu.dma_semaphore, #tpu.memory_space<semaphore_mem>> -> memref<!tpu.dma_semaphore, #tpu.memory_space<semaphore_mem>>
        %dma_start3A_274 = arith.constant 0 : i32
        %dma_start3A_275 = tpu.memref_slice %arg10[%rem3A_265, %dma_start3A_274] : memref<3x128xi32, #tpu.memory_space<vmem>> -> memref<1x128xi32, #tpu.memory_space<vmem>>
        %dma_start3A_276 = tpu.memref_squeeze %dma_start3A_275 : memref<1x128xi32, #tpu.memory_space<vmem>> -> memref<128xi32, #tpu.memory_space<vmem>>
        %dma_start3A_277 = arith.constant 0 : i32
        %dma_start3A_278 = tpu.memref_slice %arg4[%arg1, %add3A_261, %dma_start3A_277] : memref<16x157x128xi32, #tpu.memory_space<hbm>> -> memref<1x1x128xi32, #tpu.memory_space<hbm>>
        %dma_start3A_279 = tpu.memref_squeeze %dma_start3A_278 : memref<1x1x128xi32, #tpu.memory_space<hbm>> -> memref<128xi32, #tpu.memory_space<hbm>>
        tpu.enqueue_dma source(%dma_start3A_279 : memref<128xi32, #tpu.memory_space<hbm>>) target(%dma_start3A_276 : memref<128xi32, #tpu.memory_space<vmem>>) target_semaphore(%dma_start3A_273 : memref<!tpu.dma_semaphore, #tpu.memory_space<semaphore_mem>>)
      } else {
      }
    }
    %scan3A_141 = arith.constant 157 : i32
    %dma_wait3A_142 = arith.constant 0 : i32
    %dma_wait3A_143 = arith.constant 0 : i32
    %dma_wait3A_144 = arith.constant 0 : i32
    %dma_wait3A_145 = arith.constant 0 : i32
    %dma_wait3A_146 = arith.constant 0 : i32
    %dma_wait3A_147 = tpu.memref_slice %arg11[%dma_wait3A_142, %dma_wait3A_145, %dma_wait3A_146] : memref<2x128x64xf32, #tpu.memory_space<vmem>> -> memref<1x128x64xf32, #tpu.memory_space<vmem>>
    %dma_wait3A_148 = tpu.memref_squeeze %dma_wait3A_147 : memref<1x128x64xf32, #tpu.memory_space<vmem>> -> memref<128x64xf32, #tpu.memory_space<vmem>>
    %dma_wait3A_149 = arith.constant 0 : i32
    %dma_wait3A_150 = tpu.memref_slice %arg10[%dma_wait3A_143, %dma_wait3A_149] : memref<3x128xi32, #tpu.memory_space<vmem>> -> memref<1x128xi32, #tpu.memory_space<vmem>>
    %dma_wait3A_151 = tpu.memref_squeeze %dma_wait3A_150 : memref<1x128xi32, #tpu.memory_space<vmem>> -> memref<128xi32, #tpu.memory_space<vmem>>
    %dma_wait3A_152 = arith.constant 0 : i32
    %dma_wait3A_153 = arith.constant 0 : i32
    %dma_wait3A_154 = tpu.memref_slice %arg8[%dma_wait3A_152, %dma_wait3A_153] : memref<10112x64xf32, #tpu.memory_space<vmem_shared>> -> memref<10112x64xf32, #tpu.memory_space<vmem_shared>>
    %dma_wait3A_155 = tpu.memref_slice %arg15[%dma_wait3A_144] : memref<2x!tpu.dma_semaphore, #tpu.memory_space<semaphore_mem>> -> memref<1x!tpu.dma_semaphore, #tpu.memory_space<semaphore_mem>>
    %dma_wait3A_156 = tpu.memref_squeeze %dma_wait3A_155 : memref<1x!tpu.dma_semaphore, #tpu.memory_space<semaphore_mem>> -> memref<!tpu.dma_semaphore, #tpu.memory_space<semaphore_mem>>
    tpu.wait_indirect_dma semaphore(%dma_wait3A_156 : memref<!tpu.dma_semaphore, #tpu.memory_space<semaphore_mem>>) src(%dma_wait3A_148 : memref<128x64xf32, #tpu.memory_space<vmem>>) dst(%dma_wait3A_154 : memref<10112x64xf32, #tpu.memory_space<vmem_shared>>)
    %dma_wait3A_157 = arith.constant 1 : i32
    %dma_wait3A_158 = arith.constant 0 : i32
    %dma_wait3A_159 = arith.constant 1 : i32
    %dma_wait3A_160 = arith.constant 0 : i32
    %dma_wait3A_161 = arith.constant 0 : i32
    %dma_wait3A_162 = tpu.memref_slice %arg11[%dma_wait3A_157, %dma_wait3A_160, %dma_wait3A_161] : memref<2x128x64xf32, #tpu.memory_space<vmem>> -> memref<1x128x64xf32, #tpu.memory_space<vmem>>
    %dma_wait3A_163 = tpu.memref_squeeze %dma_wait3A_162 : memref<1x128x64xf32, #tpu.memory_space<vmem>> -> memref<128x64xf32, #tpu.memory_space<vmem>>
    %dma_wait3A_164 = arith.constant 0 : i32
    %dma_wait3A_165 = tpu.memref_slice %arg10[%dma_wait3A_158, %dma_wait3A_164] : memref<3x128xi32, #tpu.memory_space<vmem>> -> memref<1x128xi32, #tpu.memory_space<vmem>>
    %dma_wait3A_166 = tpu.memref_squeeze %dma_wait3A_165 : memref<1x128xi32, #tpu.memory_space<vmem>> -> memref<128xi32, #tpu.memory_space<vmem>>
    %dma_wait3A_167 = arith.constant 0 : i32
    %dma_wait3A_168 = arith.constant 0 : i32
    %dma_wait3A_169 = tpu.memref_slice %arg8[%dma_wait3A_167, %dma_wait3A_168] : memref<10112x64xf32, #tpu.memory_space<vmem_shared>> -> memref<10112x64xf32, #tpu.memory_space<vmem_shared>>
    %dma_wait3A_170 = tpu.memref_slice %arg15[%dma_wait3A_159] : memref<2x!tpu.dma_semaphore, #tpu.memory_space<semaphore_mem>> -> memref<1x!tpu.dma_semaphore, #tpu.memory_space<semaphore_mem>>
    %dma_wait3A_171 = tpu.memref_squeeze %dma_wait3A_170 : memref<1x!tpu.dma_semaphore, #tpu.memory_space<semaphore_mem>> -> memref<!tpu.dma_semaphore, #tpu.memory_space<semaphore_mem>>
    tpu.wait_indirect_dma semaphore(%dma_wait3A_171 : memref<!tpu.dma_semaphore, #tpu.memory_space<semaphore_mem>>) src(%dma_wait3A_163 : memref<128x64xf32, #tpu.memory_space<vmem>>) dst(%dma_wait3A_169 : memref<10112x64xf32, #tpu.memory_space<vmem_shared>>)
    %barrier3A_172 = arith.constant 0 : index
    tpu.barrier barrier_id(%barrier3A_172)
    %mul3A_173 = arith.constant 624 : i32
    %mul3A_174 = arith.muli %arg1, %mul3A_173 : i32
    %mul3A_175 = arith.constant 624 : i32
    %mul3A_176 = arith.muli %arg1, %mul3A_175 : i32
    "tpu.region"() ({
      %run_scoped3A = tpu.sem_alloc : memref<!tpu.dma_semaphore, #tpu.memory_space<semaphore_mem>>
      %dma_start3A_182 = arith.constant 0 : i32
      %dma_start3A_183 = tpu.memref_slice %arg6[%arg0, %mul3A_176, %dma_start3A_182] : memref<2x10000x64xf32, #tpu.memory_space<hbm>> -> memref<1x624x64xf32, #tpu.memory_space<hbm>>
      %dma_start3A_184 = tpu.memref_squeeze %dma_start3A_183 : memref<1x624x64xf32, #tpu.memory_space<hbm>> -> memref<624x64xf32, #tpu.memory_space<hbm>>
      %dma_start3A_185 = arith.constant 0 : i32
      %dma_start3A_186 = tpu.memref_slice %arg8[%mul3A_174, %dma_start3A_185] : memref<10112x64xf32, #tpu.memory_space<vmem_shared>> -> memref<624x64xf32, #tpu.memory_space<vmem_shared>>
      tpu.enqueue_dma source(%dma_start3A_186 : memref<624x64xf32, #tpu.memory_space<vmem_shared>>) target(%dma_start3A_184 : memref<624x64xf32, #tpu.memory_space<hbm>>) target_semaphore(%run_scoped3A : memref<!tpu.dma_semaphore, #tpu.memory_space<semaphore_mem>>)
      %dma_wait3A_187 = arith.constant 0 : i32
      %dma_wait3A_188 = tpu.memref_slice %arg6[%arg0, %mul3A_176, %dma_wait3A_187] : memref<2x10000x64xf32, #tpu.memory_space<hbm>> -> memref<1x624x64xf32, #tpu.memory_space<hbm>>
      %dma_wait3A_189 = tpu.memref_squeeze %dma_wait3A_188 : memref<1x624x64xf32, #tpu.memory_space<hbm>> -> memref<624x64xf32, #tpu.memory_space<hbm>>
      %dma_wait3A_190 = arith.constant 0 : i32
      %dma_wait3A_191 = tpu.memref_slice %arg8[%mul3A_174, %dma_wait3A_190] : memref<10112x64xf32, #tpu.memory_space<vmem_shared>> -> memref<624x64xf32, #tpu.memory_space<vmem_shared>>
      tpu.wait_dma2 semaphore(%run_scoped3A : memref<!tpu.dma_semaphore, #tpu.memory_space<semaphore_mem>>) src(%dma_wait3A_191 : memref<624x64xf32, #tpu.memory_space<vmem_shared>>) dst(%dma_wait3A_189 : memref<624x64xf32, #tpu.memory_space<hbm>>)
      tpu.yield
    }) : () -> ()
    %eq3A_177 = arith.constant 15 : i32
    %eq3A_178 = arith.cmpi eq, %arg1, %eq3A_177 : i32
    %convert_element_type3A_179 = arith.extui %eq3A_178 : i1 to i32
    %cond3A_180 = arith.constant 0 : i32
    %cond3A_181 = arith.cmpi ne, %convert_element_type3A_179, %cond3A_180 : i32
    scf.if %cond3A_181 {
      "tpu.region"() ({
        %run_scoped3A = tpu.sem_alloc : memref<!tpu.dma_semaphore, #tpu.memory_space<semaphore_mem>>
        %dma_start3A_182 = arith.constant 9984 : i32
        %dma_start3A_183 = arith.constant 0 : i32
        %dma_start3A_184 = tpu.memref_slice %arg6[%arg0, %dma_start3A_182, %dma_start3A_183] : memref<2x10000x64xf32, #tpu.memory_space<hbm>> -> memref<1x16x64xf32, #tpu.memory_space<hbm>>
        %dma_start3A_185 = tpu.memref_squeeze %dma_start3A_184 : memref<1x16x64xf32, #tpu.memory_space<hbm>> -> memref<16x64xf32, #tpu.memory_space<hbm>>
        %dma_start3A_186 = arith.constant 9984 : i32
        %dma_start3A_187 = arith.constant 0 : i32
        %dma_start3A_188 = tpu.memref_slice %arg8[%dma_start3A_186, %dma_start3A_187] : memref<10112x64xf32, #tpu.memory_space<vmem_shared>> -> memref<16x64xf32, #tpu.memory_space<vmem_shared>>
        tpu.enqueue_dma source(%dma_start3A_188 : memref<16x64xf32, #tpu.memory_space<vmem_shared>>) target(%dma_start3A_185 : memref<16x64xf32, #tpu.memory_space<hbm>>) target_semaphore(%run_scoped3A : memref<!tpu.dma_semaphore, #tpu.memory_space<semaphore_mem>>)
        %dma_wait3A_189 = arith.constant 9984 : i32
        %dma_wait3A_190 = arith.constant 0 : i32
        %dma_wait3A_191 = tpu.memref_slice %arg6[%arg0, %dma_wait3A_189, %dma_wait3A_190] : memref<2x10000x64xf32, #tpu.memory_space<hbm>> -> memref<1x16x64xf32, #tpu.memory_space<hbm>>
        %dma_wait3A_192 = tpu.memref_squeeze %dma_wait3A_191 : memref<1x16x64xf32, #tpu.memory_space<hbm>> -> memref<16x64xf32, #tpu.memory_space<hbm>>
        %dma_wait3A_193 = arith.constant 9984 : i32
        %dma_wait3A_194 = arith.constant 0 : i32
        %dma_wait3A_195 = tpu.memref_slice %arg8[%dma_wait3A_193, %dma_wait3A_194] : memref<10112x64xf32, #tpu.memory_space<vmem_shared>> -> memref<16x64xf32, #tpu.memory_space<vmem_shared>>
        tpu.wait_dma2 semaphore(%run_scoped3A : memref<!tpu.dma_semaphore, #tpu.memory_space<semaphore_mem>>) src(%dma_wait3A_195 : memref<16x64xf32, #tpu.memory_space<vmem_shared>>) dst(%dma_wait3A_192 : memref<16x64xf32, #tpu.memory_space<hbm>>)
        tpu.yield
      }) : () -> ()
    } else {
    }
    return
  }
}

#map = affine_map<(d0, d1) -> (0, 0, 0)>
#map1 = affine_map<(d0, d1) -> (0, 0)>
module attributes {stable_mosaic.version = 14 : i64} {
  func.func @body(%arg0: i32, %arg1: i32, %arg2: memref<2x10000x64xf32, #tpu.memory_space<hbm>>, %arg3: memref<16x157x128xi32, #tpu.memory_space<hbm>>, %arg4: memref<16x157x128xi32, #tpu.memory_space<hbm>>, %arg5: memref<632x64xf32, #tpu.memory_space<hbm>>, %arg6: memref<2x10000x64xf32, #tpu.memory_space<hbm>>, %arg7: memref<10000x64xf32, #tpu.memory_space<vmem_shared>>, %arg8: memref<10112x64xf32, #tpu.memory_space<vmem_shared>>, %arg9: memref<2x128xi32, #tpu.memory_space<vmem>>, %arg10: memref<3x128xi32, #tpu.memory_space<vmem>>, %arg11: memref<2x128x64xf32, #tpu.memory_space<vmem>>, %arg12: memref<2x!tpu.dma_semaphore, #tpu.memory_space<semaphore_mem>>, %arg13: memref<3x!tpu.dma_semaphore, #tpu.memory_space<semaphore_mem>>, %arg14: memref<2x!tpu.dma_semaphore, #tpu.memory_space<semaphore_mem>>, %arg15: memref<2x!tpu.dma_semaphore, #tpu.memory_space<semaphore_mem>>) attributes {dimension_semantics = [#tpu.dimension_semantics<core_parallel>, #tpu.dimension_semantics<subcore_parallel>], iteration_bounds = array<i64: 2, 16>, scalar_prefetch = 0 : i64, scratch_operands = 9 : i64, tpu.core_type = #tpu.core_type<sc_vector_subcore>, window_params = [{transform_indices = #map}, {transform_indices = #map}, {transform_indices = #map}, {transform_indices = #map1}, {transform_indices = #map}]} {
    %mul3A = arith.constant 632 : i32
    %mul3A_0 = arith.muli %arg1, %mul3A : i32
    %dma_start3A = arith.constant 0 : i32
    %dma_start3A_1 = tpu.memref_slice %arg14[%dma_start3A] : memref<2x!tpu.dma_semaphore, #tpu.memory_space<semaphore_mem>> -> memref<1x!tpu.dma_semaphore, #tpu.memory_space<semaphore_mem>>
    %dma_start3A_2 = tpu.memref_squeeze %dma_start3A_1 : memref<1x!tpu.dma_semaphore, #tpu.memory_space<semaphore_mem>> -> memref<!tpu.dma_semaphore, #tpu.memory_space<semaphore_mem>>
    %dma_start3A_3 = arith.constant 0 : i32
    %dma_start3A_4 = tpu.memref_slice %arg8[%mul3A_0, %dma_start3A_3] : memref<10112x64xf32, #tpu.memory_space<vmem_shared>> -> memref<632x64xf32, #tpu.memory_space<vmem_shared>>
    tpu.enqueue_dma source(%arg5 : memref<632x64xf32, #tpu.memory_space<hbm>>) target(%dma_start3A_4 : memref<632x64xf32, #tpu.memory_space<vmem_shared>>) target_semaphore(%dma_start3A_2 : memref<!tpu.dma_semaphore, #tpu.memory_space<semaphore_mem>>)
    %mul3A_5 = arith.constant 624 : i32
    %mul3A_6 = arith.muli %arg1, %mul3A_5 : i32
    %mul3A_7 = arith.constant 624 : i32
    %mul3A_8 = arith.muli %arg1, %mul3A_7 : i32
    %dma_start3A_9 = arith.constant 1 : i32
    %dma_start3A_10 = tpu.memref_slice %arg14[%dma_start3A_9] : memref<2x!tpu.dma_semaphore, #tpu.memory_space<semaphore_mem>> -> memref<1x!tpu.dma_semaphore, #tpu.memory_space<semaphore_mem>>
    %dma_start3A_11 = tpu.memref_squeeze %dma_start3A_10 : memref<1x!tpu.dma_semaphore, #tpu.memory_space<semaphore_mem>> -> memref<!tpu.dma_semaphore, #tpu.memory_space<semaphore_mem>>
    %dma_start3A_12 = arith.constant 0 : i32
    %dma_start3A_13 = tpu.memref_slice %arg7[%mul3A_8, %dma_start3A_12] : memref<10000x64xf32, #tpu.memory_space<vmem_shared>> -> memref<624x64xf32, #tpu.memory_space<vmem_shared>>
    %dma_start3A_14 = arith.constant 0 : i32
    %dma_start3A_15 = tpu.memref_slice %arg2[%arg0, %mul3A_6, %dma_start3A_14] : memref<2x10000x64xf32, #tpu.memory_space<hbm>> -> memref<1x624x64xf32, #tpu.memory_space<hbm>>
    %dma_start3A_16 = tpu.memref_squeeze %dma_start3A_15 : memref<1x624x64xf32, #tpu.memory_space<hbm>> -> memref<624x64xf32, #tpu.memory_space<hbm>>
    tpu.enqueue_dma source(%dma_start3A_16 : memref<624x64xf32, #tpu.memory_space<hbm>>) target(%dma_start3A_13 : memref<624x64xf32, #tpu.memory_space<vmem_shared>>) target_semaphore(%dma_start3A_11 : memref<!tpu.dma_semaphore, #tpu.memory_space<semaphore_mem>>)
    %eq3A = arith.constant 15 : i32
    %eq3A_17 = arith.cmpi eq, %arg1, %eq3A : i32
    %convert_element_type3A = arith.extui %eq3A_17 : i1 to i32
    %cond3A = arith.constant 0 : i32
    %cond3A_18 = arith.cmpi ne, %convert_element_type3A, %cond3A : i32
    scf.if %cond3A_18 {
      "tpu.region"() ({
        %run_scoped3A = tpu.sem_alloc : memref<!tpu.dma_semaphore, #tpu.memory_space<semaphore_mem>>
        %dma_start3A_182 = arith.constant 9984 : i32
        %dma_start3A_183 = arith.constant 0 : i32
        %dma_start3A_184 = tpu.memref_slice %arg7[%dma_start3A_182, %dma_start3A_183] : memref<10000x64xf32, #tpu.memory_space<vmem_shared>> -> memref<16x64xf32, #tpu.memory_space<vmem_shared>>
        %dma_start3A_185 = arith.constant 9984 : i32
        %dma_start3A_186 = arith.constant 0 : i32
        %dma_start3A_187 = tpu.memref_slice %arg2[%arg0, %dma_start3A_185, %dma_start3A_186] : memref<2x10000x64xf32, #tpu.memory_space<hbm>> -> memref<1x16x64xf32, #tpu.memory_space<hbm>>
        %dma_start3A_188 = tpu.memref_squeeze %dma_start3A_187 : memref<1x16x64xf32, #tpu.memory_space<hbm>> -> memref<16x64xf32, #tpu.memory_space<hbm>>
        tpu.enqueue_dma source(%dma_start3A_188 : memref<16x64xf32, #tpu.memory_space<hbm>>) target(%dma_start3A_184 : memref<16x64xf32, #tpu.memory_space<vmem_shared>>) target_semaphore(%run_scoped3A : memref<!tpu.dma_semaphore, #tpu.memory_space<semaphore_mem>>)
        %dma_wait3A_189 = arith.constant 9984 : i32
        %dma_wait3A_190 = arith.constant 0 : i32
        %dma_wait3A_191 = tpu.memref_slice %arg7[%dma_wait3A_189, %dma_wait3A_190] : memref<10000x64xf32, #tpu.memory_space<vmem_shared>> -> memref<16x64xf32, #tpu.memory_space<vmem_shared>>
        %dma_wait3A_192 = arith.constant 9984 : i32
        %dma_wait3A_193 = arith.constant 0 : i32
        %dma_wait3A_194 = tpu.memref_slice %arg2[%arg0, %dma_wait3A_192, %dma_wait3A_193] : memref<2x10000x64xf32, #tpu.memory_space<hbm>> -> memref<1x16x64xf32, #tpu.memory_space<hbm>>
        %dma_wait3A_195 = tpu.memref_squeeze %dma_wait3A_194 : memref<1x16x64xf32, #tpu.memory_space<hbm>> -> memref<16x64xf32, #tpu.memory_space<hbm>>
        tpu.wait_dma2 semaphore(%run_scoped3A : memref<!tpu.dma_semaphore, #tpu.memory_space<semaphore_mem>>) src(%dma_wait3A_195 : memref<16x64xf32, #tpu.memory_space<hbm>>) dst(%dma_wait3A_191 : memref<16x64xf32, #tpu.memory_space<vmem_shared>>)
        tpu.yield
      }) : () -> ()
    } else {
    }
    %mul3A_19 = arith.constant 632 : i32
    %mul3A_20 = arith.muli %arg1, %mul3A_19 : i32
    %dma_wait3A = arith.constant 0 : i32
    %dma_wait3A_21 = tpu.memref_slice %arg14[%dma_wait3A] : memref<2x!tpu.dma_semaphore, #tpu.memory_space<semaphore_mem>> -> memref<1x!tpu.dma_semaphore, #tpu.memory_space<semaphore_mem>>
    %dma_wait3A_22 = tpu.memref_squeeze %dma_wait3A_21 : memref<1x!tpu.dma_semaphore, #tpu.memory_space<semaphore_mem>> -> memref<!tpu.dma_semaphore, #tpu.memory_space<semaphore_mem>>
    %dma_wait3A_23 = arith.constant 0 : i32
    %dma_wait3A_24 = tpu.memref_slice %arg8[%mul3A_20, %dma_wait3A_23] : memref<10112x64xf32, #tpu.memory_space<vmem_shared>> -> memref<632x64xf32, #tpu.memory_space<vmem_shared>>
    tpu.wait_dma2 semaphore(%dma_wait3A_22 : memref<!tpu.dma_semaphore, #tpu.memory_space<semaphore_mem>>) src(%arg5 : memref<632x64xf32, #tpu.memory_space<hbm>>) dst(%dma_wait3A_24 : memref<632x64xf32, #tpu.memory_space<vmem_shared>>)
    %mul3A_25 = arith.constant 624 : i32
    %mul3A_26 = arith.muli %arg1, %mul3A_25 : i32
    %mul3A_27 = arith.constant 624 : i32
    %mul3A_28 = arith.muli %arg1, %mul3A_27 : i32
    %dma_wait3A_29 = arith.constant 1 : i32
    %dma_wait3A_30 = tpu.memref_slice %arg14[%dma_wait3A_29] : memref<2x!tpu.dma_semaphore, #tpu.memory_space<semaphore_mem>> -> memref<1x!tpu.dma_semaphore, #tpu.memory_space<semaphore_mem>>
    %dma_wait3A_31 = tpu.memref_squeeze %dma_wait3A_30 : memref<1x!tpu.dma_semaphore, #tpu.memory_space<semaphore_mem>> -> memref<!tpu.dma_semaphore, #tpu.memory_space<semaphore_mem>>
    %dma_wait3A_32 = arith.constant 0 : i32
    %dma_wait3A_33 = tpu.memref_slice %arg7[%mul3A_28, %dma_wait3A_32] : memref<10000x64xf32, #tpu.memory_space<vmem_shared>> -> memref<624x64xf32, #tpu.memory_space<vmem_shared>>
    %dma_wait3A_34 = arith.constant 0 : i32
    %dma_wait3A_35 = tpu.memref_slice %arg2[%arg0, %mul3A_26, %dma_wait3A_34] : memref<2x10000x64xf32, #tpu.memory_space<hbm>> -> memref<1x624x64xf32, #tpu.memory_space<hbm>>
    %dma_wait3A_36 = tpu.memref_squeeze %dma_wait3A_35 : memref<1x624x64xf32, #tpu.memory_space<hbm>> -> memref<624x64xf32, #tpu.memory_space<hbm>>
    tpu.wait_dma2 semaphore(%dma_wait3A_31 : memref<!tpu.dma_semaphore, #tpu.memory_space<semaphore_mem>>) src(%dma_wait3A_36 : memref<624x64xf32, #tpu.memory_space<hbm>>) dst(%dma_wait3A_33 : memref<624x64xf32, #tpu.memory_space<vmem_shared>>)
    %barrier3A = arith.constant 0 : index
    tpu.barrier barrier_id(%barrier3A)
    %dma_start3A_37 = arith.constant 0 : i32
    %dma_start3A_38 = arith.constant 0 : i32
    %dma_start3A_39 = arith.constant 0 : i32
    %dma_start3A_40 = arith.constant 0 : i32
    %dma_start3A_41 = tpu.memref_slice %arg9[%dma_start3A_38, %dma_start3A_40] : memref<2x128xi32, #tpu.memory_space<vmem>> -> memref<1x128xi32, #tpu.memory_space<vmem>>
    %dma_start3A_42 = tpu.memref_squeeze %dma_start3A_41 : memref<1x128xi32, #tpu.memory_space<vmem>> -> memref<128xi32, #tpu.memory_space<vmem>>
    %dma_start3A_43 = arith.constant 0 : i32
    %dma_start3A_44 = tpu.memref_slice %arg3[%arg1, %dma_start3A_37, %dma_start3A_43] : memref<16x157x128xi32, #tpu.memory_space<hbm>> -> memref<1x1x128xi32, #tpu.memory_space<hbm>>
    %dma_start3A_45 = tpu.memref_squeeze %dma_start3A_44 : memref<1x1x128xi32, #tpu.memory_space<hbm>> -> memref<128xi32, #tpu.memory_space<hbm>>
    %dma_start3A_46 = tpu.memref_slice %arg12[%dma_start3A_39] : memref<2x!tpu.dma_semaphore, #tpu.memory_space<semaphore_mem>> -> memref<1x!tpu.dma_semaphore, #tpu.memory_space<semaphore_mem>>
    %dma_start3A_47 = tpu.memref_squeeze %dma_start3A_46 : memref<1x!tpu.dma_semaphore, #tpu.memory_space<semaphore_mem>> -> memref<!tpu.dma_semaphore, #tpu.memory_space<semaphore_mem>>
    %dma_start3A_48 = arith.constant 0 : i32
    %dma_start3A_49 = tpu.memref_slice %arg9[%dma_start3A_38, %dma_start3A_48] : memref<2x128xi32, #tpu.memory_space<vmem>> -> memref<1x128xi32, #tpu.memory_space<vmem>>
    %dma_start3A_50 = tpu.memref_squeeze %dma_start3A_49 : memref<1x128xi32, #tpu.memory_space<vmem>> -> memref<128xi32, #tpu.memory_space<vmem>>
    %dma_start3A_51 = arith.constant 0 : i32
    %dma_start3A_52 = tpu.memref_slice %arg3[%arg1, %dma_start3A_37, %dma_start3A_51] : memref<16x157x128xi32, #tpu.memory_space<hbm>> -> memref<1x1x128xi32, #tpu.memory_space<hbm>>
    %dma_start3A_53 = tpu.memref_squeeze %dma_start3A_52 : memref<1x1x128xi32, #tpu.memory_space<hbm>> -> memref<128xi32, #tpu.memory_space<hbm>>
    tpu.enqueue_dma source(%dma_start3A_53 : memref<128xi32, #tpu.memory_space<hbm>>) target(%dma_start3A_50 : memref<128xi32, #tpu.memory_space<vmem>>) target_semaphore(%dma_start3A_47 : memref<!tpu.dma_semaphore, #tpu.memory_space<semaphore_mem>>)
    %dma_start3A_54 = arith.constant 0 : i32
    %dma_start3A_55 = arith.constant 0 : i32
    %dma_start3A_56 = arith.constant 0 : i32
    %dma_start3A_57 = arith.constant 0 : i32
    %dma_start3A_58 = tpu.memref_slice %arg10[%dma_start3A_55, %dma_start3A_57] : memref<3x128xi32, #tpu.memory_space<vmem>> -> memref<1x128xi32, #tpu.memory_space<vmem>>
    %dma_start3A_59 = tpu.memref_squeeze %dma_start3A_58 : memref<1x128xi32, #tpu.memory_space<vmem>> -> memref<128xi32, #tpu.memory_space<vmem>>
    %dma_start3A_60 = arith.constant 0 : i32
    %dma_start3A_61 = tpu.memref_slice %arg4[%arg1, %dma_start3A_54, %dma_start3A_60] : memref<16x157x128xi32, #tpu.memory_space<hbm>> -> memref<1x1x128xi32, #tpu.memory_space<hbm>>
    %dma_start3A_62 = tpu.memref_squeeze %dma_start3A_61 : memref<1x1x128xi32, #tpu.memory_space<hbm>> -> memref<128xi32, #tpu.memory_space<hbm>>
    %dma_start3A_63 = tpu.memref_slice %arg13[%dma_start3A_56] : memref<3x!tpu.dma_semaphore, #tpu.memory_space<semaphore_mem>> -> memref<1x!tpu.dma_semaphore, #tpu.memory_space<semaphore_mem>>
    %dma_start3A_64 = tpu.memref_squeeze %dma_start3A_63 : memref<1x!tpu.dma_semaphore, #tpu.memory_space<semaphore_mem>> -> memref<!tpu.dma_semaphore, #tpu.memory_space<semaphore_mem>>
    %dma_start3A_65 = arith.constant 0 : i32
    %dma_start3A_66 = tpu.memref_slice %arg10[%dma_start3A_55, %dma_start3A_65] : memref<3x128xi32, #tpu.memory_space<vmem>> -> memref<1x128xi32, #tpu.memory_space<vmem>>
    %dma_start3A_67 = tpu.memref_squeeze %dma_start3A_66 : memref<1x128xi32, #tpu.memory_space<vmem>> -> memref<128xi32, #tpu.memory_space<vmem>>
    %dma_start3A_68 = arith.constant 0 : i32
    %dma_start3A_69 = tpu.memref_slice %arg4[%arg1, %dma_start3A_54, %dma_start3A_68] : memref<16x157x128xi32, #tpu.memory_space<hbm>> -> memref<1x1x128xi32, #tpu.memory_space<hbm>>
    %dma_start3A_70 = tpu.memref_squeeze %dma_start3A_69 : memref<1x1x128xi32, #tpu.memory_space<hbm>> -> memref<128xi32, #tpu.memory_space<hbm>>
    tpu.enqueue_dma source(%dma_start3A_70 : memref<128xi32, #tpu.memory_space<hbm>>) target(%dma_start3A_67 : memref<128xi32, #tpu.memory_space<vmem>>) target_semaphore(%dma_start3A_64 : memref<!tpu.dma_semaphore, #tpu.memory_space<semaphore_mem>>)
    %dma_start3A_71 = arith.constant 1 : i32
    %dma_start3A_72 = arith.constant 1 : i32
    %dma_start3A_73 = arith.constant 1 : i32
    %dma_start3A_74 = arith.constant 0 : i32
    %dma_start3A_75 = tpu.memref_slice %arg9[%dma_start3A_72, %dma_start3A_74] : memref<2x128xi32, #tpu.memory_space<vmem>> -> memref<1x128xi32, #tpu.memory_space<vmem>>
    %dma_start3A_76 = tpu.memref_squeeze %dma_start3A_75 : memref<1x128xi32, #tpu.memory_space<vmem>> -> memref<128xi32, #tpu.memory_space<vmem>>
    %dma_start3A_77 = arith.constant 0 : i32
    %dma_start3A_78 = tpu.memref_slice %arg3[%arg1, %dma_start3A_71, %dma_start3A_77] : memref<16x157x128xi32, #tpu.memory_space<hbm>> -> memref<1x1x128xi32, #tpu.memory_space<hbm>>
    %dma_start3A_79 = tpu.memref_squeeze %dma_start3A_78 : memref<1x1x128xi32, #tpu.memory_space<hbm>> -> memref<128xi32, #tpu.memory_space<hbm>>
    %dma_start3A_80 = tpu.memref_slice %arg12[%dma_start3A_73] : memref<2x!tpu.dma_semaphore, #tpu.memory_space<semaphore_mem>> -> memref<1x!tpu.dma_semaphore, #tpu.memory_space<semaphore_mem>>
    %dma_start3A_81 = tpu.memref_squeeze %dma_start3A_80 : memref<1x!tpu.dma_semaphore, #tpu.memory_space<semaphore_mem>> -> memref<!tpu.dma_semaphore, #tpu.memory_space<semaphore_mem>>
    %dma_start3A_82 = arith.constant 0 : i32
    %dma_start3A_83 = tpu.memref_slice %arg9[%dma_start3A_72, %dma_start3A_82] : memref<2x128xi32, #tpu.memory_space<vmem>> -> memref<1x128xi32, #tpu.memory_space<vmem>>
    %dma_start3A_84 = tpu.memref_squeeze %dma_start3A_83 : memref<1x128xi32, #tpu.memory_space<vmem>> -> memref<128xi32, #tpu.memory_space<vmem>>
    %dma_start3A_85 = arith.constant 0 : i32
    %dma_start3A_86 = tpu.memref_slice %arg3[%arg1, %dma_start3A_71, %dma_start3A_85] : memref<16x157x128xi32, #tpu.memory_space<hbm>> -> memref<1x1x128xi32, #tpu.memory_space<hbm>>
    %dma_start3A_87 = tpu.memref_squeeze %dma_start3A_86 : memref<1x1x128xi32, #tpu.memory_space<hbm>> -> memref<128xi32, #tpu.memory_space<hbm>>
    tpu.enqueue_dma source(%dma_start3A_87 : memref<128xi32, #tpu.memory_space<hbm>>) target(%dma_start3A_84 : memref<128xi32, #tpu.memory_space<vmem>>) target_semaphore(%dma_start3A_81 : memref<!tpu.dma_semaphore, #tpu.memory_space<semaphore_mem>>)
    %dma_start3A_88 = arith.constant 1 : i32
    %dma_start3A_89 = arith.constant 1 : i32
    %dma_start3A_90 = arith.constant 1 : i32
    %dma_start3A_91 = arith.constant 0 : i32
    %dma_start3A_92 = tpu.memref_slice %arg10[%dma_start3A_89, %dma_start3A_91] : memref<3x128xi32, #tpu.memory_space<vmem>> -> memref<1x128xi32, #tpu.memory_space<vmem>>
    %dma_start3A_93 = tpu.memref_squeeze %dma_start3A_92 : memref<1x128xi32, #tpu.memory_space<vmem>> -> memref<128xi32, #tpu.memory_space<vmem>>
    %dma_start3A_94 = arith.constant 0 : i32
    %dma_start3A_95 = tpu.memref_slice %arg4[%arg1, %dma_start3A_88, %dma_start3A_94] : memref<16x157x128xi32, #tpu.memory_space<hbm>> -> memref<1x1x128xi32, #tpu.memory_space<hbm>>
    %dma_start3A_96 = tpu.memref_squeeze %dma_start3A_95 : memref<1x1x128xi32, #tpu.memory_space<hbm>> -> memref<128xi32, #tpu.memory_space<hbm>>
    %dma_start3A_97 = tpu.memref_slice %arg13[%dma_start3A_90] : memref<3x!tpu.dma_semaphore, #tpu.memory_space<semaphore_mem>> -> memref<1x!tpu.dma_semaphore, #tpu.memory_space<semaphore_mem>>
    %dma_start3A_98 = tpu.memref_squeeze %dma_start3A_97 : memref<1x!tpu.dma_semaphore, #tpu.memory_space<semaphore_mem>> -> memref<!tpu.dma_semaphore, #tpu.memory_space<semaphore_mem>>
    %dma_start3A_99 = arith.constant 0 : i32
    %dma_start3A_100 = tpu.memref_slice %arg10[%dma_start3A_89, %dma_start3A_99] : memref<3x128xi32, #tpu.memory_space<vmem>> -> memref<1x128xi32, #tpu.memory_space<vmem>>
    %dma_start3A_101 = tpu.memref_squeeze %dma_start3A_100 : memref<1x128xi32, #tpu.memory_space<vmem>> -> memref<128xi32, #tpu.memory_space<vmem>>
    %dma_start3A_102 = arith.constant 0 : i32
    %dma_start3A_103 = tpu.memref_slice %arg4[%arg1, %dma_start3A_88, %dma_start3A_102] : memref<16x157x128xi32, #tpu.memory_space<hbm>> -> memref<1x1x128xi32, #tpu.memory_space<hbm>>
    %dma_start3A_104 = tpu.memref_squeeze %dma_start3A_103 : memref<1x1x128xi32, #tpu.memory_space<hbm>> -> memref<128xi32, #tpu.memory_space<hbm>>
    tpu.enqueue_dma source(%dma_start3A_104 : memref<128xi32, #tpu.memory_space<hbm>>) target(%dma_start3A_101 : memref<128xi32, #tpu.memory_space<vmem>>) target_semaphore(%dma_start3A_98 : memref<!tpu.dma_semaphore, #tpu.memory_space<semaphore_mem>>)
    %dma_wait3A_105 = arith.constant 0 : i32
    %dma_wait3A_106 = arith.constant 0 : i32
    %dma_wait3A_107 = arith.constant 0 : i32
    %dma_wait3A_108 = arith.constant 0 : i32
    %dma_wait3A_109 = tpu.memref_slice %arg9[%dma_wait3A_106, %dma_wait3A_108] : memref<2x128xi32, #tpu.memory_space<vmem>> -> memref<1x128xi32, #tpu.memory_space<vmem>>
    %dma_wait3A_110 = tpu.memref_squeeze %dma_wait3A_109 : memref<1x128xi32, #tpu.memory_space<vmem>> -> memref<128xi32, #tpu.memory_space<vmem>>
    %dma_wait3A_111 = arith.constant 0 : i32
    %dma_wait3A_112 = tpu.memref_slice %arg3[%arg1, %dma_wait3A_105, %dma_wait3A_111] : memref<16x157x128xi32, #tpu.memory_space<hbm>> -> memref<1x1x128xi32, #tpu.memory_space<hbm>>
    %dma_wait3A_113 = tpu.memref_squeeze %dma_wait3A_112 : memref<1x1x128xi32, #tpu.memory_space<hbm>> -> memref<128xi32, #tpu.memory_space<hbm>>
    %dma_wait3A_114 = tpu.memref_slice %arg12[%dma_wait3A_107] : memref<2x!tpu.dma_semaphore, #tpu.memory_space<semaphore_mem>> -> memref<1x!tpu.dma_semaphore, #tpu.memory_space<semaphore_mem>>
    %dma_wait3A_115 = tpu.memref_squeeze %dma_wait3A_114 : memref<1x!tpu.dma_semaphore, #tpu.memory_space<semaphore_mem>> -> memref<!tpu.dma_semaphore, #tpu.memory_space<semaphore_mem>>
    %dma_wait3A_116 = arith.constant 0 : i32
    %dma_wait3A_117 = tpu.memref_slice %arg9[%dma_wait3A_106, %dma_wait3A_116] : memref<2x128xi32, #tpu.memory_space<vmem>> -> memref<1x128xi32, #tpu.memory_space<vmem>>
    %dma_wait3A_118 = tpu.memref_squeeze %dma_wait3A_117 : memref<1x128xi32, #tpu.memory_space<vmem>> -> memref<128xi32, #tpu.memory_space<vmem>>
    %dma_wait3A_119 = arith.constant 0 : i32
    %dma_wait3A_120 = tpu.memref_slice %arg3[%arg1, %dma_wait3A_105, %dma_wait3A_119] : memref<16x157x128xi32, #tpu.memory_space<hbm>> -> memref<1x1x128xi32, #tpu.memory_space<hbm>>
    %dma_wait3A_121 = tpu.memref_squeeze %dma_wait3A_120 : memref<1x1x128xi32, #tpu.memory_space<hbm>> -> memref<128xi32, #tpu.memory_space<hbm>>
    tpu.wait_dma2 semaphore(%dma_wait3A_115 : memref<!tpu.dma_semaphore, #tpu.memory_space<semaphore_mem>>) src(%dma_wait3A_121 : memref<128xi32, #tpu.memory_space<hbm>>) dst(%dma_wait3A_118 : memref<128xi32, #tpu.memory_space<vmem>>)
    %dma_start3A_122 = arith.constant 0 : i32
    %dma_start3A_123 = arith.constant 0 : i32
    %dma_start3A_124 = arith.constant 0 : i32
    %dma_start3A_125 = arith.constant 0 : i32
    %dma_start3A_126 = arith.constant 0 : i32
    %dma_start3A_127 = tpu.memref_slice %arg11[%dma_start3A_123, %dma_start3A_125, %dma_start3A_126] : memref<2x128x64xf32, #tpu.memory_space<vmem>> -> memref<1x128x64xf32, #tpu.memory_space<vmem>>
    %dma_start3A_128 = tpu.memref_squeeze %dma_start3A_127 : memref<1x128x64xf32, #tpu.memory_space<vmem>> -> memref<128x64xf32, #tpu.memory_space<vmem>>
    %dma_start3A_129 = arith.constant 0 : i32
    %dma_start3A_130 = tpu.memref_slice %arg9[%dma_start3A_122, %dma_start3A_129] : memref<2x128xi32, #tpu.memory_space<vmem>> -> memref<1x128xi32, #tpu.memory_space<vmem>>
    %dma_start3A_131 = tpu.memref_squeeze %dma_start3A_130 : memref<1x128xi32, #tpu.memory_space<vmem>> -> memref<128xi32, #tpu.memory_space<vmem>>
    %dma_start3A_132 = arith.constant 0 : i32
    %dma_start3A_133 = arith.constant 0 : i32
    %dma_start3A_134 = tpu.memref_slice %arg7[%dma_start3A_132, %dma_start3A_133] : memref<10000x64xf32, #tpu.memory_space<vmem_shared>> -> memref<10000x64xf32, #tpu.memory_space<vmem_shared>>
    %dma_start3A_135 = tpu.memref_slice %arg14[%dma_start3A_124] : memref<2x!tpu.dma_semaphore, #tpu.memory_space<semaphore_mem>> -> memref<1x!tpu.dma_semaphore, #tpu.memory_space<semaphore_mem>>
    %dma_start3A_136 = tpu.memref_squeeze %dma_start3A_135 : memref<1x!tpu.dma_semaphore, #tpu.memory_space<semaphore_mem>> -> memref<!tpu.dma_semaphore, #tpu.memory_space<semaphore_mem>>
    tpu.enqueue_indirect_dma source(%dma_start3A_134 : memref<10000x64xf32, #tpu.memory_space<vmem_shared>>) target(%dma_start3A_128 : memref<128x64xf32, #tpu.memory_space<vmem>>) offsets(%dma_start3A_131 : memref<128xi32, #tpu.memory_space<vmem>>) semaphore(%dma_start3A_136 : memref<!tpu.dma_semaphore, #tpu.memory_space<semaphore_mem>>)
    %scan3A = arith.constant 0 : i32
    %scan3A_137 = arith.constant 0 : i32
    %scan3A_138 = arith.constant 157 : i32
    %scan3A_139 = arith.addi %scan3A_137, %scan3A_138 : i32
    %scan3A_140 = arith.constant 1 : i32
    scf.for %scan3A_182 = %scan3A_137 to %scan3A_139 step %scan3A_140  : i32 {
      %rem3A = arith.constant 2 : i32
      %rem3A_183 = arith.remsi %scan3A_182, %rem3A : i32
      %add3A = arith.constant 1 : i32
      %add3A_184 = arith.addi %scan3A_182, %add3A : i32
      %rem3A_185 = arith.constant 2 : i32
      %rem3A_186 = arith.remsi %add3A_184, %rem3A_185 : i32
      %rem3A_187 = arith.constant 3 : i32
      %rem3A_188 = arith.remsi %scan3A_182, %rem3A_187 : i32
      %add3A_189 = arith.constant 1 : i32
      %add3A_190 = arith.addi %scan3A_182, %add3A_189 : i32
      %lt3A = arith.constant 157 : i32
      %lt3A_191 = arith.cmpi slt, %add3A_190, %lt3A : i32
      %convert_element_type3A_192 = arith.extui %lt3A_191 : i1 to i32
      %cond3A_193 = arith.constant 0 : i32
      %cond3A_194 = arith.cmpi ne, %convert_element_type3A_192, %cond3A_193 : i32
      scf.if %cond3A_194 {
        %add3A_240 = arith.constant 1 : i32
        %add3A_241 = arith.addi %scan3A_182, %add3A_240 : i32
        %dma_wait3A_242 = arith.constant 0 : i32
        %dma_wait3A_243 = tpu.memref_slice %arg9[%rem3A_186, %dma_wait3A_242] : memref<2x128xi32, #tpu.memory_space<vmem>> -> memref<1x128xi32, #tpu.memory_space<vmem>>
        %dma_wait3A_244 = tpu.memref_squeeze %dma_wait3A_243 : memref<1x128xi32, #tpu.memory_space<vmem>> -> memref<128xi32, #tpu.memory_space<vmem>>
        %dma_wait3A_245 = arith.constant 0 : i32
        %dma_wait3A_246 = tpu.memref_slice %arg3[%arg1, %add3A_241, %dma_wait3A_245] : memref<16x157x128xi32, #tpu.memory_space<hbm>> -> memref<1x1x128xi32, #tpu.memory_space<hbm>>
        %dma_wait3A_247 = tpu.memref_squeeze %dma_wait3A_246 : memref<1x1x128xi32, #tpu.memory_space<hbm>> -> memref<128xi32, #tpu.memory_space<hbm>>
        %dma_wait3A_248 = tpu.memref_slice %arg12[%rem3A_186] : memref<2x!tpu.dma_semaphore, #tpu.memory_space<semaphore_mem>> -> memref<1x!tpu.dma_semaphore, #tpu.memory_space<semaphore_mem>>
        %dma_wait3A_249 = tpu.memref_squeeze %dma_wait3A_248 : memref<1x!tpu.dma_semaphore, #tpu.memory_space<semaphore_mem>> -> memref<!tpu.dma_semaphore, #tpu.memory_space<semaphore_mem>>
        %dma_wait3A_250 = arith.constant 0 : i32
        %dma_wait3A_251 = tpu.memref_slice %arg9[%rem3A_186, %dma_wait3A_250] : memref<2x128xi32, #tpu.memory_space<vmem>> -> memref<1x128xi32, #tpu.memory_space<vmem>>
        %dma_wait3A_252 = tpu.memref_squeeze %dma_wait3A_251 : memref<1x128xi32, #tpu.memory_space<vmem>> -> memref<128xi32, #tpu.memory_space<vmem>>
        %dma_wait3A_253 = arith.constant 0 : i32
        %dma_wait3A_254 = tpu.memref_slice %arg3[%arg1, %add3A_241, %dma_wait3A_253] : memref<16x157x128xi32, #tpu.memory_space<hbm>> -> memref<1x1x128xi32, #tpu.memory_space<hbm>>
        %dma_wait3A_255 = tpu.memref_squeeze %dma_wait3A_254 : memref<1x1x128xi32, #tpu.memory_space<hbm>> -> memref<128xi32, #tpu.memory_space<hbm>>
        tpu.wait_dma2 semaphore(%dma_wait3A_249 : memref<!tpu.dma_semaphore, #tpu.memory_space<semaphore_mem>>) src(%dma_wait3A_255 : memref<128xi32, #tpu.memory_space<hbm>>) dst(%dma_wait3A_252 : memref<128xi32, #tpu.memory_space<vmem>>)
        %ge3A = arith.constant 1 : i32
        %ge3A_256 = arith.cmpi sge, %scan3A_182, %ge3A : i32
        %convert_element_type3A_257 = arith.extui %ge3A_256 : i1 to i32
        %cond3A_258 = arith.constant 0 : i32
        %cond3A_259 = arith.cmpi ne, %convert_element_type3A_257, %cond3A_258 : i32
        scf.if %cond3A_259 {
          %dma_wait3A_272 = arith.constant 0 : i32
          %dma_wait3A_273 = arith.constant 0 : i32
          %dma_wait3A_274 = arith.constant 0 : i32
          %dma_wait3A_275 = tpu.memref_slice %arg11[%rem3A_186, %dma_wait3A_273, %dma_wait3A_274] : memref<2x128x64xf32, #tpu.memory_space<vmem>> -> memref<1x128x64xf32, #tpu.memory_space<vmem>>
          %dma_wait3A_276 = tpu.memref_squeeze %dma_wait3A_275 : memref<1x128x64xf32, #tpu.memory_space<vmem>> -> memref<128x64xf32, #tpu.memory_space<vmem>>
          %dma_wait3A_277 = arith.constant 0 : i32
          %dma_wait3A_278 = tpu.memref_slice %arg10[%dma_wait3A_272, %dma_wait3A_277] : memref<3x128xi32, #tpu.memory_space<vmem>> -> memref<1x128xi32, #tpu.memory_space<vmem>>
          %dma_wait3A_279 = tpu.memref_squeeze %dma_wait3A_278 : memref<1x128xi32, #tpu.memory_space<vmem>> -> memref<128xi32, #tpu.memory_space<vmem>>
          %dma_wait3A_280 = arith.constant 0 : i32
          %dma_wait3A_281 = arith.constant 0 : i32
          %dma_wait3A_282 = tpu.memref_slice %arg8[%dma_wait3A_280, %dma_wait3A_281] : memref<10112x64xf32, #tpu.memory_space<vmem_shared>> -> memref<10112x64xf32, #tpu.memory_space<vmem_shared>>
          %dma_wait3A_283 = tpu.memref_slice %arg15[%rem3A_186] : memref<2x!tpu.dma_semaphore, #tpu.memory_space<semaphore_mem>> -> memref<1x!tpu.dma_semaphore, #tpu.memory_space<semaphore_mem>>
          %dma_wait3A_284 = tpu.memref_squeeze %dma_wait3A_283 : memref<1x!tpu.dma_semaphore, #tpu.memory_space<semaphore_mem>> -> memref<!tpu.dma_semaphore, #tpu.memory_space<semaphore_mem>>
          tpu.wait_indirect_dma semaphore(%dma_wait3A_284 : memref<!tpu.dma_semaphore, #tpu.memory_space<semaphore_mem>>) src(%dma_wait3A_276 : memref<128x64xf32, #tpu.memory_space<vmem>>) dst(%dma_wait3A_282 : memref<10112x64xf32, #tpu.memory_space<vmem_shared>>)
        } else {
        }
        %dma_start3A_260 = arith.constant 0 : i32
        %dma_start3A_261 = arith.constant 0 : i32
        %dma_start3A_262 = tpu.memref_slice %arg11[%rem3A_186, %dma_start3A_260, %dma_start3A_261] : memref<2x128x64xf32, #tpu.memory_space<vmem>> -> memref<1x128x64xf32, #tpu.memory_space<vmem>>
        %dma_start3A_263 = tpu.memref_squeeze %dma_start3A_262 : memref<1x128x64xf32, #tpu.memory_space<vmem>> -> memref<128x64xf32, #tpu.memory_space<vmem>>
        %dma_start3A_264 = arith.constant 0 : i32
        %dma_start3A_265 = tpu.memref_slice %arg9[%rem3A_186, %dma_start3A_264] : memref<2x128xi32, #tpu.memory_space<vmem>> -> memref<1x128xi32, #tpu.memory_space<vmem>>
        %dma_start3A_266 = tpu.memref_squeeze %dma_start3A_265 : memref<1x128xi32, #tpu.memory_space<vmem>> -> memref<128xi32, #tpu.memory_space<vmem>>
        %dma_start3A_267 = arith.constant 0 : i32
        %dma_start3A_268 = arith.constant 0 : i32
        %dma_start3A_269 = tpu.memref_slice %arg7[%dma_start3A_267, %dma_start3A_268] : memref<10000x64xf32, #tpu.memory_space<vmem_shared>> -> memref<10000x64xf32, #tpu.memory_space<vmem_shared>>
        %dma_start3A_270 = tpu.memref_slice %arg14[%rem3A_186] : memref<2x!tpu.dma_semaphore, #tpu.memory_space<semaphore_mem>> -> memref<1x!tpu.dma_semaphore, #tpu.memory_space<semaphore_mem>>
        %dma_start3A_271 = tpu.memref_squeeze %dma_start3A_270 : memref<1x!tpu.dma_semaphore, #tpu.memory_space<semaphore_mem>> -> memref<!tpu.dma_semaphore, #tpu.memory_space<semaphore_mem>>
        tpu.enqueue_indirect_dma source(%dma_start3A_269 : memref<10000x64xf32, #tpu.memory_space<vmem_shared>>) target(%dma_start3A_263 : memref<128x64xf32, #tpu.memory_space<vmem>>) offsets(%dma_start3A_266 : memref<128xi32, #tpu.memory_space<vmem>>) semaphore(%dma_start3A_271 : memref<!tpu.dma_semaphore, #tpu.memory_space<semaphore_mem>>)
      } else {
      }
      %dma_wait3A_195 = arith.constant 0 : i32
      %dma_wait3A_196 = arith.constant 0 : i32
      %dma_wait3A_197 = tpu.memref_slice %arg11[%rem3A_183, %dma_wait3A_195, %dma_wait3A_196] : memref<2x128x64xf32, #tpu.memory_space<vmem>> -> memref<1x128x64xf32, #tpu.memory_space<vmem>>
      %dma_wait3A_198 = tpu.memref_squeeze %dma_wait3A_197 : memref<1x128x64xf32, #tpu.memory_space<vmem>> -> memref<128x64xf32, #tpu.memory_space<vmem>>
      %dma_wait3A_199 = arith.constant 0 : i32
      %dma_wait3A_200 = tpu.memref_slice %arg9[%rem3A_183, %dma_wait3A_199] : memref<2x128xi32, #tpu.memory_space<vmem>> -> memref<1x128xi32, #tpu.memory_space<vmem>>
      %dma_wait3A_201 = tpu.memref_squeeze %dma_wait3A_200 : memref<1x128xi32, #tpu.memory_space<vmem>> -> memref<128xi32, #tpu.memory_space<vmem>>
      %dma_wait3A_202 = arith.constant 0 : i32
      %dma_wait3A_203 = arith.constant 0 : i32
      %dma_wait3A_204 = tpu.memref_slice %arg7[%dma_wait3A_202, %dma_wait3A_203] : memref<10000x64xf32, #tpu.memory_space<vmem_shared>> -> memref<10000x64xf32, #tpu.memory_space<vmem_shared>>
      %dma_wait3A_205 = tpu.memref_slice %arg14[%rem3A_183] : memref<2x!tpu.dma_semaphore, #tpu.memory_space<semaphore_mem>> -> memref<1x!tpu.dma_semaphore, #tpu.memory_space<semaphore_mem>>
      %dma_wait3A_206 = tpu.memref_squeeze %dma_wait3A_205 : memref<1x!tpu.dma_semaphore, #tpu.memory_space<semaphore_mem>> -> memref<!tpu.dma_semaphore, #tpu.memory_space<semaphore_mem>>
      tpu.wait_indirect_dma semaphore(%dma_wait3A_206 : memref<!tpu.dma_semaphore, #tpu.memory_space<semaphore_mem>>) src(%dma_wait3A_204 : memref<10000x64xf32, #tpu.memory_space<vmem_shared>>) dst(%dma_wait3A_198 : memref<128x64xf32, #tpu.memory_space<vmem>>)
      %dma_wait3A_207 = arith.constant 0 : i32
      %dma_wait3A_208 = tpu.memref_slice %arg10[%rem3A_188, %dma_wait3A_207] : memref<3x128xi32, #tpu.memory_space<vmem>> -> memref<1x128xi32, #tpu.memory_space<vmem>>
      %dma_wait3A_209 = tpu.memref_squeeze %dma_wait3A_208 : memref<1x128xi32, #tpu.memory_space<vmem>> -> memref<128xi32, #tpu.memory_space<vmem>>
      %dma_wait3A_210 = arith.constant 0 : i32
      %dma_wait3A_211 = tpu.memref_slice %arg4[%arg1, %scan3A_182, %dma_wait3A_210] : memref<16x157x128xi32, #tpu.memory_space<hbm>> -> memref<1x1x128xi32, #tpu.memory_space<hbm>>
      %dma_wait3A_212 = tpu.memref_squeeze %dma_wait3A_211 : memref<1x1x128xi32, #tpu.memory_space<hbm>> -> memref<128xi32, #tpu.memory_space<hbm>>
      %dma_wait3A_213 = tpu.memref_slice %arg13[%rem3A_188] : memref<3x!tpu.dma_semaphore, #tpu.memory_space<semaphore_mem>> -> memref<1x!tpu.dma_semaphore, #tpu.memory_space<semaphore_mem>>
      %dma_wait3A_214 = tpu.memref_squeeze %dma_wait3A_213 : memref<1x!tpu.dma_semaphore, #tpu.memory_space<semaphore_mem>> -> memref<!tpu.dma_semaphore, #tpu.memory_space<semaphore_mem>>
      %dma_wait3A_215 = arith.constant 0 : i32
      %dma_wait3A_216 = tpu.memref_slice %arg10[%rem3A_188, %dma_wait3A_215] : memref<3x128xi32, #tpu.memory_space<vmem>> -> memref<1x128xi32, #tpu.memory_space<vmem>>
      %dma_wait3A_217 = tpu.memref_squeeze %dma_wait3A_216 : memref<1x128xi32, #tpu.memory_space<vmem>> -> memref<128xi32, #tpu.memory_space<vmem>>
      %dma_wait3A_218 = arith.constant 0 : i32
      %dma_wait3A_219 = tpu.memref_slice %arg4[%arg1, %scan3A_182, %dma_wait3A_218] : memref<16x157x128xi32, #tpu.memory_space<hbm>> -> memref<1x1x128xi32, #tpu.memory_space<hbm>>
      %dma_wait3A_220 = tpu.memref_squeeze %dma_wait3A_219 : memref<1x1x128xi32, #tpu.memory_space<hbm>> -> memref<128xi32, #tpu.memory_space<hbm>>
      tpu.wait_dma2 semaphore(%dma_wait3A_214 : memref<!tpu.dma_semaphore, #tpu.memory_space<semaphore_mem>>) src(%dma_wait3A_220 : memref<128xi32, #tpu.memory_space<hbm>>) dst(%dma_wait3A_217 : memref<128xi32, #tpu.memory_space<vmem>>)
      %dma_start3A_221 = arith.constant 0 : i32
      %dma_start3A_222 = arith.constant 0 : i32
      %dma_start3A_223 = tpu.memref_slice %arg11[%rem3A_183, %dma_start3A_221, %dma_start3A_222] : memref<2x128x64xf32, #tpu.memory_space<vmem>> -> memref<1x128x64xf32, #tpu.memory_space<vmem>>
      %dma_start3A_224 = tpu.memref_squeeze %dma_start3A_223 : memref<1x128x64xf32, #tpu.memory_space<vmem>> -> memref<128x64xf32, #tpu.memory_space<vmem>>
      %dma_start3A_225 = arith.constant 0 : i32
      %dma_start3A_226 = tpu.memref_slice %arg10[%rem3A_188, %dma_start3A_225] : memref<3x128xi32, #tpu.memory_space<vmem>> -> memref<1x128xi32, #tpu.memory_space<vmem>>
      %dma_start3A_227 = tpu.memref_squeeze %dma_start3A_226 : memref<1x128xi32, #tpu.memory_space<vmem>> -> memref<128xi32, #tpu.memory_space<vmem>>
      %dma_start3A_228 = arith.constant 0 : i32
      %dma_start3A_229 = arith.constant 0 : i32
      %dma_start3A_230 = tpu.memref_slice %arg8[%dma_start3A_228, %dma_start3A_229] : memref<10112x64xf32, #tpu.memory_space<vmem_shared>> -> memref<10112x64xf32, #tpu.memory_space<vmem_shared>>
      %dma_start3A_231 = tpu.memref_slice %arg15[%rem3A_183] : memref<2x!tpu.dma_semaphore, #tpu.memory_space<semaphore_mem>> -> memref<1x!tpu.dma_semaphore, #tpu.memory_space<semaphore_mem>>
      %dma_start3A_232 = tpu.memref_squeeze %dma_start3A_231 : memref<1x!tpu.dma_semaphore, #tpu.memory_space<semaphore_mem>> -> memref<!tpu.dma_semaphore, #tpu.memory_space<semaphore_mem>>
      tpu.enqueue_indirect_dma source(%dma_start3A_224 : memref<128x64xf32, #tpu.memory_space<vmem>>) target(%dma_start3A_230 : memref<10112x64xf32, #tpu.memory_space<vmem_shared>>) offsets(%dma_start3A_227 : memref<128xi32, #tpu.memory_space<vmem>>) semaphore(%dma_start3A_232 : memref<!tpu.dma_semaphore, #tpu.memory_space<semaphore_mem>>) {add = true}
      %add3A_233 = arith.constant 2 : i32
      %add3A_234 = arith.addi %scan3A_182, %add3A_233 : i32
      %lt3A_235 = arith.constant 157 : i32
      %lt3A_236 = arith.cmpi slt, %add3A_234, %lt3A_235 : i32
      %convert_element_type3A_237 = arith.extui %lt3A_236 : i1 to i32
      %cond3A_238 = arith.constant 0 : i32
      %cond3A_239 = arith.cmpi ne, %convert_element_type3A_237, %cond3A_238 : i32
      scf.if %cond3A_239 {
        %add3A_240 = arith.constant 2 : i32
        %add3A_241 = arith.addi %scan3A_182, %add3A_240 : i32
        %add3A_242 = arith.constant 2 : i32
        %add3A_243 = arith.addi %scan3A_182, %add3A_242 : i32
        %rem3A_244 = arith.constant 2 : i32
        %rem3A_245 = arith.remsi %add3A_243, %rem3A_244 : i32
        %dma_start3A_246 = arith.constant 0 : i32
        %dma_start3A_247 = tpu.memref_slice %arg9[%rem3A_245, %dma_start3A_246] : memref<2x128xi32, #tpu.memory_space<vmem>> -> memref<1x128xi32, #tpu.memory_space<vmem>>
        %dma_start3A_248 = tpu.memref_squeeze %dma_start3A_247 : memref<1x128xi32, #tpu.memory_space<vmem>> -> memref<128xi32, #tpu.memory_space<vmem>>
        %dma_start3A_249 = arith.constant 0 : i32
        %dma_start3A_250 = tpu.memref_slice %arg3[%arg1, %add3A_241, %dma_start3A_249] : memref<16x157x128xi32, #tpu.memory_space<hbm>> -> memref<1x1x128xi32, #tpu.memory_space<hbm>>
        %dma_start3A_251 = tpu.memref_squeeze %dma_start3A_250 : memref<1x1x128xi32, #tpu.memory_space<hbm>> -> memref<128xi32, #tpu.memory_space<hbm>>
        %dma_start3A_252 = tpu.memref_slice %arg12[%rem3A_245] : memref<2x!tpu.dma_semaphore, #tpu.memory_space<semaphore_mem>> -> memref<1x!tpu.dma_semaphore, #tpu.memory_space<semaphore_mem>>
        %dma_start3A_253 = tpu.memref_squeeze %dma_start3A_252 : memref<1x!tpu.dma_semaphore, #tpu.memory_space<semaphore_mem>> -> memref<!tpu.dma_semaphore, #tpu.memory_space<semaphore_mem>>
        %dma_start3A_254 = arith.constant 0 : i32
        %dma_start3A_255 = tpu.memref_slice %arg9[%rem3A_245, %dma_start3A_254] : memref<2x128xi32, #tpu.memory_space<vmem>> -> memref<1x128xi32, #tpu.memory_space<vmem>>
        %dma_start3A_256 = tpu.memref_squeeze %dma_start3A_255 : memref<1x128xi32, #tpu.memory_space<vmem>> -> memref<128xi32, #tpu.memory_space<vmem>>
        %dma_start3A_257 = arith.constant 0 : i32
        %dma_start3A_258 = tpu.memref_slice %arg3[%arg1, %add3A_241, %dma_start3A_257] : memref<16x157x128xi32, #tpu.memory_space<hbm>> -> memref<1x1x128xi32, #tpu.memory_space<hbm>>
        %dma_start3A_259 = tpu.memref_squeeze %dma_start3A_258 : memref<1x1x128xi32, #tpu.memory_space<hbm>> -> memref<128xi32, #tpu.memory_space<hbm>>
        tpu.enqueue_dma source(%dma_start3A_259 : memref<128xi32, #tpu.memory_space<hbm>>) target(%dma_start3A_256 : memref<128xi32, #tpu.memory_space<vmem>>) target_semaphore(%dma_start3A_253 : memref<!tpu.dma_semaphore, #tpu.memory_space<semaphore_mem>>)
        %add3A_260 = arith.constant 2 : i32
        %add3A_261 = arith.addi %scan3A_182, %add3A_260 : i32
        %add3A_262 = arith.constant 2 : i32
        %add3A_263 = arith.addi %scan3A_182, %add3A_262 : i32
        %rem3A_264 = arith.constant 3 : i32
        %rem3A_265 = arith.remsi %add3A_263, %rem3A_264 : i32
        %dma_start3A_266 = arith.constant 0 : i32
        %dma_start3A_267 = tpu.memref_slice %arg10[%rem3A_265, %dma_start3A_266] : memref<3x128xi32, #tpu.memory_space<vmem>> -> memref<1x128xi32, #tpu.memory_space<vmem>>
        %dma_start3A_268 = tpu.memref_squeeze %dma_start3A_267 : memref<1x128xi32, #tpu.memory_space<vmem>> -> memref<128xi32, #tpu.memory_space<vmem>>
        %dma_start3A_269 = arith.constant 0 : i32
        %dma_start3A_270 = tpu.memref_slice %arg4[%arg1, %add3A_261, %dma_start3A_269] : memref<16x157x128xi32, #tpu.memory_space<hbm>> -> memref<1x1x128xi32, #tpu.memory_space<hbm>>
        %dma_start3A_271 = tpu.memref_squeeze %dma_start3A_270 : memref<1x1x128xi32, #tpu.memory_space<hbm>> -> memref<128xi32, #tpu.memory_space<hbm>>
        %dma_start3A_272 = tpu.memref_slice %arg13[%rem3A_265] : memref<3x!tpu.dma_semaphore, #tpu.memory_space<semaphore_mem>> -> memref<1x!tpu.dma_semaphore, #tpu.memory_space<semaphore_mem>>
        %dma_start3A_273 = tpu.memref_squeeze %dma_start3A_272 : memref<1x!tpu.dma_semaphore, #tpu.memory_space<semaphore_mem>> -> memref<!tpu.dma_semaphore, #tpu.memory_space<semaphore_mem>>
        %dma_start3A_274 = arith.constant 0 : i32
        %dma_start3A_275 = tpu.memref_slice %arg10[%rem3A_265, %dma_start3A_274] : memref<3x128xi32, #tpu.memory_space<vmem>> -> memref<1x128xi32, #tpu.memory_space<vmem>>
        %dma_start3A_276 = tpu.memref_squeeze %dma_start3A_275 : memref<1x128xi32, #tpu.memory_space<vmem>> -> memref<128xi32, #tpu.memory_space<vmem>>
        %dma_start3A_277 = arith.constant 0 : i32
        %dma_start3A_278 = tpu.memref_slice %arg4[%arg1, %add3A_261, %dma_start3A_277] : memref<16x157x128xi32, #tpu.memory_space<hbm>> -> memref<1x1x128xi32, #tpu.memory_space<hbm>>
        %dma_start3A_279 = tpu.memref_squeeze %dma_start3A_278 : memref<1x1x128xi32, #tpu.memory_space<hbm>> -> memref<128xi32, #tpu.memory_space<hbm>>
        tpu.enqueue_dma source(%dma_start3A_279 : memref<128xi32, #tpu.memory_space<hbm>>) target(%dma_start3A_276 : memref<128xi32, #tpu.memory_space<vmem>>) target_semaphore(%dma_start3A_273 : memref<!tpu.dma_semaphore, #tpu.memory_space<semaphore_mem>>)
      } else {
      }
    }
    %scan3A_141 = arith.constant 157 : i32
    %dma_wait3A_142 = arith.constant 0 : i32
    %dma_wait3A_143 = arith.constant 0 : i32
    %dma_wait3A_144 = arith.constant 0 : i32
    %dma_wait3A_145 = arith.constant 0 : i32
    %dma_wait3A_146 = arith.constant 0 : i32
    %dma_wait3A_147 = tpu.memref_slice %arg11[%dma_wait3A_142, %dma_wait3A_145, %dma_wait3A_146] : memref<2x128x64xf32, #tpu.memory_space<vmem>> -> memref<1x128x64xf32, #tpu.memory_space<vmem>>
    %dma_wait3A_148 = tpu.memref_squeeze %dma_wait3A_147 : memref<1x128x64xf32, #tpu.memory_space<vmem>> -> memref<128x64xf32, #tpu.memory_space<vmem>>
    %dma_wait3A_149 = arith.constant 0 : i32
    %dma_wait3A_150 = tpu.memref_slice %arg10[%dma_wait3A_143, %dma_wait3A_149] : memref<3x128xi32, #tpu.memory_space<vmem>> -> memref<1x128xi32, #tpu.memory_space<vmem>>
    %dma_wait3A_151 = tpu.memref_squeeze %dma_wait3A_150 : memref<1x128xi32, #tpu.memory_space<vmem>> -> memref<128xi32, #tpu.memory_space<vmem>>
    %dma_wait3A_152 = arith.constant 0 : i32
    %dma_wait3A_153 = arith.constant 0 : i32
    %dma_wait3A_154 = tpu.memref_slice %arg8[%dma_wait3A_152, %dma_wait3A_153] : memref<10112x64xf32, #tpu.memory_space<vmem_shared>> -> memref<10112x64xf32, #tpu.memory_space<vmem_shared>>
    %dma_wait3A_155 = tpu.memref_slice %arg15[%dma_wait3A_144] : memref<2x!tpu.dma_semaphore, #tpu.memory_space<semaphore_mem>> -> memref<1x!tpu.dma_semaphore, #tpu.memory_space<semaphore_mem>>
    %dma_wait3A_156 = tpu.memref_squeeze %dma_wait3A_155 : memref<1x!tpu.dma_semaphore, #tpu.memory_space<semaphore_mem>> -> memref<!tpu.dma_semaphore, #tpu.memory_space<semaphore_mem>>
    tpu.wait_indirect_dma semaphore(%dma_wait3A_156 : memref<!tpu.dma_semaphore, #tpu.memory_space<semaphore_mem>>) src(%dma_wait3A_148 : memref<128x64xf32, #tpu.memory_space<vmem>>) dst(%dma_wait3A_154 : memref<10112x64xf32, #tpu.memory_space<vmem_shared>>)
    %dma_wait3A_157 = arith.constant 1 : i32
    %dma_wait3A_158 = arith.constant 0 : i32
    %dma_wait3A_159 = arith.constant 1 : i32
    %dma_wait3A_160 = arith.constant 0 : i32
    %dma_wait3A_161 = arith.constant 0 : i32
    %dma_wait3A_162 = tpu.memref_slice %arg11[%dma_wait3A_157, %dma_wait3A_160, %dma_wait3A_161] : memref<2x128x64xf32, #tpu.memory_space<vmem>> -> memref<1x128x64xf32, #tpu.memory_space<vmem>>
    %dma_wait3A_163 = tpu.memref_squeeze %dma_wait3A_162 : memref<1x128x64xf32, #tpu.memory_space<vmem>> -> memref<128x64xf32, #tpu.memory_space<vmem>>
    %dma_wait3A_164 = arith.constant 0 : i32
    %dma_wait3A_165 = tpu.memref_slice %arg10[%dma_wait3A_158, %dma_wait3A_164] : memref<3x128xi32, #tpu.memory_space<vmem>> -> memref<1x128xi32, #tpu.memory_space<vmem>>
    %dma_wait3A_166 = tpu.memref_squeeze %dma_wait3A_165 : memref<1x128xi32, #tpu.memory_space<vmem>> -> memref<128xi32, #tpu.memory_space<vmem>>
    %dma_wait3A_167 = arith.constant 0 : i32
    %dma_wait3A_168 = arith.constant 0 : i32
    %dma_wait3A_169 = tpu.memref_slice %arg8[%dma_wait3A_167, %dma_wait3A_168] : memref<10112x64xf32, #tpu.memory_space<vmem_shared>> -> memref<10112x64xf32, #tpu.memory_space<vmem_shared>>
    %dma_wait3A_170 = tpu.memref_slice %arg15[%dma_wait3A_159] : memref<2x!tpu.dma_semaphore, #tpu.memory_space<semaphore_mem>> -> memref<1x!tpu.dma_semaphore, #tpu.memory_space<semaphore_mem>>
    %dma_wait3A_171 = tpu.memref_squeeze %dma_wait3A_170 : memref<1x!tpu.dma_semaphore, #tpu.memory_space<semaphore_mem>> -> memref<!tpu.dma_semaphore, #tpu.memory_space<semaphore_mem>>
    tpu.wait_indirect_dma semaphore(%dma_wait3A_171 : memref<!tpu.dma_semaphore, #tpu.memory_space<semaphore_mem>>) src(%dma_wait3A_163 : memref<128x64xf32, #tpu.memory_space<vmem>>) dst(%dma_wait3A_169 : memref<10112x64xf32, #tpu.memory_space<vmem_shared>>)
    %barrier3A_172 = arith.constant 0 : index
    tpu.barrier barrier_id(%barrier3A_172)
    %mul3A_173 = arith.constant 624 : i32
    %mul3A_174 = arith.muli %arg1, %mul3A_173 : i32
    %mul3A_175 = arith.constant 624 : i32
    %mul3A_176 = arith.muli %arg1, %mul3A_175 : i32
    "tpu.region"() ({
      %run_scoped3A = tpu.sem_alloc : memref<!tpu.dma_semaphore, #tpu.memory_space<semaphore_mem>>
      %dma_start3A_182 = arith.constant 0 : i32
      %dma_start3A_183 = tpu.memref_slice %arg6[%arg0, %mul3A_176, %dma_start3A_182] : memref<2x10000x64xf32, #tpu.memory_space<hbm>> -> memref<1x624x64xf32, #tpu.memory_space<hbm>>
      %dma_start3A_184 = tpu.memref_squeeze %dma_start3A_183 : memref<1x624x64xf32, #tpu.memory_space<hbm>> -> memref<624x64xf32, #tpu.memory_space<hbm>>
      %dma_start3A_185 = arith.constant 0 : i32
      %dma_start3A_186 = tpu.memref_slice %arg8[%mul3A_174, %dma_start3A_185] : memref<10112x64xf32, #tpu.memory_space<vmem_shared>> -> memref<624x64xf32, #tpu.memory_space<vmem_shared>>
      tpu.enqueue_dma source(%dma_start3A_186 : memref<624x64xf32, #tpu.memory_space<vmem_shared>>) target(%dma_start3A_184 : memref<624x64xf32, #tpu.memory_space<hbm>>) target_semaphore(%run_scoped3A : memref<!tpu.dma_semaphore, #tpu.memory_space<semaphore_mem>>)
      %dma_wait3A_187 = arith.constant 0 : i32
      %dma_wait3A_188 = tpu.memref_slice %arg6[%arg0, %mul3A_176, %dma_wait3A_187] : memref<2x10000x64xf32, #tpu.memory_space<hbm>> -> memref<1x624x64xf32, #tpu.memory_space<hbm>>
      %dma_wait3A_189 = tpu.memref_squeeze %dma_wait3A_188 : memref<1x624x64xf32, #tpu.memory_space<hbm>> -> memref<624x64xf32, #tpu.memory_space<hbm>>
      %dma_wait3A_190 = arith.constant 0 : i32
      %dma_wait3A_191 = tpu.memref_slice %arg8[%mul3A_174, %dma_wait3A_190] : memref<10112x64xf32, #tpu.memory_space<vmem_shared>> -> memref<624x64xf32, #tpu.memory_space<vmem_shared>>
      tpu.wait_dma2 semaphore(%run_scoped3A : memref<!tpu.dma_semaphore, #tpu.memory_space<semaphore_mem>>) src(%dma_wait3A_191 : memref<624x64xf32, #tpu.memory_space<vmem_shared>>) dst(%dma_wait3A_189 : memref<624x64xf32, #tpu.memory_space<hbm>>)
      tpu.yield
    }) : () -> ()
    %eq3A_177 = arith.constant 15 : i32
    %eq3A_178 = arith.cmpi eq, %arg1, %eq3A_177 : i32
    %convert_element_type3A_179 = arith.extui %eq3A_178 : i1 to i32
    %cond3A_180 = arith.constant 0 : i32
    %cond3A_181 = arith.cmpi ne, %convert_element_type3A_179, %cond3A_180 : i32
    scf.if %cond3A_181 {
      "tpu.region"() ({
        %run_scoped3A = tpu.sem_alloc : memref<!tpu.dma_semaphore, #tpu.memory_space<semaphore_mem>>
        %dma_start3A_182 = arith.constant 9984 : i32
        %dma_start3A_183 = arith.constant 0 : i32
        %dma_start3A_184 = tpu.memref_slice %arg6[%arg0, %dma_start3A_182, %dma_start3A_183] : memref<2x10000x64xf32, #tpu.memory_space<hbm>> -> memref<1x16x64xf32, #tpu.memory_space<hbm>>
        %dma_start3A_185 = tpu.memref_squeeze %dma_start3A_184 : memref<1x16x64xf32, #tpu.memory_space<hbm>> -> memref<16x64xf32, #tpu.memory_space<hbm>>
        %dma_start3A_186 = arith.constant 9984 : i32
        %dma_start3A_187 = arith.constant 0 : i32
        %dma_start3A_188 = tpu.memref_slice %arg8[%dma_start3A_186, %dma_start3A_187] : memref<10112x64xf32, #tpu.memory_space<vmem_shared>> -> memref<16x64xf32, #tpu.memory_space<vmem_shared>>
        tpu.enqueue_dma source(%dma_start3A_188 : memref<16x64xf32, #tpu.memory_space<vmem_shared>>) target(%dma_start3A_185 : memref<16x64xf32, #tpu.memory_space<hbm>>) target_semaphore(%run_scoped3A : memref<!tpu.dma_semaphore, #tpu.memory_space<semaphore_mem>>)
        %dma_wait3A_189 = arith.constant 9984 : i32
        %dma_wait3A_190 = arith.constant 0 : i32
        %dma_wait3A_191 = tpu.memref_slice %arg6[%arg0, %dma_wait3A_189, %dma_wait3A_190] : memref<2x10000x64xf32, #tpu.memory_space<hbm>> -> memref<1x16x64xf32, #tpu.memory_space<hbm>>
        %dma_wait3A_192 = tpu.memref_squeeze %dma_wait3A_191 : memref<1x16x64xf32, #tpu.memory_space<hbm>> -> memref<16x64xf32, #tpu.memory_space<hbm>>
        %dma_wait3A_193 = arith.constant 9984 : i32
        %dma_wait3A_194 = arith.constant 0 : i32
        %dma_wait3A_195 = tpu.memref_slice %arg8[%dma_wait3A_193, %dma_wait3A_194] : memref<10112x64xf32, #tpu.memory_space<vmem_shared>> -> memref<16x64xf32, #tpu.memory_space<vmem_shared>>
        tpu.wait_dma2 semaphore(%run_scoped3A : memref<!tpu.dma_semaphore, #tpu.memory_space<semaphore_mem>>) src(%dma_wait3A_195 : memref<16x64xf32, #tpu.memory_space<vmem_shared>>) dst(%dma_wait3A_192 : memref<16x64xf32, #tpu.memory_space<hbm>>)
        tpu.yield
      }) : () -> ()
    } else {
    }
    return
  }
}

#map = affine_map<(d0, d1) -> (0, 0, 0)>
#map1 = affine_map<(d0, d1) -> (0, 0)>
module attributes {stable_mosaic.version = 14 : i64} {
  func.func @body(%arg0: i32, %arg1: i32, %arg2: memref<2x10000x64xf32, #tpu.memory_space<hbm>>, %arg3: memref<16x157x128xi32, #tpu.memory_space<hbm>>, %arg4: memref<16x157x128xi32, #tpu.memory_space<hbm>>, %arg5: memref<632x64xf32, #tpu.memory_space<hbm>>, %arg6: memref<2x10000x64xf32, #tpu.memory_space<hbm>>, %arg7: memref<10000x64xf32, #tpu.memory_space<vmem_shared>>, %arg8: memref<10112x64xf32, #tpu.memory_space<vmem_shared>>, %arg9: memref<2x128xi32, #tpu.memory_space<vmem>>, %arg10: memref<3x128xi32, #tpu.memory_space<vmem>>, %arg11: memref<2x128x64xf32, #tpu.memory_space<vmem>>, %arg12: memref<2x!tpu.dma_semaphore, #tpu.memory_space<semaphore_mem>>, %arg13: memref<3x!tpu.dma_semaphore, #tpu.memory_space<semaphore_mem>>, %arg14: memref<2x!tpu.dma_semaphore, #tpu.memory_space<semaphore_mem>>, %arg15: memref<2x!tpu.dma_semaphore, #tpu.memory_space<semaphore_mem>>) attributes {dimension_semantics = [#tpu.dimension_semantics<core_parallel>, #tpu.dimension_semantics<subcore_parallel>], iteration_bounds = array<i64: 2, 16>, scalar_prefetch = 0 : i64, scratch_operands = 9 : i64, tpu.core_type = #tpu.core_type<sc_vector_subcore>, window_params = [{transform_indices = #map}, {transform_indices = #map}, {transform_indices = #map}, {transform_indices = #map1}, {transform_indices = #map}]} {
    %mul3A = arith.constant 632 : i32
    %mul3A_0 = arith.muli %arg1, %mul3A : i32
    %dma_start3A = arith.constant 0 : i32
    %dma_start3A_1 = tpu.memref_slice %arg14[%dma_start3A] : memref<2x!tpu.dma_semaphore, #tpu.memory_space<semaphore_mem>> -> memref<1x!tpu.dma_semaphore, #tpu.memory_space<semaphore_mem>>
    %dma_start3A_2 = tpu.memref_squeeze %dma_start3A_1 : memref<1x!tpu.dma_semaphore, #tpu.memory_space<semaphore_mem>> -> memref<!tpu.dma_semaphore, #tpu.memory_space<semaphore_mem>>
    %dma_start3A_3 = arith.constant 0 : i32
    %dma_start3A_4 = tpu.memref_slice %arg8[%mul3A_0, %dma_start3A_3] : memref<10112x64xf32, #tpu.memory_space<vmem_shared>> -> memref<632x64xf32, #tpu.memory_space<vmem_shared>>
    tpu.enqueue_dma source(%arg5 : memref<632x64xf32, #tpu.memory_space<hbm>>) target(%dma_start3A_4 : memref<632x64xf32, #tpu.memory_space<vmem_shared>>) target_semaphore(%dma_start3A_2 : memref<!tpu.dma_semaphore, #tpu.memory_space<semaphore_mem>>)
    %mul3A_5 = arith.constant 624 : i32
    %mul3A_6 = arith.muli %arg1, %mul3A_5 : i32
    %mul3A_7 = arith.constant 624 : i32
    %mul3A_8 = arith.muli %arg1, %mul3A_7 : i32
    %dma_start3A_9 = arith.constant 1 : i32
    %dma_start3A_10 = tpu.memref_slice %arg14[%dma_start3A_9] : memref<2x!tpu.dma_semaphore, #tpu.memory_space<semaphore_mem>> -> memref<1x!tpu.dma_semaphore, #tpu.memory_space<semaphore_mem>>
    %dma_start3A_11 = tpu.memref_squeeze %dma_start3A_10 : memref<1x!tpu.dma_semaphore, #tpu.memory_space<semaphore_mem>> -> memref<!tpu.dma_semaphore, #tpu.memory_space<semaphore_mem>>
    %dma_start3A_12 = arith.constant 0 : i32
    %dma_start3A_13 = tpu.memref_slice %arg7[%mul3A_8, %dma_start3A_12] : memref<10000x64xf32, #tpu.memory_space<vmem_shared>> -> memref<624x64xf32, #tpu.memory_space<vmem_shared>>
    %dma_start3A_14 = arith.constant 0 : i32
    %dma_start3A_15 = tpu.memref_slice %arg2[%arg0, %mul3A_6, %dma_start3A_14] : memref<2x10000x64xf32, #tpu.memory_space<hbm>> -> memref<1x624x64xf32, #tpu.memory_space<hbm>>
    %dma_start3A_16 = tpu.memref_squeeze %dma_start3A_15 : memref<1x624x64xf32, #tpu.memory_space<hbm>> -> memref<624x64xf32, #tpu.memory_space<hbm>>
    tpu.enqueue_dma source(%dma_start3A_16 : memref<624x64xf32, #tpu.memory_space<hbm>>) target(%dma_start3A_13 : memref<624x64xf32, #tpu.memory_space<vmem_shared>>) target_semaphore(%dma_start3A_11 : memref<!tpu.dma_semaphore, #tpu.memory_space<semaphore_mem>>)
    %eq3A = arith.constant 15 : i32
    %eq3A_17 = arith.cmpi eq, %arg1, %eq3A : i32
    %convert_element_type3A = arith.extui %eq3A_17 : i1 to i32
    %cond3A = arith.constant 0 : i32
    %cond3A_18 = arith.cmpi ne, %convert_element_type3A, %cond3A : i32
    scf.if %cond3A_18 {
      "tpu.region"() ({
        %run_scoped3A = tpu.sem_alloc : memref<!tpu.dma_semaphore, #tpu.memory_space<semaphore_mem>>
        %dma_start3A_182 = arith.constant 9984 : i32
        %dma_start3A_183 = arith.constant 0 : i32
        %dma_start3A_184 = tpu.memref_slice %arg7[%dma_start3A_182, %dma_start3A_183] : memref<10000x64xf32, #tpu.memory_space<vmem_shared>> -> memref<16x64xf32, #tpu.memory_space<vmem_shared>>
        %dma_start3A_185 = arith.constant 9984 : i32
        %dma_start3A_186 = arith.constant 0 : i32
        %dma_start3A_187 = tpu.memref_slice %arg2[%arg0, %dma_start3A_185, %dma_start3A_186] : memref<2x10000x64xf32, #tpu.memory_space<hbm>> -> memref<1x16x64xf32, #tpu.memory_space<hbm>>
        %dma_start3A_188 = tpu.memref_squeeze %dma_start3A_187 : memref<1x16x64xf32, #tpu.memory_space<hbm>> -> memref<16x64xf32, #tpu.memory_space<hbm>>
        tpu.enqueue_dma source(%dma_start3A_188 : memref<16x64xf32, #tpu.memory_space<hbm>>) target(%dma_start3A_184 : memref<16x64xf32, #tpu.memory_space<vmem_shared>>) target_semaphore(%run_scoped3A : memref<!tpu.dma_semaphore, #tpu.memory_space<semaphore_mem>>)
        %dma_wait3A_189 = arith.constant 9984 : i32
        %dma_wait3A_190 = arith.constant 0 : i32
        %dma_wait3A_191 = tpu.memref_slice %arg7[%dma_wait3A_189, %dma_wait3A_190] : memref<10000x64xf32, #tpu.memory_space<vmem_shared>> -> memref<16x64xf32, #tpu.memory_space<vmem_shared>>
        %dma_wait3A_192 = arith.constant 9984 : i32
        %dma_wait3A_193 = arith.constant 0 : i32
        %dma_wait3A_194 = tpu.memref_slice %arg2[%arg0, %dma_wait3A_192, %dma_wait3A_193] : memref<2x10000x64xf32, #tpu.memory_space<hbm>> -> memref<1x16x64xf32, #tpu.memory_space<hbm>>
        %dma_wait3A_195 = tpu.memref_squeeze %dma_wait3A_194 : memref<1x16x64xf32, #tpu.memory_space<hbm>> -> memref<16x64xf32, #tpu.memory_space<hbm>>
        tpu.wait_dma2 semaphore(%run_scoped3A : memref<!tpu.dma_semaphore, #tpu.memory_space<semaphore_mem>>) src(%dma_wait3A_195 : memref<16x64xf32, #tpu.memory_space<hbm>>) dst(%dma_wait3A_191 : memref<16x64xf32, #tpu.memory_space<vmem_shared>>)
        tpu.yield
      }) : () -> ()
    } else {
    }
    %mul3A_19 = arith.constant 632 : i32
    %mul3A_20 = arith.muli %arg1, %mul3A_19 : i32
    %dma_wait3A = arith.constant 0 : i32
    %dma_wait3A_21 = tpu.memref_slice %arg14[%dma_wait3A] : memref<2x!tpu.dma_semaphore, #tpu.memory_space<semaphore_mem>> -> memref<1x!tpu.dma_semaphore, #tpu.memory_space<semaphore_mem>>
    %dma_wait3A_22 = tpu.memref_squeeze %dma_wait3A_21 : memref<1x!tpu.dma_semaphore, #tpu.memory_space<semaphore_mem>> -> memref<!tpu.dma_semaphore, #tpu.memory_space<semaphore_mem>>
    %dma_wait3A_23 = arith.constant 0 : i32
    %dma_wait3A_24 = tpu.memref_slice %arg8[%mul3A_20, %dma_wait3A_23] : memref<10112x64xf32, #tpu.memory_space<vmem_shared>> -> memref<632x64xf32, #tpu.memory_space<vmem_shared>>
    tpu.wait_dma2 semaphore(%dma_wait3A_22 : memref<!tpu.dma_semaphore, #tpu.memory_space<semaphore_mem>>) src(%arg5 : memref<632x64xf32, #tpu.memory_space<hbm>>) dst(%dma_wait3A_24 : memref<632x64xf32, #tpu.memory_space<vmem_shared>>)
    %mul3A_25 = arith.constant 624 : i32
    %mul3A_26 = arith.muli %arg1, %mul3A_25 : i32
    %mul3A_27 = arith.constant 624 : i32
    %mul3A_28 = arith.muli %arg1, %mul3A_27 : i32
    %dma_wait3A_29 = arith.constant 1 : i32
    %dma_wait3A_30 = tpu.memref_slice %arg14[%dma_wait3A_29] : memref<2x!tpu.dma_semaphore, #tpu.memory_space<semaphore_mem>> -> memref<1x!tpu.dma_semaphore, #tpu.memory_space<semaphore_mem>>
    %dma_wait3A_31 = tpu.memref_squeeze %dma_wait3A_30 : memref<1x!tpu.dma_semaphore, #tpu.memory_space<semaphore_mem>> -> memref<!tpu.dma_semaphore, #tpu.memory_space<semaphore_mem>>
    %dma_wait3A_32 = arith.constant 0 : i32
    %dma_wait3A_33 = tpu.memref_slice %arg7[%mul3A_28, %dma_wait3A_32] : memref<10000x64xf32, #tpu.memory_space<vmem_shared>> -> memref<624x64xf32, #tpu.memory_space<vmem_shared>>
    %dma_wait3A_34 = arith.constant 0 : i32
    %dma_wait3A_35 = tpu.memref_slice %arg2[%arg0, %mul3A_26, %dma_wait3A_34] : memref<2x10000x64xf32, #tpu.memory_space<hbm>> -> memref<1x624x64xf32, #tpu.memory_space<hbm>>
    %dma_wait3A_36 = tpu.memref_squeeze %dma_wait3A_35 : memref<1x624x64xf32, #tpu.memory_space<hbm>> -> memref<624x64xf32, #tpu.memory_space<hbm>>
    tpu.wait_dma2 semaphore(%dma_wait3A_31 : memref<!tpu.dma_semaphore, #tpu.memory_space<semaphore_mem>>) src(%dma_wait3A_36 : memref<624x64xf32, #tpu.memory_space<hbm>>) dst(%dma_wait3A_33 : memref<624x64xf32, #tpu.memory_space<vmem_shared>>)
    %barrier3A = arith.constant 0 : index
    tpu.barrier barrier_id(%barrier3A)
    %dma_start3A_37 = arith.constant 0 : i32
    %dma_start3A_38 = arith.constant 0 : i32
    %dma_start3A_39 = arith.constant 0 : i32
    %dma_start3A_40 = arith.constant 0 : i32
    %dma_start3A_41 = tpu.memref_slice %arg9[%dma_start3A_38, %dma_start3A_40] : memref<2x128xi32, #tpu.memory_space<vmem>> -> memref<1x128xi32, #tpu.memory_space<vmem>>
    %dma_start3A_42 = tpu.memref_squeeze %dma_start3A_41 : memref<1x128xi32, #tpu.memory_space<vmem>> -> memref<128xi32, #tpu.memory_space<vmem>>
    %dma_start3A_43 = arith.constant 0 : i32
    %dma_start3A_44 = tpu.memref_slice %arg3[%arg1, %dma_start3A_37, %dma_start3A_43] : memref<16x157x128xi32, #tpu.memory_space<hbm>> -> memref<1x1x128xi32, #tpu.memory_space<hbm>>
    %dma_start3A_45 = tpu.memref_squeeze %dma_start3A_44 : memref<1x1x128xi32, #tpu.memory_space<hbm>> -> memref<128xi32, #tpu.memory_space<hbm>>
    %dma_start3A_46 = tpu.memref_slice %arg12[%dma_start3A_39] : memref<2x!tpu.dma_semaphore, #tpu.memory_space<semaphore_mem>> -> memref<1x!tpu.dma_semaphore, #tpu.memory_space<semaphore_mem>>
    %dma_start3A_47 = tpu.memref_squeeze %dma_start3A_46 : memref<1x!tpu.dma_semaphore, #tpu.memory_space<semaphore_mem>> -> memref<!tpu.dma_semaphore, #tpu.memory_space<semaphore_mem>>
    %dma_start3A_48 = arith.constant 0 : i32
    %dma_start3A_49 = tpu.memref_slice %arg9[%dma_start3A_38, %dma_start3A_48] : memref<2x128xi32, #tpu.memory_space<vmem>> -> memref<1x128xi32, #tpu.memory_space<vmem>>
    %dma_start3A_50 = tpu.memref_squeeze %dma_start3A_49 : memref<1x128xi32, #tpu.memory_space<vmem>> -> memref<128xi32, #tpu.memory_space<vmem>>
    %dma_start3A_51 = arith.constant 0 : i32
    %dma_start3A_52 = tpu.memref_slice %arg3[%arg1, %dma_start3A_37, %dma_start3A_51] : memref<16x157x128xi32, #tpu.memory_space<hbm>> -> memref<1x1x128xi32, #tpu.memory_space<hbm>>
    %dma_start3A_53 = tpu.memref_squeeze %dma_start3A_52 : memref<1x1x128xi32, #tpu.memory_space<hbm>> -> memref<128xi32, #tpu.memory_space<hbm>>
    tpu.enqueue_dma source(%dma_start3A_53 : memref<128xi32, #tpu.memory_space<hbm>>) target(%dma_start3A_50 : memref<128xi32, #tpu.memory_space<vmem>>) target_semaphore(%dma_start3A_47 : memref<!tpu.dma_semaphore, #tpu.memory_space<semaphore_mem>>)
    %dma_start3A_54 = arith.constant 0 : i32
    %dma_start3A_55 = arith.constant 0 : i32
    %dma_start3A_56 = arith.constant 0 : i32
    %dma_start3A_57 = arith.constant 0 : i32
    %dma_start3A_58 = tpu.memref_slice %arg10[%dma_start3A_55, %dma_start3A_57] : memref<3x128xi32, #tpu.memory_space<vmem>> -> memref<1x128xi32, #tpu.memory_space<vmem>>
    %dma_start3A_59 = tpu.memref_squeeze %dma_start3A_58 : memref<1x128xi32, #tpu.memory_space<vmem>> -> memref<128xi32, #tpu.memory_space<vmem>>
    %dma_start3A_60 = arith.constant 0 : i32
    %dma_start3A_61 = tpu.memref_slice %arg4[%arg1, %dma_start3A_54, %dma_start3A_60] : memref<16x157x128xi32, #tpu.memory_space<hbm>> -> memref<1x1x128xi32, #tpu.memory_space<hbm>>
    %dma_start3A_62 = tpu.memref_squeeze %dma_start3A_61 : memref<1x1x128xi32, #tpu.memory_space<hbm>> -> memref<128xi32, #tpu.memory_space<hbm>>
    %dma_start3A_63 = tpu.memref_slice %arg13[%dma_start3A_56] : memref<3x!tpu.dma_semaphore, #tpu.memory_space<semaphore_mem>> -> memref<1x!tpu.dma_semaphore, #tpu.memory_space<semaphore_mem>>
    %dma_start3A_64 = tpu.memref_squeeze %dma_start3A_63 : memref<1x!tpu.dma_semaphore, #tpu.memory_space<semaphore_mem>> -> memref<!tpu.dma_semaphore, #tpu.memory_space<semaphore_mem>>
    %dma_start3A_65 = arith.constant 0 : i32
    %dma_start3A_66 = tpu.memref_slice %arg10[%dma_start3A_55, %dma_start3A_65] : memref<3x128xi32, #tpu.memory_space<vmem>> -> memref<1x128xi32, #tpu.memory_space<vmem>>
    %dma_start3A_67 = tpu.memref_squeeze %dma_start3A_66 : memref<1x128xi32, #tpu.memory_space<vmem>> -> memref<128xi32, #tpu.memory_space<vmem>>
    %dma_start3A_68 = arith.constant 0 : i32
    %dma_start3A_69 = tpu.memref_slice %arg4[%arg1, %dma_start3A_54, %dma_start3A_68] : memref<16x157x128xi32, #tpu.memory_space<hbm>> -> memref<1x1x128xi32, #tpu.memory_space<hbm>>
    %dma_start3A_70 = tpu.memref_squeeze %dma_start3A_69 : memref<1x1x128xi32, #tpu.memory_space<hbm>> -> memref<128xi32, #tpu.memory_space<hbm>>
    tpu.enqueue_dma source(%dma_start3A_70 : memref<128xi32, #tpu.memory_space<hbm>>) target(%dma_start3A_67 : memref<128xi32, #tpu.memory_space<vmem>>) target_semaphore(%dma_start3A_64 : memref<!tpu.dma_semaphore, #tpu.memory_space<semaphore_mem>>)
    %dma_start3A_71 = arith.constant 1 : i32
    %dma_start3A_72 = arith.constant 1 : i32
    %dma_start3A_73 = arith.constant 1 : i32
    %dma_start3A_74 = arith.constant 0 : i32
    %dma_start3A_75 = tpu.memref_slice %arg9[%dma_start3A_72, %dma_start3A_74] : memref<2x128xi32, #tpu.memory_space<vmem>> -> memref<1x128xi32, #tpu.memory_space<vmem>>
    %dma_start3A_76 = tpu.memref_squeeze %dma_start3A_75 : memref<1x128xi32, #tpu.memory_space<vmem>> -> memref<128xi32, #tpu.memory_space<vmem>>
    %dma_start3A_77 = arith.constant 0 : i32
    %dma_start3A_78 = tpu.memref_slice %arg3[%arg1, %dma_start3A_71, %dma_start3A_77] : memref<16x157x128xi32, #tpu.memory_space<hbm>> -> memref<1x1x128xi32, #tpu.memory_space<hbm>>
    %dma_start3A_79 = tpu.memref_squeeze %dma_start3A_78 : memref<1x1x128xi32, #tpu.memory_space<hbm>> -> memref<128xi32, #tpu.memory_space<hbm>>
    %dma_start3A_80 = tpu.memref_slice %arg12[%dma_start3A_73] : memref<2x!tpu.dma_semaphore, #tpu.memory_space<semaphore_mem>> -> memref<1x!tpu.dma_semaphore, #tpu.memory_space<semaphore_mem>>
    %dma_start3A_81 = tpu.memref_squeeze %dma_start3A_80 : memref<1x!tpu.dma_semaphore, #tpu.memory_space<semaphore_mem>> -> memref<!tpu.dma_semaphore, #tpu.memory_space<semaphore_mem>>
    %dma_start3A_82 = arith.constant 0 : i32
    %dma_start3A_83 = tpu.memref_slice %arg9[%dma_start3A_72, %dma_start3A_82] : memref<2x128xi32, #tpu.memory_space<vmem>> -> memref<1x128xi32, #tpu.memory_space<vmem>>
    %dma_start3A_84 = tpu.memref_squeeze %dma_start3A_83 : memref<1x128xi32, #tpu.memory_space<vmem>> -> memref<128xi32, #tpu.memory_space<vmem>>
    %dma_start3A_85 = arith.constant 0 : i32
    %dma_start3A_86 = tpu.memref_slice %arg3[%arg1, %dma_start3A_71, %dma_start3A_85] : memref<16x157x128xi32, #tpu.memory_space<hbm>> -> memref<1x1x128xi32, #tpu.memory_space<hbm>>
    %dma_start3A_87 = tpu.memref_squeeze %dma_start3A_86 : memref<1x1x128xi32, #tpu.memory_space<hbm>> -> memref<128xi32, #tpu.memory_space<hbm>>
    tpu.enqueue_dma source(%dma_start3A_87 : memref<128xi32, #tpu.memory_space<hbm>>) target(%dma_start3A_84 : memref<128xi32, #tpu.memory_space<vmem>>) target_semaphore(%dma_start3A_81 : memref<!tpu.dma_semaphore, #tpu.memory_space<semaphore_mem>>)
    %dma_start3A_88 = arith.constant 1 : i32
    %dma_start3A_89 = arith.constant 1 : i32
    %dma_start3A_90 = arith.constant 1 : i32
    %dma_start3A_91 = arith.constant 0 : i32
    %dma_start3A_92 = tpu.memref_slice %arg10[%dma_start3A_89, %dma_start3A_91] : memref<3x128xi32, #tpu.memory_space<vmem>> -> memref<1x128xi32, #tpu.memory_space<vmem>>
    %dma_start3A_93 = tpu.memref_squeeze %dma_start3A_92 : memref<1x128xi32, #tpu.memory_space<vmem>> -> memref<128xi32, #tpu.memory_space<vmem>>
    %dma_start3A_94 = arith.constant 0 : i32
    %dma_start3A_95 = tpu.memref_slice %arg4[%arg1, %dma_start3A_88, %dma_start3A_94] : memref<16x157x128xi32, #tpu.memory_space<hbm>> -> memref<1x1x128xi32, #tpu.memory_space<hbm>>
    %dma_start3A_96 = tpu.memref_squeeze %dma_start3A_95 : memref<1x1x128xi32, #tpu.memory_space<hbm>> -> memref<128xi32, #tpu.memory_space<hbm>>
    %dma_start3A_97 = tpu.memref_slice %arg13[%dma_start3A_90] : memref<3x!tpu.dma_semaphore, #tpu.memory_space<semaphore_mem>> -> memref<1x!tpu.dma_semaphore, #tpu.memory_space<semaphore_mem>>
    %dma_start3A_98 = tpu.memref_squeeze %dma_start3A_97 : memref<1x!tpu.dma_semaphore, #tpu.memory_space<semaphore_mem>> -> memref<!tpu.dma_semaphore, #tpu.memory_space<semaphore_mem>>
    %dma_start3A_99 = arith.constant 0 : i32
    %dma_start3A_100 = tpu.memref_slice %arg10[%dma_start3A_89, %dma_start3A_99] : memref<3x128xi32, #tpu.memory_space<vmem>> -> memref<1x128xi32, #tpu.memory_space<vmem>>
    %dma_start3A_101 = tpu.memref_squeeze %dma_start3A_100 : memref<1x128xi32, #tpu.memory_space<vmem>> -> memref<128xi32, #tpu.memory_space<vmem>>
    %dma_start3A_102 = arith.constant 0 : i32
    %dma_start3A_103 = tpu.memref_slice %arg4[%arg1, %dma_start3A_88, %dma_start3A_102] : memref<16x157x128xi32, #tpu.memory_space<hbm>> -> memref<1x1x128xi32, #tpu.memory_space<hbm>>
    %dma_start3A_104 = tpu.memref_squeeze %dma_start3A_103 : memref<1x1x128xi32, #tpu.memory_space<hbm>> -> memref<128xi32, #tpu.memory_space<hbm>>
    tpu.enqueue_dma source(%dma_start3A_104 : memref<128xi32, #tpu.memory_space<hbm>>) target(%dma_start3A_101 : memref<128xi32, #tpu.memory_space<vmem>>) target_semaphore(%dma_start3A_98 : memref<!tpu.dma_semaphore, #tpu.memory_space<semaphore_mem>>)
    %dma_wait3A_105 = arith.constant 0 : i32
    %dma_wait3A_106 = arith.constant 0 : i32
    %dma_wait3A_107 = arith.constant 0 : i32
    %dma_wait3A_108 = arith.constant 0 : i32
    %dma_wait3A_109 = tpu.memref_slice %arg9[%dma_wait3A_106, %dma_wait3A_108] : memref<2x128xi32, #tpu.memory_space<vmem>> -> memref<1x128xi32, #tpu.memory_space<vmem>>
    %dma_wait3A_110 = tpu.memref_squeeze %dma_wait3A_109 : memref<1x128xi32, #tpu.memory_space<vmem>> -> memref<128xi32, #tpu.memory_space<vmem>>
    %dma_wait3A_111 = arith.constant 0 : i32
    %dma_wait3A_112 = tpu.memref_slice %arg3[%arg1, %dma_wait3A_105, %dma_wait3A_111] : memref<16x157x128xi32, #tpu.memory_space<hbm>> -> memref<1x1x128xi32, #tpu.memory_space<hbm>>
    %dma_wait3A_113 = tpu.memref_squeeze %dma_wait3A_112 : memref<1x1x128xi32, #tpu.memory_space<hbm>> -> memref<128xi32, #tpu.memory_space<hbm>>
    %dma_wait3A_114 = tpu.memref_slice %arg12[%dma_wait3A_107] : memref<2x!tpu.dma_semaphore, #tpu.memory_space<semaphore_mem>> -> memref<1x!tpu.dma_semaphore, #tpu.memory_space<semaphore_mem>>
    %dma_wait3A_115 = tpu.memref_squeeze %dma_wait3A_114 : memref<1x!tpu.dma_semaphore, #tpu.memory_space<semaphore_mem>> -> memref<!tpu.dma_semaphore, #tpu.memory_space<semaphore_mem>>
    %dma_wait3A_116 = arith.constant 0 : i32
    %dma_wait3A_117 = tpu.memref_slice %arg9[%dma_wait3A_106, %dma_wait3A_116] : memref<2x128xi32, #tpu.memory_space<vmem>> -> memref<1x128xi32, #tpu.memory_space<vmem>>
    %dma_wait3A_118 = tpu.memref_squeeze %dma_wait3A_117 : memref<1x128xi32, #tpu.memory_space<vmem>> -> memref<128xi32, #tpu.memory_space<vmem>>
    %dma_wait3A_119 = arith.constant 0 : i32
    %dma_wait3A_120 = tpu.memref_slice %arg3[%arg1, %dma_wait3A_105, %dma_wait3A_119] : memref<16x157x128xi32, #tpu.memory_space<hbm>> -> memref<1x1x128xi32, #tpu.memory_space<hbm>>
    %dma_wait3A_121 = tpu.memref_squeeze %dma_wait3A_120 : memref<1x1x128xi32, #tpu.memory_space<hbm>> -> memref<128xi32, #tpu.memory_space<hbm>>
    tpu.wait_dma2 semaphore(%dma_wait3A_115 : memref<!tpu.dma_semaphore, #tpu.memory_space<semaphore_mem>>) src(%dma_wait3A_121 : memref<128xi32, #tpu.memory_space<hbm>>) dst(%dma_wait3A_118 : memref<128xi32, #tpu.memory_space<vmem>>)
    %dma_start3A_122 = arith.constant 0 : i32
    %dma_start3A_123 = arith.constant 0 : i32
    %dma_start3A_124 = arith.constant 0 : i32
    %dma_start3A_125 = arith.constant 0 : i32
    %dma_start3A_126 = arith.constant 0 : i32
    %dma_start3A_127 = tpu.memref_slice %arg11[%dma_start3A_123, %dma_start3A_125, %dma_start3A_126] : memref<2x128x64xf32, #tpu.memory_space<vmem>> -> memref<1x128x64xf32, #tpu.memory_space<vmem>>
    %dma_start3A_128 = tpu.memref_squeeze %dma_start3A_127 : memref<1x128x64xf32, #tpu.memory_space<vmem>> -> memref<128x64xf32, #tpu.memory_space<vmem>>
    %dma_start3A_129 = arith.constant 0 : i32
    %dma_start3A_130 = tpu.memref_slice %arg9[%dma_start3A_122, %dma_start3A_129] : memref<2x128xi32, #tpu.memory_space<vmem>> -> memref<1x128xi32, #tpu.memory_space<vmem>>
    %dma_start3A_131 = tpu.memref_squeeze %dma_start3A_130 : memref<1x128xi32, #tpu.memory_space<vmem>> -> memref<128xi32, #tpu.memory_space<vmem>>
    %dma_start3A_132 = arith.constant 0 : i32
    %dma_start3A_133 = arith.constant 0 : i32
    %dma_start3A_134 = tpu.memref_slice %arg7[%dma_start3A_132, %dma_start3A_133] : memref<10000x64xf32, #tpu.memory_space<vmem_shared>> -> memref<10000x64xf32, #tpu.memory_space<vmem_shared>>
    %dma_start3A_135 = tpu.memref_slice %arg14[%dma_start3A_124] : memref<2x!tpu.dma_semaphore, #tpu.memory_space<semaphore_mem>> -> memref<1x!tpu.dma_semaphore, #tpu.memory_space<semaphore_mem>>
    %dma_start3A_136 = tpu.memref_squeeze %dma_start3A_135 : memref<1x!tpu.dma_semaphore, #tpu.memory_space<semaphore_mem>> -> memref<!tpu.dma_semaphore, #tpu.memory_space<semaphore_mem>>
    tpu.enqueue_indirect_dma source(%dma_start3A_134 : memref<10000x64xf32, #tpu.memory_space<vmem_shared>>) target(%dma_start3A_128 : memref<128x64xf32, #tpu.memory_space<vmem>>) offsets(%dma_start3A_131 : memref<128xi32, #tpu.memory_space<vmem>>) semaphore(%dma_start3A_136 : memref<!tpu.dma_semaphore, #tpu.memory_space<semaphore_mem>>)
    %scan3A = arith.constant 0 : i32
    %scan3A_137 = arith.constant 0 : i32
    %scan3A_138 = arith.constant 157 : i32
    %scan3A_139 = arith.addi %scan3A_137, %scan3A_138 : i32
    %scan3A_140 = arith.constant 1 : i32
    scf.for %scan3A_182 = %scan3A_137 to %scan3A_139 step %scan3A_140  : i32 {
      %rem3A = arith.constant 2 : i32
      %rem3A_183 = arith.remsi %scan3A_182, %rem3A : i32
      %add3A = arith.constant 1 : i32
      %add3A_184 = arith.addi %scan3A_182, %add3A : i32
      %rem3A_185 = arith.constant 2 : i32
      %rem3A_186 = arith.remsi %add3A_184, %rem3A_185 : i32
      %rem3A_187 = arith.constant 3 : i32
      %rem3A_188 = arith.remsi %scan3A_182, %rem3A_187 : i32
      %add3A_189 = arith.constant 1 : i32
      %add3A_190 = arith.addi %scan3A_182, %add3A_189 : i32
      %lt3A = arith.constant 157 : i32
      %lt3A_191 = arith.cmpi slt, %add3A_190, %lt3A : i32
      %convert_element_type3A_192 = arith.extui %lt3A_191 : i1 to i32
      %cond3A_193 = arith.constant 0 : i32
      %cond3A_194 = arith.cmpi ne, %convert_element_type3A_192, %cond3A_193 : i32
      scf.if %cond3A_194 {
        %add3A_240 = arith.constant 1 : i32
        %add3A_241 = arith.addi %scan3A_182, %add3A_240 : i32
        %dma_wait3A_242 = arith.constant 0 : i32
        %dma_wait3A_243 = tpu.memref_slice %arg9[%rem3A_186, %dma_wait3A_242] : memref<2x128xi32, #tpu.memory_space<vmem>> -> memref<1x128xi32, #tpu.memory_space<vmem>>
        %dma_wait3A_244 = tpu.memref_squeeze %dma_wait3A_243 : memref<1x128xi32, #tpu.memory_space<vmem>> -> memref<128xi32, #tpu.memory_space<vmem>>
        %dma_wait3A_245 = arith.constant 0 : i32
        %dma_wait3A_246 = tpu.memref_slice %arg3[%arg1, %add3A_241, %dma_wait3A_245] : memref<16x157x128xi32, #tpu.memory_space<hbm>> -> memref<1x1x128xi32, #tpu.memory_space<hbm>>
        %dma_wait3A_247 = tpu.memref_squeeze %dma_wait3A_246 : memref<1x1x128xi32, #tpu.memory_space<hbm>> -> memref<128xi32, #tpu.memory_space<hbm>>
        %dma_wait3A_248 = tpu.memref_slice %arg12[%rem3A_186] : memref<2x!tpu.dma_semaphore, #tpu.memory_space<semaphore_mem>> -> memref<1x!tpu.dma_semaphore, #tpu.memory_space<semaphore_mem>>
        %dma_wait3A_249 = tpu.memref_squeeze %dma_wait3A_248 : memref<1x!tpu.dma_semaphore, #tpu.memory_space<semaphore_mem>> -> memref<!tpu.dma_semaphore, #tpu.memory_space<semaphore_mem>>
        %dma_wait3A_250 = arith.constant 0 : i32
        %dma_wait3A_251 = tpu.memref_slice %arg9[%rem3A_186, %dma_wait3A_250] : memref<2x128xi32, #tpu.memory_space<vmem>> -> memref<1x128xi32, #tpu.memory_space<vmem>>
        %dma_wait3A_252 = tpu.memref_squeeze %dma_wait3A_251 : memref<1x128xi32, #tpu.memory_space<vmem>> -> memref<128xi32, #tpu.memory_space<vmem>>
        %dma_wait3A_253 = arith.constant 0 : i32
        %dma_wait3A_254 = tpu.memref_slice %arg3[%arg1, %add3A_241, %dma_wait3A_253] : memref<16x157x128xi32, #tpu.memory_space<hbm>> -> memref<1x1x128xi32, #tpu.memory_space<hbm>>
        %dma_wait3A_255 = tpu.memref_squeeze %dma_wait3A_254 : memref<1x1x128xi32, #tpu.memory_space<hbm>> -> memref<128xi32, #tpu.memory_space<hbm>>
        tpu.wait_dma2 semaphore(%dma_wait3A_249 : memref<!tpu.dma_semaphore, #tpu.memory_space<semaphore_mem>>) src(%dma_wait3A_255 : memref<128xi32, #tpu.memory_space<hbm>>) dst(%dma_wait3A_252 : memref<128xi32, #tpu.memory_space<vmem>>)
        %ge3A = arith.constant 1 : i32
        %ge3A_256 = arith.cmpi sge, %scan3A_182, %ge3A : i32
        %convert_element_type3A_257 = arith.extui %ge3A_256 : i1 to i32
        %cond3A_258 = arith.constant 0 : i32
        %cond3A_259 = arith.cmpi ne, %convert_element_type3A_257, %cond3A_258 : i32
        scf.if %cond3A_259 {
          %dma_wait3A_272 = arith.constant 0 : i32
          %dma_wait3A_273 = arith.constant 0 : i32
          %dma_wait3A_274 = arith.constant 0 : i32
          %dma_wait3A_275 = tpu.memref_slice %arg11[%rem3A_186, %dma_wait3A_273, %dma_wait3A_274] : memref<2x128x64xf32, #tpu.memory_space<vmem>> -> memref<1x128x64xf32, #tpu.memory_space<vmem>>
          %dma_wait3A_276 = tpu.memref_squeeze %dma_wait3A_275 : memref<1x128x64xf32, #tpu.memory_space<vmem>> -> memref<128x64xf32, #tpu.memory_space<vmem>>
          %dma_wait3A_277 = arith.constant 0 : i32
          %dma_wait3A_278 = tpu.memref_slice %arg10[%dma_wait3A_272, %dma_wait3A_277] : memref<3x128xi32, #tpu.memory_space<vmem>> -> memref<1x128xi32, #tpu.memory_space<vmem>>
          %dma_wait3A_279 = tpu.memref_squeeze %dma_wait3A_278 : memref<1x128xi32, #tpu.memory_space<vmem>> -> memref<128xi32, #tpu.memory_space<vmem>>
          %dma_wait3A_280 = arith.constant 0 : i32
          %dma_wait3A_281 = arith.constant 0 : i32
          %dma_wait3A_282 = tpu.memref_slice %arg8[%dma_wait3A_280, %dma_wait3A_281] : memref<10112x64xf32, #tpu.memory_space<vmem_shared>> -> memref<10112x64xf32, #tpu.memory_space<vmem_shared>>
          %dma_wait3A_283 = tpu.memref_slice %arg15[%rem3A_186] : memref<2x!tpu.dma_semaphore, #tpu.memory_space<semaphore_mem>> -> memref<1x!tpu.dma_semaphore, #tpu.memory_space<semaphore_mem>>
          %dma_wait3A_284 = tpu.memref_squeeze %dma_wait3A_283 : memref<1x!tpu.dma_semaphore, #tpu.memory_space<semaphore_mem>> -> memref<!tpu.dma_semaphore, #tpu.memory_space<semaphore_mem>>
          tpu.wait_indirect_dma semaphore(%dma_wait3A_284 : memref<!tpu.dma_semaphore, #tpu.memory_space<semaphore_mem>>) src(%dma_wait3A_276 : memref<128x64xf32, #tpu.memory_space<vmem>>) dst(%dma_wait3A_282 : memref<10112x64xf32, #tpu.memory_space<vmem_shared>>)
        } else {
        }
        %dma_start3A_260 = arith.constant 0 : i32
        %dma_start3A_261 = arith.constant 0 : i32
        %dma_start3A_262 = tpu.memref_slice %arg11[%rem3A_186, %dma_start3A_260, %dma_start3A_261] : memref<2x128x64xf32, #tpu.memory_space<vmem>> -> memref<1x128x64xf32, #tpu.memory_space<vmem>>
        %dma_start3A_263 = tpu.memref_squeeze %dma_start3A_262 : memref<1x128x64xf32, #tpu.memory_space<vmem>> -> memref<128x64xf32, #tpu.memory_space<vmem>>
        %dma_start3A_264 = arith.constant 0 : i32
        %dma_start3A_265 = tpu.memref_slice %arg9[%rem3A_186, %dma_start3A_264] : memref<2x128xi32, #tpu.memory_space<vmem>> -> memref<1x128xi32, #tpu.memory_space<vmem>>
        %dma_start3A_266 = tpu.memref_squeeze %dma_start3A_265 : memref<1x128xi32, #tpu.memory_space<vmem>> -> memref<128xi32, #tpu.memory_space<vmem>>
        %dma_start3A_267 = arith.constant 0 : i32
        %dma_start3A_268 = arith.constant 0 : i32
        %dma_start3A_269 = tpu.memref_slice %arg7[%dma_start3A_267, %dma_start3A_268] : memref<10000x64xf32, #tpu.memory_space<vmem_shared>> -> memref<10000x64xf32, #tpu.memory_space<vmem_shared>>
        %dma_start3A_270 = tpu.memref_slice %arg14[%rem3A_186] : memref<2x!tpu.dma_semaphore, #tpu.memory_space<semaphore_mem>> -> memref<1x!tpu.dma_semaphore, #tpu.memory_space<semaphore_mem>>
        %dma_start3A_271 = tpu.memref_squeeze %dma_start3A_270 : memref<1x!tpu.dma_semaphore, #tpu.memory_space<semaphore_mem>> -> memref<!tpu.dma_semaphore, #tpu.memory_space<semaphore_mem>>
        tpu.enqueue_indirect_dma source(%dma_start3A_269 : memref<10000x64xf32, #tpu.memory_space<vmem_shared>>) target(%dma_start3A_263 : memref<128x64xf32, #tpu.memory_space<vmem>>) offsets(%dma_start3A_266 : memref<128xi32, #tpu.memory_space<vmem>>) semaphore(%dma_start3A_271 : memref<!tpu.dma_semaphore, #tpu.memory_space<semaphore_mem>>)
      } else {
      }
      %dma_wait3A_195 = arith.constant 0 : i32
      %dma_wait3A_196 = arith.constant 0 : i32
      %dma_wait3A_197 = tpu.memref_slice %arg11[%rem3A_183, %dma_wait3A_195, %dma_wait3A_196] : memref<2x128x64xf32, #tpu.memory_space<vmem>> -> memref<1x128x64xf32, #tpu.memory_space<vmem>>
      %dma_wait3A_198 = tpu.memref_squeeze %dma_wait3A_197 : memref<1x128x64xf32, #tpu.memory_space<vmem>> -> memref<128x64xf32, #tpu.memory_space<vmem>>
      %dma_wait3A_199 = arith.constant 0 : i32
      %dma_wait3A_200 = tpu.memref_slice %arg9[%rem3A_183, %dma_wait3A_199] : memref<2x128xi32, #tpu.memory_space<vmem>> -> memref<1x128xi32, #tpu.memory_space<vmem>>
      %dma_wait3A_201 = tpu.memref_squeeze %dma_wait3A_200 : memref<1x128xi32, #tpu.memory_space<vmem>> -> memref<128xi32, #tpu.memory_space<vmem>>
      %dma_wait3A_202 = arith.constant 0 : i32
      %dma_wait3A_203 = arith.constant 0 : i32
      %dma_wait3A_204 = tpu.memref_slice %arg7[%dma_wait3A_202, %dma_wait3A_203] : memref<10000x64xf32, #tpu.memory_space<vmem_shared>> -> memref<10000x64xf32, #tpu.memory_space<vmem_shared>>
      %dma_wait3A_205 = tpu.memref_slice %arg14[%rem3A_183] : memref<2x!tpu.dma_semaphore, #tpu.memory_space<semaphore_mem>> -> memref<1x!tpu.dma_semaphore, #tpu.memory_space<semaphore_mem>>
      %dma_wait3A_206 = tpu.memref_squeeze %dma_wait3A_205 : memref<1x!tpu.dma_semaphore, #tpu.memory_space<semaphore_mem>> -> memref<!tpu.dma_semaphore, #tpu.memory_space<semaphore_mem>>
      tpu.wait_indirect_dma semaphore(%dma_wait3A_206 : memref<!tpu.dma_semaphore, #tpu.memory_space<semaphore_mem>>) src(%dma_wait3A_204 : memref<10000x64xf32, #tpu.memory_space<vmem_shared>>) dst(%dma_wait3A_198 : memref<128x64xf32, #tpu.memory_space<vmem>>)
      %dma_wait3A_207 = arith.constant 0 : i32
      %dma_wait3A_208 = tpu.memref_slice %arg10[%rem3A_188, %dma_wait3A_207] : memref<3x128xi32, #tpu.memory_space<vmem>> -> memref<1x128xi32, #tpu.memory_space<vmem>>
      %dma_wait3A_209 = tpu.memref_squeeze %dma_wait3A_208 : memref<1x128xi32, #tpu.memory_space<vmem>> -> memref<128xi32, #tpu.memory_space<vmem>>
      %dma_wait3A_210 = arith.constant 0 : i32
      %dma_wait3A_211 = tpu.memref_slice %arg4[%arg1, %scan3A_182, %dma_wait3A_210] : memref<16x157x128xi32, #tpu.memory_space<hbm>> -> memref<1x1x128xi32, #tpu.memory_space<hbm>>
      %dma_wait3A_212 = tpu.memref_squeeze %dma_wait3A_211 : memref<1x1x128xi32, #tpu.memory_space<hbm>> -> memref<128xi32, #tpu.memory_space<hbm>>
      %dma_wait3A_213 = tpu.memref_slice %arg13[%rem3A_188] : memref<3x!tpu.dma_semaphore, #tpu.memory_space<semaphore_mem>> -> memref<1x!tpu.dma_semaphore, #tpu.memory_space<semaphore_mem>>
      %dma_wait3A_214 = tpu.memref_squeeze %dma_wait3A_213 : memref<1x!tpu.dma_semaphore, #tpu.memory_space<semaphore_mem>> -> memref<!tpu.dma_semaphore, #tpu.memory_space<semaphore_mem>>
      %dma_wait3A_215 = arith.constant 0 : i32
      %dma_wait3A_216 = tpu.memref_slice %arg10[%rem3A_188, %dma_wait3A_215] : memref<3x128xi32, #tpu.memory_space<vmem>> -> memref<1x128xi32, #tpu.memory_space<vmem>>
      %dma_wait3A_217 = tpu.memref_squeeze %dma_wait3A_216 : memref<1x128xi32, #tpu.memory_space<vmem>> -> memref<128xi32, #tpu.memory_space<vmem>>
      %dma_wait3A_218 = arith.constant 0 : i32
      %dma_wait3A_219 = tpu.memref_slice %arg4[%arg1, %scan3A_182, %dma_wait3A_218] : memref<16x157x128xi32, #tpu.memory_space<hbm>> -> memref<1x1x128xi32, #tpu.memory_space<hbm>>
      %dma_wait3A_220 = tpu.memref_squeeze %dma_wait3A_219 : memref<1x1x128xi32, #tpu.memory_space<hbm>> -> memref<128xi32, #tpu.memory_space<hbm>>
      tpu.wait_dma2 semaphore(%dma_wait3A_214 : memref<!tpu.dma_semaphore, #tpu.memory_space<semaphore_mem>>) src(%dma_wait3A_220 : memref<128xi32, #tpu.memory_space<hbm>>) dst(%dma_wait3A_217 : memref<128xi32, #tpu.memory_space<vmem>>)
      %dma_start3A_221 = arith.constant 0 : i32
      %dma_start3A_222 = arith.constant 0 : i32
      %dma_start3A_223 = tpu.memref_slice %arg11[%rem3A_183, %dma_start3A_221, %dma_start3A_222] : memref<2x128x64xf32, #tpu.memory_space<vmem>> -> memref<1x128x64xf32, #tpu.memory_space<vmem>>
      %dma_start3A_224 = tpu.memref_squeeze %dma_start3A_223 : memref<1x128x64xf32, #tpu.memory_space<vmem>> -> memref<128x64xf32, #tpu.memory_space<vmem>>
      %dma_start3A_225 = arith.constant 0 : i32
      %dma_start3A_226 = tpu.memref_slice %arg10[%rem3A_188, %dma_start3A_225] : memref<3x128xi32, #tpu.memory_space<vmem>> -> memref<1x128xi32, #tpu.memory_space<vmem>>
      %dma_start3A_227 = tpu.memref_squeeze %dma_start3A_226 : memref<1x128xi32, #tpu.memory_space<vmem>> -> memref<128xi32, #tpu.memory_space<vmem>>
      %dma_start3A_228 = arith.constant 0 : i32
      %dma_start3A_229 = arith.constant 0 : i32
      %dma_start3A_230 = tpu.memref_slice %arg8[%dma_start3A_228, %dma_start3A_229] : memref<10112x64xf32, #tpu.memory_space<vmem_shared>> -> memref<10112x64xf32, #tpu.memory_space<vmem_shared>>
      %dma_start3A_231 = tpu.memref_slice %arg15[%rem3A_183] : memref<2x!tpu.dma_semaphore, #tpu.memory_space<semaphore_mem>> -> memref<1x!tpu.dma_semaphore, #tpu.memory_space<semaphore_mem>>
      %dma_start3A_232 = tpu.memref_squeeze %dma_start3A_231 : memref<1x!tpu.dma_semaphore, #tpu.memory_space<semaphore_mem>> -> memref<!tpu.dma_semaphore, #tpu.memory_space<semaphore_mem>>
      tpu.enqueue_indirect_dma source(%dma_start3A_224 : memref<128x64xf32, #tpu.memory_space<vmem>>) target(%dma_start3A_230 : memref<10112x64xf32, #tpu.memory_space<vmem_shared>>) offsets(%dma_start3A_227 : memref<128xi32, #tpu.memory_space<vmem>>) semaphore(%dma_start3A_232 : memref<!tpu.dma_semaphore, #tpu.memory_space<semaphore_mem>>) {add = true}
      %add3A_233 = arith.constant 2 : i32
      %add3A_234 = arith.addi %scan3A_182, %add3A_233 : i32
      %lt3A_235 = arith.constant 157 : i32
      %lt3A_236 = arith.cmpi slt, %add3A_234, %lt3A_235 : i32
      %convert_element_type3A_237 = arith.extui %lt3A_236 : i1 to i32
      %cond3A_238 = arith.constant 0 : i32
      %cond3A_239 = arith.cmpi ne, %convert_element_type3A_237, %cond3A_238 : i32
      scf.if %cond3A_239 {
        %add3A_240 = arith.constant 2 : i32
        %add3A_241 = arith.addi %scan3A_182, %add3A_240 : i32
        %add3A_242 = arith.constant 2 : i32
        %add3A_243 = arith.addi %scan3A_182, %add3A_242 : i32
        %rem3A_244 = arith.constant 2 : i32
        %rem3A_245 = arith.remsi %add3A_243, %rem3A_244 : i32
        %dma_start3A_246 = arith.constant 0 : i32
        %dma_start3A_247 = tpu.memref_slice %arg9[%rem3A_245, %dma_start3A_246] : memref<2x128xi32, #tpu.memory_space<vmem>> -> memref<1x128xi32, #tpu.memory_space<vmem>>
        %dma_start3A_248 = tpu.memref_squeeze %dma_start3A_247 : memref<1x128xi32, #tpu.memory_space<vmem>> -> memref<128xi32, #tpu.memory_space<vmem>>
        %dma_start3A_249 = arith.constant 0 : i32
        %dma_start3A_250 = tpu.memref_slice %arg3[%arg1, %add3A_241, %dma_start3A_249] : memref<16x157x128xi32, #tpu.memory_space<hbm>> -> memref<1x1x128xi32, #tpu.memory_space<hbm>>
        %dma_start3A_251 = tpu.memref_squeeze %dma_start3A_250 : memref<1x1x128xi32, #tpu.memory_space<hbm>> -> memref<128xi32, #tpu.memory_space<hbm>>
        %dma_start3A_252 = tpu.memref_slice %arg12[%rem3A_245] : memref<2x!tpu.dma_semaphore, #tpu.memory_space<semaphore_mem>> -> memref<1x!tpu.dma_semaphore, #tpu.memory_space<semaphore_mem>>
        %dma_start3A_253 = tpu.memref_squeeze %dma_start3A_252 : memref<1x!tpu.dma_semaphore, #tpu.memory_space<semaphore_mem>> -> memref<!tpu.dma_semaphore, #tpu.memory_space<semaphore_mem>>
        %dma_start3A_254 = arith.constant 0 : i32
        %dma_start3A_255 = tpu.memref_slice %arg9[%rem3A_245, %dma_start3A_254] : memref<2x128xi32, #tpu.memory_space<vmem>> -> memref<1x128xi32, #tpu.memory_space<vmem>>
        %dma_start3A_256 = tpu.memref_squeeze %dma_start3A_255 : memref<1x128xi32, #tpu.memory_space<vmem>> -> memref<128xi32, #tpu.memory_space<vmem>>
        %dma_start3A_257 = arith.constant 0 : i32
        %dma_start3A_258 = tpu.memref_slice %arg3[%arg1, %add3A_241, %dma_start3A_257] : memref<16x157x128xi32, #tpu.memory_space<hbm>> -> memref<1x1x128xi32, #tpu.memory_space<hbm>>
        %dma_start3A_259 = tpu.memref_squeeze %dma_start3A_258 : memref<1x1x128xi32, #tpu.memory_space<hbm>> -> memref<128xi32, #tpu.memory_space<hbm>>
        tpu.enqueue_dma source(%dma_start3A_259 : memref<128xi32, #tpu.memory_space<hbm>>) target(%dma_start3A_256 : memref<128xi32, #tpu.memory_space<vmem>>) target_semaphore(%dma_start3A_253 : memref<!tpu.dma_semaphore, #tpu.memory_space<semaphore_mem>>)
        %add3A_260 = arith.constant 2 : i32
        %add3A_261 = arith.addi %scan3A_182, %add3A_260 : i32
        %add3A_262 = arith.constant 2 : i32
        %add3A_263 = arith.addi %scan3A_182, %add3A_262 : i32
        %rem3A_264 = arith.constant 3 : i32
        %rem3A_265 = arith.remsi %add3A_263, %rem3A_264 : i32
        %dma_start3A_266 = arith.constant 0 : i32
        %dma_start3A_267 = tpu.memref_slice %arg10[%rem3A_265, %dma_start3A_266] : memref<3x128xi32, #tpu.memory_space<vmem>> -> memref<1x128xi32, #tpu.memory_space<vmem>>
        %dma_start3A_268 = tpu.memref_squeeze %dma_start3A_267 : memref<1x128xi32, #tpu.memory_space<vmem>> -> memref<128xi32, #tpu.memory_space<vmem>>
        %dma_start3A_269 = arith.constant 0 : i32
        %dma_start3A_270 = tpu.memref_slice %arg4[%arg1, %add3A_261, %dma_start3A_269] : memref<16x157x128xi32, #tpu.memory_space<hbm>> -> memref<1x1x128xi32, #tpu.memory_space<hbm>>
        %dma_start3A_271 = tpu.memref_squeeze %dma_start3A_270 : memref<1x1x128xi32, #tpu.memory_space<hbm>> -> memref<128xi32, #tpu.memory_space<hbm>>
        %dma_start3A_272 = tpu.memref_slice %arg13[%rem3A_265] : memref<3x!tpu.dma_semaphore, #tpu.memory_space<semaphore_mem>> -> memref<1x!tpu.dma_semaphore, #tpu.memory_space<semaphore_mem>>
        %dma_start3A_273 = tpu.memref_squeeze %dma_start3A_272 : memref<1x!tpu.dma_semaphore, #tpu.memory_space<semaphore_mem>> -> memref<!tpu.dma_semaphore, #tpu.memory_space<semaphore_mem>>
        %dma_start3A_274 = arith.constant 0 : i32
        %dma_start3A_275 = tpu.memref_slice %arg10[%rem3A_265, %dma_start3A_274] : memref<3x128xi32, #tpu.memory_space<vmem>> -> memref<1x128xi32, #tpu.memory_space<vmem>>
        %dma_start3A_276 = tpu.memref_squeeze %dma_start3A_275 : memref<1x128xi32, #tpu.memory_space<vmem>> -> memref<128xi32, #tpu.memory_space<vmem>>
        %dma_start3A_277 = arith.constant 0 : i32
        %dma_start3A_278 = tpu.memref_slice %arg4[%arg1, %add3A_261, %dma_start3A_277] : memref<16x157x128xi32, #tpu.memory_space<hbm>> -> memref<1x1x128xi32, #tpu.memory_space<hbm>>
        %dma_start3A_279 = tpu.memref_squeeze %dma_start3A_278 : memref<1x1x128xi32, #tpu.memory_space<hbm>> -> memref<128xi32, #tpu.memory_space<hbm>>
        tpu.enqueue_dma source(%dma_start3A_279 : memref<128xi32, #tpu.memory_space<hbm>>) target(%dma_start3A_276 : memref<128xi32, #tpu.memory_space<vmem>>) target_semaphore(%dma_start3A_273 : memref<!tpu.dma_semaphore, #tpu.memory_space<semaphore_mem>>)
      } else {
      }
    }
    %scan3A_141 = arith.constant 157 : i32
    %dma_wait3A_142 = arith.constant 0 : i32
    %dma_wait3A_143 = arith.constant 0 : i32
    %dma_wait3A_144 = arith.constant 0 : i32
    %dma_wait3A_145 = arith.constant 0 : i32
    %dma_wait3A_146 = arith.constant 0 : i32
    %dma_wait3A_147 = tpu.memref_slice %arg11[%dma_wait3A_142, %dma_wait3A_145, %dma_wait3A_146] : memref<2x128x64xf32, #tpu.memory_space<vmem>> -> memref<1x128x64xf32, #tpu.memory_space<vmem>>
    %dma_wait3A_148 = tpu.memref_squeeze %dma_wait3A_147 : memref<1x128x64xf32, #tpu.memory_space<vmem>> -> memref<128x64xf32, #tpu.memory_space<vmem>>
    %dma_wait3A_149 = arith.constant 0 : i32
    %dma_wait3A_150 = tpu.memref_slice %arg10[%dma_wait3A_143, %dma_wait3A_149] : memref<3x128xi32, #tpu.memory_space<vmem>> -> memref<1x128xi32, #tpu.memory_space<vmem>>
    %dma_wait3A_151 = tpu.memref_squeeze %dma_wait3A_150 : memref<1x128xi32, #tpu.memory_space<vmem>> -> memref<128xi32, #tpu.memory_space<vmem>>
    %dma_wait3A_152 = arith.constant 0 : i32
    %dma_wait3A_153 = arith.constant 0 : i32
    %dma_wait3A_154 = tpu.memref_slice %arg8[%dma_wait3A_152, %dma_wait3A_153] : memref<10112x64xf32, #tpu.memory_space<vmem_shared>> -> memref<10112x64xf32, #tpu.memory_space<vmem_shared>>
    %dma_wait3A_155 = tpu.memref_slice %arg15[%dma_wait3A_144] : memref<2x!tpu.dma_semaphore, #tpu.memory_space<semaphore_mem>> -> memref<1x!tpu.dma_semaphore, #tpu.memory_space<semaphore_mem>>
    %dma_wait3A_156 = tpu.memref_squeeze %dma_wait3A_155 : memref<1x!tpu.dma_semaphore, #tpu.memory_space<semaphore_mem>> -> memref<!tpu.dma_semaphore, #tpu.memory_space<semaphore_mem>>
    tpu.wait_indirect_dma semaphore(%dma_wait3A_156 : memref<!tpu.dma_semaphore, #tpu.memory_space<semaphore_mem>>) src(%dma_wait3A_148 : memref<128x64xf32, #tpu.memory_space<vmem>>) dst(%dma_wait3A_154 : memref<10112x64xf32, #tpu.memory_space<vmem_shared>>)
    %dma_wait3A_157 = arith.constant 1 : i32
    %dma_wait3A_158 = arith.constant 0 : i32
    %dma_wait3A_159 = arith.constant 1 : i32
    %dma_wait3A_160 = arith.constant 0 : i32
    %dma_wait3A_161 = arith.constant 0 : i32
    %dma_wait3A_162 = tpu.memref_slice %arg11[%dma_wait3A_157, %dma_wait3A_160, %dma_wait3A_161] : memref<2x128x64xf32, #tpu.memory_space<vmem>> -> memref<1x128x64xf32, #tpu.memory_space<vmem>>
    %dma_wait3A_163 = tpu.memref_squeeze %dma_wait3A_162 : memref<1x128x64xf32, #tpu.memory_space<vmem>> -> memref<128x64xf32, #tpu.memory_space<vmem>>
    %dma_wait3A_164 = arith.constant 0 : i32
    %dma_wait3A_165 = tpu.memref_slice %arg10[%dma_wait3A_158, %dma_wait3A_164] : memref<3x128xi32, #tpu.memory_space<vmem>> -> memref<1x128xi32, #tpu.memory_space<vmem>>
    %dma_wait3A_166 = tpu.memref_squeeze %dma_wait3A_165 : memref<1x128xi32, #tpu.memory_space<vmem>> -> memref<128xi32, #tpu.memory_space<vmem>>
    %dma_wait3A_167 = arith.constant 0 : i32
    %dma_wait3A_168 = arith.constant 0 : i32
    %dma_wait3A_169 = tpu.memref_slice %arg8[%dma_wait3A_167, %dma_wait3A_168] : memref<10112x64xf32, #tpu.memory_space<vmem_shared>> -> memref<10112x64xf32, #tpu.memory_space<vmem_shared>>
    %dma_wait3A_170 = tpu.memref_slice %arg15[%dma_wait3A_159] : memref<2x!tpu.dma_semaphore, #tpu.memory_space<semaphore_mem>> -> memref<1x!tpu.dma_semaphore, #tpu.memory_space<semaphore_mem>>
    %dma_wait3A_171 = tpu.memref_squeeze %dma_wait3A_170 : memref<1x!tpu.dma_semaphore, #tpu.memory_space<semaphore_mem>> -> memref<!tpu.dma_semaphore, #tpu.memory_space<semaphore_mem>>
    tpu.wait_indirect_dma semaphore(%dma_wait3A_171 : memref<!tpu.dma_semaphore, #tpu.memory_space<semaphore_mem>>) src(%dma_wait3A_163 : memref<128x64xf32, #tpu.memory_space<vmem>>) dst(%dma_wait3A_169 : memref<10112x64xf32, #tpu.memory_space<vmem_shared>>)
    %barrier3A_172 = arith.constant 0 : index
    tpu.barrier barrier_id(%barrier3A_172)
    %mul3A_173 = arith.constant 624 : i32
    %mul3A_174 = arith.muli %arg1, %mul3A_173 : i32
    %mul3A_175 = arith.constant 624 : i32
    %mul3A_176 = arith.muli %arg1, %mul3A_175 : i32
    "tpu.region"() ({
      %run_scoped3A = tpu.sem_alloc : memref<!tpu.dma_semaphore, #tpu.memory_space<semaphore_mem>>
      %dma_start3A_182 = arith.constant 0 : i32
      %dma_start3A_183 = tpu.memref_slice %arg6[%arg0, %mul3A_176, %dma_start3A_182] : memref<2x10000x64xf32, #tpu.memory_space<hbm>> -> memref<1x624x64xf32, #tpu.memory_space<hbm>>
      %dma_start3A_184 = tpu.memref_squeeze %dma_start3A_183 : memref<1x624x64xf32, #tpu.memory_space<hbm>> -> memref<624x64xf32, #tpu.memory_space<hbm>>
      %dma_start3A_185 = arith.constant 0 : i32
      %dma_start3A_186 = tpu.memref_slice %arg8[%mul3A_174, %dma_start3A_185] : memref<10112x64xf32, #tpu.memory_space<vmem_shared>> -> memref<624x64xf32, #tpu.memory_space<vmem_shared>>
      tpu.enqueue_dma source(%dma_start3A_186 : memref<624x64xf32, #tpu.memory_space<vmem_shared>>) target(%dma_start3A_184 : memref<624x64xf32, #tpu.memory_space<hbm>>) target_semaphore(%run_scoped3A : memref<!tpu.dma_semaphore, #tpu.memory_space<semaphore_mem>>)
      %dma_wait3A_187 = arith.constant 0 : i32
      %dma_wait3A_188 = tpu.memref_slice %arg6[%arg0, %mul3A_176, %dma_wait3A_187] : memref<2x10000x64xf32, #tpu.memory_space<hbm>> -> memref<1x624x64xf32, #tpu.memory_space<hbm>>
      %dma_wait3A_189 = tpu.memref_squeeze %dma_wait3A_188 : memref<1x624x64xf32, #tpu.memory_space<hbm>> -> memref<624x64xf32, #tpu.memory_space<hbm>>
      %dma_wait3A_190 = arith.constant 0 : i32
      %dma_wait3A_191 = tpu.memref_slice %arg8[%mul3A_174, %dma_wait3A_190] : memref<10112x64xf32, #tpu.memory_space<vmem_shared>> -> memref<624x64xf32, #tpu.memory_space<vmem_shared>>
      tpu.wait_dma2 semaphore(%run_scoped3A : memref<!tpu.dma_semaphore, #tpu.memory_space<semaphore_mem>>) src(%dma_wait3A_191 : memref<624x64xf32, #tpu.memory_space<vmem_shared>>) dst(%dma_wait3A_189 : memref<624x64xf32, #tpu.memory_space<hbm>>)
      tpu.yield
    }) : () -> ()
    %eq3A_177 = arith.constant 15 : i32
    %eq3A_178 = arith.cmpi eq, %arg1, %eq3A_177 : i32
    %convert_element_type3A_179 = arith.extui %eq3A_178 : i1 to i32
    %cond3A_180 = arith.constant 0 : i32
    %cond3A_181 = arith.cmpi ne, %convert_element_type3A_179, %cond3A_180 : i32
    scf.if %cond3A_181 {
      "tpu.region"() ({
        %run_scoped3A = tpu.sem_alloc : memref<!tpu.dma_semaphore, #tpu.memory_space<semaphore_mem>>
        %dma_start3A_182 = arith.constant 9984 : i32
        %dma_start3A_183 = arith.constant 0 : i32
        %dma_start3A_184 = tpu.memref_slice %arg6[%arg0, %dma_start3A_182, %dma_start3A_183] : memref<2x10000x64xf32, #tpu.memory_space<hbm>> -> memref<1x16x64xf32, #tpu.memory_space<hbm>>
        %dma_start3A_185 = tpu.memref_squeeze %dma_start3A_184 : memref<1x16x64xf32, #tpu.memory_space<hbm>> -> memref<16x64xf32, #tpu.memory_space<hbm>>
        %dma_start3A_186 = arith.constant 9984 : i32
        %dma_start3A_187 = arith.constant 0 : i32
        %dma_start3A_188 = tpu.memref_slice %arg8[%dma_start3A_186, %dma_start3A_187] : memref<10112x64xf32, #tpu.memory_space<vmem_shared>> -> memref<16x64xf32, #tpu.memory_space<vmem_shared>>
        tpu.enqueue_dma source(%dma_start3A_188 : memref<16x64xf32, #tpu.memory_space<vmem_shared>>) target(%dma_start3A_185 : memref<16x64xf32, #tpu.memory_space<hbm>>) target_semaphore(%run_scoped3A : memref<!tpu.dma_semaphore, #tpu.memory_space<semaphore_mem>>)
        %dma_wait3A_189 = arith.constant 9984 : i32
        %dma_wait3A_190 = arith.constant 0 : i32
        %dma_wait3A_191 = tpu.memref_slice %arg6[%arg0, %dma_wait3A_189, %dma_wait3A_190] : memref<2x10000x64xf32, #tpu.memory_space<hbm>> -> memref<1x16x64xf32, #tpu.memory_space<hbm>>
        %dma_wait3A_192 = tpu.memref_squeeze %dma_wait3A_191 : memref<1x16x64xf32, #tpu.memory_space<hbm>> -> memref<16x64xf32, #tpu.memory_space<hbm>>
        %dma_wait3A_193 = arith.constant 9984 : i32
        %dma_wait3A_194 = arith.constant 0 : i32
        %dma_wait3A_195 = tpu.memref_slice %arg8[%dma_wait3A_193, %dma_wait3A_194] : memref<10112x64xf32, #tpu.memory_space<vmem_shared>> -> memref<16x64xf32, #tpu.memory_space<vmem_shared>>
        tpu.wait_dma2 semaphore(%run_scoped3A : memref<!tpu.dma_semaphore, #tpu.memory_space<semaphore_mem>>) src(%dma_wait3A_195 : memref<16x64xf32, #tpu.memory_space<vmem_shared>>) dst(%dma_wait3A_192 : memref<16x64xf32, #tpu.memory_space<hbm>>)
        tpu.yield
      }) : () -> ()
    } else {
    }
    return
  }
}

module attributes {stable_mosaic.version = 14 : i64} {
  func.func @_tc_layer_body(%arg0: i32, %arg1: i32, %arg2: memref<2000x128xf32, #tpu.memory_space<vmem>>, %arg3: memref<2x2000x64xf32, #tpu.memory_space<vmem>>, %arg4: memref<128x128xf32, #tpu.memory_space<vmem>>, %arg5: memref<128x128xf32, #tpu.memory_space<vmem>>, %arg6: memref<1x128xf32, #tpu.memory_space<vmem>>, %arg7: memref<1x128xf32, #tpu.memory_space<vmem>>, %arg8: memref<1x128xf32, #tpu.memory_space<vmem>>, %arg9: memref<1x128xf32, #tpu.memory_space<vmem>>, %arg10: memref<2000x128xf32, #tpu.memory_space<vmem>>, %arg11: memref<2x2000x64xf32, #tpu.memory_space<vmem>>, %arg12: memref<10000x128xf32, #tpu.memory_space<vmem>>, %arg13: memref<8x128xf32, #tpu.memory_space<vmem>>) attributes {dimension_semantics = [#tpu.dimension_semantics<arbitrary>, #tpu.dimension_semantics<arbitrary>], iteration_bounds = array<i64: 3, 5>, scalar_prefetch = 0 : i64, scratch_operands = 2 : i64, tpu.core_type = #tpu.core_type<tc>, window_params = [{transform_indices = @transform_0, window_bounds = array<i64: 2000, 128>}, {transform_indices = @transform_1, window_bounds = array<i64: 2, 2000, 64>}, {pipeline_mode = #tpu.pipeline_mode<synchronous>, transform_indices = @transform_2, window_bounds = array<i64: 128, 128>}, {pipeline_mode = #tpu.pipeline_mode<synchronous>, transform_indices = @transform_3, window_bounds = array<i64: 128, 128>}, {pipeline_mode = #tpu.pipeline_mode<synchronous>, transform_indices = @transform_4, window_bounds = array<i64: 1, 128>}, {pipeline_mode = #tpu.pipeline_mode<synchronous>, transform_indices = @transform_5, window_bounds = array<i64: 1, 128>}, {pipeline_mode = #tpu.pipeline_mode<synchronous>, transform_indices = @transform_6, window_bounds = array<i64: 1, 128>}, {pipeline_mode = #tpu.pipeline_mode<synchronous>, transform_indices = @transform_7, window_bounds = array<i64: 1, 128>}, {transform_indices = @transform_8, window_bounds = array<i64: 2000, 128>}, {transform_indices = @transform_9, window_bounds = array<i64: 2, 2000, 64>}]} {
    %eq3A = arith.constant 0 : i32
    %eq3A_0 = arith.cmpi eq, %arg0, %eq3A : i32
    %convert_element_type3A = arith.extui %eq3A_0 : i1 to i32
    %cond3A = arith.constant 0 : i32
    %cond3A_1 = arith.cmpi ne, %convert_element_type3A, %cond3A : i32
    scf.if %cond3A_1 {
      %get3A = arith.constant 0 : index
      %get3A_12 = arith.constant 0 : index
      %get3A_13 = arith.constant 0 : index
      %get3A_14 = vector.load %arg3[%get3A, %get3A_12, %get3A_13] : memref<2x2000x64xf32, #tpu.memory_space<vmem>>, vector<1x2000x64xf32>
      %get3A_15 = vector.shape_cast %get3A_14 : vector<1x2000x64xf32> to vector<2000x64xf32>
      %get3A_16 = arith.constant 1 : index
      %get3A_17 = arith.constant 0 : index
      %get3A_18 = arith.constant 0 : index
      %get3A_19 = vector.load %arg3[%get3A_16, %get3A_17, %get3A_18] : memref<2x2000x64xf32, #tpu.memory_space<vmem>>, vector<1x2000x64xf32>
      %get3A_20 = vector.shape_cast %get3A_19 : vector<1x2000x64xf32> to vector<2000x64xf32>
      %concatenate3A = tpu.concatenate %get3A_15, %get3A_20 in 1 : vector<2000x64xf32>, vector<2000x64xf32> -> vector<2000x128xf32>
      %get3A_21 = arith.constant 0 : index
      %get3A_22 = arith.constant 0 : index
      %get3A_23 = vector.load %arg2[%get3A_21, %get3A_22] : memref<2000x128xf32, #tpu.memory_space<vmem>>, vector<2000x128xf32>
      %add3A = arith.addf %get3A_23, %concatenate3A : vector<2000x128xf32>
      %get3A_24 = arith.constant 0 : index
      %get3A_25 = arith.constant 0 : index
      %get3A_26 = vector.load %arg4[%get3A_24, %get3A_25] : memref<128x128xf32, #tpu.memory_space<vmem>>, vector<128x128xf32>
      %dot_general3A = arith.constant dense<0.000000e+00> : vector<2000x128xf32>
      %dot_general3A_27 = tpu.matmul %add3A, %get3A_26, %dot_general3A {dimension_numbers = #tpu.dot_dimension_numbers<[1], [1], [0], [0], [0, 0, 1, 0], [], []>, transpose_lhs_hint = false} : vector<2000x128xf32>, vector<128x128xf32>, vector<2000x128xf32> -> vector<2000x128xf32>
      %mul3A = arith.constant 2000 : i32
      %mul3A_28 = arith.muli %arg1, %mul3A : i32
      %swap3A = arith.index_cast %mul3A_28 : i32 to index
      %swap3A_29 = arith.constant 0 : index
      %swap3A_30 = vector.load %arg12[%swap3A, %swap3A_29] : memref<10000x128xf32, #tpu.memory_space<vmem>>, vector<2000x128xf32>
      tpu.vector_store %arg12[%swap3A, %swap3A_29], %dot_general3A_27 {strides = array<i32>} : memref<10000x128xf32, #tpu.memory_space<vmem>>, vector<2000x128xf32>,
      %reduce_sum3A = arith.constant dense<0.000000e+00> : vector<128xf32>
      %reduce_sum3A_31 = vector.multi_reduction <add>, %dot_general3A_27, %reduce_sum3A [0] : vector<2000x128xf32> to vector<128xf32>
      %broadcast_in_dim3A = vector.shape_cast %reduce_sum3A_31 : vector<128xf32> to vector<1x128xf32>
      %mul3A_32 = arith.mulf %dot_general3A_27, %dot_general3A_27 : vector<2000x128xf32>
      %reduce_sum3A_33 = arith.constant dense<0.000000e+00> : vector<128xf32>
      %reduce_sum3A_34 = vector.multi_reduction <add>, %mul3A_32, %reduce_sum3A_33 [0] : vector<2000x128xf32> to vector<128xf32>
      %broadcast_in_dim3A_35 = vector.shape_cast %reduce_sum3A_34 : vector<128xf32> to vector<1x128xf32>
      %eq3A_36 = arith.constant 0 : i32
      %eq3A_37 = arith.cmpi eq, %arg1, %eq3A_36 : i32
      %convert_element_type3A_38 = arith.extui %eq3A_37 : i1 to i32
      %cond3A_39 = arith.constant 0 : i32
      %cond3A_40 = arith.cmpi ne, %convert_element_type3A_38, %cond3A_39 : i32
      scf.if %cond3A_40 {
        %swap3A_45 = arith.constant 0 : index
        %swap3A_46 = arith.constant 0 : index
        %swap3A_47 = vector.load %arg13[%swap3A_45, %swap3A_46] : memref<8x128xf32, #tpu.memory_space<vmem>>, vector<1x128xf32>
        tpu.vector_store %arg13[%swap3A_45, %swap3A_46], %broadcast_in_dim3A {strides = array<i32>} : memref<8x128xf32, #tpu.memory_space<vmem>>, vector<1x128xf32>,
        %swap3A_48 = arith.constant 1 : index
        %swap3A_49 = arith.constant 0 : index
        %swap3A_50 = vector.load %arg13[%swap3A_48, %swap3A_49] : memref<8x128xf32, #tpu.memory_space<vmem>>, vector<1x128xf32>
        tpu.vector_store %arg13[%swap3A_48, %swap3A_49], %broadcast_in_dim3A_35 {strides = array<i32>} : memref<8x128xf32, #tpu.memory_space<vmem>>, vector<1x128xf32>,
      } else {
      }
      %gt3A = arith.constant 0 : i32
      %gt3A_41 = arith.cmpi sgt, %arg1, %gt3A : i32
      %convert_element_type3A_42 = arith.extui %gt3A_41 : i1 to i32
      %cond3A_43 = arith.constant 0 : i32
      %cond3A_44 = arith.cmpi ne, %convert_element_type3A_42, %cond3A_43 : i32
      scf.if %cond3A_44 {
        %get3A_45 = arith.constant 0 : index
        %get3A_46 = arith.constant 0 : index
        %get3A_47 = vector.load %arg13[%get3A_45, %get3A_46] : memref<8x128xf32, #tpu.memory_space<vmem>>, vector<1x128xf32>
        %add3A_48 = arith.addf %get3A_47, %broadcast_in_dim3A : vector<1x128xf32>
        %swap3A_49 = arith.constant 0 : index
        %swap3A_50 = arith.constant 0 : index
        %swap3A_51 = vector.load %arg13[%swap3A_49, %swap3A_50] : memref<8x128xf32, #tpu.memory_space<vmem>>, vector<1x128xf32>
        tpu.vector_store %arg13[%swap3A_49, %swap3A_50], %add3A_48 {strides = array<i32>} : memref<8x128xf32, #tpu.memory_space<vmem>>, vector<1x128xf32>,
        %get3A_52 = arith.constant 1 : index
        %get3A_53 = arith.constant 0 : index
        %get3A_54 = vector.load %arg13[%get3A_52, %get3A_53] : memref<8x128xf32, #tpu.memory_space<vmem>>, vector<1x128xf32>
        %add3A_55 = arith.addf %get3A_54, %broadcast_in_dim3A_35 : vector<1x128xf32>
        %swap3A_56 = arith.constant 1 : index
        %swap3A_57 = arith.constant 0 : index
        %swap3A_58 = vector.load %arg13[%swap3A_56, %swap3A_57] : memref<8x128xf32, #tpu.memory_space<vmem>>, vector<1x128xf32>
        tpu.vector_store %arg13[%swap3A_56, %swap3A_57], %add3A_55 {strides = array<i32>} : memref<8x128xf32, #tpu.memory_space<vmem>>, vector<1x128xf32>,
      } else {
      }
    } else {
    }
    %eq3A_2 = arith.constant 1 : i32
    %eq3A_3 = arith.cmpi eq, %arg0, %eq3A_2 : i32
    %convert_element_type3A_4 = arith.extui %eq3A_3 : i1 to i32
    %cond3A_5 = arith.constant 0 : i32
    %cond3A_6 = arith.cmpi ne, %convert_element_type3A_4, %cond3A_5 : i32
    scf.if %cond3A_6 {
      %get3A = arith.constant 0 : index
      %get3A_12 = arith.constant 0 : index
      %get3A_13 = vector.load %arg13[%get3A, %get3A_12] : memref<8x128xf32, #tpu.memory_space<vmem>>, vector<1x128xf32>
      %div3A = arith.constant 1.000000e+04 : f32
      %div3A_14 = vector.broadcast %div3A : f32 to vector<1x128xf32>
      %div3A_15 = arith.divf %get3A_13, %div3A_14 : vector<1x128xf32>
      %get3A_16 = arith.constant 1 : index
      %get3A_17 = arith.constant 0 : index
      %get3A_18 = vector.load %arg13[%get3A_16, %get3A_17] : memref<8x128xf32, #tpu.memory_space<vmem>>, vector<1x128xf32>
      %div3A_19 = arith.constant 1.000000e+04 : f32
      %div3A_20 = vector.broadcast %div3A_19 : f32 to vector<1x128xf32>
      %div3A_21 = arith.divf %get3A_18, %div3A_20 : vector<1x128xf32>
      %mul3A = arith.mulf %div3A_15, %div3A_15 : vector<1x128xf32>
      %sub3A = arith.subf %div3A_21, %mul3A : vector<1x128xf32>
      %get3A_22 = arith.constant 0 : index
      %get3A_23 = arith.constant 0 : index
      %get3A_24 = vector.load %arg6[%get3A_22, %get3A_23] : memref<1x128xf32, #tpu.memory_space<vmem>>, vector<1x128xf32>
      %add3A = arith.constant 9.99999974E-6 : f32
      %add3A_25 = vector.broadcast %add3A : f32 to vector<1x128xf32>
      %add3A_26 = arith.addf %sub3A, %add3A_25 : vector<1x128xf32>
      %rsqrt3A = math.rsqrt %add3A_26 : vector<1x128xf32>
      %mul3A_27 = arith.mulf %get3A_24, %rsqrt3A : vector<1x128xf32>
      %get3A_28 = arith.constant 0 : index
      %get3A_29 = arith.constant 0 : index
      %get3A_30 = vector.load %arg7[%get3A_28, %get3A_29] : memref<1x128xf32, #tpu.memory_space<vmem>>, vector<1x128xf32>
      %mul3A_31 = arith.mulf %div3A_15, %mul3A_27 : vector<1x128xf32>
      %sub3A_32 = arith.subf %get3A_30, %mul3A_31 : vector<1x128xf32>
      %mul3A_33 = arith.constant 2000 : i32
      %mul3A_34 = arith.muli %arg1, %mul3A_33 : i32
      %get3A_35 = arith.index_cast %mul3A_34 : i32 to index
      %get3A_36 = arith.constant 0 : index
      %get3A_37 = vector.load %arg12[%get3A_35, %get3A_36] : memref<10000x128xf32, #tpu.memory_space<vmem>>, vector<2000x128xf32>
      %mul3A_38 = vector.broadcast %mul3A_27 : vector<1x128xf32> to vector<2000x128xf32>
      %mul3A_39 = arith.mulf %get3A_37, %mul3A_38 : vector<2000x128xf32>
      %add3A_40 = vector.broadcast %sub3A_32 : vector<1x128xf32> to vector<2000x128xf32>
      %add3A_41 = arith.addf %mul3A_39, %add3A_40 : vector<2000x128xf32>
      %ge3A = arith.constant 0.000000e+00 : f32
      %ge3A_42 = vector.broadcast %ge3A : f32 to vector<2000x128xf32>
      %ge3A_43 = arith.cmpf oge, %add3A_41, %ge3A_42 : vector<2000x128xf32>
      %mul3A_44 = arith.constant 0.00999999977 : f32
      %mul3A_45 = vector.broadcast %mul3A_44 : f32 to vector<2000x128xf32>
      %mul3A_46 = arith.mulf %mul3A_45, %add3A_41 : vector<2000x128xf32>
      %select_n3A = arith.select %ge3A_43, %add3A_41, %mul3A_46 : vector<2000x128xi1>, vector<2000x128xf32>
      %get3A_47 = arith.constant 0 : index
      %get3A_48 = arith.constant 0 : index
      %get3A_49 = vector.load %arg5[%get3A_47, %get3A_48] : memref<128x128xf32, #tpu.memory_space<vmem>>, vector<128x128xf32>
      %dot_general3A = arith.constant dense<0.000000e+00> : vector<2000x128xf32>
      %dot_general3A_50 = tpu.matmul %select_n3A, %get3A_49, %dot_general3A {dimension_numbers = #tpu.dot_dimension_numbers<[1], [1], [0], [0], [0, 0, 1, 0], [], []>, transpose_lhs_hint = false} : vector<2000x128xf32>, vector<128x128xf32>, vector<2000x128xf32> -> vector<2000x128xf32>
      %mul3A_51 = arith.constant 2000 : i32
      %mul3A_52 = arith.muli %arg1, %mul3A_51 : i32
      %swap3A = arith.index_cast %mul3A_52 : i32 to index
      %swap3A_53 = arith.constant 0 : index
      %swap3A_54 = vector.load %arg12[%swap3A, %swap3A_53] : memref<10000x128xf32, #tpu.memory_space<vmem>>, vector<2000x128xf32>
      tpu.vector_store %arg12[%swap3A, %swap3A_53], %dot_general3A_50 {strides = array<i32>} : memref<10000x128xf32, #tpu.memory_space<vmem>>, vector<2000x128xf32>,
      %reduce_sum3A = arith.constant dense<0.000000e+00> : vector<128xf32>
      %reduce_sum3A_55 = vector.multi_reduction <add>, %dot_general3A_50, %reduce_sum3A [0] : vector<2000x128xf32> to vector<128xf32>
      %broadcast_in_dim3A = vector.shape_cast %reduce_sum3A_55 : vector<128xf32> to vector<1x128xf32>
      %mul3A_56 = arith.mulf %dot_general3A_50, %dot_general3A_50 : vector<2000x128xf32>
      %reduce_sum3A_57 = arith.constant dense<0.000000e+00> : vector<128xf32>
      %reduce_sum3A_58 = vector.multi_reduction <add>, %mul3A_56, %reduce_sum3A_57 [0] : vector<2000x128xf32> to vector<128xf32>
      %broadcast_in_dim3A_59 = vector.shape_cast %reduce_sum3A_58 : vector<128xf32> to vector<1x128xf32>
      %eq3A_60 = arith.constant 0 : i32
      %eq3A_61 = arith.cmpi eq, %arg1, %eq3A_60 : i32
      %convert_element_type3A_62 = arith.extui %eq3A_61 : i1 to i32
      %cond3A_63 = arith.constant 0 : i32
      %cond3A_64 = arith.cmpi ne, %convert_element_type3A_62, %cond3A_63 : i32
      scf.if %cond3A_64 {
        %swap3A_69 = arith.constant 2 : index
        %swap3A_70 = arith.constant 0 : index
        %swap3A_71 = vector.load %arg13[%swap3A_69, %swap3A_70] : memref<8x128xf32, #tpu.memory_space<vmem>>, vector<1x128xf32>
        tpu.vector_store %arg13[%swap3A_69, %swap3A_70], %broadcast_in_dim3A {strides = array<i32>} : memref<8x128xf32, #tpu.memory_space<vmem>>, vector<1x128xf32>,
        %swap3A_72 = arith.constant 3 : index
        %swap3A_73 = arith.constant 0 : index
        %swap3A_74 = vector.load %arg13[%swap3A_72, %swap3A_73] : memref<8x128xf32, #tpu.memory_space<vmem>>, vector<1x128xf32>
        tpu.vector_store %arg13[%swap3A_72, %swap3A_73], %broadcast_in_dim3A_59 {strides = array<i32>} : memref<8x128xf32, #tpu.memory_space<vmem>>, vector<1x128xf32>,
      } else {
      }
      %gt3A = arith.constant 0 : i32
      %gt3A_65 = arith.cmpi sgt, %arg1, %gt3A : i32
      %convert_element_type3A_66 = arith.extui %gt3A_65 : i1 to i32
      %cond3A_67 = arith.constant 0 : i32
      %cond3A_68 = arith.cmpi ne, %convert_element_type3A_66, %cond3A_67 : i32
      scf.if %cond3A_68 {
        %get3A_69 = arith.constant 2 : index
        %get3A_70 = arith.constant 0 : index
        %get3A_71 = vector.load %arg13[%get3A_69, %get3A_70] : memref<8x128xf32, #tpu.memory_space<vmem>>, vector<1x128xf32>
        %add3A_72 = arith.addf %get3A_71, %broadcast_in_dim3A : vector<1x128xf32>
        %swap3A_73 = arith.constant 2 : index
        %swap3A_74 = arith.constant 0 : index
        %swap3A_75 = vector.load %arg13[%swap3A_73, %swap3A_74] : memref<8x128xf32, #tpu.memory_space<vmem>>, vector<1x128xf32>
        tpu.vector_store %arg13[%swap3A_73, %swap3A_74], %add3A_72 {strides = array<i32>} : memref<8x128xf32, #tpu.memory_space<vmem>>, vector<1x128xf32>,
        %get3A_76 = arith.constant 3 : index
        %get3A_77 = arith.constant 0 : index
        %get3A_78 = vector.load %arg13[%get3A_76, %get3A_77] : memref<8x128xf32, #tpu.memory_space<vmem>>, vector<1x128xf32>
        %add3A_79 = arith.addf %get3A_78, %broadcast_in_dim3A_59 : vector<1x128xf32>
        %swap3A_80 = arith.constant 3 : index
        %swap3A_81 = arith.constant 0 : index
        %swap3A_82 = vector.load %arg13[%swap3A_80, %swap3A_81] : memref<8x128xf32, #tpu.memory_space<vmem>>, vector<1x128xf32>
        tpu.vector_store %arg13[%swap3A_80, %swap3A_81], %add3A_79 {strides = array<i32>} : memref<8x128xf32, #tpu.memory_space<vmem>>, vector<1x128xf32>,
      } else {
      }
    } else {
    }
    %eq3A_7 = arith.constant 2 : i32
    %eq3A_8 = arith.cmpi eq, %arg0, %eq3A_7 : i32
    %convert_element_type3A_9 = arith.extui %eq3A_8 : i1 to i32
    %cond3A_10 = arith.constant 0 : i32
    %cond3A_11 = arith.cmpi ne, %convert_element_type3A_9, %cond3A_10 : i32
    scf.if %cond3A_11 {
      %get3A = arith.constant 2 : index
      %get3A_12 = arith.constant 0 : index
      %get3A_13 = vector.load %arg13[%get3A, %get3A_12] : memref<8x128xf32, #tpu.memory_space<vmem>>, vector<1x128xf32>
      %div3A = arith.constant 1.000000e+04 : f32
      %div3A_14 = vector.broadcast %div3A : f32 to vector<1x128xf32>
      %div3A_15 = arith.divf %get3A_13, %div3A_14 : vector<1x128xf32>
      %get3A_16 = arith.constant 3 : index
      %get3A_17 = arith.constant 0 : index
      %get3A_18 = vector.load %arg13[%get3A_16, %get3A_17] : memref<8x128xf32, #tpu.memory_space<vmem>>, vector<1x128xf32>
      %div3A_19 = arith.constant 1.000000e+04 : f32
      %div3A_20 = vector.broadcast %div3A_19 : f32 to vector<1x128xf32>
      %div3A_21 = arith.divf %get3A_18, %div3A_20 : vector<1x128xf32>
      %mul3A = arith.mulf %div3A_15, %div3A_15 : vector<1x128xf32>
      %sub3A = arith.subf %div3A_21, %mul3A : vector<1x128xf32>
      %get3A_22 = arith.constant 0 : index
      %get3A_23 = arith.constant 0 : index
      %get3A_24 = vector.load %arg8[%get3A_22, %get3A_23] : memref<1x128xf32, #tpu.memory_space<vmem>>, vector<1x128xf32>
      %add3A = arith.constant 9.99999974E-6 : f32
      %add3A_25 = vector.broadcast %add3A : f32 to vector<1x128xf32>
      %add3A_26 = arith.addf %sub3A, %add3A_25 : vector<1x128xf32>
      %rsqrt3A = math.rsqrt %add3A_26 : vector<1x128xf32>
      %mul3A_27 = arith.mulf %get3A_24, %rsqrt3A : vector<1x128xf32>
      %get3A_28 = arith.constant 0 : index
      %get3A_29 = arith.constant 0 : index
      %get3A_30 = vector.load %arg9[%get3A_28, %get3A_29] : memref<1x128xf32, #tpu.memory_space<vmem>>, vector<1x128xf32>
      %mul3A_31 = arith.mulf %div3A_15, %mul3A_27 : vector<1x128xf32>
      %sub3A_32 = arith.subf %get3A_30, %mul3A_31 : vector<1x128xf32>
      %mul3A_33 = arith.constant 2000 : i32
      %mul3A_34 = arith.muli %arg1, %mul3A_33 : i32
      %get3A_35 = arith.index_cast %mul3A_34 : i32 to index
      %get3A_36 = arith.constant 0 : index
      %get3A_37 = vector.load %arg12[%get3A_35, %get3A_36] : memref<10000x128xf32, #tpu.memory_space<vmem>>, vector<2000x128xf32>
      %mul3A_38 = vector.broadcast %mul3A_27 : vector<1x128xf32> to vector<2000x128xf32>
      %mul3A_39 = arith.mulf %get3A_37, %mul3A_38 : vector<2000x128xf32>
      %add3A_40 = vector.broadcast %sub3A_32 : vector<1x128xf32> to vector<2000x128xf32>
      %add3A_41 = arith.addf %mul3A_39, %add3A_40 : vector<2000x128xf32>
      %ge3A = arith.constant 0.000000e+00 : f32
      %ge3A_42 = vector.broadcast %ge3A : f32 to vector<2000x128xf32>
      %ge3A_43 = arith.cmpf oge, %add3A_41, %ge3A_42 : vector<2000x128xf32>
      %mul3A_44 = arith.constant 0.00999999977 : f32
      %mul3A_45 = vector.broadcast %mul3A_44 : f32 to vector<2000x128xf32>
      %mul3A_46 = arith.mulf %mul3A_45, %add3A_41 : vector<2000x128xf32>
      %select_n3A = arith.select %ge3A_43, %add3A_41, %mul3A_46 : vector<2000x128xi1>, vector<2000x128xf32>
      %swap3A = arith.constant 0 : index
      %swap3A_47 = arith.constant 0 : index
      %swap3A_48 = vector.load %arg10[%swap3A, %swap3A_47] : memref<2000x128xf32, #tpu.memory_space<vmem>>, vector<2000x128xf32>
      tpu.vector_store %arg10[%swap3A, %swap3A_47], %select_n3A {strides = array<i32>} : memref<2000x128xf32, #tpu.memory_space<vmem>>, vector<2000x128xf32>,
      %slice3A = vector.extract_strided_slice %select_n3A {offsets = [0, 0], sizes = [2000, 64], strides = [1, 1]} : vector<2000x128xf32> to vector<2000x64xf32>
      %swap3A_49 = arith.constant 0 : index
      %swap3A_50 = arith.constant 0 : index
      %swap3A_51 = arith.constant 0 : index
      %swap3A_52 = vector.load %arg11[%swap3A_49, %swap3A_50, %swap3A_51] : memref<2x2000x64xf32, #tpu.memory_space<vmem>>, vector<1x2000x64xf32>
      %swap3A_53 = vector.shape_cast %swap3A_52 : vector<1x2000x64xf32> to vector<2000x64xf32>
      %swap3A_54 = vector.shape_cast %slice3A : vector<2000x64xf32> to vector<1x2000x64xf32>
      tpu.vector_store %arg11[%swap3A_49, %swap3A_50, %swap3A_51], %swap3A_54 {strides = array<i32>} : memref<2x2000x64xf32, #tpu.memory_space<vmem>>, vector<1x2000x64xf32>,
      %slice3A_55 = vector.extract_strided_slice %select_n3A {offsets = [0, 64], sizes = [2000, 64], strides = [1, 1]} : vector<2000x128xf32> to vector<2000x64xf32>
      %swap3A_56 = arith.constant 1 : index
      %swap3A_57 = arith.constant 0 : index
      %swap3A_58 = arith.constant 0 : index
      %swap3A_59 = vector.load %arg11[%swap3A_56, %swap3A_57, %swap3A_58] : memref<2x2000x64xf32, #tpu.memory_space<vmem>>, vector<1x2000x64xf32>
      %swap3A_60 = vector.shape_cast %swap3A_59 : vector<1x2000x64xf32> to vector<2000x64xf32>
      %swap3A_61 = vector.shape_cast %slice3A_55 : vector<2000x64xf32> to vector<1x2000x64xf32>
      tpu.vector_store %arg11[%swap3A_56, %swap3A_57, %swap3A_58], %swap3A_61 {strides = array<i32>} : memref<2x2000x64xf32, #tpu.memory_space<vmem>>, vector<1x2000x64xf32>,
    } else {
    }
    return
  }
  func.func @transform_0(%arg0: i32, %arg1: i32) -> (i32, i32) {
    %eq3A = arith.constant 0 : i32
    %eq3A_0 = arith.cmpi eq, %arg0, %eq3A : i32
    %jit3A = arith.constant 0 : i32
    %select_n3A = arith.select %eq3A_0, %arg1, %jit3A : i32
    %c0_i32 = arith.constant 0 : i32
    %c0_i32_1 = arith.constant 0 : i32
    return %select_n3A, %c0_i32 : i32, i32
  }
  func.func @transform_1(%arg0: i32, %arg1: i32) -> (i32, i32, i32) {
    %eq3A = arith.constant 0 : i32
    %eq3A_0 = arith.cmpi eq, %arg0, %eq3A : i32
    %jit3A = arith.constant 0 : i32
    %select_n3A = arith.select %eq3A_0, %arg1, %jit3A : i32
    %c0_i32 = arith.constant 0 : i32
    %c0_i32_1 = arith.constant 0 : i32
    %c0_i32_2 = arith.constant 0 : i32
    return %c0_i32, %select_n3A, %c0_i32_1 : i32, i32, i32
  }
  func.func @transform_2(%arg0: i32, %arg1: i32) -> (i32, i32) {
    %c0_i32 = arith.constant 0 : i32
    %c0_i32_0 = arith.constant 0 : i32
    %c0_i32_1 = arith.constant 0 : i32
    return %c0_i32, %c0_i32_0 : i32, i32
  }
  func.func @transform_3(%arg0: i32, %arg1: i32) -> (i32, i32) {
    %c0_i32 = arith.constant 0 : i32
    %c0_i32_0 = arith.constant 0 : i32
    %c0_i32_1 = arith.constant 0 : i32
    return %c0_i32, %c0_i32_0 : i32, i32
  }
  func.func @transform_4(%arg0: i32, %arg1: i32) -> (i32, i32) {
    %c0_i32 = arith.constant 0 : i32
    %c0_i32_0 = arith.constant 0 : i32
    %c0_i32_1 = arith.constant 0 : i32
    return %c0_i32, %c0_i32_0 : i32, i32
  }
  func.func @transform_5(%arg0: i32, %arg1: i32) -> (i32, i32) {
    %c0_i32 = arith.constant 0 : i32
    %c0_i32_0 = arith.constant 0 : i32
    %c0_i32_1 = arith.constant 0 : i32
    return %c0_i32, %c0_i32_0 : i32, i32
  }
  func.func @transform_6(%arg0: i32, %arg1: i32) -> (i32, i32) {
    %c0_i32 = arith.constant 0 : i32
    %c0_i32_0 = arith.constant 0 : i32
    %c0_i32_1 = arith.constant 0 : i32
    return %c0_i32, %c0_i32_0 : i32, i32
  }
  func.func @transform_7(%arg0: i32, %arg1: i32) -> (i32, i32) {
    %c0_i32 = arith.constant 0 : i32
    %c0_i32_0 = arith.constant 0 : i32
    %c0_i32_1 = arith.constant 0 : i32
    return %c0_i32, %c0_i32_0 : i32, i32
  }
  func.func @transform_8(%arg0: i32, %arg1: i32) -> (i32, i32) {
    %eq3A = arith.constant 2 : i32
    %eq3A_0 = arith.cmpi eq, %arg0, %eq3A : i32
    %jit3A = arith.constant 0 : i32
    %select_n3A = arith.select %eq3A_0, %arg1, %jit3A : i32
    %c0_i32 = arith.constant 0 : i32
    %c0_i32_1 = arith.constant 0 : i32
    return %select_n3A, %c0_i32 : i32, i32
  }
  func.func @transform_9(%arg0: i32, %arg1: i32) -> (i32, i32, i32) {
    %eq3A = arith.constant 2 : i32
    %eq3A_0 = arith.cmpi eq, %arg0, %eq3A : i32
    %jit3A = arith.constant 0 : i32
    %select_n3A = arith.select %eq3A_0, %arg1, %jit3A : i32
    %c0_i32 = arith.constant 0 : i32
    %c0_i32_1 = arith.constant 0 : i32
    %c0_i32_2 = arith.constant 0 : i32
    return %c0_i32, %select_n3A, %c0_i32_1 : i32, i32, i32
  }
}

module attributes {stable_mosaic.version = 14 : i64} {
  func.func @_tc_layer_body(%arg0: i32, %arg1: i32, %arg2: memref<2000x128xf32, #tpu.memory_space<vmem>>, %arg3: memref<2x2000x64xf32, #tpu.memory_space<vmem>>, %arg4: memref<128x128xf32, #tpu.memory_space<vmem>>, %arg5: memref<128x128xf32, #tpu.memory_space<vmem>>, %arg6: memref<1x128xf32, #tpu.memory_space<vmem>>, %arg7: memref<1x128xf32, #tpu.memory_space<vmem>>, %arg8: memref<1x128xf32, #tpu.memory_space<vmem>>, %arg9: memref<1x128xf32, #tpu.memory_space<vmem>>, %arg10: memref<2000x128xf32, #tpu.memory_space<vmem>>, %arg11: memref<2x2000x64xf32, #tpu.memory_space<vmem>>, %arg12: memref<10000x128xf32, #tpu.memory_space<vmem>>, %arg13: memref<8x128xf32, #tpu.memory_space<vmem>>) attributes {dimension_semantics = [#tpu.dimension_semantics<arbitrary>, #tpu.dimension_semantics<arbitrary>], iteration_bounds = array<i64: 3, 5>, scalar_prefetch = 0 : i64, scratch_operands = 2 : i64, tpu.core_type = #tpu.core_type<tc>, window_params = [{transform_indices = @transform_0, window_bounds = array<i64: 2000, 128>}, {transform_indices = @transform_1, window_bounds = array<i64: 2, 2000, 64>}, {pipeline_mode = #tpu.pipeline_mode<synchronous>, transform_indices = @transform_2, window_bounds = array<i64: 128, 128>}, {pipeline_mode = #tpu.pipeline_mode<synchronous>, transform_indices = @transform_3, window_bounds = array<i64: 128, 128>}, {pipeline_mode = #tpu.pipeline_mode<synchronous>, transform_indices = @transform_4, window_bounds = array<i64: 1, 128>}, {pipeline_mode = #tpu.pipeline_mode<synchronous>, transform_indices = @transform_5, window_bounds = array<i64: 1, 128>}, {pipeline_mode = #tpu.pipeline_mode<synchronous>, transform_indices = @transform_6, window_bounds = array<i64: 1, 128>}, {pipeline_mode = #tpu.pipeline_mode<synchronous>, transform_indices = @transform_7, window_bounds = array<i64: 1, 128>}, {transform_indices = @transform_8, window_bounds = array<i64: 2000, 128>}, {transform_indices = @transform_9, window_bounds = array<i64: 2, 2000, 64>}]} {
    %eq3A = arith.constant 0 : i32
    %eq3A_0 = arith.cmpi eq, %arg0, %eq3A : i32
    %convert_element_type3A = arith.extui %eq3A_0 : i1 to i32
    %cond3A = arith.constant 0 : i32
    %cond3A_1 = arith.cmpi ne, %convert_element_type3A, %cond3A : i32
    scf.if %cond3A_1 {
      %get3A = arith.constant 0 : index
      %get3A_12 = arith.constant 0 : index
      %get3A_13 = arith.constant 0 : index
      %get3A_14 = vector.load %arg3[%get3A, %get3A_12, %get3A_13] : memref<2x2000x64xf32, #tpu.memory_space<vmem>>, vector<1x2000x64xf32>
      %get3A_15 = vector.shape_cast %get3A_14 : vector<1x2000x64xf32> to vector<2000x64xf32>
      %get3A_16 = arith.constant 1 : index
      %get3A_17 = arith.constant 0 : index
      %get3A_18 = arith.constant 0 : index
      %get3A_19 = vector.load %arg3[%get3A_16, %get3A_17, %get3A_18] : memref<2x2000x64xf32, #tpu.memory_space<vmem>>, vector<1x2000x64xf32>
      %get3A_20 = vector.shape_cast %get3A_19 : vector<1x2000x64xf32> to vector<2000x64xf32>
      %concatenate3A = tpu.concatenate %get3A_15, %get3A_20 in 1 : vector<2000x64xf32>, vector<2000x64xf32> -> vector<2000x128xf32>
      %get3A_21 = arith.constant 0 : index
      %get3A_22 = arith.constant 0 : index
      %get3A_23 = vector.load %arg2[%get3A_21, %get3A_22] : memref<2000x128xf32, #tpu.memory_space<vmem>>, vector<2000x128xf32>
      %add3A = arith.addf %get3A_23, %concatenate3A : vector<2000x128xf32>
      %get3A_24 = arith.constant 0 : index
      %get3A_25 = arith.constant 0 : index
      %get3A_26 = vector.load %arg4[%get3A_24, %get3A_25] : memref<128x128xf32, #tpu.memory_space<vmem>>, vector<128x128xf32>
      %dot_general3A = arith.constant dense<0.000000e+00> : vector<2000x128xf32>
      %dot_general3A_27 = tpu.matmul %add3A, %get3A_26, %dot_general3A {dimension_numbers = #tpu.dot_dimension_numbers<[1], [1], [0], [0], [0, 0, 1, 0], [], []>, transpose_lhs_hint = false} : vector<2000x128xf32>, vector<128x128xf32>, vector<2000x128xf32> -> vector<2000x128xf32>
      %mul3A = arith.constant 2000 : i32
      %mul3A_28 = arith.muli %arg1, %mul3A : i32
      %swap3A = arith.index_cast %mul3A_28 : i32 to index
      %swap3A_29 = arith.constant 0 : index
      %swap3A_30 = vector.load %arg12[%swap3A, %swap3A_29] : memref<10000x128xf32, #tpu.memory_space<vmem>>, vector<2000x128xf32>
      tpu.vector_store %arg12[%swap3A, %swap3A_29], %dot_general3A_27 {strides = array<i32>} : memref<10000x128xf32, #tpu.memory_space<vmem>>, vector<2000x128xf32>,
      %reduce_sum3A = arith.constant dense<0.000000e+00> : vector<128xf32>
      %reduce_sum3A_31 = vector.multi_reduction <add>, %dot_general3A_27, %reduce_sum3A [0] : vector<2000x128xf32> to vector<128xf32>
      %broadcast_in_dim3A = vector.shape_cast %reduce_sum3A_31 : vector<128xf32> to vector<1x128xf32>
      %mul3A_32 = arith.mulf %dot_general3A_27, %dot_general3A_27 : vector<2000x128xf32>
      %reduce_sum3A_33 = arith.constant dense<0.000000e+00> : vector<128xf32>
      %reduce_sum3A_34 = vector.multi_reduction <add>, %mul3A_32, %reduce_sum3A_33 [0] : vector<2000x128xf32> to vector<128xf32>
      %broadcast_in_dim3A_35 = vector.shape_cast %reduce_sum3A_34 : vector<128xf32> to vector<1x128xf32>
      %eq3A_36 = arith.constant 0 : i32
      %eq3A_37 = arith.cmpi eq, %arg1, %eq3A_36 : i32
      %convert_element_type3A_38 = arith.extui %eq3A_37 : i1 to i32
      %cond3A_39 = arith.constant 0 : i32
      %cond3A_40 = arith.cmpi ne, %convert_element_type3A_38, %cond3A_39 : i32
      scf.if %cond3A_40 {
        %swap3A_45 = arith.constant 0 : index
        %swap3A_46 = arith.constant 0 : index
        %swap3A_47 = vector.load %arg13[%swap3A_45, %swap3A_46] : memref<8x128xf32, #tpu.memory_space<vmem>>, vector<1x128xf32>
        tpu.vector_store %arg13[%swap3A_45, %swap3A_46], %broadcast_in_dim3A {strides = array<i32>} : memref<8x128xf32, #tpu.memory_space<vmem>>, vector<1x128xf32>,
        %swap3A_48 = arith.constant 1 : index
        %swap3A_49 = arith.constant 0 : index
        %swap3A_50 = vector.load %arg13[%swap3A_48, %swap3A_49] : memref<8x128xf32, #tpu.memory_space<vmem>>, vector<1x128xf32>
        tpu.vector_store %arg13[%swap3A_48, %swap3A_49], %broadcast_in_dim3A_35 {strides = array<i32>} : memref<8x128xf32, #tpu.memory_space<vmem>>, vector<1x128xf32>,
      } else {
      }
      %gt3A = arith.constant 0 : i32
      %gt3A_41 = arith.cmpi sgt, %arg1, %gt3A : i32
      %convert_element_type3A_42 = arith.extui %gt3A_41 : i1 to i32
      %cond3A_43 = arith.constant 0 : i32
      %cond3A_44 = arith.cmpi ne, %convert_element_type3A_42, %cond3A_43 : i32
      scf.if %cond3A_44 {
        %get3A_45 = arith.constant 0 : index
        %get3A_46 = arith.constant 0 : index
        %get3A_47 = vector.load %arg13[%get3A_45, %get3A_46] : memref<8x128xf32, #tpu.memory_space<vmem>>, vector<1x128xf32>
        %add3A_48 = arith.addf %get3A_47, %broadcast_in_dim3A : vector<1x128xf32>
        %swap3A_49 = arith.constant 0 : index
        %swap3A_50 = arith.constant 0 : index
        %swap3A_51 = vector.load %arg13[%swap3A_49, %swap3A_50] : memref<8x128xf32, #tpu.memory_space<vmem>>, vector<1x128xf32>
        tpu.vector_store %arg13[%swap3A_49, %swap3A_50], %add3A_48 {strides = array<i32>} : memref<8x128xf32, #tpu.memory_space<vmem>>, vector<1x128xf32>,
        %get3A_52 = arith.constant 1 : index
        %get3A_53 = arith.constant 0 : index
        %get3A_54 = vector.load %arg13[%get3A_52, %get3A_53] : memref<8x128xf32, #tpu.memory_space<vmem>>, vector<1x128xf32>
        %add3A_55 = arith.addf %get3A_54, %broadcast_in_dim3A_35 : vector<1x128xf32>
        %swap3A_56 = arith.constant 1 : index
        %swap3A_57 = arith.constant 0 : index
        %swap3A_58 = vector.load %arg13[%swap3A_56, %swap3A_57] : memref<8x128xf32, #tpu.memory_space<vmem>>, vector<1x128xf32>
        tpu.vector_store %arg13[%swap3A_56, %swap3A_57], %add3A_55 {strides = array<i32>} : memref<8x128xf32, #tpu.memory_space<vmem>>, vector<1x128xf32>,
      } else {
      }
    } else {
    }
    %eq3A_2 = arith.constant 1 : i32
    %eq3A_3 = arith.cmpi eq, %arg0, %eq3A_2 : i32
    %convert_element_type3A_4 = arith.extui %eq3A_3 : i1 to i32
    %cond3A_5 = arith.constant 0 : i32
    %cond3A_6 = arith.cmpi ne, %convert_element_type3A_4, %cond3A_5 : i32
    scf.if %cond3A_6 {
      %get3A = arith.constant 0 : index
      %get3A_12 = arith.constant 0 : index
      %get3A_13 = vector.load %arg13[%get3A, %get3A_12] : memref<8x128xf32, #tpu.memory_space<vmem>>, vector<1x128xf32>
      %div3A = arith.constant 1.000000e+04 : f32
      %div3A_14 = vector.broadcast %div3A : f32 to vector<1x128xf32>
      %div3A_15 = arith.divf %get3A_13, %div3A_14 : vector<1x128xf32>
      %get3A_16 = arith.constant 1 : index
      %get3A_17 = arith.constant 0 : index
      %get3A_18 = vector.load %arg13[%get3A_16, %get3A_17] : memref<8x128xf32, #tpu.memory_space<vmem>>, vector<1x128xf32>
      %div3A_19 = arith.constant 1.000000e+04 : f32
      %div3A_20 = vector.broadcast %div3A_19 : f32 to vector<1x128xf32>
      %div3A_21 = arith.divf %get3A_18, %div3A_20 : vector<1x128xf32>
      %mul3A = arith.mulf %div3A_15, %div3A_15 : vector<1x128xf32>
      %sub3A = arith.subf %div3A_21, %mul3A : vector<1x128xf32>
      %get3A_22 = arith.constant 0 : index
      %get3A_23 = arith.constant 0 : index
      %get3A_24 = vector.load %arg6[%get3A_22, %get3A_23] : memref<1x128xf32, #tpu.memory_space<vmem>>, vector<1x128xf32>
      %add3A = arith.constant 9.99999974E-6 : f32
      %add3A_25 = vector.broadcast %add3A : f32 to vector<1x128xf32>
      %add3A_26 = arith.addf %sub3A, %add3A_25 : vector<1x128xf32>
      %rsqrt3A = math.rsqrt %add3A_26 : vector<1x128xf32>
      %mul3A_27 = arith.mulf %get3A_24, %rsqrt3A : vector<1x128xf32>
      %get3A_28 = arith.constant 0 : index
      %get3A_29 = arith.constant 0 : index
      %get3A_30 = vector.load %arg7[%get3A_28, %get3A_29] : memref<1x128xf32, #tpu.memory_space<vmem>>, vector<1x128xf32>
      %mul3A_31 = arith.mulf %div3A_15, %mul3A_27 : vector<1x128xf32>
      %sub3A_32 = arith.subf %get3A_30, %mul3A_31 : vector<1x128xf32>
      %mul3A_33 = arith.constant 2000 : i32
      %mul3A_34 = arith.muli %arg1, %mul3A_33 : i32
      %get3A_35 = arith.index_cast %mul3A_34 : i32 to index
      %get3A_36 = arith.constant 0 : index
      %get3A_37 = vector.load %arg12[%get3A_35, %get3A_36] : memref<10000x128xf32, #tpu.memory_space<vmem>>, vector<2000x128xf32>
      %mul3A_38 = vector.broadcast %mul3A_27 : vector<1x128xf32> to vector<2000x128xf32>
      %mul3A_39 = arith.mulf %get3A_37, %mul3A_38 : vector<2000x128xf32>
      %add3A_40 = vector.broadcast %sub3A_32 : vector<1x128xf32> to vector<2000x128xf32>
      %add3A_41 = arith.addf %mul3A_39, %add3A_40 : vector<2000x128xf32>
      %ge3A = arith.constant 0.000000e+00 : f32
      %ge3A_42 = vector.broadcast %ge3A : f32 to vector<2000x128xf32>
      %ge3A_43 = arith.cmpf oge, %add3A_41, %ge3A_42 : vector<2000x128xf32>
      %mul3A_44 = arith.constant 0.00999999977 : f32
      %mul3A_45 = vector.broadcast %mul3A_44 : f32 to vector<2000x128xf32>
      %mul3A_46 = arith.mulf %mul3A_45, %add3A_41 : vector<2000x128xf32>
      %select_n3A = arith.select %ge3A_43, %add3A_41, %mul3A_46 : vector<2000x128xi1>, vector<2000x128xf32>
      %get3A_47 = arith.constant 0 : index
      %get3A_48 = arith.constant 0 : index
      %get3A_49 = vector.load %arg5[%get3A_47, %get3A_48] : memref<128x128xf32, #tpu.memory_space<vmem>>, vector<128x128xf32>
      %dot_general3A = arith.constant dense<0.000000e+00> : vector<2000x128xf32>
      %dot_general3A_50 = tpu.matmul %select_n3A, %get3A_49, %dot_general3A {dimension_numbers = #tpu.dot_dimension_numbers<[1], [1], [0], [0], [0, 0, 1, 0], [], []>, transpose_lhs_hint = false} : vector<2000x128xf32>, vector<128x128xf32>, vector<2000x128xf32> -> vector<2000x128xf32>
      %mul3A_51 = arith.constant 2000 : i32
      %mul3A_52 = arith.muli %arg1, %mul3A_51 : i32
      %swap3A = arith.index_cast %mul3A_52 : i32 to index
      %swap3A_53 = arith.constant 0 : index
      %swap3A_54 = vector.load %arg12[%swap3A, %swap3A_53] : memref<10000x128xf32, #tpu.memory_space<vmem>>, vector<2000x128xf32>
      tpu.vector_store %arg12[%swap3A, %swap3A_53], %dot_general3A_50 {strides = array<i32>} : memref<10000x128xf32, #tpu.memory_space<vmem>>, vector<2000x128xf32>,
      %reduce_sum3A = arith.constant dense<0.000000e+00> : vector<128xf32>
      %reduce_sum3A_55 = vector.multi_reduction <add>, %dot_general3A_50, %reduce_sum3A [0] : vector<2000x128xf32> to vector<128xf32>
      %broadcast_in_dim3A = vector.shape_cast %reduce_sum3A_55 : vector<128xf32> to vector<1x128xf32>
      %mul3A_56 = arith.mulf %dot_general3A_50, %dot_general3A_50 : vector<2000x128xf32>
      %reduce_sum3A_57 = arith.constant dense<0.000000e+00> : vector<128xf32>
      %reduce_sum3A_58 = vector.multi_reduction <add>, %mul3A_56, %reduce_sum3A_57 [0] : vector<2000x128xf32> to vector<128xf32>
      %broadcast_in_dim3A_59 = vector.shape_cast %reduce_sum3A_58 : vector<128xf32> to vector<1x128xf32>
      %eq3A_60 = arith.constant 0 : i32
      %eq3A_61 = arith.cmpi eq, %arg1, %eq3A_60 : i32
      %convert_element_type3A_62 = arith.extui %eq3A_61 : i1 to i32
      %cond3A_63 = arith.constant 0 : i32
      %cond3A_64 = arith.cmpi ne, %convert_element_type3A_62, %cond3A_63 : i32
      scf.if %cond3A_64 {
        %swap3A_69 = arith.constant 2 : index
        %swap3A_70 = arith.constant 0 : index
        %swap3A_71 = vector.load %arg13[%swap3A_69, %swap3A_70] : memref<8x128xf32, #tpu.memory_space<vmem>>, vector<1x128xf32>
        tpu.vector_store %arg13[%swap3A_69, %swap3A_70], %broadcast_in_dim3A {strides = array<i32>} : memref<8x128xf32, #tpu.memory_space<vmem>>, vector<1x128xf32>,
        %swap3A_72 = arith.constant 3 : index
        %swap3A_73 = arith.constant 0 : index
        %swap3A_74 = vector.load %arg13[%swap3A_72, %swap3A_73] : memref<8x128xf32, #tpu.memory_space<vmem>>, vector<1x128xf32>
        tpu.vector_store %arg13[%swap3A_72, %swap3A_73], %broadcast_in_dim3A_59 {strides = array<i32>} : memref<8x128xf32, #tpu.memory_space<vmem>>, vector<1x128xf32>,
      } else {
      }
      %gt3A = arith.constant 0 : i32
      %gt3A_65 = arith.cmpi sgt, %arg1, %gt3A : i32
      %convert_element_type3A_66 = arith.extui %gt3A_65 : i1 to i32
      %cond3A_67 = arith.constant 0 : i32
      %cond3A_68 = arith.cmpi ne, %convert_element_type3A_66, %cond3A_67 : i32
      scf.if %cond3A_68 {
        %get3A_69 = arith.constant 2 : index
        %get3A_70 = arith.constant 0 : index
        %get3A_71 = vector.load %arg13[%get3A_69, %get3A_70] : memref<8x128xf32, #tpu.memory_space<vmem>>, vector<1x128xf32>
        %add3A_72 = arith.addf %get3A_71, %broadcast_in_dim3A : vector<1x128xf32>
        %swap3A_73 = arith.constant 2 : index
        %swap3A_74 = arith.constant 0 : index
        %swap3A_75 = vector.load %arg13[%swap3A_73, %swap3A_74] : memref<8x128xf32, #tpu.memory_space<vmem>>, vector<1x128xf32>
        tpu.vector_store %arg13[%swap3A_73, %swap3A_74], %add3A_72 {strides = array<i32>} : memref<8x128xf32, #tpu.memory_space<vmem>>, vector<1x128xf32>,
        %get3A_76 = arith.constant 3 : index
        %get3A_77 = arith.constant 0 : index
        %get3A_78 = vector.load %arg13[%get3A_76, %get3A_77] : memref<8x128xf32, #tpu.memory_space<vmem>>, vector<1x128xf32>
        %add3A_79 = arith.addf %get3A_78, %broadcast_in_dim3A_59 : vector<1x128xf32>
        %swap3A_80 = arith.constant 3 : index
        %swap3A_81 = arith.constant 0 : index
        %swap3A_82 = vector.load %arg13[%swap3A_80, %swap3A_81] : memref<8x128xf32, #tpu.memory_space<vmem>>, vector<1x128xf32>
        tpu.vector_store %arg13[%swap3A_80, %swap3A_81], %add3A_79 {strides = array<i32>} : memref<8x128xf32, #tpu.memory_space<vmem>>, vector<1x128xf32>,
      } else {
      }
    } else {
    }
    %eq3A_7 = arith.constant 2 : i32
    %eq3A_8 = arith.cmpi eq, %arg0, %eq3A_7 : i32
    %convert_element_type3A_9 = arith.extui %eq3A_8 : i1 to i32
    %cond3A_10 = arith.constant 0 : i32
    %cond3A_11 = arith.cmpi ne, %convert_element_type3A_9, %cond3A_10 : i32
    scf.if %cond3A_11 {
      %get3A = arith.constant 2 : index
      %get3A_12 = arith.constant 0 : index
      %get3A_13 = vector.load %arg13[%get3A, %get3A_12] : memref<8x128xf32, #tpu.memory_space<vmem>>, vector<1x128xf32>
      %div3A = arith.constant 1.000000e+04 : f32
      %div3A_14 = vector.broadcast %div3A : f32 to vector<1x128xf32>
      %div3A_15 = arith.divf %get3A_13, %div3A_14 : vector<1x128xf32>
      %get3A_16 = arith.constant 3 : index
      %get3A_17 = arith.constant 0 : index
      %get3A_18 = vector.load %arg13[%get3A_16, %get3A_17] : memref<8x128xf32, #tpu.memory_space<vmem>>, vector<1x128xf32>
      %div3A_19 = arith.constant 1.000000e+04 : f32
      %div3A_20 = vector.broadcast %div3A_19 : f32 to vector<1x128xf32>
      %div3A_21 = arith.divf %get3A_18, %div3A_20 : vector<1x128xf32>
      %mul3A = arith.mulf %div3A_15, %div3A_15 : vector<1x128xf32>
      %sub3A = arith.subf %div3A_21, %mul3A : vector<1x128xf32>
      %get3A_22 = arith.constant 0 : index
      %get3A_23 = arith.constant 0 : index
      %get3A_24 = vector.load %arg8[%get3A_22, %get3A_23] : memref<1x128xf32, #tpu.memory_space<vmem>>, vector<1x128xf32>
      %add3A = arith.constant 9.99999974E-6 : f32
      %add3A_25 = vector.broadcast %add3A : f32 to vector<1x128xf32>
      %add3A_26 = arith.addf %sub3A, %add3A_25 : vector<1x128xf32>
      %rsqrt3A = math.rsqrt %add3A_26 : vector<1x128xf32>
      %mul3A_27 = arith.mulf %get3A_24, %rsqrt3A : vector<1x128xf32>
      %get3A_28 = arith.constant 0 : index
      %get3A_29 = arith.constant 0 : index
      %get3A_30 = vector.load %arg9[%get3A_28, %get3A_29] : memref<1x128xf32, #tpu.memory_space<vmem>>, vector<1x128xf32>
      %mul3A_31 = arith.mulf %div3A_15, %mul3A_27 : vector<1x128xf32>
      %sub3A_32 = arith.subf %get3A_30, %mul3A_31 : vector<1x128xf32>
      %mul3A_33 = arith.constant 2000 : i32
      %mul3A_34 = arith.muli %arg1, %mul3A_33 : i32
      %get3A_35 = arith.index_cast %mul3A_34 : i32 to index
      %get3A_36 = arith.constant 0 : index
      %get3A_37 = vector.load %arg12[%get3A_35, %get3A_36] : memref<10000x128xf32, #tpu.memory_space<vmem>>, vector<2000x128xf32>
      %mul3A_38 = vector.broadcast %mul3A_27 : vector<1x128xf32> to vector<2000x128xf32>
      %mul3A_39 = arith.mulf %get3A_37, %mul3A_38 : vector<2000x128xf32>
      %add3A_40 = vector.broadcast %sub3A_32 : vector<1x128xf32> to vector<2000x128xf32>
      %add3A_41 = arith.addf %mul3A_39, %add3A_40 : vector<2000x128xf32>
      %ge3A = arith.constant 0.000000e+00 : f32
      %ge3A_42 = vector.broadcast %ge3A : f32 to vector<2000x128xf32>
      %ge3A_43 = arith.cmpf oge, %add3A_41, %ge3A_42 : vector<2000x128xf32>
      %mul3A_44 = arith.constant 0.00999999977 : f32
      %mul3A_45 = vector.broadcast %mul3A_44 : f32 to vector<2000x128xf32>
      %mul3A_46 = arith.mulf %mul3A_45, %add3A_41 : vector<2000x128xf32>
      %select_n3A = arith.select %ge3A_43, %add3A_41, %mul3A_46 : vector<2000x128xi1>, vector<2000x128xf32>
      %swap3A = arith.constant 0 : index
      %swap3A_47 = arith.constant 0 : index
      %swap3A_48 = vector.load %arg10[%swap3A, %swap3A_47] : memref<2000x128xf32, #tpu.memory_space<vmem>>, vector<2000x128xf32>
      tpu.vector_store %arg10[%swap3A, %swap3A_47], %select_n3A {strides = array<i32>} : memref<2000x128xf32, #tpu.memory_space<vmem>>, vector<2000x128xf32>,
      %slice3A = vector.extract_strided_slice %select_n3A {offsets = [0, 0], sizes = [2000, 64], strides = [1, 1]} : vector<2000x128xf32> to vector<2000x64xf32>
      %swap3A_49 = arith.constant 0 : index
      %swap3A_50 = arith.constant 0 : index
      %swap3A_51 = arith.constant 0 : index
      %swap3A_52 = vector.load %arg11[%swap3A_49, %swap3A_50, %swap3A_51] : memref<2x2000x64xf32, #tpu.memory_space<vmem>>, vector<1x2000x64xf32>
      %swap3A_53 = vector.shape_cast %swap3A_52 : vector<1x2000x64xf32> to vector<2000x64xf32>
      %swap3A_54 = vector.shape_cast %slice3A : vector<2000x64xf32> to vector<1x2000x64xf32>
      tpu.vector_store %arg11[%swap3A_49, %swap3A_50, %swap3A_51], %swap3A_54 {strides = array<i32>} : memref<2x2000x64xf32, #tpu.memory_space<vmem>>, vector<1x2000x64xf32>,
      %slice3A_55 = vector.extract_strided_slice %select_n3A {offsets = [0, 64], sizes = [2000, 64], strides = [1, 1]} : vector<2000x128xf32> to vector<2000x64xf32>
      %swap3A_56 = arith.constant 1 : index
      %swap3A_57 = arith.constant 0 : index
      %swap3A_58 = arith.constant 0 : index
      %swap3A_59 = vector.load %arg11[%swap3A_56, %swap3A_57, %swap3A_58] : memref<2x2000x64xf32, #tpu.memory_space<vmem>>, vector<1x2000x64xf32>
      %swap3A_60 = vector.shape_cast %swap3A_59 : vector<1x2000x64xf32> to vector<2000x64xf32>
      %swap3A_61 = vector.shape_cast %slice3A_55 : vector<2000x64xf32> to vector<1x2000x64xf32>
      tpu.vector_store %arg11[%swap3A_56, %swap3A_57, %swap3A_58], %swap3A_61 {strides = array<i32>} : memref<2x2000x64xf32, #tpu.memory_space<vmem>>, vector<1x2000x64xf32>,
    } else {
    }
    return
  }
  func.func @transform_0(%arg0: i32, %arg1: i32) -> (i32, i32) {
    %eq3A = arith.constant 0 : i32
    %eq3A_0 = arith.cmpi eq, %arg0, %eq3A : i32
    %jit3A = arith.constant 0 : i32
    %select_n3A = arith.select %eq3A_0, %arg1, %jit3A : i32
    %c0_i32 = arith.constant 0 : i32
    %c0_i32_1 = arith.constant 0 : i32
    return %select_n3A, %c0_i32 : i32, i32
  }
  func.func @transform_1(%arg0: i32, %arg1: i32) -> (i32, i32, i32) {
    %eq3A = arith.constant 0 : i32
    %eq3A_0 = arith.cmpi eq, %arg0, %eq3A : i32
    %jit3A = arith.constant 0 : i32
    %select_n3A = arith.select %eq3A_0, %arg1, %jit3A : i32
    %c0_i32 = arith.constant 0 : i32
    %c0_i32_1 = arith.constant 0 : i32
    %c0_i32_2 = arith.constant 0 : i32
    return %c0_i32, %select_n3A, %c0_i32_1 : i32, i32, i32
  }
  func.func @transform_2(%arg0: i32, %arg1: i32) -> (i32, i32) {
    %c0_i32 = arith.constant 0 : i32
    %c0_i32_0 = arith.constant 0 : i32
    %c0_i32_1 = arith.constant 0 : i32
    return %c0_i32, %c0_i32_0 : i32, i32
  }
  func.func @transform_3(%arg0: i32, %arg1: i32) -> (i32, i32) {
    %c0_i32 = arith.constant 0 : i32
    %c0_i32_0 = arith.constant 0 : i32
    %c0_i32_1 = arith.constant 0 : i32
    return %c0_i32, %c0_i32_0 : i32, i32
  }
  func.func @transform_4(%arg0: i32, %arg1: i32) -> (i32, i32) {
    %c0_i32 = arith.constant 0 : i32
    %c0_i32_0 = arith.constant 0 : i32
    %c0_i32_1 = arith.constant 0 : i32
    return %c0_i32, %c0_i32_0 : i32, i32
  }
  func.func @transform_5(%arg0: i32, %arg1: i32) -> (i32, i32) {
    %c0_i32 = arith.constant 0 : i32
    %c0_i32_0 = arith.constant 0 : i32
    %c0_i32_1 = arith.constant 0 : i32
    return %c0_i32, %c0_i32_0 : i32, i32
  }
  func.func @transform_6(%arg0: i32, %arg1: i32) -> (i32, i32) {
    %c0_i32 = arith.constant 0 : i32
    %c0_i32_0 = arith.constant 0 : i32
    %c0_i32_1 = arith.constant 0 : i32
    return %c0_i32, %c0_i32_0 : i32, i32
  }
  func.func @transform_7(%arg0: i32, %arg1: i32) -> (i32, i32) {
    %c0_i32 = arith.constant 0 : i32
    %c0_i32_0 = arith.constant 0 : i32
    %c0_i32_1 = arith.constant 0 : i32
    return %c0_i32, %c0_i32_0 : i32, i32
  }
  func.func @transform_8(%arg0: i32, %arg1: i32) -> (i32, i32) {
    %eq3A = arith.constant 2 : i32
    %eq3A_0 = arith.cmpi eq, %arg0, %eq3A : i32
    %jit3A = arith.constant 0 : i32
    %select_n3A = arith.select %eq3A_0, %arg1, %jit3A : i32
    %c0_i32 = arith.constant 0 : i32
    %c0_i32_1 = arith.constant 0 : i32
    return %select_n3A, %c0_i32 : i32, i32
  }
  func.func @transform_9(%arg0: i32, %arg1: i32) -> (i32, i32, i32) {
    %eq3A = arith.constant 2 : i32
    %eq3A_0 = arith.cmpi eq, %arg0, %eq3A : i32
    %jit3A = arith.constant 0 : i32
    %select_n3A = arith.select %eq3A_0, %arg1, %jit3A : i32
    %c0_i32 = arith.constant 0 : i32
    %c0_i32_1 = arith.constant 0 : i32
    %c0_i32_2 = arith.constant 0 : i32
    return %c0_i32, %select_n3A, %c0_i32_1 : i32, i32, i32
  }
}

</mosaic_0001>

<sc_bundles>
// kernel: kernel.10.cloned.1.call-start
scs
__scs_entry_jumppad:
0x0: {  	(pc) =	sbr.rel $0x88, $3  }
0x1: {  	(tag) =	ssettag $0x0;
	lr =	simm.s32 $0x1  }
0x2: {  	[smem:$0x3F99] =	sst lr;
	_ =	strace $0xD0000000  }
0x3: {  	_ = 	snop  }
0x4: {  	_ = 	snop  }
0x5: {  	_ = 	snop  }
0x6: {  	_ = 	snop  }
0x7: {  	_ = 	snop  }
__scs_overlays_trampoline_lowered:
0x8: {  	[smem:$0x3FA8] =	sst s0  }
0x9: {  	[smem:$0x3FA9] =	sst s1  }
0xa: {  	[smem:$0x3FAA] =	sst s2  }
0xb: {  	[smem:$0x3FAB] =	sst s3  }
0xc: {  	[smem:$0x3FAC] =	sst s4  }
0xd: {  	[smem:$0x3FAD] =	sst s5  }
0xe: {  	[smem:$0x3FAE] =	sst s6  }
0xf: {  	[smem:$0x3FAF] =	sst s7  }
0x10: {  	[smem:$0x3FB0] =	sst s8  }
0x11: {  	[smem:$0x3FB1] =	sst s9;
	s0 =	simm.s32 @!p0 $0x0  }
0x12: {  	s1 =	sld [smem:$0x3F97];
	s0 =	simm.s32 @p0 $0x1  }
0x13: {  	[smem:$0x3FB2] =	sst s0;
	s0 =	simm.s32 @!p1 $0x0  }
0x14: {  	s2 =	sld [smem:$0x3F96];
	s0 =	simm.s32 @p1 $0x1  }
0x15: {  	[smem:$0x3FB3] =	sst s0;
	s0 =	simm.s32 @!p2 $0x0  }
0x16: {  	s3 =	sld [smem:$0x3FDB];
	s0 =	simm.s32 @p2 $0x1  }
0x17: {  	s4 =	simm.s32 $0x1BF5;
	[smem:$0x3FB5] =	sst s0  }
0x18: {  	s0 =	sld [smem:$0x3F98];
	_ =	swait.ge [sflag:s4], $0x0  }
0x19: {  	s7 =	sld [smem:$0x3F99]  }
0x1a: {  	s8 =	sadd.s32 $0xFFFFE003, lr  }
0x1b: {  	s9 =	sadd.s32 $0xFFFFFEF7, lr;
	s5 =	simm.s32 $0xFFFFFFFF;
	p2 =	slt.u32 s8, $0xFFFFF086  }
0x1c: {  	p1 =	slt.u32 s9, $0xF7A;
	s5 =	simm.s32 @!p2 $0x0  }
0x1d: {  	s5 =	simm.s32 @p1 $0x1;
	p0 =	seq.s32 s7, s2  }
0x1e: {  	s7 =	smul.u32 @!p0 $0xF7A, s2;
	p2 =	seq.s32 @!p0 s5, $0x0  }
0x1f: {  	s9 =	smul.u32 $0xF7A, s1;
	s8 =	simm.s32 @!p0 $0x1BF5;
	p2 =	por !p2, p0  }
0x20: {  	[sflag:s8] =	ssyncset.s32 @!p0 $0xFFFFF086;
	s6 =	sadd.s32 @!p0 s3, s7;
	s7 =	simm.s32 @!p0 $0x108  }
0x21: {  	s3 =	sadd.s32 s3, s9;
	s6 =	sadd.s32 @!p0 $0x88, s6;
	s7 =	simm.s32 @p2 $0x1082  }
0x22: {  	[simem:s7], [sflag:s8] =	dma.local @!p0 [hbm:s6], $0xF7A  }
0x23: {  	s9 =	sor.u32 $0xD0000000, s2;
	s6 =	simm.s32 $0x108;
	_ =	swait.ge @!p0 [sflag:s8], $0x0  }
0x24: {  	s3 =	sadd.s32 $0x88, s3;
	s6 =	simm.s32 @!p1 $0x1082;
	[sflag:s4] =	ssyncset.s32 $0xFFFFF086  }
0x25: {  	[simem:s6], [sflag:s4] =	dma.local [hbm:s3], $0xF7A  }
0x26: {  	[smem:$0x3F99] =	sst s1;
	(tag) =	ssettag s2;
	_ =	strace s9  }
0x27: {  	s1 =	sld [smem:$0x3FA9]  }
0x28: {  	s2 =	sld [smem:$0x3FAA]  }
0x29: {  	s4 =	sld [smem:$0x3FAC]  }
0x2a: {  	p0 =	seq.s32 s5, $0x0;
	s5 =	sld [smem:$0x3FAD]  }
0x2b: {  	s6 =	sld [smem:$0x3FAE]  }
0x2c: {  	s7 =	sld [smem:$0x3FAF]  }
0x2d: {  	s3 =	simm.s32 $0x108;
	s8 =	sld [smem:$0x3FB0]  }
0x2e: {  	s3 =	simm.s32 @!p0 $0x1082;
	s9 =	sld [smem:$0x3FB1]  }
0x2f: {  	lr =	sadd.s32 s0, s3;
	s0 =	sld [smem:$0x3FA8]  }
0x30: {  	s3 =	sld [smem:$0x3FAB]  }
0x31: {  	[smem:$0x3FB4] =	sst s10  }
0x32: {  	s10 =	sld [smem:$0x3FB2];
	_ =	sdelay $0x3  }
0x33: {  	p0 =	seq.s32 s10, $0x1;
	s10 =	sld [smem:$0x3FB4];
	_ =	sdelay $0x3  }
0x34: {  	[smem:$0x3FB4] =	sst s10  }
0x35: {  	s10 =	sld [smem:$0x3FB3];
	_ =	sdelay $0x3  }
0x36: {  	p1 =	seq.s32 s10, $0x1;
	s10 =	sld [smem:$0x3FB4];
	_ =	sdelay $0x3  }
0x37: {  	[smem:$0x3FB4] =	sst s10  }
0x38: {  	s10 =	sld [smem:$0x3FB5]  }
0x39: {  	_ = 	snop;
	(pc) =	sbr.ind lr, $3  }
0x3a: {  	_ = 	snop  }
0x3b: {  	_ = 	snop  }
0x3c: {  	p2 =	seq.s32 s10, $0x1;
	s10 =	sld [smem:$0x3FB4]  }
0x3d: {  	_ =	shalt  }
0x3e: {  	_ =	shalt  }
0x3f: {  	_ =	shalt  }
0x40: {  	_ =	shalt  }
0x41: {  	_ =	shalt  }
0x42: {  	_ =	shalt  }
0x43: {  	_ =	shalt  }
0x44: {  	_ =	shalt  }
0x45: {  	_ =	shalt  }
0x46: {  	_ =	shalt  }
0x47: {  	_ =	shalt  }
0x48: {  	_ =	shalt  }
0x49: {  	_ =	shalt  }
0x4a: {  	_ =	shalt  }
0x4b: {  	_ =	shalt  }
0x4c: {  	_ =	shalt  }
0x4d: {  	_ =	shalt  }
0x4e: {  	_ =	shalt  }
0x4f: {  	_ =	shalt  }
0x50: {  	_ =	shalt  }
0x51: {  	_ =	shalt  }
0x52: {  	_ =	shalt  }
0x53: {  	_ =	shalt  }
0x54: {  	_ =	shalt  }
0x55: {  	_ =	shalt  }
0x56: {  	_ =	shalt  }
0x57: {  	_ =	shalt  }
0x58: {  	_ =	shalt  }
0x59: {  	_ =	shalt  }
0x5a: {  	_ =	shalt  }
0x5b: {  	_ =	shalt  }
0x5c: {  	_ =	shalt  }
0x5d: {  	_ =	shalt  }
0x5e: {  	_ =	shalt  }
0x5f: {  	_ =	shalt  }
0x60: {  	_ =	shalt  }
0x61: {  	_ =	shalt  }
0x62: {  	_ =	shalt  }
0x63: {  	_ =	shalt  }
0x64: {  	_ =	shalt  }
0x65: {  	_ =	shalt  }
0x66: {  	_ =	shalt  }
0x67: {  	_ =	shalt  }
0x68: {  	_ =	shalt  }
0x69: {  	_ =	shalt  }
0x6a: {  	_ =	shalt  }
0x6b: {  	_ =	shalt  }
0x6c: {  	_ =	shalt  }
0x6d: {  	_ =	shalt  }
0x6e: {  	_ =	shalt  }
0x6f: {  	_ =	shalt  }
0x70: {  	_ =	shalt  }
0x71: {  	_ =	shalt  }
0x72: {  	_ =	shalt  }
0x73: {  	_ =	shalt  }
0x74: {  	_ =	shalt  }
0x75: {  	_ =	shalt  }
0x76: {  	_ =	shalt  }
0x77: {  	_ =	shalt  }
0x78: {  	_ =	shalt  }
0x79: {  	_ =	shalt  }
0x7a: {  	_ =	shalt  }
0x7b: {  	_ =	shalt  }
0x7c: {  	_ =	shalt  }
0x7d: {  	_ =	shalt  }
0x7e: {  	_ =	shalt  }
0x7f: {  	_ =	shalt  }
0x80: {  	_ =	shalt  }
0x81: {  	_ =	shalt  }
0x82: {  	_ =	shalt  }
0x83: {  	_ =	shalt  }
0x84: {  	_ =	shalt  }
0x85: {  	_ =	shalt  }
0x86: {  	_ =	shalt  }
0x87: {  	_ =	shalt  }
.Lfunc_end0:
.L_simem_size_0:
called_computation_lowered:
.L_overlay_start_0:
0x88: {  	s2 =	sld [smem:$0x3FD9]  }
0x89: {  	s3 =	sld [smem:$0x3FFE];
	_ =	sdelay $0x1  }
0x8a: {  	s1 =	srdreg.scid  }
0x8b: {  	s0 =	sand.u32 $0x1, s1  }
0x8c: {  	s17 =	sshll.u32 s0, $0xA;
	s2 =	sadd.s32 s3, s2  }
0x8d: {  	s2 =	sadd.s32 s2, s17  }
0x8e: {  	[smem:$0x3FC0] =	sst s2  }
0x8f: {  	_ = 	snop  }
0x90: {  	s2 =	sld [smem:$0x3FD0];
	(tm) =	ssettm $0x1  }
0x91: {  	s18 =	sld [smem:$0x3FFB];
	_ =	sdelay $0x3  }
0x92: {  	_ =	strace s18  }
0x93: {  	s3 =	sld [smem:$0x3FFC];
	_ =	sdelay $0x3  }
0x94: {  	_ =	strace s3  }
0x95: {  	s3 =	sld [smem:$0x3FFD];
	_ =	sdelay $0x3  }
0x96: {  	_ =	strace s3  }
0x97: {  	_ =	strace $0x8FFFFFFF  }
0x98: {  	s19 =	sld [smem:$0x3FDB];
	_ =	sdelay $0x1  }
0x99: {  	s4 =	simm.s32 $_scs_section_size  }
0x9a: {  	s5 =	simm.s32 $_size__tile_overlayer_lowered;
	s6 =	simm.s32 $_tile_overlayer_lowered  }
0x9b: {  	s22 =	simm.s32 $0x1BFF;
	s21 =	sshll.u32 s6, $0x1;
	s3 =	sadd.s32 s4, s19  }
0x9c: {  	s7 =	simm.s32 $0x0;
	s20 =	sshll.u32 s5, $0x1;
	s5 =	sadd.s32 s21, s3  }
0x9d: {  	[timem:s7], [sflag:s22] =	dma.local [hbm:s5], s20  }
0x9e: {  	_ =	swait.ge [sflag:s22], s20  }
0x9f: {  	s4 =	ssub.s32 $0x0, s20;
	[sflag:s22] =	ssyncset.done $0x0  }
0xa0: {  	[sflag:s22] =	ssyncadd.s32 s4;
	_ =	sdelay $0x1  }
0xa1: {  	s23 =	simm.s32 $0x1B8B  }
0xa2: {  	_ =	swait.ge [sflag:s23], $0x1  }
0xa3: {  	[sflag:s23] =	ssyncset.done $0x0  }
0xa4: {  	s25 =	simm.s32 $0x1B8E;
	s24 =	sld [smem:$0x3FFE];
	[sflag:s23] =	ssyncadd.s32 $0xFFFFFFFF  }
0xa5: {  	s26 =	simm.s32 $execute0_lowered;
	[smem:$0x3FD2] =	sst s25  }
0xa6: {  	s5 =	sshll.u32 s26, $0x1;
	_ =	strace $0x80000046;
	[dreg:$0x1] =	wrdreg $0xFFFFFFFF  }
0xa7: {  	s28 =	simm.s32 $_size_execute0_lowered;
	s3 =	sadd.s32 s3, s5;
	[dreg:$0x0] =	wrdreg $0x0  }
0xa8: {  	s5 =	sshll.u32 s28, $0x1;
	[dreg:$0x2] =	wrdreg s3  }
0xa9: {  	[dreg:$0x3] =	wrdreg s5  }
0xaa: {  	[dreg:$0x4] =	wrdreg $0xC0  }
0xab: {  	_ =	task [dreg:s7], $0x5FFFF  }
0xac: {  	[dreg:$0x1] =	wrdreg $0xFFFFFFFF  }
0xad: {  	[dreg:$0x0] =	wrdreg $0x60  }
0xae: {  	[dreg:$0x2] =	wrdreg s2  }
0xaf: {  	[dreg:$0x3] =	wrdreg s24  }
0xb0: {  	[dreg:$0x4] =	wrdreg $0x0  }
0xb1: {  	[dreg:$0x5] =	wrdreg $0x9C400  }
0xb2: {  	[dreg:$0x6] =	wrdreg $0x9  }
0xb3: {  	_ =	task.clear_ibuf [dreg:s7], $0x7FFFF;
	_ =	strace $0x90000046  }
0xb4: {  	s29 =	simm.s32 $0x9;
	_ =	strace $0x80000048  }
0xb5: {  	_ =	swait.ge [sflag:s29], $0x1  }
0xb6: {  	[sflag:s29] =	ssyncadd.s32 $0xFFFFFFFF  }
0xb7: {  	_ =	strace $0x90000048  }
0xb8: {  	_ =	sfence  }
0xb9: {  	s30 =	sld [smem:$0x0];
	_ =	sdelay $0x2  }
0xba: {  	s31 =	sshll.u32 s1, $0xD;
	s1 =	sshrl.u32 s1, $0x2  }
0xbb: {  	s3 =	sand.u32 $0x4000, s31;
	s1 =	sadd.s32 s1, s30  }
0xbc: {  	s0 =	sor.u32 s3, s0;
	s1 =	sshll.u32 s1, $0x11  }
0xbd: {  	s0 =	sor.u32 s1, s0  }
0xbe: {  	s0 =	sadd.s32 $0x8F2B, s0  }
0xbf: {  	[sflag:s0] =	ssyncadd.remote.s32 $0x1  }
0xc0: {  	_ =	sfence.sel $0xFFFF  }
0xc1: {  	[dreg:$0x0] =	wrdreg $0xFFFFFFFF;
	(pc) =	sbr.abs _section_cstart, $3  }
0xc2: {  	[dreg:$0x1] =	wrdreg $0xFFFFFFFF  }
0xc3: {  	_ =	task.clear_ibuf [dreg:s7], $0x2FFFF;
	_ =	strace $0x9FFFFFFF  }
0xc4: {  	(tm) =	ssettm $0x7FFFFFFF  }
0xc5: {  	_ =	shalt  }
tec
execute0_lowered:
.L_overlay_start_1:
0x0: {  	(tag) =	ssettag $0x1  }
0x1: {  	s0 =	rddreg [dreg:$0x0]  }
0x2: {  	s3 =	rddreg [dreg:$0x1]  }
0x3: {  	s1 =	rddreg [dreg:$0x2]  }
0x4: {  	s2 =	rddreg [dreg:$0x3];
	s4 =	simm.s32 $0x0;
	s6 =	srdreg.scid  }
0x5: {  	s17 =	stileid.u32;
	s30 =	simm.s32 $0x8;
	s31 =	simm.s32 $0x9  }
0x6: {  	s29 =	simm.s32 $0xA;
	[smem:$0x7FF] =	sst s4;
	s5 =	sadd.s32 $0x3800, s3  }
0x7: {  	s7 =	sand.u32 $0x1, s6;
	s8 =	smul.u32 $0x4F000, s17;
	s6 =	sadd.s32 $0xD800, s3  }
0x8: {  	s11 =	smul.u32 $0x13800, s17;
	s10 =	sadd.s32 $0x17800, s3;
	s3 =	sadd.s32 $0x1A000, s3  }
0x9: {  	_ =	strace $0x80000047;
	s9 =	ssub.s32 $0x2, s7;
	s7 =	smul.u32 $0x138800, s7  }
0xa: {  	[dreg:$0x5] =	wrdreg s10;
	s10 =	smul.u32 $0x5000, s17;
	s16 =	sshrl.u32 s9, $0x1  }
0xb: {  	s8 =	sshrl.u32 s8, $0x2;
	s14 =	sadd.s32 s11, s1;
	s9 =	ssub.s32 s9, s16  }
0xc: {  	s12 =	sadd.s32 s8, s2;
	s8 =	sshll.u32 s17, $0x6;
	s28 =	sshrl.u32 s14, $0x3  }
0xd: {  	s16 =	sshrl.u32 s10, $0x3;
	s13 =	sor.u32 $0x1C06, s8;
	[dreg:$0x11] =	wrdreg s28  }
0xe: {  	s18 =	sadd.s32 s11, s7;
	s20 =	sadd.s32 s5, s16;
	[dreg:$0x6] =	wrdreg s13  }
0xf: {  	s21 =	sor.u32 $0x10, s16;
	s16 =	sadd.s32 s6, s16;
	[dreg:$0x9] =	wrdreg s20  }
0x10: {  	s7 =	sshrl.u32 s7, $0x3;
	s25 =	smax.u32 s9, $0x1;
	[dreg:$0xa] =	wrdreg s16  }
0x11: {  	s19 =	sshrl.u32 s18, $0x3;
	s26 =	sshrl.u32 s12, $0x3;
	[dreg:$0xf] =	wrdreg s25  }
0x12: {  	s7 =	sadd.s32 $0x27000, s7;
	s15 =	sadd.s32 s0, s19;
	[dreg:$0x10] =	wrdreg s26  }
0x13: {  	p0 =	sne.s32 s17, $0xF;
	s0 =	sadd.s32 s0, s7;
	[dreg:$0x7] =	wrdreg s15  }
0x14: {  	s24 =	sadd.s32 s11, s2;
	s22 =	sadd.s32 s5, s21;
	[dreg:$0x8] =	wrdreg s0  }
0x15: {  	s24 =	sshrl.u32 s24, $0x3;
	s23 =	sadd.s32 s3, s19;
	[dreg:$0xb] =	wrdreg s22  }
0x16: {  	s3 =	sadd.s32 s3, s7;
	s26 =	simm.s32 $0x7;
	[dreg:$0xd] =	wrdreg s23  }
0x17: {  	s15 =	sadd.s32 $0x138000, s1;
	s0 =	sadd.s32 s6, s21;
	[dreg:$0xe] =	wrdreg s3  }
0x18: {  	s3 =	sadd.s32 $0x138000, s2;
	s23 =	simm.s32 $0x6;
	[dreg:$0xc] =	wrdreg s0  }
0x19: {  	s7 =	sshrl.u32 @!p0 s15, $0x3;
	s25 =	sshrl.u32 @!p0 s3, $0x3;
	s0 =	simm.s32 $0x1  }
0x1a: {  	s3 =	simm.s32 $0x80;
	[dreg:$0x12] =	wrdreg s7;
	s7 =	simm.s32 $0x0  }
.LBB2_1:
0x1b: {  	s9 =	rddreg [dreg:$0x5]  }
0x1c: {  	s11 =	rddreg [dreg:$0x6]  }
0x1d: {  	s12 =	rddreg [dreg:$0x10]  }
0x1e: {  	[spmem:s12], [sflag:s11] =	dma.local [hbm:s9], $0x2780  }
0x1f: {  	s11 =	rddreg [dreg:$0x7]  }
0x20: {  	s28 =	sor.u32 $0x1C07, s8;
	s12 =	rddreg [dreg:$0x11]  }
0x21: {  	[spmem:s12], [sflag:s28] =	dma.local [hbm:s11], $0x2700  }
0x22: {  	s11 =	rddreg [dreg:$0x8]  }
0x23: {  	s9 =	simm.s32 @!p0 $0x1FCA;
	s12 =	rddreg [dreg:$0x12]  }
0x24: {  	[spmem:s12], [sflag:s9] =	dma.local @!p0 [hbm:s11], $0x100  }
0x25: {  	s9 =	simm.s32 @!p0 $0xA  }
0x26: {  	_ =	swait.ge @!p0 [sflag:s9], $0x100  }
0x27: {  	[sflag:s9] =	ssyncset.done @!p0 $0x0  }
0x28: {  	[sflag:s9] =	ssyncadd.s32 @!p0 $0xFFFFFF00  }
0x29: {  	_ =	swait.ge [sflag:s23], $0x2780  }
0x2a: {  	[sflag:s23] =	ssyncset.done $0x0  }
0x2b: {  	[sflag:s23] =	ssyncadd.s32 $0xFFFFD880  }
0x2c: {  	_ =	swait.ge [sflag:s26], $0x2700  }
0x2d: {  	[sflag:s26] =	ssyncset.done $0x0  }
0x2e: {  	s14 =	simm.s32 $0x13A40;
	s16 =	simm.s32 $0x13B40;
	[sflag:s26] =	ssyncadd.s32 $0xFFFFD900  }
0x2f: {  	s18 =	simm.s32 $0x13AC0;
	p2 =	por $0x0, $0x0;
	[bflag:$0x0] =	sbarrier.arrive $0xFFFF  }
0x30: {  	s20 =	simm.s32 $0x13BC0;
	p1 =	por @!p2 $0x1, $0x1;
	s13 =	rddreg [dreg:$0x9]  }
0x31: {  	[tilespmem:s14], [sflag:$0x1] =	stream.linear.gather [hbm4b:s13+s4], $0x80, $0x38;
	[tilespmem:$0x1BD40] =	vst v63  }
0x32: {  	s21 =	simm.s32 $0x13D40;
	p3 =	por p1, p2;
	s15 =	rddreg [dreg:$0xa]  }
0x33: {  	[tilespmem:s16], [sflag:$0x3] =	stream.linear.gather [hbm4b:s15+s4], $0x80, $0x38;
	[tilespmem:$0x1BD40] =	vst v63  }
0x34: {  	p1 =	por $0x0, $0x0;
	s17 =	rddreg [dreg:$0xb];
	s13 =	simm.s32 $0x2  }
0x35: {  	[tilespmem:s18], [sflag:$0x2] =	stream.linear.gather [hbm4b:s17+s4], $0x80, $0x38;
	[tilespmem:$0x1BD40] =	vst v63  }
0x36: {  	s22 =	simm.s32 $0x1;
	s19 =	rddreg [dreg:$0xc];
	s13 =	smul.u32 @!p1 $0xAB, s13  }
0x37: {  	[tilespmem:s20], [sflag:$0x4] =	stream.linear.gather [hbm4b:s19+s4], $0x80, $0x38;
	[tilespmem:$0x1BD40] =	vst v63  }
0x38: {  	s11 =	simm.s32 $0x180;
	s13 =	sshrl.u32 @!p1 s13, $0x9;
	_ =	swait.ge [sflag:s0], $0x80  }
0x39: {  	s9 =	simm.s32 $0x3;
	s13 =	sand.u32 @!p1 $0x7F, s13;
	[sflag:s0] =	ssyncset.done $0x0  }
0x3a: {  	s15 =	simm.s32 $0x100;
	s13 =	smul.u32 @!p1 $0x3, s13;
	[sflag:s0] =	ssyncadd.s32 $0xFFFFFF80  }
0x3b: {  	[tilespmem:s21], [sflag:$0x6] =	stream.indirect.gather [spmem:s1], $0x40, s14, s3, $0xb8;
	[tilespmem:$0x1BD40] =	vst v63  }
0x3c: {  	s17 =	simm.s32 $0x0;
	s13 =	ssub.s32 @!p1 $0x2, s13;
	s14 =	sand.u32 $0x1, s22  }
0x3d: {  	s20 =	simm.s32 @!p2 $0x80;
	s13 =	sand.u32 @!p1 $0xFF, s13;
	s12 =	sadd.s32 @!p2 $0x1, s14  }
0x3e: {  	s16 =	sshll.u32 @!p2 s14, $0xE;
	s18 =	sor.u32 @!p3 $0x8, s14;
	_ =	swait.ge @!p2 [sflag:s12], $0x80  }
0x3f: {  	s19 =	sshll.u32 @!p2 s14, $0x7;
	s14 =	sor.u32 @!p2 $0x6, s14;
	[sflag:s12] =	ssyncset.done @!p2 $0x0  }
0x40: {  	s16 =	sor.u32 @!p2 $0x13D40, s16;
	s19 =	sor.u32 @!p2 $0x13A40, s19;
	[sflag:s12] =	ssyncadd.s32 @!p2 $0xFFFFFF80  }
0x41: {  	s12 =	sand.u32 $0x1, s17;
	s17 =	smul.u32 $0xAB, s17;
	_ =	swait.ge @!p3 [sflag:s18], $0x2000  }
0x42: {  	s28 =	sor.u32 $0x6, s12;
	s22 =	sshll.u32 s12, $0xE;
	[sflag:s18] =	ssyncset.done @!p3 $0x0  }
0x43: {  	s21 =	sshrl.u32 s17, $0x9;
	s17 =	sor.u32 $0x8, s12;
	[sflag:s18] =	ssyncadd.s32 @!p3 $0xFFFFE000  }
0x44: {  	[tilespmem:s16], [sflag:s14] =	stream.indirect.gather @!p2 [spmem:s1], $0x40, s19, s20, $0xb8;
	[tilespmem:$0x1BD40] =	vst v63  }
0x45: {  	s14 =	sand.u32 @!p1 $0x380, s15;
	s16 =	sand.u32 $0x7F, s21;
	s15 =	sand.u32 @!p1 $0xFC00, s15  }
0x46: {  	s18 =	sshll.u32 @!p1 s12, $0x7;
	s15 =	sadd.s32 @!p1 s10, s15;
	s16 =	smul.u32 $0x3, s16  }
0x47: {  	s19 =	sor.u32 $0x13D40, s22;
	_ =	swait.ge [sflag:s28], $0x2000;
	s14 =	sor.u32 @!p1 s14, s15  }
0x48: {  	[sflag:s28] =	ssyncset.done $0x0;
	s14 =	sshrl.u32 @!p1 s14, $0x3;
	s16 =	ssub.s32 $0x0, s16  }
0x49: {  	[sflag:s28] =	ssyncadd.s32 $0xFFFFE000;
	s15 =	sadd.s32 @!p1 s5, s14;
	s28 =	sand.u32 $0xFF, s16  }
0x4a: {  	s16 =	sor.u32 @!p1 $0x13A40, s18;
	s18 =	sadd.s32 $0x3, s28;
	s20 =	sshll.u32 s28, $0x7  }
0x4b: {  	s14 =	sadd.s32 @!p1 s6, s14;
	s20 =	sadd.s32 $0x13B40, s20;
	_ =	swait.ge [sflag:s18], $0x80  }
.LBB2_2:
0x4c: {  	[sflag:s18] =	ssyncset.done $0x0;
	s12 =	sadd.s32 @!p1 $0x1, s12;
	s21 =	sshll.u32 @!p1 s13, $0x7  }
0x4d: {  	[sflag:s18] =	ssyncadd.s32 $0xFFFFFF80;
	s18 =	sadd.s32 @!p1 $0x13B40, s21;
	s21 =	sadd.s32 @!p1 $0x3, s13  }
0x4e: {  	[spmem:s2] =	stream.indirect.scatter.add.f32 [tilespmem:s19], [sflag:s17], $0x40, s20, s3, $0xb8;
	[tilespmem:$0x1BD40] =	vst v63  }
0x4f: {  	s13 =	smov.u32 s9;
	s9 =	sadd.s32 $0x1, s9;
	s17 =	simm.s32 @!p1 $0x0  }
0x50: {  	[tilespmem:s16], [sflag:s12] =	stream.linear.gather @!p1 [hbm4b:s15+s17], $0x80, $0x38;
	[tilespmem:$0x1BD40] =	vst v63  }
0x51: {  	p2 =	sne.s32 s9, $0x9F;
	s15 =	smov.u32 s11  }
0x52: {  	[tilespmem:s18], [sflag:s21] =	stream.linear.gather @!p1 [hbm4b:s14+s17], $0x80, $0x38;
	[tilespmem:$0x1BD40] =	vst v63  }
0x53: {  	p3 =	seq.s32 s13, $0x9E;
	s12 =	sadd.s32 $0xFFFFFFFF, s13  }
0x54: {  	s20 =	simm.s32 @!p3 $0x80;
	s11 =	sadd.s32 $0x80, s11;
	s14 =	sand.u32 $0x1, s12  }
0x55: {  	p1 =	seq.s32 @!p3 s13, $0x2;
	s16 =	sadd.s32 @!p3 $0x1, s14;
	s17 =	sshll.u32 @!p3 s14, $0xE  }
0x56: {  	s18 =	sadd.s32 $0xFFFFFFFE, s13;
	s19 =	sshll.u32 @!p3 s14, $0x7;
	_ =	swait.ge @!p3 [sflag:s16], $0x80  }
0x57: {  	p4 =	por p1, p3;
	s12 =	sand.u32 $0x1, s18;
	[sflag:s16] =	ssyncset.done @!p3 $0x0  }
0x58: {  	p1 =	sgt.u32 s18, $0x9A;
	[sflag:s16] =	ssyncadd.s32 @!p3 $0xFFFFFF80;
	s16 =	sor.u32 @!p4 $0x8, s14  }
0x59: {  	s21 =	smul.u32 $0xAB, s18;
	s17 =	sor.u32 @!p3 $0x13D40, s17;
	_ =	swait.ge @!p4 [sflag:s16], $0x2000  }
0x5a: {  	s22 =	sor.u32 $0x6, s12;
	s19 =	sor.u32 @!p3 $0x13A40, s19;
	[sflag:s16] =	ssyncset.done @!p4 $0x0  }
0x5b: {  	s28 =	smul.u32 @!p1 $0xAB, s13;
	[sflag:s16] =	ssyncadd.s32 @!p4 $0xFFFFE000;
	s16 =	sand.u32 @!p1 $0x380, s15  }
0x5c: {  	s21 =	sshrl.u32 s21, $0x9;
	s14 =	sor.u32 @!p3 $0x6, s14;
	s15 =	sand.u32 @!p1 $0xFC00, s15  }
0x5d: {  	[tilespmem:s17], [sflag:s14] =	stream.indirect.gather @!p3 [spmem:s1], $0x40, s19, s20, $0xb8;
	[tilespmem:$0x1BD40] =	vst v63  }
0x5e: {  	s15 =	sadd.s32 @!p1 s10, s15;
	s14 =	sand.u32 $0x7F, s21;
	_ =	swait.ge [sflag:s22], $0x2000  }
0x5f: {  	s17 =	sshrl.u32 @!p1 s28, $0x9;
	s15 =	sor.u32 @!p1 s16, s15;
	[sflag:s22] =	ssyncset.done $0x0  }
0x60: {  	s16 =	sand.u32 @!p1 $0x7F, s17;
	s17 =	smul.u32 $0x3, s14;
	[sflag:s22] =	ssyncadd.s32 $0xFFFFE000  }
0x61: {  	s19 =	sshll.u32 s12, $0xE;
	s14 =	sshrl.u32 @!p1 s15, $0x3;
	s20 =	smul.u32 @!p1 $0x3, s16  }
.Ltmp0:
0x62: {  	s15 =	sadd.s32 @!p1 s5, s14;
	s14 =	sadd.s32 @!p1 s6, s14;
	(pc) =	sbr.rel @p2 .LBB2_2-.Ltmp0, $4  }
0x63: {  	s16 =	ssub.s32 s18, s17;
	s17 =	sor.u32 $0x8, s12;
	s18 =	sshll.u32 @!p1 s12, $0x7  }
0x64: {  	s21 =	sand.u32 $0xFF, s16;
	s16 =	sor.u32 @!p1 $0x13A40, s18;
	s13 =	ssub.s32 @!p1 s13, s20  }
0x65: {  	s18 =	sadd.s32 $0x3, s21;
	s20 =	sshll.u32 s21, $0x7;
	s13 =	sand.u32 @!p1 $0xFF, s13  }
0x66: {  	s19 =	sor.u32 $0x13D40, s19;
	s20 =	sadd.s32 $0x13B40, s20;
	_ =	swait.ge [sflag:s18], $0x80  }
0x67: {  	[sflag:s18] =	ssyncset.done $0x0  }
0x68: {  	[sflag:s18] =	ssyncadd.s32 $0xFFFFFF80  }
0x69: {  	[spmem:s2] =	stream.indirect.scatter.add.f32 [tilespmem:s19], [sflag:s17], $0x40, s20, s3, $0xb8;
	[tilespmem:$0x1BD40] =	vst v63  }
0x6a: {  	s9 =	sadd.s32 @!p1 $0x1, s12;
	s11 =	sshll.u32 @!p1 s13, $0x7;
	s12 =	simm.s32 @!p1 $0x0  }
0x6b: {  	[tilespmem:s16], [sflag:s9] =	stream.linear.gather @!p1 [hbm4b:s15+s12], $0x80, $0x38;
	[tilespmem:$0x1BD40] =	vst v63  }
0x6c: {  	s9 =	sadd.s32 @!p1 $0x13B40, s11;
	s11 =	sadd.s32 @!p1 $0x3, s13  }
0x6d: {  	[tilespmem:s9], [sflag:s11] =	stream.linear.gather @!p1 [hbm4b:s14+s12], $0x80, $0x38;
	[tilespmem:$0x1BD40] =	vst v63  }
0x6e: {  	_ =	swait.ge [sflag:s30], $0x2000  }
0x6f: {  	[sflag:s30] =	ssyncset.done $0x0  }
0x70: {  	[sflag:s30] =	ssyncadd.s32 $0xFFFFE000  }
0x71: {  	_ =	swait.ge [sflag:s31], $0x2000  }
0x72: {  	[sflag:s31] =	ssyncset.done $0x0  }
0x73: {  	[sflag:s31] =	ssyncadd.s32 $0xFFFFE000  }
0x74: {  	[bflag:$0x0] =	sbarrier.arrive $0xFFFF  }
0x75: {  	s9 =	sor.u32 $0x1C0A, s8;
	s22 =	rddreg [dreg:$0xd]  }
0x76: {  	[hbm:s22], [sflag:s9] =	dma.local [spmem:s24], $0x2700  }
0x77: {  	_ =	swait.ge [sflag:s29], $0x2700  }
0x78: {  	[sflag:s29] =	ssyncset.done $0x0  }
0x79: {  	s11 =	rddreg [dreg:$0xe];
	[sflag:s29] =	ssyncadd.s32 $0xFFFFD900  }
0x7a: {  	[hbm:s11], [sflag:s9] =	dma.local @!p0 [spmem:s25], $0x100  }
0x7b: {  	s9 =	simm.s32 @!p0 $0xA  }
0x7c: {  	_ =	swait.ge @!p0 [sflag:s9], $0x100  }
0x7d: {  	s7 =	sadd.s32 $0x1, s7;
	s28 =	rddreg [dreg:$0xf]  }
0x7e: {  	p1 =	sne.s32 s7, s28  }
.Ltmp1:
0x7f: {  	_ = 	snop;
	(pc) =	sbr.rel @p1 .LBB2_1-.Ltmp1, $3  }
0x80: {  	_ =	sdelay $0x1  }
0x81: {  	[sflag:s9] =	ssyncset.done @!p0 $0x0  }
0x82: {  	[sflag:s9] =	ssyncadd.s32 @!p0 $0xFFFFFF00  }
0x83: {  	_ =	sfence.sel $0x180000  }
0x84: {  	[bflag:$0x0] =	sbarrier.arrive $0xFFFF  }
0x85: {  	_ =	strace $0x90000047  }
0x86: {  	s0 =	stileid.u32;
	[bflag:$0x2] =	sbarrier.arrive $0xFFFF  }
0x87: {  	p0 =	sne.s32 s0, $0x0;
	s0 =	rddreg [dreg:$0x4]  }
0x88: {  	s0 =	sadd.s32 @!p0 $0x100000, s0  }
0x89: {  	[sflag:s0] =	ssyncadd.tile.s32 @!p0 $0x1;
	_ =	shalt  }
.Lfunc_end2:
_tile_overlayer_lowered:
.L_overlay_start_2:
0x8a: {  	(tag) =	ssettag $0x2  }
0x8b: {  	s0 =	rddreg [dreg:$0x0];
	s2 =	stileid.u32  }
0x8c: {  	s1 =	rddreg [dreg:$0x1];
	p0 =	sne.s32 s2, $0x0  }
0x8d: {  	s3 =	rddreg [dreg:$0x2];
	[bflag:$0x3] =	sbarrier.arrive $0xFFFF;
	s2 =	simm.s32 @!p0 $0x1C0A  }
0x8e: {  	[timem:s3], [sflag:s2] =	dma.local @!p0 [hbm:s0], s1  }
0x8f: {  	s0 =	simm.s32 @!p0 $0xA  }
0x90: {  	_ =	swait.ge @!p0 [sflag:s0], s1  }
0x91: {  	s1 =	ssub.s32 @!p0 $0x0, s1;
	[sflag:s0] =	ssyncset.done @!p0 $0x0  }
0x92: {  	[sflag:s0] =	ssyncadd.s32 @!p0 s1  }
0x93: {  	[bflag:$0x3] =	sbarrier.arrive $0xFFFF  }
0x94: {  	_ =	shalt  }

// kernel: kernel.13.cloned.1.call-start
scs
__scs_entry_jumppad:
0x0: {  	(pc) =	sbr.rel $0x88, $3  }
0x1: {  	(tag) =	ssettag $0x0;
	lr =	simm.s32 $0x1  }
0x2: {  	[smem:$0x3F99] =	sst lr;
	_ =	strace $0xD0000000  }
0x3: {  	_ = 	snop  }
0x4: {  	_ = 	snop  }
0x5: {  	_ = 	snop  }
0x6: {  	_ = 	snop  }
0x7: {  	_ = 	snop  }
__scs_overlays_trampoline_lowered:
0x8: {  	[smem:$0x3FA8] =	sst s0  }
0x9: {  	[smem:$0x3FA9] =	sst s1  }
0xa: {  	[smem:$0x3FAA] =	sst s2  }
0xb: {  	[smem:$0x3FAB] =	sst s3  }
0xc: {  	[smem:$0x3FAC] =	sst s4  }
0xd: {  	[smem:$0x3FAD] =	sst s5  }
0xe: {  	[smem:$0x3FAE] =	sst s6  }
0xf: {  	[smem:$0x3FAF] =	sst s7  }
0x10: {  	[smem:$0x3FB0] =	sst s8  }
0x11: {  	[smem:$0x3FB1] =	sst s9;
	s0 =	simm.s32 @!p0 $0x0  }
0x12: {  	s1 =	sld [smem:$0x3F97];
	s0 =	simm.s32 @p0 $0x1  }
0x13: {  	[smem:$0x3FB2] =	sst s0;
	s0 =	simm.s32 @!p1 $0x0  }
0x14: {  	s2 =	sld [smem:$0x3F96];
	s0 =	simm.s32 @p1 $0x1  }
0x15: {  	[smem:$0x3FB3] =	sst s0;
	s0 =	simm.s32 @!p2 $0x0  }
0x16: {  	s3 =	sld [smem:$0x3FDB];
	s0 =	simm.s32 @p2 $0x1  }
0x17: {  	s4 =	simm.s32 $0x1BF5;
	[smem:$0x3FB5] =	sst s0  }
0x18: {  	s0 =	sld [smem:$0x3F98];
	_ =	swait.ge [sflag:s4], $0x0  }
0x19: {  	s7 =	sld [smem:$0x3F99]  }
0x1a: {  	s8 =	sadd.s32 $0xFFFFE003, lr  }
0x1b: {  	s9 =	sadd.s32 $0xFFFFFEF7, lr;
	s5 =	simm.s32 $0xFFFFFFFF;
	p2 =	slt.u32 s8, $0xFFFFF086  }
0x1c: {  	p1 =	slt.u32 s9, $0xF7A;
	s5 =	simm.s32 @!p2 $0x0  }
0x1d: {  	s5 =	simm.s32 @p1 $0x1;
	p0 =	seq.s32 s7, s2  }
0x1e: {  	s7 =	smul.u32 @!p0 $0xF7A, s2;
	p2 =	seq.s32 @!p0 s5, $0x0  }
0x1f: {  	s9 =	smul.u32 $0xF7A, s1;
	s8 =	simm.s32 @!p0 $0x1BF5;
	p2 =	por !p2, p0  }
0x20: {  	[sflag:s8] =	ssyncset.s32 @!p0 $0xFFFFF086;
	s6 =	sadd.s32 @!p0 s3, s7;
	s7 =	simm.s32 @!p0 $0x108  }
0x21: {  	s3 =	sadd.s32 s3, s9;
	s6 =	sadd.s32 @!p0 $0x88, s6;
	s7 =	simm.s32 @p2 $0x1082  }
0x22: {  	[simem:s7], [sflag:s8] =	dma.local @!p0 [hbm:s6], $0xF7A  }
0x23: {  	s9 =	sor.u32 $0xD0000000, s2;
	s6 =	simm.s32 $0x108;
	_ =	swait.ge @!p0 [sflag:s8], $0x0  }
0x24: {  	s3 =	sadd.s32 $0x88, s3;
	s6 =	simm.s32 @!p1 $0x1082;
	[sflag:s4] =	ssyncset.s32 $0xFFFFF086  }
0x25: {  	[simem:s6], [sflag:s4] =	dma.local [hbm:s3], $0xF7A  }
0x26: {  	[smem:$0x3F99] =	sst s1;
	(tag) =	ssettag s2;
	_ =	strace s9  }
0x27: {  	s1 =	sld [smem:$0x3FA9]  }
0x28: {  	s2 =	sld [smem:$0x3FAA]  }
0x29: {  	s4 =	sld [smem:$0x3FAC]  }
0x2a: {  	p0 =	seq.s32 s5, $0x0;
	s5 =	sld [smem:$0x3FAD]  }
0x2b: {  	s6 =	sld [smem:$0x3FAE]  }
0x2c: {  	s7 =	sld [smem:$0x3FAF]  }
0x2d: {  	s3 =	simm.s32 $0x108;
	s8 =	sld [smem:$0x3FB0]  }
0x2e: {  	s3 =	simm.s32 @!p0 $0x1082;
	s9 =	sld [smem:$0x3FB1]  }
0x2f: {  	lr =	sadd.s32 s0, s3;
	s0 =	sld [smem:$0x3FA8]  }
0x30: {  	s3 =	sld [smem:$0x3FAB]  }
0x31: {  	[smem:$0x3FB4] =	sst s10  }
0x32: {  	s10 =	sld [smem:$0x3FB2];
	_ =	sdelay $0x3  }
0x33: {  	p0 =	seq.s32 s10, $0x1;
	s10 =	sld [smem:$0x3FB4];
	_ =	sdelay $0x3  }
0x34: {  	[smem:$0x3FB4] =	sst s10  }
0x35: {  	s10 =	sld [smem:$0x3FB3];
	_ =	sdelay $0x3  }
0x36: {  	p1 =	seq.s32 s10, $0x1;
	s10 =	sld [smem:$0x3FB4];
	_ =	sdelay $0x3  }
0x37: {  	[smem:$0x3FB4] =	sst s10  }
0x38: {  	s10 =	sld [smem:$0x3FB5]  }
0x39: {  	_ = 	snop;
	(pc) =	sbr.ind lr, $3  }
0x3a: {  	_ = 	snop  }
0x3b: {  	_ = 	snop  }
0x3c: {  	p2 =	seq.s32 s10, $0x1;
	s10 =	sld [smem:$0x3FB4]  }
0x3d: {  	_ =	shalt  }
0x3e: {  	_ =	shalt  }
0x3f: {  	_ =	shalt  }
0x40: {  	_ =	shalt  }
0x41: {  	_ =	shalt  }
0x42: {  	_ =	shalt  }
0x43: {  	_ =	shalt  }
0x44: {  	_ =	shalt  }
0x45: {  	_ =	shalt  }
0x46: {  	_ =	shalt  }
0x47: {  	_ =	shalt  }
0x48: {  	_ =	shalt  }
0x49: {  	_ =	shalt  }
0x4a: {  	_ =	shalt  }
0x4b: {  	_ =	shalt  }
0x4c: {  	_ =	shalt  }
0x4d: {  	_ =	shalt  }
0x4e: {  	_ =	shalt  }
0x4f: {  	_ =	shalt  }
0x50: {  	_ =	shalt  }
0x51: {  	_ =	shalt  }
0x52: {  	_ =	shalt  }
0x53: {  	_ =	shalt  }
0x54: {  	_ =	shalt  }
0x55: {  	_ =	shalt  }
0x56: {  	_ =	shalt  }
0x57: {  	_ =	shalt  }
0x58: {  	_ =	shalt  }
0x59: {  	_ =	shalt  }
0x5a: {  	_ =	shalt  }
0x5b: {  	_ =	shalt  }
0x5c: {  	_ =	shalt  }
0x5d: {  	_ =	shalt  }
0x5e: {  	_ =	shalt  }
0x5f: {  	_ =	shalt  }
0x60: {  	_ =	shalt  }
0x61: {  	_ =	shalt  }
0x62: {  	_ =	shalt  }
0x63: {  	_ =	shalt  }
0x64: {  	_ =	shalt  }
0x65: {  	_ =	shalt  }
0x66: {  	_ =	shalt  }
0x67: {  	_ =	shalt  }
0x68: {  	_ =	shalt  }
0x69: {  	_ =	shalt  }
0x6a: {  	_ =	shalt  }
0x6b: {  	_ =	shalt  }
0x6c: {  	_ =	shalt  }
0x6d: {  	_ =	shalt  }
0x6e: {  	_ =	shalt  }
0x6f: {  	_ =	shalt  }
0x70: {  	_ =	shalt  }
0x71: {  	_ =	shalt  }
0x72: {  	_ =	shalt  }
0x73: {  	_ =	shalt  }
0x74: {  	_ =	shalt  }
0x75: {  	_ =	shalt  }
0x76: {  	_ =	shalt  }
0x77: {  	_ =	shalt  }
0x78: {  	_ =	shalt  }
0x79: {  	_ =	shalt  }
0x7a: {  	_ =	shalt  }
0x7b: {  	_ =	shalt  }
0x7c: {  	_ =	shalt  }
0x7d: {  	_ =	shalt  }
0x7e: {  	_ =	shalt  }
0x7f: {  	_ =	shalt  }
0x80: {  	_ =	shalt  }
0x81: {  	_ =	shalt  }
0x82: {  	_ =	shalt  }
0x83: {  	_ =	shalt  }
0x84: {  	_ =	shalt  }
0x85: {  	_ =	shalt  }
0x86: {  	_ =	shalt  }
0x87: {  	_ =	shalt  }
.Lfunc_end0:
.L_simem_size_0:
called_computation.1_lowered:
.L_overlay_start_0:
0x88: {  	s2 =	sld [smem:$0x3FD9]  }
0x89: {  	s3 =	sld [smem:$0x3FFE];
	_ =	sdelay $0x1  }
0x8a: {  	s1 =	srdreg.scid  }
0x8b: {  	s0 =	sand.u32 $0x1, s1  }
0x8c: {  	s17 =	sshll.u32 s0, $0xA;
	s2 =	sadd.s32 s3, s2  }
0x8d: {  	s2 =	sadd.s32 s2, s17  }
0x8e: {  	[smem:$0x3FC0] =	sst s2  }
0x8f: {  	_ = 	snop  }
0x90: {  	s2 =	sld [smem:$0x3FD0];
	(tm) =	ssettm $0x1  }
0x91: {  	s18 =	sld [smem:$0x3FFB];
	_ =	sdelay $0x3  }
0x92: {  	_ =	strace s18  }
0x93: {  	s3 =	sld [smem:$0x3FFC];
	_ =	sdelay $0x3  }
0x94: {  	_ =	strace s3  }
0x95: {  	s3 =	sld [smem:$0x3FFD];
	_ =	sdelay $0x3  }
0x96: {  	_ =	strace s3  }
0x97: {  	_ =	strace $0x8FFFFFFF  }
0x98: {  	s19 =	sld [smem:$0x3FDB];
	_ =	sdelay $0x1  }
0x99: {  	s4 =	simm.s32 $_scs_section_size  }
0x9a: {  	s5 =	simm.s32 $_size__tile_overlayer_lowered;
	s6 =	simm.s32 $_tile_overlayer_lowered  }
0x9b: {  	s22 =	simm.s32 $0x1BFF;
	s21 =	sshll.u32 s6, $0x1;
	s3 =	sadd.s32 s4, s19  }
0x9c: {  	s7 =	simm.s32 $0x0;
	s20 =	sshll.u32 s5, $0x1;
	s5 =	sadd.s32 s21, s3  }
0x9d: {  	[timem:s7], [sflag:s22] =	dma.local [hbm:s5], s20  }
0x9e: {  	_ =	swait.ge [sflag:s22], s20  }
0x9f: {  	s4 =	ssub.s32 $0x0, s20;
	[sflag:s22] =	ssyncset.done $0x0  }
0xa0: {  	[sflag:s22] =	ssyncadd.s32 s4;
	_ =	sdelay $0x1  }
0xa1: {  	s23 =	simm.s32 $0x1B8B  }
0xa2: {  	_ =	swait.ge [sflag:s23], $0x1  }
0xa3: {  	[sflag:s23] =	ssyncset.done $0x0  }
0xa4: {  	s25 =	simm.s32 $0x1B8E;
	s24 =	sld [smem:$0x3FFE];
	[sflag:s23] =	ssyncadd.s32 $0xFFFFFFFF  }
0xa5: {  	s26 =	simm.s32 $execute0_lowered;
	[smem:$0x3FD2] =	sst s25  }
0xa6: {  	s5 =	sshll.u32 s26, $0x1;
	_ =	strace $0x80000049;
	[dreg:$0x1] =	wrdreg $0xFFFFFFFF  }
0xa7: {  	s28 =	simm.s32 $_size_execute0_lowered;
	s3 =	sadd.s32 s3, s5;
	[dreg:$0x0] =	wrdreg $0x0  }
0xa8: {  	s5 =	sshll.u32 s28, $0x1;
	[dreg:$0x2] =	wrdreg s3  }
0xa9: {  	[dreg:$0x3] =	wrdreg s5  }
0xaa: {  	[dreg:$0x4] =	wrdreg $0xC0  }
0xab: {  	_ =	task [dreg:s7], $0x5FFFF  }
0xac: {  	[dreg:$0x1] =	wrdreg $0xFFFFFFFF  }
0xad: {  	[dreg:$0x0] =	wrdreg $0x60  }
0xae: {  	[dreg:$0x2] =	wrdreg s2  }
0xaf: {  	[dreg:$0x3] =	wrdreg s24  }
0xb0: {  	[dreg:$0x4] =	wrdreg $0x0  }
0xb1: {  	[dreg:$0x5] =	wrdreg $0x9C400  }
0xb2: {  	[dreg:$0x6] =	wrdreg $0x9  }
0xb3: {  	_ =	task.clear_ibuf [dreg:s7], $0x7FFFF;
	_ =	strace $0x90000049  }
0xb4: {  	s29 =	simm.s32 $0x9;
	_ =	strace $0x8000004B  }
0xb5: {  	_ =	swait.ge [sflag:s29], $0x1  }
0xb6: {  	[sflag:s29] =	ssyncadd.s32 $0xFFFFFFFF  }
0xb7: {  	_ =	strace $0x9000004B  }
0xb8: {  	_ =	sfence  }
0xb9: {  	s30 =	sld [smem:$0x0];
	_ =	sdelay $0x2  }
0xba: {  	s31 =	sshll.u32 s1, $0xD;
	s1 =	sshrl.u32 s1, $0x2  }
0xbb: {  	s3 =	sand.u32 $0x4000, s31;
	s1 =	sadd.s32 s1, s30  }
0xbc: {  	s0 =	sor.u32 s3, s0;
	s1 =	sshll.u32 s1, $0x11  }
0xbd: {  	s0 =	sor.u32 s1, s0  }
0xbe: {  	s0 =	sadd.s32 $0x8F2B, s0  }
0xbf: {  	[sflag:s0] =	ssyncadd.remote.s32 $0x1  }
0xc0: {  	_ =	sfence.sel $0xFFFF  }
0xc1: {  	[dreg:$0x0] =	wrdreg $0xFFFFFFFF;
	(pc) =	sbr.abs _section_cstart, $3  }
0xc2: {  	[dreg:$0x1] =	wrdreg $0xFFFFFFFF  }
0xc3: {  	_ =	task.clear_ibuf [dreg:s7], $0x2FFFF;
	_ =	strace $0x9FFFFFFF  }
0xc4: {  	(tm) =	ssettm $0x7FFFFFFF  }
0xc5: {  	_ =	shalt  }
tec
execute0_lowered:
.L_overlay_start_1:
0x0: {  	(tag) =	ssettag $0x1  }
0x1: {  	s0 =	rddreg [dreg:$0x0]  }
0x2: {  	s3 =	rddreg [dreg:$0x1]  }
0x3: {  	s1 =	rddreg [dreg:$0x2]  }
0x4: {  	s2 =	rddreg [dreg:$0x3];
	s4 =	simm.s32 $0x0;
	s6 =	srdreg.scid  }
0x5: {  	s17 =	stileid.u32;
	s30 =	simm.s32 $0x8;
	s31 =	simm.s32 $0x9  }
0x6: {  	s29 =	simm.s32 $0xA;
	[smem:$0x7FF] =	sst s4;
	s5 =	sadd.s32 $0x3800, s3  }
0x7: {  	s7 =	sand.u32 $0x1, s6;
	s8 =	smul.u32 $0x4F000, s17;
	s6 =	sadd.s32 $0xD800, s3  }
0x8: {  	s11 =	smul.u32 $0x13800, s17;
	s10 =	sadd.s32 $0x17800, s3;
	s3 =	sadd.s32 $0x1A000, s3  }
0x9: {  	_ =	strace $0x8000004A;
	s9 =	ssub.s32 $0x2, s7;
	s7 =	smul.u32 $0x138800, s7  }
0xa: {  	[dreg:$0x5] =	wrdreg s10;
	s10 =	smul.u32 $0x5000, s17;
	s16 =	sshrl.u32 s9, $0x1  }
0xb: {  	s8 =	sshrl.u32 s8, $0x2;
	s14 =	sadd.s32 s11, s1;
	s9 =	ssub.s32 s9, s16  }
0xc: {  	s12 =	sadd.s32 s8, s2;
	s8 =	sshll.u32 s17, $0x6;
	s28 =	sshrl.u32 s14, $0x3  }
0xd: {  	s16 =	sshrl.u32 s10, $0x3;
	s13 =	sor.u32 $0x1C06, s8;
	[dreg:$0x11] =	wrdreg s28  }
0xe: {  	s18 =	sadd.s32 s11, s7;
	s20 =	sadd.s32 s5, s16;
	[dreg:$0x6] =	wrdreg s13  }
0xf: {  	s21 =	sor.u32 $0x10, s16;
	s16 =	sadd.s32 s6, s16;
	[dreg:$0x9] =	wrdreg s20  }
0x10: {  	s7 =	sshrl.u32 s7, $0x3;
	s25 =	smax.u32 s9, $0x1;
	[dreg:$0xa] =	wrdreg s16  }
0x11: {  	s19 =	sshrl.u32 s18, $0x3;
	s26 =	sshrl.u32 s12, $0x3;
	[dreg:$0xf] =	wrdreg s25  }
0x12: {  	s7 =	sadd.s32 $0x27000, s7;
	s15 =	sadd.s32 s0, s19;
	[dreg:$0x10] =	wrdreg s26  }
0x13: {  	p0 =	sne.s32 s17, $0xF;
	s0 =	sadd.s32 s0, s7;
	[dreg:$0x7] =	wrdreg s15  }
0x14: {  	s24 =	sadd.s32 s11, s2;
	s22 =	sadd.s32 s5, s21;
	[dreg:$0x8] =	wrdreg s0  }
0x15: {  	s24 =	sshrl.u32 s24, $0x3;
	s23 =	sadd.s32 s3, s19;
	[dreg:$0xb] =	wrdreg s22  }
0x16: {  	s3 =	sadd.s32 s3, s7;
	s26 =	simm.s32 $0x7;
	[dreg:$0xd] =	wrdreg s23  }
0x17: {  	s15 =	sadd.s32 $0x138000, s1;
	s0 =	sadd.s32 s6, s21;
	[dreg:$0xe] =	wrdreg s3  }
0x18: {  	s3 =	sadd.s32 $0x138000, s2;
	s23 =	simm.s32 $0x6;
	[dreg:$0xc] =	wrdreg s0  }
0x19: {  	s7 =	sshrl.u32 @!p0 s15, $0x3;
	s25 =	sshrl.u32 @!p0 s3, $0x3;
	s0 =	simm.s32 $0x1  }
0x1a: {  	s3 =	simm.s32 $0x80;
	[dreg:$0x12] =	wrdreg s7;
	s7 =	simm.s32 $0x0  }
.LBB2_1:
0x1b: {  	s9 =	rddreg [dreg:$0x5]  }
0x1c: {  	s11 =	rddreg [dreg:$0x6]  }
0x1d: {  	s12 =	rddreg [dreg:$0x10]  }
0x1e: {  	[spmem:s12], [sflag:s11] =	dma.local [hbm:s9], $0x2780  }
0x1f: {  	s11 =	rddreg [dreg:$0x7]  }
0x20: {  	s28 =	sor.u32 $0x1C07, s8;
	s12 =	rddreg [dreg:$0x11]  }
0x21: {  	[spmem:s12], [sflag:s28] =	dma.local [hbm:s11], $0x2700  }
0x22: {  	s11 =	rddreg [dreg:$0x8]  }
0x23: {  	s9 =	simm.s32 @!p0 $0x1FCA;
	s12 =	rddreg [dreg:$0x12]  }
0x24: {  	[spmem:s12], [sflag:s9] =	dma.local @!p0 [hbm:s11], $0x100  }
0x25: {  	s9 =	simm.s32 @!p0 $0xA  }
0x26: {  	_ =	swait.ge @!p0 [sflag:s9], $0x100  }
0x27: {  	[sflag:s9] =	ssyncset.done @!p0 $0x0  }
0x28: {  	[sflag:s9] =	ssyncadd.s32 @!p0 $0xFFFFFF00  }
0x29: {  	_ =	swait.ge [sflag:s23], $0x2780  }
0x2a: {  	[sflag:s23] =	ssyncset.done $0x0  }
0x2b: {  	[sflag:s23] =	ssyncadd.s32 $0xFFFFD880  }
0x2c: {  	_ =	swait.ge [sflag:s26], $0x2700  }
0x2d: {  	[sflag:s26] =	ssyncset.done $0x0  }
0x2e: {  	s14 =	simm.s32 $0x13A40;
	s16 =	simm.s32 $0x13B40;
	[sflag:s26] =	ssyncadd.s32 $0xFFFFD900  }
0x2f: {  	s18 =	simm.s32 $0x13AC0;
	p2 =	por $0x0, $0x0;
	[bflag:$0x0] =	sbarrier.arrive $0xFFFF  }
0x30: {  	s20 =	simm.s32 $0x13BC0;
	p1 =	por @!p2 $0x1, $0x1;
	s13 =	rddreg [dreg:$0x9]  }
0x31: {  	[tilespmem:s14], [sflag:$0x1] =	stream.linear.gather [hbm4b:s13+s4], $0x80, $0x38;
	[tilespmem:$0x1BD40] =	vst v63  }
0x32: {  	s21 =	simm.s32 $0x13D40;
	p3 =	por p1, p2;
	s15 =	rddreg [dreg:$0xa]  }
0x33: {  	[tilespmem:s16], [sflag:$0x3] =	stream.linear.gather [hbm4b:s15+s4], $0x80, $0x38;
	[tilespmem:$0x1BD40] =	vst v63  }
0x34: {  	p1 =	por $0x0, $0x0;
	s17 =	rddreg [dreg:$0xb];
	s13 =	simm.s32 $0x2  }
0x35: {  	[tilespmem:s18], [sflag:$0x2] =	stream.linear.gather [hbm4b:s17+s4], $0x80, $0x38;
	[tilespmem:$0x1BD40] =	vst v63  }
0x36: {  	s22 =	simm.s32 $0x1;
	s19 =	rddreg [dreg:$0xc];
	s13 =	smul.u32 @!p1 $0xAB, s13  }
0x37: {  	[tilespmem:s20], [sflag:$0x4] =	stream.linear.gather [hbm4b:s19+s4], $0x80, $0x38;
	[tilespmem:$0x1BD40] =	vst v63  }
0x38: {  	s11 =	simm.s32 $0x180;
	s13 =	sshrl.u32 @!p1 s13, $0x9;
	_ =	swait.ge [sflag:s0], $0x80  }
0x39: {  	s9 =	simm.s32 $0x3;
	s13 =	sand.u32 @!p1 $0x7F, s13;
	[sflag:s0] =	ssyncset.done $0x0  }
0x3a: {  	s15 =	simm.s32 $0x100;
	s13 =	smul.u32 @!p1 $0x3, s13;
	[sflag:s0] =	ssyncadd.s32 $0xFFFFFF80  }
0x3b: {  	[tilespmem:s21], [sflag:$0x6] =	stream.indirect.gather [spmem:s1], $0x40, s14, s3, $0xb8;
	[tilespmem:$0x1BD40] =	vst v63  }
0x3c: {  	s17 =	simm.s32 $0x0;
	s13 =	ssub.s32 @!p1 $0x2, s13;
	s14 =	sand.u32 $0x1, s22  }
0x3d: {  	s20 =	simm.s32 @!p2 $0x80;
	s13 =	sand.u32 @!p1 $0xFF, s13;
	s12 =	sadd.s32 @!p2 $0x1, s14  }
0x3e: {  	s16 =	sshll.u32 @!p2 s14, $0xE;
	s18 =	sor.u32 @!p3 $0x8, s14;
	_ =	swait.ge @!p2 [sflag:s12], $0x80  }
0x3f: {  	s19 =	sshll.u32 @!p2 s14, $0x7;
	s14 =	sor.u32 @!p2 $0x6, s14;
	[sflag:s12] =	ssyncset.done @!p2 $0x0  }
0x40: {  	s16 =	sor.u32 @!p2 $0x13D40, s16;
	s19 =	sor.u32 @!p2 $0x13A40, s19;
	[sflag:s12] =	ssyncadd.s32 @!p2 $0xFFFFFF80  }
0x41: {  	s12 =	sand.u32 $0x1, s17;
	s17 =	smul.u32 $0xAB, s17;
	_ =	swait.ge @!p3 [sflag:s18], $0x2000  }
0x42: {  	s28 =	sor.u32 $0x6, s12;
	s22 =	sshll.u32 s12, $0xE;
	[sflag:s18] =	ssyncset.done @!p3 $0x0  }
0x43: {  	s21 =	sshrl.u32 s17, $0x9;
	s17 =	sor.u32 $0x8, s12;
	[sflag:s18] =	ssyncadd.s32 @!p3 $0xFFFFE000  }
0x44: {  	[tilespmem:s16], [sflag:s14] =	stream.indirect.gather @!p2 [spmem:s1], $0x40, s19, s20, $0xb8;
	[tilespmem:$0x1BD40] =	vst v63  }
0x45: {  	s14 =	sand.u32 @!p1 $0x380, s15;
	s16 =	sand.u32 $0x7F, s21;
	s15 =	sand.u32 @!p1 $0xFC00, s15  }
0x46: {  	s18 =	sshll.u32 @!p1 s12, $0x7;
	s15 =	sadd.s32 @!p1 s10, s15;
	s16 =	smul.u32 $0x3, s16  }
0x47: {  	s19 =	sor.u32 $0x13D40, s22;
	_ =	swait.ge [sflag:s28], $0x2000;
	s14 =	sor.u32 @!p1 s14, s15  }
0x48: {  	[sflag:s28] =	ssyncset.done $0x0;
	s14 =	sshrl.u32 @!p1 s14, $0x3;
	s16 =	ssub.s32 $0x0, s16  }
0x49: {  	[sflag:s28] =	ssyncadd.s32 $0xFFFFE000;
	s15 =	sadd.s32 @!p1 s5, s14;
	s28 =	sand.u32 $0xFF, s16  }
0x4a: {  	s16 =	sor.u32 @!p1 $0x13A40, s18;
	s18 =	sadd.s32 $0x3, s28;
	s20 =	sshll.u32 s28, $0x7  }
0x4b: {  	s14 =	sadd.s32 @!p1 s6, s14;
	s20 =	sadd.s32 $0x13B40, s20;
	_ =	swait.ge [sflag:s18], $0x80  }
.LBB2_2:
0x4c: {  	[sflag:s18] =	ssyncset.done $0x0;
	s12 =	sadd.s32 @!p1 $0x1, s12;
	s21 =	sshll.u32 @!p1 s13, $0x7  }
0x4d: {  	[sflag:s18] =	ssyncadd.s32 $0xFFFFFF80;
	s18 =	sadd.s32 @!p1 $0x13B40, s21;
	s21 =	sadd.s32 @!p1 $0x3, s13  }
0x4e: {  	[spmem:s2] =	stream.indirect.scatter.add.f32 [tilespmem:s19], [sflag:s17], $0x40, s20, s3, $0xb8;
	[tilespmem:$0x1BD40] =	vst v63  }
0x4f: {  	s13 =	smov.u32 s9;
	s9 =	sadd.s32 $0x1, s9;
	s17 =	simm.s32 @!p1 $0x0  }
0x50: {  	[tilespmem:s16], [sflag:s12] =	stream.linear.gather @!p1 [hbm4b:s15+s17], $0x80, $0x38;
	[tilespmem:$0x1BD40] =	vst v63  }
0x51: {  	p2 =	sne.s32 s9, $0x9F;
	s15 =	smov.u32 s11  }
0x52: {  	[tilespmem:s18], [sflag:s21] =	stream.linear.gather @!p1 [hbm4b:s14+s17], $0x80, $0x38;
	[tilespmem:$0x1BD40] =	vst v63  }
0x53: {  	p3 =	seq.s32 s13, $0x9E;
	s12 =	sadd.s32 $0xFFFFFFFF, s13  }
0x54: {  	s20 =	simm.s32 @!p3 $0x80;
	s11 =	sadd.s32 $0x80, s11;
	s14 =	sand.u32 $0x1, s12  }
0x55: {  	p1 =	seq.s32 @!p3 s13, $0x2;
	s16 =	sadd.s32 @!p3 $0x1, s14;
	s17 =	sshll.u32 @!p3 s14, $0xE  }
0x56: {  	s18 =	sadd.s32 $0xFFFFFFFE, s13;
	s19 =	sshll.u32 @!p3 s14, $0x7;
	_ =	swait.ge @!p3 [sflag:s16], $0x80  }
0x57: {  	p4 =	por p1, p3;
	s12 =	sand.u32 $0x1, s18;
	[sflag:s16] =	ssyncset.done @!p3 $0x0  }
0x58: {  	p1 =	sgt.u32 s18, $0x9A;
	[sflag:s16] =	ssyncadd.s32 @!p3 $0xFFFFFF80;
	s16 =	sor.u32 @!p4 $0x8, s14  }
0x59: {  	s21 =	smul.u32 $0xAB, s18;
	s17 =	sor.u32 @!p3 $0x13D40, s17;
	_ =	swait.ge @!p4 [sflag:s16], $0x2000  }
0x5a: {  	s22 =	sor.u32 $0x6, s12;
	s19 =	sor.u32 @!p3 $0x13A40, s19;
	[sflag:s16] =	ssyncset.done @!p4 $0x0  }
0x5b: {  	s28 =	smul.u32 @!p1 $0xAB, s13;
	[sflag:s16] =	ssyncadd.s32 @!p4 $0xFFFFE000;
	s16 =	sand.u32 @!p1 $0x380, s15  }
0x5c: {  	s21 =	sshrl.u32 s21, $0x9;
	s14 =	sor.u32 @!p3 $0x6, s14;
	s15 =	sand.u32 @!p1 $0xFC00, s15  }
0x5d: {  	[tilespmem:s17], [sflag:s14] =	stream.indirect.gather @!p3 [spmem:s1], $0x40, s19, s20, $0xb8;
	[tilespmem:$0x1BD40] =	vst v63  }
0x5e: {  	s15 =	sadd.s32 @!p1 s10, s15;
	s14 =	sand.u32 $0x7F, s21;
	_ =	swait.ge [sflag:s22], $0x2000  }
0x5f: {  	s17 =	sshrl.u32 @!p1 s28, $0x9;
	s15 =	sor.u32 @!p1 s16, s15;
	[sflag:s22] =	ssyncset.done $0x0  }
0x60: {  	s16 =	sand.u32 @!p1 $0x7F, s17;
	s17 =	smul.u32 $0x3, s14;
	[sflag:s22] =	ssyncadd.s32 $0xFFFFE000  }
0x61: {  	s19 =	sshll.u32 s12, $0xE;
	s14 =	sshrl.u32 @!p1 s15, $0x3;
	s20 =	smul.u32 @!p1 $0x3, s16  }
.Ltmp0:
0x62: {  	s15 =	sadd.s32 @!p1 s5, s14;
	s14 =	sadd.s32 @!p1 s6, s14;
	(pc) =	sbr.rel @p2 .LBB2_2-.Ltmp0, $4  }
0x63: {  	s16 =	ssub.s32 s18, s17;
	s17 =	sor.u32 $0x8, s12;
	s18 =	sshll.u32 @!p1 s12, $0x7  }
0x64: {  	s21 =	sand.u32 $0xFF, s16;
	s16 =	sor.u32 @!p1 $0x13A40, s18;
	s13 =	ssub.s32 @!p1 s13, s20  }
0x65: {  	s18 =	sadd.s32 $0x3, s21;
	s20 =	sshll.u32 s21, $0x7;
	s13 =	sand.u32 @!p1 $0xFF, s13  }
0x66: {  	s19 =	sor.u32 $0x13D40, s19;
	s20 =	sadd.s32 $0x13B40, s20;
	_ =	swait.ge [sflag:s18], $0x80  }
0x67: {  	[sflag:s18] =	ssyncset.done $0x0  }
0x68: {  	[sflag:s18] =	ssyncadd.s32 $0xFFFFFF80  }
0x69: {  	[spmem:s2] =	stream.indirect.scatter.add.f32 [tilespmem:s19], [sflag:s17], $0x40, s20, s3, $0xb8;
	[tilespmem:$0x1BD40] =	vst v63  }
0x6a: {  	s9 =	sadd.s32 @!p1 $0x1, s12;
	s11 =	sshll.u32 @!p1 s13, $0x7;
	s12 =	simm.s32 @!p1 $0x0  }
0x6b: {  	[tilespmem:s16], [sflag:s9] =	stream.linear.gather @!p1 [hbm4b:s15+s12], $0x80, $0x38;
	[tilespmem:$0x1BD40] =	vst v63  }
0x6c: {  	s9 =	sadd.s32 @!p1 $0x13B40, s11;
	s11 =	sadd.s32 @!p1 $0x3, s13  }
0x6d: {  	[tilespmem:s9], [sflag:s11] =	stream.linear.gather @!p1 [hbm4b:s14+s12], $0x80, $0x38;
	[tilespmem:$0x1BD40] =	vst v63  }
0x6e: {  	_ =	swait.ge [sflag:s30], $0x2000  }
0x6f: {  	[sflag:s30] =	ssyncset.done $0x0  }
0x70: {  	[sflag:s30] =	ssyncadd.s32 $0xFFFFE000  }
0x71: {  	_ =	swait.ge [sflag:s31], $0x2000  }
0x72: {  	[sflag:s31] =	ssyncset.done $0x0  }
0x73: {  	[sflag:s31] =	ssyncadd.s32 $0xFFFFE000  }
0x74: {  	[bflag:$0x0] =	sbarrier.arrive $0xFFFF  }
0x75: {  	s9 =	sor.u32 $0x1C0A, s8;
	s22 =	rddreg [dreg:$0xd]  }
0x76: {  	[hbm:s22], [sflag:s9] =	dma.local [spmem:s24], $0x2700  }
0x77: {  	_ =	swait.ge [sflag:s29], $0x2700  }
0x78: {  	[sflag:s29] =	ssyncset.done $0x0  }
0x79: {  	s11 =	rddreg [dreg:$0xe];
	[sflag:s29] =	ssyncadd.s32 $0xFFFFD900  }
0x7a: {  	[hbm:s11], [sflag:s9] =	dma.local @!p0 [spmem:s25], $0x100  }
0x7b: {  	s9 =	simm.s32 @!p0 $0xA  }
0x7c: {  	_ =	swait.ge @!p0 [sflag:s9], $0x100  }
0x7d: {  	s7 =	sadd.s32 $0x1, s7;
	s28 =	rddreg [dreg:$0xf]  }
0x7e: {  	p1 =	sne.s32 s7, s28  }
.Ltmp1:
0x7f: {  	_ = 	snop;
	(pc) =	sbr.rel @p1 .LBB2_1-.Ltmp1, $3  }
0x80: {  	_ =	sdelay $0x1  }
0x81: {  	[sflag:s9] =	ssyncset.done @!p0 $0x0  }
0x82: {  	[sflag:s9] =	ssyncadd.s32 @!p0 $0xFFFFFF00  }
0x83: {  	_ =	sfence.sel $0x180000  }
0x84: {  	[bflag:$0x0] =	sbarrier.arrive $0xFFFF  }
0x85: {  	_ =	strace $0x9000004A  }
0x86: {  	s0 =	stileid.u32;
	[bflag:$0x2] =	sbarrier.arrive $0xFFFF  }
0x87: {  	p0 =	sne.s32 s0, $0x0;
	s0 =	rddreg [dreg:$0x4]  }
0x88: {  	s0 =	sadd.s32 @!p0 $0x100000, s0  }
0x89: {  	[sflag:s0] =	ssyncadd.tile.s32 @!p0 $0x1;
	_ =	shalt  }
.Lfunc_end2:
_tile_overlayer_lowered:
.L_overlay_start_2:
0x8a: {  	(tag) =	ssettag $0x2  }
0x8b: {  	s0 =	rddreg [dreg:$0x0];
	s2 =	stileid.u32  }
0x8c: {  	s1 =	rddreg [dreg:$0x1];
	p0 =	sne.s32 s2, $0x0  }
0x8d: {  	s3 =	rddreg [dreg:$0x2];
	[bflag:$0x3] =	sbarrier.arrive $0xFFFF;
	s2 =	simm.s32 @!p0 $0x1C0A  }
0x8e: {  	[timem:s3], [sflag:s2] =	dma.local @!p0 [hbm:s0], s1  }
0x8f: {  	s0 =	simm.s32 @!p0 $0xA  }
0x90: {  	_ =	swait.ge @!p0 [sflag:s0], s1  }
0x91: {  	s1 =	ssub.s32 @!p0 $0x0, s1;
	[sflag:s0] =	ssyncset.done @!p0 $0x0  }
0x92: {  	[sflag:s0] =	ssyncadd.s32 @!p0 s1  }
0x93: {  	[bflag:$0x3] =	sbarrier.arrive $0xFFFF  }
0x94: {  	_ =	shalt  }

// kernel: kernel.16.cloned.1.call-start
scs
__scs_entry_jumppad:
0x0: {  	(pc) =	sbr.rel $0x88, $3  }
0x1: {  	(tag) =	ssettag $0x0;
	lr =	simm.s32 $0x1  }
0x2: {  	[smem:$0x3F99] =	sst lr;
	_ =	strace $0xD0000000  }
0x3: {  	_ = 	snop  }
0x4: {  	_ = 	snop  }
0x5: {  	_ = 	snop  }
0x6: {  	_ = 	snop  }
0x7: {  	_ = 	snop  }
__scs_overlays_trampoline_lowered:
0x8: {  	[smem:$0x3FA8] =	sst s0  }
0x9: {  	[smem:$0x3FA9] =	sst s1  }
0xa: {  	[smem:$0x3FAA] =	sst s2  }
0xb: {  	[smem:$0x3FAB] =	sst s3  }
0xc: {  	[smem:$0x3FAC] =	sst s4  }
0xd: {  	[smem:$0x3FAD] =	sst s5  }
0xe: {  	[smem:$0x3FAE] =	sst s6  }
0xf: {  	[smem:$0x3FAF] =	sst s7  }
0x10: {  	[smem:$0x3FB0] =	sst s8  }
0x11: {  	[smem:$0x3FB1] =	sst s9;
	s0 =	simm.s32 @!p0 $0x0  }
0x12: {  	s1 =	sld [smem:$0x3F97];
	s0 =	simm.s32 @p0 $0x1  }
0x13: {  	[smem:$0x3FB2] =	sst s0;
	s0 =	simm.s32 @!p1 $0x0  }
0x14: {  	s2 =	sld [smem:$0x3F96];
	s0 =	simm.s32 @p1 $0x1  }
0x15: {  	[smem:$0x3FB3] =	sst s0;
	s0 =	simm.s32 @!p2 $0x0  }
0x16: {  	s3 =	sld [smem:$0x3FDB];
	s0 =	simm.s32 @p2 $0x1  }
0x17: {  	s4 =	simm.s32 $0x1BF5;
	[smem:$0x3FB5] =	sst s0  }
0x18: {  	s0 =	sld [smem:$0x3F98];
	_ =	swait.ge [sflag:s4], $0x0  }
0x19: {  	s7 =	sld [smem:$0x3F99]  }
0x1a: {  	s8 =	sadd.s32 $0xFFFFE003, lr  }
0x1b: {  	s9 =	sadd.s32 $0xFFFFFEF7, lr;
	s5 =	simm.s32 $0xFFFFFFFF;
	p2 =	slt.u32 s8, $0xFFFFF086  }
0x1c: {  	p1 =	slt.u32 s9, $0xF7A;
	s5 =	simm.s32 @!p2 $0x0  }
0x1d: {  	s5 =	simm.s32 @p1 $0x1;
	p0 =	seq.s32 s7, s2  }
0x1e: {  	s7 =	smul.u32 @!p0 $0xF7A, s2;
	p2 =	seq.s32 @!p0 s5, $0x0  }
0x1f: {  	s9 =	smul.u32 $0xF7A, s1;
	s8 =	simm.s32 @!p0 $0x1BF5;
	p2 =	por !p2, p0  }
0x20: {  	[sflag:s8] =	ssyncset.s32 @!p0 $0xFFFFF086;
	s6 =	sadd.s32 @!p0 s3, s7;
	s7 =	simm.s32 @!p0 $0x108  }
0x21: {  	s3 =	sadd.s32 s3, s9;
	s6 =	sadd.s32 @!p0 $0x88, s6;
	s7 =	simm.s32 @p2 $0x1082  }
0x22: {  	[simem:s7], [sflag:s8] =	dma.local @!p0 [hbm:s6], $0xF7A  }
0x23: {  	s9 =	sor.u32 $0xD0000000, s2;
	s6 =	simm.s32 $0x108;
	_ =	swait.ge @!p0 [sflag:s8], $0x0  }
0x24: {  	s3 =	sadd.s32 $0x88, s3;
	s6 =	simm.s32 @!p1 $0x1082;
	[sflag:s4] =	ssyncset.s32 $0xFFFFF086  }
0x25: {  	[simem:s6], [sflag:s4] =	dma.local [hbm:s3], $0xF7A  }
0x26: {  	[smem:$0x3F99] =	sst s1;
	(tag) =	ssettag s2;
	_ =	strace s9  }
0x27: {  	s1 =	sld [smem:$0x3FA9]  }
0x28: {  	s2 =	sld [smem:$0x3FAA]  }
0x29: {  	s4 =	sld [smem:$0x3FAC]  }
0x2a: {  	p0 =	seq.s32 s5, $0x0;
	s5 =	sld [smem:$0x3FAD]  }
0x2b: {  	s6 =	sld [smem:$0x3FAE]  }
0x2c: {  	s7 =	sld [smem:$0x3FAF]  }
0x2d: {  	s3 =	simm.s32 $0x108;
	s8 =	sld [smem:$0x3FB0]  }
0x2e: {  	s3 =	simm.s32 @!p0 $0x1082;
	s9 =	sld [smem:$0x3FB1]  }
0x2f: {  	lr =	sadd.s32 s0, s3;
	s0 =	sld [smem:$0x3FA8]  }
0x30: {  	s3 =	sld [smem:$0x3FAB]  }
0x31: {  	[smem:$0x3FB4] =	sst s10  }
0x32: {  	s10 =	sld [smem:$0x3FB2];
	_ =	sdelay $0x3  }
0x33: {  	p0 =	seq.s32 s10, $0x1;
	s10 =	sld [smem:$0x3FB4];
	_ =	sdelay $0x3  }
0x34: {  	[smem:$0x3FB4] =	sst s10  }
0x35: {  	s10 =	sld [smem:$0x3FB3];
	_ =	sdelay $0x3  }
0x36: {  	p1 =	seq.s32 s10, $0x1;
	s10 =	sld [smem:$0x3FB4];
	_ =	sdelay $0x3  }
0x37: {  	[smem:$0x3FB4] =	sst s10  }
0x38: {  	s10 =	sld [smem:$0x3FB5]  }
0x39: {  	_ = 	snop;
	(pc) =	sbr.ind lr, $3  }
0x3a: {  	_ = 	snop  }
0x3b: {  	_ = 	snop  }
0x3c: {  	p2 =	seq.s32 s10, $0x1;
	s10 =	sld [smem:$0x3FB4]  }
0x3d: {  	_ =	shalt  }
0x3e: {  	_ =	shalt  }
0x3f: {  	_ =	shalt  }
0x40: {  	_ =	shalt  }
0x41: {  	_ =	shalt  }
0x42: {  	_ =	shalt  }
0x43: {  	_ =	shalt  }
0x44: {  	_ =	shalt  }
0x45: {  	_ =	shalt  }
0x46: {  	_ =	shalt  }
0x47: {  	_ =	shalt  }
0x48: {  	_ =	shalt  }
0x49: {  	_ =	shalt  }
0x4a: {  	_ =	shalt  }
0x4b: {  	_ =	shalt  }
0x4c: {  	_ =	shalt  }
0x4d: {  	_ =	shalt  }
0x4e: {  	_ =	shalt  }
0x4f: {  	_ =	shalt  }
0x50: {  	_ =	shalt  }
0x51: {  	_ =	shalt  }
0x52: {  	_ =	shalt  }
0x53: {  	_ =	shalt  }
0x54: {  	_ =	shalt  }
0x55: {  	_ =	shalt  }
0x56: {  	_ =	shalt  }
0x57: {  	_ =	shalt  }
0x58: {  	_ =	shalt  }
0x59: {  	_ =	shalt  }
0x5a: {  	_ =	shalt  }
0x5b: {  	_ =	shalt  }
0x5c: {  	_ =	shalt  }
0x5d: {  	_ =	shalt  }
0x5e: {  	_ =	shalt  }
0x5f: {  	_ =	shalt  }
0x60: {  	_ =	shalt  }
0x61: {  	_ =	shalt  }
0x62: {  	_ =	shalt  }
0x63: {  	_ =	shalt  }
0x64: {  	_ =	shalt  }
0x65: {  	_ =	shalt  }
0x66: {  	_ =	shalt  }
0x67: {  	_ =	shalt  }
0x68: {  	_ =	shalt  }
0x69: {  	_ =	shalt  }
0x6a: {  	_ =	shalt  }
0x6b: {  	_ =	shalt  }
0x6c: {  	_ =	shalt  }
0x6d: {  	_ =	shalt  }
0x6e: {  	_ =	shalt  }
0x6f: {  	_ =	shalt  }
0x70: {  	_ =	shalt  }
0x71: {  	_ =	shalt  }
0x72: {  	_ =	shalt  }
0x73: {  	_ =	shalt  }
0x74: {  	_ =	shalt  }
0x75: {  	_ =	shalt  }
0x76: {  	_ =	shalt  }
0x77: {  	_ =	shalt  }
0x78: {  	_ =	shalt  }
0x79: {  	_ =	shalt  }
0x7a: {  	_ =	shalt  }
0x7b: {  	_ =	shalt  }
0x7c: {  	_ =	shalt  }
0x7d: {  	_ =	shalt  }
0x7e: {  	_ =	shalt  }
0x7f: {  	_ =	shalt  }
0x80: {  	_ =	shalt  }
0x81: {  	_ =	shalt  }
0x82: {  	_ =	shalt  }
0x83: {  	_ =	shalt  }
0x84: {  	_ =	shalt  }
0x85: {  	_ =	shalt  }
0x86: {  	_ =	shalt  }
0x87: {  	_ =	shalt  }
.Lfunc_end0:
.L_simem_size_0:
called_computation.2_lowered:
.L_overlay_start_0:
0x88: {  	s2 =	sld [smem:$0x3FD9]  }
0x89: {  	s3 =	sld [smem:$0x3FFE];
	_ =	sdelay $0x1  }
0x8a: {  	s1 =	srdreg.scid  }
0x8b: {  	s0 =	sand.u32 $0x1, s1  }
0x8c: {  	s17 =	sshll.u32 s0, $0xA;
	s2 =	sadd.s32 s3, s2  }
0x8d: {  	s2 =	sadd.s32 s2, s17  }
0x8e: {  	[smem:$0x3FC0] =	sst s2  }
0x8f: {  	_ = 	snop  }
0x90: {  	s2 =	sld [smem:$0x3FD0];
	(tm) =	ssettm $0x1  }
0x91: {  	s18 =	sld [smem:$0x3FFB];
	_ =	sdelay $0x3  }
0x92: {  	_ =	strace s18  }
0x93: {  	s3 =	sld [smem:$0x3FFC];
	_ =	sdelay $0x3  }
0x94: {  	_ =	strace s3  }
0x95: {  	s3 =	sld [smem:$0x3FFD];
	_ =	sdelay $0x3  }
0x96: {  	_ =	strace s3  }
0x97: {  	_ =	strace $0x8FFFFFFF  }
0x98: {  	s19 =	sld [smem:$0x3FDB];
	_ =	sdelay $0x1  }
0x99: {  	s4 =	simm.s32 $_scs_section_size  }
0x9a: {  	s5 =	simm.s32 $_size__tile_overlayer_lowered;
	s6 =	simm.s32 $_tile_overlayer_lowered  }
0x9b: {  	s22 =	simm.s32 $0x1BFF;
	s21 =	sshll.u32 s6, $0x1;
	s3 =	sadd.s32 s4, s19  }
0x9c: {  	s7 =	simm.s32 $0x0;
	s20 =	sshll.u32 s5, $0x1;
	s5 =	sadd.s32 s21, s3  }
0x9d: {  	[timem:s7], [sflag:s22] =	dma.local [hbm:s5], s20  }
0x9e: {  	_ =	swait.ge [sflag:s22], s20  }
0x9f: {  	s4 =	ssub.s32 $0x0, s20;
	[sflag:s22] =	ssyncset.done $0x0  }
0xa0: {  	[sflag:s22] =	ssyncadd.s32 s4;
	_ =	sdelay $0x1  }
0xa1: {  	s23 =	simm.s32 $0x1B8B  }
0xa2: {  	_ =	swait.ge [sflag:s23], $0x1  }
0xa3: {  	[sflag:s23] =	ssyncset.done $0x0  }
0xa4: {  	s25 =	simm.s32 $0x1B8E;
	s24 =	sld [smem:$0x3FFE];
	[sflag:s23] =	ssyncadd.s32 $0xFFFFFFFF  }
0xa5: {  	s26 =	simm.s32 $execute0_lowered;
	[smem:$0x3FD2] =	sst s25  }
0xa6: {  	s5 =	sshll.u32 s26, $0x1;
	_ =	strace $0x8000004C;
	[dreg:$0x1] =	wrdreg $0xFFFFFFFF  }
0xa7: {  	s28 =	simm.s32 $_size_execute0_lowered;
	s3 =	sadd.s32 s3, s5;
	[dreg:$0x0] =	wrdreg $0x0  }
0xa8: {  	s5 =	sshll.u32 s28, $0x1;
	[dreg:$0x2] =	wrdreg s3  }
0xa9: {  	[dreg:$0x3] =	wrdreg s5  }
0xaa: {  	[dreg:$0x4] =	wrdreg $0xC0  }
0xab: {  	_ =	task [dreg:s7], $0x5FFFF  }
0xac: {  	[dreg:$0x1] =	wrdreg $0xFFFFFFFF  }
0xad: {  	[dreg:$0x0] =	wrdreg $0x60  }
0xae: {  	[dreg:$0x2] =	wrdreg s2  }
0xaf: {  	[dreg:$0x3] =	wrdreg s24  }
0xb0: {  	[dreg:$0x4] =	wrdreg $0x0  }
0xb1: {  	[dreg:$0x5] =	wrdreg $0x9C400  }
0xb2: {  	[dreg:$0x6] =	wrdreg $0x9  }
0xb3: {  	_ =	task.clear_ibuf [dreg:s7], $0x7FFFF;
	_ =	strace $0x9000004C  }
0xb4: {  	s29 =	simm.s32 $0x9;
	_ =	strace $0x8000004E  }
0xb5: {  	_ =	swait.ge [sflag:s29], $0x1  }
0xb6: {  	[sflag:s29] =	ssyncadd.s32 $0xFFFFFFFF  }
0xb7: {  	_ =	strace $0x9000004E  }
0xb8: {  	_ =	sfence  }
0xb9: {  	s30 =	sld [smem:$0x0];
	_ =	sdelay $0x2  }
0xba: {  	s31 =	sshll.u32 s1, $0xD;
	s1 =	sshrl.u32 s1, $0x2  }
0xbb: {  	s3 =	sand.u32 $0x4000, s31;
	s1 =	sadd.s32 s1, s30  }
0xbc: {  	s0 =	sor.u32 s3, s0;
	s1 =	sshll.u32 s1, $0x11  }
0xbd: {  	s0 =	sor.u32 s1, s0  }
0xbe: {  	s0 =	sadd.s32 $0x8F2B, s0  }
0xbf: {  	[sflag:s0] =	ssyncadd.remote.s32 $0x1  }
0xc0: {  	_ =	sfence.sel $0xFFFF  }
0xc1: {  	[dreg:$0x0] =	wrdreg $0xFFFFFFFF;
	(pc) =	sbr.abs _section_cstart, $3  }
0xc2: {  	[dreg:$0x1] =	wrdreg $0xFFFFFFFF  }
0xc3: {  	_ =	task.clear_ibuf [dreg:s7], $0x2FFFF;
	_ =	strace $0x9FFFFFFF  }
0xc4: {  	(tm) =	ssettm $0x7FFFFFFF  }
0xc5: {  	_ =	shalt  }
tec
execute0_lowered:
.L_overlay_start_1:
0x0: {  	(tag) =	ssettag $0x1  }
0x1: {  	s0 =	rddreg [dreg:$0x0]  }
0x2: {  	s3 =	rddreg [dreg:$0x1]  }
0x3: {  	s1 =	rddreg [dreg:$0x2]  }
0x4: {  	s2 =	rddreg [dreg:$0x3];
	s4 =	simm.s32 $0x0;
	s6 =	srdreg.scid  }
0x5: {  	s17 =	stileid.u32;
	s30 =	simm.s32 $0x8;
	s31 =	simm.s32 $0x9  }
0x6: {  	s29 =	simm.s32 $0xA;
	[smem:$0x7FF] =	sst s4;
	s5 =	sadd.s32 $0x3800, s3  }
0x7: {  	s7 =	sand.u32 $0x1, s6;
	s8 =	smul.u32 $0x4F000, s17;
	s6 =	sadd.s32 $0xD800, s3  }
0x8: {  	s11 =	smul.u32 $0x13800, s17;
	s10 =	sadd.s32 $0x17800, s3;
	s3 =	sadd.s32 $0x1A000, s3  }
0x9: {  	_ =	strace $0x8000004D;
	s9 =	ssub.s32 $0x2, s7;
	s7 =	smul.u32 $0x138800, s7  }
0xa: {  	[dreg:$0x5] =	wrdreg s10;
	s10 =	smul.u32 $0x5000, s17;
	s16 =	sshrl.u32 s9, $0x1  }
0xb: {  	s8 =	sshrl.u32 s8, $0x2;
	s14 =	sadd.s32 s11, s1;
	s9 =	ssub.s32 s9, s16  }
0xc: {  	s12 =	sadd.s32 s8, s2;
	s8 =	sshll.u32 s17, $0x6;
	s28 =	sshrl.u32 s14, $0x3  }
0xd: {  	s16 =	sshrl.u32 s10, $0x3;
	s13 =	sor.u32 $0x1C06, s8;
	[dreg:$0x11] =	wrdreg s28  }
0xe: {  	s18 =	sadd.s32 s11, s7;
	s20 =	sadd.s32 s5, s16;
	[dreg:$0x6] =	wrdreg s13  }
0xf: {  	s21 =	sor.u32 $0x10, s16;
	s16 =	sadd.s32 s6, s16;
	[dreg:$0x9] =	wrdreg s20  }
0x10: {  	s7 =	sshrl.u32 s7, $0x3;
	s25 =	smax.u32 s9, $0x1;
	[dreg:$0xa] =	wrdreg s16  }
0x11: {  	s19 =	sshrl.u32 s18, $0x3;
	s26 =	sshrl.u32 s12, $0x3;
	[dreg:$0xf] =	wrdreg s25  }
0x12: {  	s7 =	sadd.s32 $0x27000, s7;
	s15 =	sadd.s32 s0, s19;
	[dreg:$0x10] =	wrdreg s26  }
0x13: {  	p0 =	sne.s32 s17, $0xF;
	s0 =	sadd.s32 s0, s7;
	[dreg:$0x7] =	wrdreg s15  }
0x14: {  	s24 =	sadd.s32 s11, s2;
	s22 =	sadd.s32 s5, s21;
	[dreg:$0x8] =	wrdreg s0  }
0x15: {  	s24 =	sshrl.u32 s24, $0x3;
	s23 =	sadd.s32 s3, s19;
	[dreg:$0xb] =	wrdreg s22  }
0x16: {  	s3 =	sadd.s32 s3, s7;
	s26 =	simm.s32 $0x7;
	[dreg:$0xd] =	wrdreg s23  }
0x17: {  	s15 =	sadd.s32 $0x138000, s1;
	s0 =	sadd.s32 s6, s21;
	[dreg:$0xe] =	wrdreg s3  }
0x18: {  	s3 =	sadd.s32 $0x138000, s2;
	s23 =	simm.s32 $0x6;
	[dreg:$0xc] =	wrdreg s0  }
0x19: {  	s7 =	sshrl.u32 @!p0 s15, $0x3;
	s25 =	sshrl.u32 @!p0 s3, $0x3;
	s0 =	simm.s32 $0x1  }
0x1a: {  	s3 =	simm.s32 $0x80;
	[dreg:$0x12] =	wrdreg s7;
	s7 =	simm.s32 $0x0  }
.LBB2_1:
0x1b: {  	s9 =	rddreg [dreg:$0x5]  }
0x1c: {  	s11 =	rddreg [dreg:$0x6]  }
0x1d: {  	s12 =	rddreg [dreg:$0x10]  }
0x1e: {  	[spmem:s12], [sflag:s11] =	dma.local [hbm:s9], $0x2780  }
0x1f: {  	s11 =	rddreg [dreg:$0x7]  }
0x20: {  	s28 =	sor.u32 $0x1C07, s8;
	s12 =	rddreg [dreg:$0x11]  }
0x21: {  	[spmem:s12], [sflag:s28] =	dma.local [hbm:s11], $0x2700  }
0x22: {  	s11 =	rddreg [dreg:$0x8]  }
0x23: {  	s9 =	simm.s32 @!p0 $0x1FCA;
	s12 =	rddreg [dreg:$0x12]  }
0x24: {  	[spmem:s12], [sflag:s9] =	dma.local @!p0 [hbm:s11], $0x100  }
0x25: {  	s9 =	simm.s32 @!p0 $0xA  }
0x26: {  	_ =	swait.ge @!p0 [sflag:s9], $0x100  }
0x27: {  	[sflag:s9] =	ssyncset.done @!p0 $0x0  }
0x28: {  	[sflag:s9] =	ssyncadd.s32 @!p0 $0xFFFFFF00  }
0x29: {  	_ =	swait.ge [sflag:s23], $0x2780  }
0x2a: {  	[sflag:s23] =	ssyncset.done $0x0  }
0x2b: {  	[sflag:s23] =	ssyncadd.s32 $0xFFFFD880  }
0x2c: {  	_ =	swait.ge [sflag:s26], $0x2700  }
0x2d: {  	[sflag:s26] =	ssyncset.done $0x0  }
0x2e: {  	s14 =	simm.s32 $0x13A40;
	s16 =	simm.s32 $0x13B40;
	[sflag:s26] =	ssyncadd.s32 $0xFFFFD900  }
0x2f: {  	s18 =	simm.s32 $0x13AC0;
	p2 =	por $0x0, $0x0;
	[bflag:$0x0] =	sbarrier.arrive $0xFFFF  }
0x30: {  	s20 =	simm.s32 $0x13BC0;
	p1 =	por @!p2 $0x1, $0x1;
	s13 =	rddreg [dreg:$0x9]  }
0x31: {  	[tilespmem:s14], [sflag:$0x1] =	stream.linear.gather [hbm4b:s13+s4], $0x80, $0x38;
	[tilespmem:$0x1BD40] =	vst v63  }
0x32: {  	s21 =	simm.s32 $0x13D40;
	p3 =	por p1, p2;
	s15 =	rddreg [dreg:$0xa]  }
0x33: {  	[tilespmem:s16], [sflag:$0x3] =	stream.linear.gather [hbm4b:s15+s4], $0x80, $0x38;
	[tilespmem:$0x1BD40] =	vst v63  }
0x34: {  	p1 =	por $0x0, $0x0;
	s17 =	rddreg [dreg:$0xb];
	s13 =	simm.s32 $0x2  }
0x35: {  	[tilespmem:s18], [sflag:$0x2] =	stream.linear.gather [hbm4b:s17+s4], $0x80, $0x38;
	[tilespmem:$0x1BD40] =	vst v63  }
0x36: {  	s22 =	simm.s32 $0x1;
	s19 =	rddreg [dreg:$0xc];
	s13 =	smul.u32 @!p1 $0xAB, s13  }
0x37: {  	[tilespmem:s20], [sflag:$0x4] =	stream.linear.gather [hbm4b:s19+s4], $0x80, $0x38;
	[tilespmem:$0x1BD40] =	vst v63  }
0x38: {  	s11 =	simm.s32 $0x180;
	s13 =	sshrl.u32 @!p1 s13, $0x9;
	_ =	swait.ge [sflag:s0], $0x80  }
0x39: {  	s9 =	simm.s32 $0x3;
	s13 =	sand.u32 @!p1 $0x7F, s13;
	[sflag:s0] =	ssyncset.done $0x0  }
0x3a: {  	s15 =	simm.s32 $0x100;
	s13 =	smul.u32 @!p1 $0x3, s13;
	[sflag:s0] =	ssyncadd.s32 $0xFFFFFF80  }
0x3b: {  	[tilespmem:s21], [sflag:$0x6] =	stream.indirect.gather [spmem:s1], $0x40, s14, s3, $0xb8;
	[tilespmem:$0x1BD40] =	vst v63  }
0x3c: {  	s17 =	simm.s32 $0x0;
	s13 =	ssub.s32 @!p1 $0x2, s13;
	s14 =	sand.u32 $0x1, s22  }
0x3d: {  	s20 =	simm.s32 @!p2 $0x80;
	s13 =	sand.u32 @!p1 $0xFF, s13;
	s12 =	sadd.s32 @!p2 $0x1, s14  }
0x3e: {  	s16 =	sshll.u32 @!p2 s14, $0xE;
	s18 =	sor.u32 @!p3 $0x8, s14;
	_ =	swait.ge @!p2 [sflag:s12], $0x80  }
0x3f: {  	s19 =	sshll.u32 @!p2 s14, $0x7;
	s14 =	sor.u32 @!p2 $0x6, s14;
	[sflag:s12] =	ssyncset.done @!p2 $0x0  }
0x40: {  	s16 =	sor.u32 @!p2 $0x13D40, s16;
	s19 =	sor.u32 @!p2 $0x13A40, s19;
	[sflag:s12] =	ssyncadd.s32 @!p2 $0xFFFFFF80  }
0x41: {  	s12 =	sand.u32 $0x1, s17;
	s17 =	smul.u32 $0xAB, s17;
	_ =	swait.ge @!p3 [sflag:s18], $0x2000  }
0x42: {  	s28 =	sor.u32 $0x6, s12;
	s22 =	sshll.u32 s12, $0xE;
	[sflag:s18] =	ssyncset.done @!p3 $0x0  }
0x43: {  	s21 =	sshrl.u32 s17, $0x9;
	s17 =	sor.u32 $0x8, s12;
	[sflag:s18] =	ssyncadd.s32 @!p3 $0xFFFFE000  }
0x44: {  	[tilespmem:s16], [sflag:s14] =	stream.indirect.gather @!p2 [spmem:s1], $0x40, s19, s20, $0xb8;
	[tilespmem:$0x1BD40] =	vst v63  }
0x45: {  	s14 =	sand.u32 @!p1 $0x380, s15;
	s16 =	sand.u32 $0x7F, s21;
	s15 =	sand.u32 @!p1 $0xFC00, s15  }
0x46: {  	s18 =	sshll.u32 @!p1 s12, $0x7;
	s15 =	sadd.s32 @!p1 s10, s15;
	s16 =	smul.u32 $0x3, s16  }
0x47: {  	s19 =	sor.u32 $0x13D40, s22;
	_ =	swait.ge [sflag:s28], $0x2000;
	s14 =	sor.u32 @!p1 s14, s15  }
0x48: {  	[sflag:s28] =	ssyncset.done $0x0;
	s14 =	sshrl.u32 @!p1 s14, $0x3;
	s16 =	ssub.s32 $0x0, s16  }
0x49: {  	[sflag:s28] =	ssyncadd.s32 $0xFFFFE000;
	s15 =	sadd.s32 @!p1 s5, s14;
	s28 =	sand.u32 $0xFF, s16  }
0x4a: {  	s16 =	sor.u32 @!p1 $0x13A40, s18;
	s18 =	sadd.s32 $0x3, s28;
	s20 =	sshll.u32 s28, $0x7  }
0x4b: {  	s14 =	sadd.s32 @!p1 s6, s14;
	s20 =	sadd.s32 $0x13B40, s20;
	_ =	swait.ge [sflag:s18], $0x80  }
.LBB2_2:
0x4c: {  	[sflag:s18] =	ssyncset.done $0x0;
	s12 =	sadd.s32 @!p1 $0x1, s12;
	s21 =	sshll.u32 @!p1 s13, $0x7  }
0x4d: {  	[sflag:s18] =	ssyncadd.s32 $0xFFFFFF80;
	s18 =	sadd.s32 @!p1 $0x13B40, s21;
	s21 =	sadd.s32 @!p1 $0x3, s13  }
0x4e: {  	[spmem:s2] =	stream.indirect.scatter.add.f32 [tilespmem:s19], [sflag:s17], $0x40, s20, s3, $0xb8;
	[tilespmem:$0x1BD40] =	vst v63  }
0x4f: {  	s13 =	smov.u32 s9;
	s9 =	sadd.s32 $0x1, s9;
	s17 =	simm.s32 @!p1 $0x0  }
0x50: {  	[tilespmem:s16], [sflag:s12] =	stream.linear.gather @!p1 [hbm4b:s15+s17], $0x80, $0x38;
	[tilespmem:$0x1BD40] =	vst v63  }
0x51: {  	p2 =	sne.s32 s9, $0x9F;
	s15 =	smov.u32 s11  }
0x52: {  	[tilespmem:s18], [sflag:s21] =	stream.linear.gather @!p1 [hbm4b:s14+s17], $0x80, $0x38;
	[tilespmem:$0x1BD40] =	vst v63  }
0x53: {  	p3 =	seq.s32 s13, $0x9E;
	s12 =	sadd.s32 $0xFFFFFFFF, s13  }
0x54: {  	s20 =	simm.s32 @!p3 $0x80;
	s11 =	sadd.s32 $0x80, s11;
	s14 =	sand.u32 $0x1, s12  }
0x55: {  	p1 =	seq.s32 @!p3 s13, $0x2;
	s16 =	sadd.s32 @!p3 $0x1, s14;
	s17 =	sshll.u32 @!p3 s14, $0xE  }
0x56: {  	s18 =	sadd.s32 $0xFFFFFFFE, s13;
	s19 =	sshll.u32 @!p3 s14, $0x7;
	_ =	swait.ge @!p3 [sflag:s16], $0x80  }
0x57: {  	p4 =	por p1, p3;
	s12 =	sand.u32 $0x1, s18;
	[sflag:s16] =	ssyncset.done @!p3 $0x0  }
0x58: {  	p1 =	sgt.u32 s18, $0x9A;
	[sflag:s16] =	ssyncadd.s32 @!p3 $0xFFFFFF80;
	s16 =	sor.u32 @!p4 $0x8, s14  }
0x59: {  	s21 =	smul.u32 $0xAB, s18;
	s17 =	sor.u32 @!p3 $0x13D40, s17;
	_ =	swait.ge @!p4 [sflag:s16], $0x2000  }
0x5a: {  	s22 =	sor.u32 $0x6, s12;
	s19 =	sor.u32 @!p3 $0x13A40, s19;
	[sflag:s16] =	ssyncset.done @!p4 $0x0  }
0x5b: {  	s28 =	smul.u32 @!p1 $0xAB, s13;
	[sflag:s16] =	ssyncadd.s32 @!p4 $0xFFFFE000;
	s16 =	sand.u32 @!p1 $0x380, s15  }
0x5c: {  	s21 =	sshrl.u32 s21, $0x9;
	s14 =	sor.u32 @!p3 $0x6, s14;
	s15 =	sand.u32 @!p1 $0xFC00, s15  }
0x5d: {  	[tilespmem:s17], [sflag:s14] =	stream.indirect.gather @!p3 [spmem:s1], $0x40, s19, s20, $0xb8;
	[tilespmem:$0x1BD40] =	vst v63  }
0x5e: {  	s15 =	sadd.s32 @!p1 s10, s15;
	s14 =	sand.u32 $0x7F, s21;
	_ =	swait.ge [sflag:s22], $0x2000  }
0x5f: {  	s17 =	sshrl.u32 @!p1 s28, $0x9;
	s15 =	sor.u32 @!p1 s16, s15;
	[sflag:s22] =	ssyncset.done $0x0  }
0x60: {  	s16 =	sand.u32 @!p1 $0x7F, s17;
	s17 =	smul.u32 $0x3, s14;
	[sflag:s22] =	ssyncadd.s32 $0xFFFFE000  }
0x61: {  	s19 =	sshll.u32 s12, $0xE;
	s14 =	sshrl.u32 @!p1 s15, $0x3;
	s20 =	smul.u32 @!p1 $0x3, s16  }
.Ltmp0:
0x62: {  	s15 =	sadd.s32 @!p1 s5, s14;
	s14 =	sadd.s32 @!p1 s6, s14;
	(pc) =	sbr.rel @p2 .LBB2_2-.Ltmp0, $4  }
0x63: {  	s16 =	ssub.s32 s18, s17;
	s17 =	sor.u32 $0x8, s12;
	s18 =	sshll.u32 @!p1 s12, $0x7  }
0x64: {  	s21 =	sand.u32 $0xFF, s16;
	s16 =	sor.u32 @!p1 $0x13A40, s18;
	s13 =	ssub.s32 @!p1 s13, s20  }
0x65: {  	s18 =	sadd.s32 $0x3, s21;
	s20 =	sshll.u32 s21, $0x7;
	s13 =	sand.u32 @!p1 $0xFF, s13  }
0x66: {  	s19 =	sor.u32 $0x13D40, s19;
	s20 =	sadd.s32 $0x13B40, s20;
	_ =	swait.ge [sflag:s18], $0x80  }
0x67: {  	[sflag:s18] =	ssyncset.done $0x0  }
0x68: {  	[sflag:s18] =	ssyncadd.s32 $0xFFFFFF80  }
0x69: {  	[spmem:s2] =	stream.indirect.scatter.add.f32 [tilespmem:s19], [sflag:s17], $0x40, s20, s3, $0xb8;
	[tilespmem:$0x1BD40] =	vst v63  }
0x6a: {  	s9 =	sadd.s32 @!p1 $0x1, s12;
	s11 =	sshll.u32 @!p1 s13, $0x7;
	s12 =	simm.s32 @!p1 $0x0  }
0x6b: {  	[tilespmem:s16], [sflag:s9] =	stream.linear.gather @!p1 [hbm4b:s15+s12], $0x80, $0x38;
	[tilespmem:$0x1BD40] =	vst v63  }
0x6c: {  	s9 =	sadd.s32 @!p1 $0x13B40, s11;
	s11 =	sadd.s32 @!p1 $0x3, s13  }
0x6d: {  	[tilespmem:s9], [sflag:s11] =	stream.linear.gather @!p1 [hbm4b:s14+s12], $0x80, $0x38;
	[tilespmem:$0x1BD40] =	vst v63  }
0x6e: {  	_ =	swait.ge [sflag:s30], $0x2000  }
0x6f: {  	[sflag:s30] =	ssyncset.done $0x0  }
0x70: {  	[sflag:s30] =	ssyncadd.s32 $0xFFFFE000  }
0x71: {  	_ =	swait.ge [sflag:s31], $0x2000  }
0x72: {  	[sflag:s31] =	ssyncset.done $0x0  }
0x73: {  	[sflag:s31] =	ssyncadd.s32 $0xFFFFE000  }
0x74: {  	[bflag:$0x0] =	sbarrier.arrive $0xFFFF  }
0x75: {  	s9 =	sor.u32 $0x1C0A, s8;
	s22 =	rddreg [dreg:$0xd]  }
0x76: {  	[hbm:s22], [sflag:s9] =	dma.local [spmem:s24], $0x2700  }
0x77: {  	_ =	swait.ge [sflag:s29], $0x2700  }
0x78: {  	[sflag:s29] =	ssyncset.done $0x0  }
0x79: {  	s11 =	rddreg [dreg:$0xe];
	[sflag:s29] =	ssyncadd.s32 $0xFFFFD900  }
0x7a: {  	[hbm:s11], [sflag:s9] =	dma.local @!p0 [spmem:s25], $0x100  }
0x7b: {  	s9 =	simm.s32 @!p0 $0xA  }
0x7c: {  	_ =	swait.ge @!p0 [sflag:s9], $0x100  }
0x7d: {  	s7 =	sadd.s32 $0x1, s7;
	s28 =	rddreg [dreg:$0xf]  }
0x7e: {  	p1 =	sne.s32 s7, s28  }
.Ltmp1:
0x7f: {  	_ = 	snop;
	(pc) =	sbr.rel @p1 .LBB2_1-.Ltmp1, $3  }
0x80: {  	_ =	sdelay $0x1  }
0x81: {  	[sflag:s9] =	ssyncset.done @!p0 $0x0  }
0x82: {  	[sflag:s9] =	ssyncadd.s32 @!p0 $0xFFFFFF00  }
0x83: {  	_ =	sfence.sel $0x180000  }
0x84: {  	[bflag:$0x0] =	sbarrier.arrive $0xFFFF  }
0x85: {  	_ =	strace $0x9000004D  }
0x86: {  	s0 =	stileid.u32;
	[bflag:$0x2] =	sbarrier.arrive $0xFFFF  }
0x87: {  	p0 =	sne.s32 s0, $0x0;
	s0 =	rddreg [dreg:$0x4]  }
0x88: {  	s0 =	sadd.s32 @!p0 $0x100000, s0  }
0x89: {  	[sflag:s0] =	ssyncadd.tile.s32 @!p0 $0x1;
	_ =	shalt  }
.Lfunc_end2:
_tile_overlayer_lowered:
.L_overlay_start_2:
0x8a: {  	(tag) =	ssettag $0x2  }
0x8b: {  	s0 =	rddreg [dreg:$0x0];
	s2 =	stileid.u32  }
0x8c: {  	s1 =	rddreg [dreg:$0x1];
	p0 =	sne.s32 s2, $0x0  }
0x8d: {  	s3 =	rddreg [dreg:$0x2];
	[bflag:$0x3] =	sbarrier.arrive $0xFFFF;
	s2 =	simm.s32 @!p0 $0x1C0A  }
0x8e: {  	[timem:s3], [sflag:s2] =	dma.local @!p0 [hbm:s0], s1  }
0x8f: {  	s0 =	simm.s32 @!p0 $0xA  }
0x90: {  	_ =	swait.ge @!p0 [sflag:s0], s1  }
0x91: {  	s1 =	ssub.s32 @!p0 $0x0, s1;
	[sflag:s0] =	ssyncset.done @!p0 $0x0  }
0x92: {  	[sflag:s0] =	ssyncadd.s32 @!p0 s1  }
0x93: {  	[bflag:$0x3] =	sbarrier.arrive $0xFFFF  }
0x94: {  	_ =	shalt  }

// kernel: kernel.19.cloned.1.call-start
scs
__scs_entry_jumppad:
0x0: {  	(pc) =	sbr.rel $0x88, $3  }
0x1: {  	(tag) =	ssettag $0x0;
	lr =	simm.s32 $0x1  }
0x2: {  	[smem:$0x3F99] =	sst lr;
	_ =	strace $0xD0000000  }
0x3: {  	_ = 	snop  }
0x4: {  	_ = 	snop  }
0x5: {  	_ = 	snop  }
0x6: {  	_ = 	snop  }
0x7: {  	_ = 	snop  }
__scs_overlays_trampoline_lowered:
0x8: {  	[smem:$0x3FA8] =	sst s0  }
0x9: {  	[smem:$0x3FA9] =	sst s1  }
0xa: {  	[smem:$0x3FAA] =	sst s2  }
0xb: {  	[smem:$0x3FAB] =	sst s3  }
0xc: {  	[smem:$0x3FAC] =	sst s4  }
0xd: {  	[smem:$0x3FAD] =	sst s5  }
0xe: {  	[smem:$0x3FAE] =	sst s6  }
0xf: {  	[smem:$0x3FAF] =	sst s7  }
0x10: {  	[smem:$0x3FB0] =	sst s8  }
0x11: {  	[smem:$0x3FB1] =	sst s9;
	s0 =	simm.s32 @!p0 $0x0  }
0x12: {  	s1 =	sld [smem:$0x3F97];
	s0 =	simm.s32 @p0 $0x1  }
0x13: {  	[smem:$0x3FB2] =	sst s0;
	s0 =	simm.s32 @!p1 $0x0  }
0x14: {  	s2 =	sld [smem:$0x3F96];
	s0 =	simm.s32 @p1 $0x1  }
0x15: {  	[smem:$0x3FB3] =	sst s0;
	s0 =	simm.s32 @!p2 $0x0  }
0x16: {  	s3 =	sld [smem:$0x3FDB];
	s0 =	simm.s32 @p2 $0x1  }
0x17: {  	s4 =	simm.s32 $0x1BF5;
	[smem:$0x3FB5] =	sst s0  }
0x18: {  	s0 =	sld [smem:$0x3F98];
	_ =	swait.ge [sflag:s4], $0x0  }
0x19: {  	s7 =	sld [smem:$0x3F99]  }
0x1a: {  	s8 =	sadd.s32 $0xFFFFE003, lr  }
0x1b: {  	s9 =	sadd.s32 $0xFFFFFEF7, lr;
	s5 =	simm.s32 $0xFFFFFFFF;
	p2 =	slt.u32 s8, $0xFFFFF086  }
0x1c: {  	p1 =	slt.u32 s9, $0xF7A;
	s5 =	simm.s32 @!p2 $0x0  }
0x1d: {  	s5 =	simm.s32 @p1 $0x1;
	p0 =	seq.s32 s7, s2  }
0x1e: {  	s7 =	smul.u32 @!p0 $0xF7A, s2;
	p2 =	seq.s32 @!p0 s5, $0x0  }
0x1f: {  	s9 =	smul.u32 $0xF7A, s1;
	s8 =	simm.s32 @!p0 $0x1BF5;
	p2 =	por !p2, p0  }
0x20: {  	[sflag:s8] =	ssyncset.s32 @!p0 $0xFFFFF086;
	s6 =	sadd.s32 @!p0 s3, s7;
	s7 =	simm.s32 @!p0 $0x108  }
0x21: {  	s3 =	sadd.s32 s3, s9;
	s6 =	sadd.s32 @!p0 $0x88, s6;
	s7 =	simm.s32 @p2 $0x1082  }
0x22: {  	[simem:s7], [sflag:s8] =	dma.local @!p0 [hbm:s6], $0xF7A  }
0x23: {  	s9 =	sor.u32 $0xD0000000, s2;
	s6 =	simm.s32 $0x108;
	_ =	swait.ge @!p0 [sflag:s8], $0x0  }
0x24: {  	s3 =	sadd.s32 $0x88, s3;
	s6 =	simm.s32 @!p1 $0x1082;
	[sflag:s4] =	ssyncset.s32 $0xFFFFF086  }
0x25: {  	[simem:s6], [sflag:s4] =	dma.local [hbm:s3], $0xF7A  }
0x26: {  	[smem:$0x3F99] =	sst s1;
	(tag) =	ssettag s2;
	_ =	strace s9  }
0x27: {  	s1 =	sld [smem:$0x3FA9]  }
0x28: {  	s2 =	sld [smem:$0x3FAA]  }
0x29: {  	s4 =	sld [smem:$0x3FAC]  }
0x2a: {  	p0 =	seq.s32 s5, $0x0;
	s5 =	sld [smem:$0x3FAD]  }
0x2b: {  	s6 =	sld [smem:$0x3FAE]  }
0x2c: {  	s7 =	sld [smem:$0x3FAF]  }
0x2d: {  	s3 =	simm.s32 $0x108;
	s8 =	sld [smem:$0x3FB0]  }
0x2e: {  	s3 =	simm.s32 @!p0 $0x1082;
	s9 =	sld [smem:$0x3FB1]  }
0x2f: {  	lr =	sadd.s32 s0, s3;
	s0 =	sld [smem:$0x3FA8]  }
0x30: {  	s3 =	sld [smem:$0x3FAB]  }
0x31: {  	[smem:$0x3FB4] =	sst s10  }
0x32: {  	s10 =	sld [smem:$0x3FB2];
	_ =	sdelay $0x3  }
0x33: {  	p0 =	seq.s32 s10, $0x1;
	s10 =	sld [smem:$0x3FB4];
	_ =	sdelay $0x3  }
0x34: {  	[smem:$0x3FB4] =	sst s10  }
0x35: {  	s10 =	sld [smem:$0x3FB3];
	_ =	sdelay $0x3  }
0x36: {  	p1 =	seq.s32 s10, $0x1;
	s10 =	sld [smem:$0x3FB4];
	_ =	sdelay $0x3  }
0x37: {  	[smem:$0x3FB4] =	sst s10  }
0x38: {  	s10 =	sld [smem:$0x3FB5]  }
0x39: {  	_ = 	snop;
	(pc) =	sbr.ind lr, $3  }
0x3a: {  	_ = 	snop  }
0x3b: {  	_ = 	snop  }
0x3c: {  	p2 =	seq.s32 s10, $0x1;
	s10 =	sld [smem:$0x3FB4]  }
0x3d: {  	_ =	shalt  }
0x3e: {  	_ =	shalt  }
0x3f: {  	_ =	shalt  }
0x40: {  	_ =	shalt  }
0x41: {  	_ =	shalt  }
0x42: {  	_ =	shalt  }
0x43: {  	_ =	shalt  }
0x44: {  	_ =	shalt  }
0x45: {  	_ =	shalt  }
0x46: {  	_ =	shalt  }
0x47: {  	_ =	shalt  }
0x48: {  	_ =	shalt  }
0x49: {  	_ =	shalt  }
0x4a: {  	_ =	shalt  }
0x4b: {  	_ =	shalt  }
0x4c: {  	_ =	shalt  }
0x4d: {  	_ =	shalt  }
0x4e: {  	_ =	shalt  }
0x4f: {  	_ =	shalt  }
0x50: {  	_ =	shalt  }
0x51: {  	_ =	shalt  }
0x52: {  	_ =	shalt  }
0x53: {  	_ =	shalt  }
0x54: {  	_ =	shalt  }
0x55: {  	_ =	shalt  }
0x56: {  	_ =	shalt  }
0x57: {  	_ =	shalt  }
0x58: {  	_ =	shalt  }
0x59: {  	_ =	shalt  }
0x5a: {  	_ =	shalt  }
0x5b: {  	_ =	shalt  }
0x5c: {  	_ =	shalt  }
0x5d: {  	_ =	shalt  }
0x5e: {  	_ =	shalt  }
0x5f: {  	_ =	shalt  }
0x60: {  	_ =	shalt  }
0x61: {  	_ =	shalt  }
0x62: {  	_ =	shalt  }
0x63: {  	_ =	shalt  }
0x64: {  	_ =	shalt  }
0x65: {  	_ =	shalt  }
0x66: {  	_ =	shalt  }
0x67: {  	_ =	shalt  }
0x68: {  	_ =	shalt  }
0x69: {  	_ =	shalt  }
0x6a: {  	_ =	shalt  }
0x6b: {  	_ =	shalt  }
0x6c: {  	_ =	shalt  }
0x6d: {  	_ =	shalt  }
0x6e: {  	_ =	shalt  }
0x6f: {  	_ =	shalt  }
0x70: {  	_ =	shalt  }
0x71: {  	_ =	shalt  }
0x72: {  	_ =	shalt  }
0x73: {  	_ =	shalt  }
0x74: {  	_ =	shalt  }
0x75: {  	_ =	shalt  }
0x76: {  	_ =	shalt  }
0x77: {  	_ =	shalt  }
0x78: {  	_ =	shalt  }
0x79: {  	_ =	shalt  }
0x7a: {  	_ =	shalt  }
0x7b: {  	_ =	shalt  }
0x7c: {  	_ =	shalt  }
0x7d: {  	_ =	shalt  }
0x7e: {  	_ =	shalt  }
0x7f: {  	_ =	shalt  }
0x80: {  	_ =	shalt  }
0x81: {  	_ =	shalt  }
0x82: {  	_ =	shalt  }
0x83: {  	_ =	shalt  }
0x84: {  	_ =	shalt  }
0x85: {  	_ =	shalt  }
0x86: {  	_ =	shalt  }
0x87: {  	_ =	shalt  }
.Lfunc_end0:
.L_simem_size_0:
called_computation.3_lowered:
.L_overlay_start_0:
0x88: {  	s2 =	sld [smem:$0x3FD9]  }
0x89: {  	s3 =	sld [smem:$0x3FFE];
	_ =	sdelay $0x1  }
0x8a: {  	s1 =	srdreg.scid  }
0x8b: {  	s0 =	sand.u32 $0x1, s1  }
0x8c: {  	s16 =	sshll.u32 s0, $0xA;
	s2 =	sadd.s32 s3, s2  }
0x8d: {  	s2 =	sadd.s32 s2, s16  }
0x8e: {  	[smem:$0x3FC0] =	sst s2  }
0x8f: {  	_ = 	snop  }
0x90: {  	(tm) =	ssettm $0x1  }
0x91: {  	s17 =	sld [smem:$0x3FFB];
	_ =	sdelay $0x3  }
0x92: {  	_ =	strace s17  }
0x93: {  	s2 =	sld [smem:$0x3FFC];
	_ =	sdelay $0x3  }
0x94: {  	_ =	strace s2  }
0x95: {  	s2 =	sld [smem:$0x3FFD];
	_ =	sdelay $0x3  }
0x96: {  	_ =	strace s2  }
0x97: {  	_ =	strace $0x8FFFFFFF  }
0x98: {  	s18 =	sld [smem:$0x3FDB];
	_ =	sdelay $0x1  }
0x99: {  	s19 =	simm.s32 $_scs_section_size  }
0x9a: {  	s4 =	simm.s32 $_size__tile_overlayer_lowered;
	s5 =	simm.s32 $_tile_overlayer_lowered  }
0x9b: {  	s22 =	simm.s32 $0x1BFF;
	s21 =	sshll.u32 s5, $0x1;
	s2 =	sadd.s32 s19, s18  }
0x9c: {  	s6 =	simm.s32 $0x0;
	s20 =	sshll.u32 s4, $0x1;
	s4 =	sadd.s32 s21, s2  }
0x9d: {  	[timem:s6], [sflag:s22] =	dma.local [hbm:s4], s20  }
0x9e: {  	_ =	swait.ge [sflag:s22], s20  }
0x9f: {  	s3 =	ssub.s32 $0x0, s20;
	[sflag:s22] =	ssyncset.done $0x0  }
0xa0: {  	[sflag:s22] =	ssyncadd.s32 s3;
	_ =	sdelay $0x1  }
0xa1: {  	s23 =	simm.s32 $0x1B8B  }
0xa2: {  	_ =	swait.ge [sflag:s23], $0x1  }
0xa3: {  	[sflag:s23] =	ssyncset.done $0x0  }
0xa4: {  	s25 =	simm.s32 $0x1B8E;
	s24 =	sld [smem:$0x3FFE];
	[sflag:s23] =	ssyncadd.s32 $0xFFFFFFFF  }
0xa5: {  	s26 =	simm.s32 $execute0_lowered;
	[smem:$0x3FD2] =	sst s25  }
0xa6: {  	s4 =	sshll.u32 s26, $0x1;
	_ =	strace $0x8000004F;
	[dreg:$0x1] =	wrdreg $0xFFFFFFFF  }
0xa7: {  	s28 =	simm.s32 $_size_execute0_lowered;
	s2 =	sadd.s32 s2, s4;
	[dreg:$0x0] =	wrdreg $0x0  }
0xa8: {  	s4 =	sshll.u32 s28, $0x1;
	[dreg:$0x2] =	wrdreg s2  }
0xa9: {  	[dreg:$0x3] =	wrdreg s4  }
0xaa: {  	[dreg:$0x4] =	wrdreg $0xC0  }
0xab: {  	_ =	task [dreg:s6], $0x5FFFF  }
0xac: {  	[dreg:$0x1] =	wrdreg $0xFFFFFFFF  }
0xad: {  	[dreg:$0x0] =	wrdreg $0x60  }
0xae: {  	[dreg:$0x2] =	wrdreg s24  }
0xaf: {  	[dreg:$0x3] =	wrdreg $0x0  }
0xb0: {  	[dreg:$0x4] =	wrdreg $0x9C400  }
0xb1: {  	[dreg:$0x5] =	wrdreg $0x9  }
0xb2: {  	_ =	task.clear_ibuf [dreg:s6], $0x6FFFF;
	_ =	strace $0x9000004F  }
0xb3: {  	s29 =	simm.s32 $0x9;
	_ =	strace $0x80000051  }
0xb4: {  	_ =	swait.ge [sflag:s29], $0x1  }
0xb5: {  	[sflag:s29] =	ssyncadd.s32 $0xFFFFFFFF  }
0xb6: {  	_ =	strace $0x90000051  }
0xb7: {  	_ =	sfence  }
0xb8: {  	s30 =	sld [smem:$0x0];
	_ =	sdelay $0x2  }
0xb9: {  	s31 =	sshll.u32 s1, $0xD;
	s1 =	sshrl.u32 s1, $0x2  }
0xba: {  	s3 =	sand.u32 $0x4000, s31;
	s1 =	sadd.s32 s1, s30  }
0xbb: {  	s0 =	sor.u32 s3, s0;
	s1 =	sshll.u32 s1, $0x11  }
0xbc: {  	s0 =	sor.u32 s1, s0  }
0xbd: {  	s0 =	sadd.s32 $0x8F2B, s0  }
0xbe: {  	[sflag:s0] =	ssyncadd.remote.s32 $0x1  }
0xbf: {  	_ =	sfence.sel $0xFFFF  }
0xc0: {  	[dreg:$0x0] =	wrdreg $0xFFFFFFFF;
	(pc) =	sbr.abs _section_cstart, $3  }
0xc1: {  	[dreg:$0x1] =	wrdreg $0xFFFFFFFF  }
0xc2: {  	_ =	task.clear_ibuf [dreg:s6], $0x2FFFF;
	_ =	strace $0x9FFFFFFF  }
0xc3: {  	(tm) =	ssettm $0x7FFFFFFF  }
tec
execute0_lowered:
.L_overlay_start_1:
0x0: {  	(tag) =	ssettag $0x1  }
0x1: {  	s0 =	rddreg [dreg:$0x0]  }
0x2: {  	s1 =	rddreg [dreg:$0x1]  }
0x3: {  	s2 =	rddreg [dreg:$0x2]  }
0x4: {  	s3 =	simm.s32 $0x0;
	s6 =	srdreg.scid;
	s17 =	stileid.u32  }
0x5: {  	s30 =	simm.s32 $0x8;
	s31 =	simm.s32 $0x9;
	s29 =	simm.s32 $0xA  }
0x6: {  	[smem:$0x7FF] =	sst s3;
	s4 =	sadd.s32 $0x1A000, s0;
	s5 =	sadd.s32 $0x3800, s0  }
0x7: {  	s7 =	sand.u32 $0x1, s6;
	s8 =	smul.u32 $0x4F000, s17;
	s6 =	sadd.s32 $0xD800, s0  }
0x8: {  	s11 =	smul.u32 $0x13800, s17;
	s10 =	sadd.s32 $0x17800, s0;
	s0 =	sadd.s32 $0x8F400, s0  }
0x9: {  	_ =	strace $0x80000050;
	s9 =	ssub.s32 $0x2, s7;
	s7 =	smul.u32 $0x138800, s7  }
0xa: {  	[dreg:$0x4] =	wrdreg s10;
	s10 =	smul.u32 $0x5000, s17;
	s16 =	sshrl.u32 s9, $0x1  }
0xb: {  	s8 =	sshrl.u32 s8, $0x2;
	s14 =	sadd.s32 s11, s1;
	s9 =	ssub.s32 s9, s16  }
0xc: {  	s12 =	sadd.s32 s8, s2;
	s8 =	sshll.u32 s17, $0x6;
	s28 =	sshrl.u32 s14, $0x3  }
0xd: {  	s16 =	sshrl.u32 s10, $0x3;
	s13 =	sor.u32 $0x1C06, s8;
	[dreg:$0x10] =	wrdreg s28  }
0xe: {  	s18 =	sadd.s32 s11, s7;
	s20 =	sadd.s32 s5, s16;
	[dreg:$0x5] =	wrdreg s13  }
0xf: {  	s21 =	sor.u32 $0x10, s16;
	s16 =	sadd.s32 s6, s16;
	[dreg:$0x8] =	wrdreg s20  }
0x10: {  	s7 =	sshrl.u32 s7, $0x3;
	s25 =	smax.u32 s9, $0x1;
	[dreg:$0x9] =	wrdreg s16  }
0x11: {  	s19 =	sshrl.u32 s18, $0x3;
	s26 =	sshrl.u32 s12, $0x3;
	[dreg:$0xe] =	wrdreg s25  }
0x12: {  	s7 =	sadd.s32 $0x27000, s7;
	s15 =	sadd.s32 s4, s19;
	[dreg:$0xf] =	wrdreg s26  }
0x13: {  	p0 =	sne.s32 s17, $0xF;
	s4 =	sadd.s32 s4, s7;
	[dreg:$0x6] =	wrdreg s15  }
0x14: {  	s24 =	sadd.s32 s11, s2;
	s22 =	sadd.s32 s5, s21;
	[dreg:$0x7] =	wrdreg s4  }
0x15: {  	s24 =	sshrl.u32 s24, $0x3;
	s23 =	sadd.s32 s0, s19;
	[dreg:$0xa] =	wrdreg s22  }
0x16: {  	s0 =	sadd.s32 s0, s7;
	s26 =	simm.s32 $0x7;
	[dreg:$0xc] =	wrdreg s23  }
0x17: {  	s15 =	sadd.s32 $0x138000, s1;
	s4 =	sadd.s32 s6, s21;
	[dreg:$0xd] =	wrdreg s0  }
0x18: {  	s0 =	sadd.s32 $0x138000, s2;
	s23 =	simm.s32 $0x6;
	[dreg:$0xb] =	wrdreg s4  }
0x19: {  	s7 =	sshrl.u32 @!p0 s15, $0x3;
	s25 =	sshrl.u32 @!p0 s0, $0x3;
	s0 =	simm.s32 $0x1  }
0x1a: {  	s4 =	simm.s32 $0x80;
	[dreg:$0x11] =	wrdreg s7;
	s7 =	simm.s32 $0x0  }
.LBB2_1:
0x1b: {  	s9 =	rddreg [dreg:$0x4]  }
0x1c: {  	s11 =	rddreg [dreg:$0x5]  }
0x1d: {  	s12 =	rddreg [dreg:$0xf]  }
0x1e: {  	[spmem:s12], [sflag:s11] =	dma.local [hbm:s9], $0x2780  }
0x1f: {  	s11 =	rddreg [dreg:$0x6]  }
0x20: {  	s28 =	sor.u32 $0x1C07, s8;
	s12 =	rddreg [dreg:$0x10]  }
0x21: {  	[spmem:s12], [sflag:s28] =	dma.local [hbm:s11], $0x2700  }
0x22: {  	s11 =	rddreg [dreg:$0x7]  }
0x23: {  	s9 =	simm.s32 @!p0 $0x1FCA;
	s12 =	rddreg [dreg:$0x11]  }
0x24: {  	[spmem:s12], [sflag:s9] =	dma.local @!p0 [hbm:s11], $0x100  }
0x25: {  	s9 =	simm.s32 @!p0 $0xA  }
0x26: {  	_ =	swait.ge @!p0 [sflag:s9], $0x100  }
0x27: {  	[sflag:s9] =	ssyncset.done @!p0 $0x0  }
0x28: {  	[sflag:s9] =	ssyncadd.s32 @!p0 $0xFFFFFF00  }
0x29: {  	_ =	swait.ge [sflag:s23], $0x2780  }
0x2a: {  	[sflag:s23] =	ssyncset.done $0x0  }
0x2b: {  	[sflag:s23] =	ssyncadd.s32 $0xFFFFD880  }
0x2c: {  	_ =	swait.ge [sflag:s26], $0x2700  }
0x2d: {  	[sflag:s26] =	ssyncset.done $0x0  }
0x2e: {  	s14 =	simm.s32 $0x13A40;
	s16 =	simm.s32 $0x13B40;
	[sflag:s26] =	ssyncadd.s32 $0xFFFFD900  }
0x2f: {  	s18 =	simm.s32 $0x13AC0;
	p2 =	por $0x0, $0x0;
	[bflag:$0x0] =	sbarrier.arrive $0xFFFF  }
0x30: {  	s20 =	simm.s32 $0x13BC0;
	p1 =	por @!p2 $0x1, $0x1;
	s13 =	rddreg [dreg:$0x8]  }
0x31: {  	[tilespmem:s14], [sflag:$0x1] =	stream.linear.gather [hbm4b:s13+s3], $0x80, $0x38;
	[tilespmem:$0x1BD40] =	vst v63  }
0x32: {  	s21 =	simm.s32 $0x13D40;
	p3 =	por p1, p2;
	s15 =	rddreg [dreg:$0x9]  }
0x33: {  	[tilespmem:s16], [sflag:$0x3] =	stream.linear.gather [hbm4b:s15+s3], $0x80, $0x38;
	[tilespmem:$0x1BD40] =	vst v63  }
0x34: {  	p1 =	por $0x0, $0x0;
	s17 =	rddreg [dreg:$0xa];
	s13 =	simm.s32 $0x2  }
0x35: {  	[tilespmem:s18], [sflag:$0x2] =	stream.linear.gather [hbm4b:s17+s3], $0x80, $0x38;
	[tilespmem:$0x1BD40] =	vst v63  }
0x36: {  	s22 =	simm.s32 $0x1;
	s19 =	rddreg [dreg:$0xb];
	s13 =	smul.u32 @!p1 $0xAB, s13  }
0x37: {  	[tilespmem:s20], [sflag:$0x4] =	stream.linear.gather [hbm4b:s19+s3], $0x80, $0x38;
	[tilespmem:$0x1BD40] =	vst v63  }
0x38: {  	s11 =	simm.s32 $0x180;
	s13 =	sshrl.u32 @!p1 s13, $0x9;
	_ =	swait.ge [sflag:s0], $0x80  }
0x39: {  	s9 =	simm.s32 $0x3;
	s13 =	sand.u32 @!p1 $0x7F, s13;
	[sflag:s0] =	ssyncset.done $0x0  }
0x3a: {  	s15 =	simm.s32 $0x100;
	s13 =	smul.u32 @!p1 $0x3, s13;
	[sflag:s0] =	ssyncadd.s32 $0xFFFFFF80  }
0x3b: {  	[tilespmem:s21], [sflag:$0x6] =	stream.indirect.gather [spmem:s1], $0x40, s14, s4, $0xb8;
	[tilespmem:$0x1BD40] =	vst v63  }
0x3c: {  	s17 =	simm.s32 $0x0;
	s13 =	ssub.s32 @!p1 $0x2, s13;
	s14 =	sand.u32 $0x1, s22  }
0x3d: {  	s20 =	simm.s32 @!p2 $0x80;
	s13 =	sand.u32 @!p1 $0xFF, s13;
	s12 =	sadd.s32 @!p2 $0x1, s14  }
0x3e: {  	s16 =	sshll.u32 @!p2 s14, $0xE;
	s18 =	sor.u32 @!p3 $0x8, s14;
	_ =	swait.ge @!p2 [sflag:s12], $0x80  }
0x3f: {  	s19 =	sshll.u32 @!p2 s14, $0x7;
	s14 =	sor.u32 @!p2 $0x6, s14;
	[sflag:s12] =	ssyncset.done @!p2 $0x0  }
0x40: {  	s16 =	sor.u32 @!p2 $0x13D40, s16;
	s19 =	sor.u32 @!p2 $0x13A40, s19;
	[sflag:s12] =	ssyncadd.s32 @!p2 $0xFFFFFF80  }
0x41: {  	s12 =	sand.u32 $0x1, s17;
	s17 =	smul.u32 $0xAB, s17;
	_ =	swait.ge @!p3 [sflag:s18], $0x2000  }
0x42: {  	s28 =	sor.u32 $0x6, s12;
	s22 =	sshll.u32 s12, $0xE;
	[sflag:s18] =	ssyncset.done @!p3 $0x0  }
0x43: {  	s21 =	sshrl.u32 s17, $0x9;
	s17 =	sor.u32 $0x8, s12;
	[sflag:s18] =	ssyncadd.s32 @!p3 $0xFFFFE000  }
0x44: {  	[tilespmem:s16], [sflag:s14] =	stream.indirect.gather @!p2 [spmem:s1], $0x40, s19, s20, $0xb8;
	[tilespmem:$0x1BD40] =	vst v63  }
0x45: {  	s14 =	sand.u32 @!p1 $0x380, s15;
	s16 =	sand.u32 $0x7F, s21;
	s15 =	sand.u32 @!p1 $0xFC00, s15  }
0x46: {  	s18 =	sshll.u32 @!p1 s12, $0x7;
	s15 =	sadd.s32 @!p1 s10, s15;
	s16 =	smul.u32 $0x3, s16  }
0x47: {  	s19 =	sor.u32 $0x13D40, s22;
	_ =	swait.ge [sflag:s28], $0x2000;
	s14 =	sor.u32 @!p1 s14, s15  }
0x48: {  	[sflag:s28] =	ssyncset.done $0x0;
	s14 =	sshrl.u32 @!p1 s14, $0x3;
	s16 =	ssub.s32 $0x0, s16  }
0x49: {  	[sflag:s28] =	ssyncadd.s32 $0xFFFFE000;
	s15 =	sadd.s32 @!p1 s5, s14;
	s28 =	sand.u32 $0xFF, s16  }
0x4a: {  	s16 =	sor.u32 @!p1 $0x13A40, s18;
	s18 =	sadd.s32 $0x3, s28;
	s20 =	sshll.u32 s28, $0x7  }
0x4b: {  	s14 =	sadd.s32 @!p1 s6, s14;
	s20 =	sadd.s32 $0x13B40, s20;
	_ =	swait.ge [sflag:s18], $0x80  }
.LBB2_2:
0x4c: {  	[sflag:s18] =	ssyncset.done $0x0;
	s12 =	sadd.s32 @!p1 $0x1, s12;
	s21 =	sshll.u32 @!p1 s13, $0x7  }
0x4d: {  	[sflag:s18] =	ssyncadd.s32 $0xFFFFFF80;
	s18 =	sadd.s32 @!p1 $0x13B40, s21;
	s21 =	sadd.s32 @!p1 $0x3, s13  }
0x4e: {  	[spmem:s2] =	stream.indirect.scatter.add.f32 [tilespmem:s19], [sflag:s17], $0x40, s20, s4, $0xb8;
	[tilespmem:$0x1BD40] =	vst v63  }
0x4f: {  	s13 =	smov.u32 s9;
	s9 =	sadd.s32 $0x1, s9;
	s17 =	simm.s32 @!p1 $0x0  }
0x50: {  	[tilespmem:s16], [sflag:s12] =	stream.linear.gather @!p1 [hbm4b:s15+s17], $0x80, $0x38;
	[tilespmem:$0x1BD40] =	vst v63  }
0x51: {  	p2 =	sne.s32 s9, $0x9F;
	s15 =	smov.u32 s11  }
0x52: {  	[tilespmem:s18], [sflag:s21] =	stream.linear.gather @!p1 [hbm4b:s14+s17], $0x80, $0x38;
	[tilespmem:$0x1BD40] =	vst v63  }
0x53: {  	p3 =	seq.s32 s13, $0x9E;
	s12 =	sadd.s32 $0xFFFFFFFF, s13  }
0x54: {  	s20 =	simm.s32 @!p3 $0x80;
	s11 =	sadd.s32 $0x80, s11;
	s14 =	sand.u32 $0x1, s12  }
0x55: {  	p1 =	seq.s32 @!p3 s13, $0x2;
	s16 =	sadd.s32 @!p3 $0x1, s14;
	s17 =	sshll.u32 @!p3 s14, $0xE  }
0x56: {  	s18 =	sadd.s32 $0xFFFFFFFE, s13;
	s19 =	sshll.u32 @!p3 s14, $0x7;
	_ =	swait.ge @!p3 [sflag:s16], $0x80  }
0x57: {  	p4 =	por p1, p3;
	s12 =	sand.u32 $0x1, s18;
	[sflag:s16] =	ssyncset.done @!p3 $0x0  }
0x58: {  	p1 =	sgt.u32 s18, $0x9A;
	[sflag:s16] =	ssyncadd.s32 @!p3 $0xFFFFFF80;
	s16 =	sor.u32 @!p4 $0x8, s14  }
0x59: {  	s21 =	smul.u32 $0xAB, s18;
	s17 =	sor.u32 @!p3 $0x13D40, s17;
	_ =	swait.ge @!p4 [sflag:s16], $0x2000  }
0x5a: {  	s22 =	sor.u32 $0x6, s12;
	s19 =	sor.u32 @!p3 $0x13A40, s19;
	[sflag:s16] =	ssyncset.done @!p4 $0x0  }
0x5b: {  	s28 =	smul.u32 @!p1 $0xAB, s13;
	[sflag:s16] =	ssyncadd.s32 @!p4 $0xFFFFE000;
	s16 =	sand.u32 @!p1 $0x380, s15  }
0x5c: {  	s21 =	sshrl.u32 s21, $0x9;
	s14 =	sor.u32 @!p3 $0x6, s14;
	s15 =	sand.u32 @!p1 $0xFC00, s15  }
0x5d: {  	[tilespmem:s17], [sflag:s14] =	stream.indirect.gather @!p3 [spmem:s1], $0x40, s19, s20, $0xb8;
	[tilespmem:$0x1BD40] =	vst v63  }
0x5e: {  	s15 =	sadd.s32 @!p1 s10, s15;
	s14 =	sand.u32 $0x7F, s21;
	_ =	swait.ge [sflag:s22], $0x2000  }
0x5f: {  	s17 =	sshrl.u32 @!p1 s28, $0x9;
	s15 =	sor.u32 @!p1 s16, s15;
	[sflag:s22] =	ssyncset.done $0x0  }
0x60: {  	s16 =	sand.u32 @!p1 $0x7F, s17;
	s17 =	smul.u32 $0x3, s14;
	[sflag:s22] =	ssyncadd.s32 $0xFFFFE000  }
0x61: {  	s19 =	sshll.u32 s12, $0xE;
	s14 =	sshrl.u32 @!p1 s15, $0x3;
	s20 =	smul.u32 @!p1 $0x3, s16  }
.Ltmp0:
0x62: {  	s15 =	sadd.s32 @!p1 s5, s14;
	s14 =	sadd.s32 @!p1 s6, s14;
	(pc) =	sbr.rel @p2 .LBB2_2-.Ltmp0, $4  }
0x63: {  	s16 =	ssub.s32 s18, s17;
	s17 =	sor.u32 $0x8, s12;
	s18 =	sshll.u32 @!p1 s12, $0x7  }
0x64: {  	s21 =	sand.u32 $0xFF, s16;
	s16 =	sor.u32 @!p1 $0x13A40, s18;
	s13 =	ssub.s32 @!p1 s13, s20  }
0x65: {  	s18 =	sadd.s32 $0x3, s21;
	s20 =	sshll.u32 s21, $0x7;
	s13 =	sand.u32 @!p1 $0xFF, s13  }
0x66: {  	s19 =	sor.u32 $0x13D40, s19;
	s20 =	sadd.s32 $0x13B40, s20;
	_ =	swait.ge [sflag:s18], $0x80  }
0x67: {  	[sflag:s18] =	ssyncset.done $0x0  }
0x68: {  	[sflag:s18] =	ssyncadd.s32 $0xFFFFFF80  }
0x69: {  	[spmem:s2] =	stream.indirect.scatter.add.f32 [tilespmem:s19], [sflag:s17], $0x40, s20, s4, $0xb8;
	[tilespmem:$0x1BD40] =	vst v63  }
0x6a: {  	s9 =	sadd.s32 @!p1 $0x1, s12;
	s11 =	sshll.u32 @!p1 s13, $0x7;
	s12 =	simm.s32 @!p1 $0x0  }
0x6b: {  	[tilespmem:s16], [sflag:s9] =	stream.linear.gather @!p1 [hbm4b:s15+s12], $0x80, $0x38;
	[tilespmem:$0x1BD40] =	vst v63  }
0x6c: {  	s9 =	sadd.s32 @!p1 $0x13B40, s11;
	s11 =	sadd.s32 @!p1 $0x3, s13  }
0x6d: {  	[tilespmem:s9], [sflag:s11] =	stream.linear.gather @!p1 [hbm4b:s14+s12], $0x80, $0x38;
	[tilespmem:$0x1BD40] =	vst v63  }
0x6e: {  	_ =	swait.ge [sflag:s30], $0x2000  }
0x6f: {  	[sflag:s30] =	ssyncset.done $0x0  }
0x70: {  	[sflag:s30] =	ssyncadd.s32 $0xFFFFE000  }
0x71: {  	_ =	swait.ge [sflag:s31], $0x2000  }
0x72: {  	[sflag:s31] =	ssyncset.done $0x0  }
0x73: {  	[sflag:s31] =	ssyncadd.s32 $0xFFFFE000  }
0x74: {  	[bflag:$0x0] =	sbarrier.arrive $0xFFFF  }
0x75: {  	s9 =	sor.u32 $0x1C0A, s8;
	s22 =	rddreg [dreg:$0xc]  }
0x76: {  	[hbm:s22], [sflag:s9] =	dma.local [spmem:s24], $0x2700  }
0x77: {  	_ =	swait.ge [sflag:s29], $0x2700  }
0x78: {  	[sflag:s29] =	ssyncset.done $0x0  }
0x79: {  	s11 =	rddreg [dreg:$0xd];
	[sflag:s29] =	ssyncadd.s32 $0xFFFFD900  }
0x7a: {  	[hbm:s11], [sflag:s9] =	dma.local @!p0 [spmem:s25], $0x100  }
0x7b: {  	s9 =	simm.s32 @!p0 $0xA  }
0x7c: {  	_ =	swait.ge @!p0 [sflag:s9], $0x100  }
0x7d: {  	s7 =	sadd.s32 $0x1, s7;
	s28 =	rddreg [dreg:$0xe]  }
0x7e: {  	p1 =	sne.s32 s7, s28  }
.Ltmp1:
0x7f: {  	_ = 	snop;
	(pc) =	sbr.rel @p1 .LBB2_1-.Ltmp1, $3  }
0x80: {  	_ =	sdelay $0x1  }
0x81: {  	[sflag:s9] =	ssyncset.done @!p0 $0x0  }
0x82: {  	[sflag:s9] =	ssyncadd.s32 @!p0 $0xFFFFFF00  }
0x83: {  	_ =	sfence.sel $0x180000  }
0x84: {  	[bflag:$0x0] =	sbarrier.arrive $0xFFFF  }
0x85: {  	_ =	strace $0x90000050  }
0x86: {  	s0 =	stileid.u32;
	[bflag:$0x2] =	sbarrier.arrive $0xFFFF  }
0x87: {  	p0 =	sne.s32 s0, $0x0;
	s0 =	rddreg [dreg:$0x3]  }
0x88: {  	s0 =	sadd.s32 @!p0 $0x100000, s0  }
0x89: {  	[sflag:s0] =	ssyncadd.tile.s32 @!p0 $0x1;
	_ =	shalt  }
.Lfunc_end2:
_tile_overlayer_lowered:
.L_overlay_start_2:
0x8a: {  	(tag) =	ssettag $0x2  }
0x8b: {  	s0 =	rddreg [dreg:$0x0];
	s2 =	stileid.u32  }
0x8c: {  	s1 =	rddreg [dreg:$0x1];
	p0 =	sne.s32 s2, $0x0  }
0x8d: {  	s3 =	rddreg [dreg:$0x2];
	[bflag:$0x3] =	sbarrier.arrive $0xFFFF;
	s2 =	simm.s32 @!p0 $0x1C0A  }
0x8e: {  	[timem:s3], [sflag:s2] =	dma.local @!p0 [hbm:s0], s1  }
0x8f: {  	s0 =	simm.s32 @!p0 $0xA  }
0x90: {  	_ =	swait.ge @!p0 [sflag:s0], s1  }
0x91: {  	s1 =	ssub.s32 @!p0 $0x0, s1;
	[sflag:s0] =	ssyncset.done @!p0 $0x0  }
0x92: {  	[sflag:s0] =	ssyncadd.s32 @!p0 s1  }
0x93: {  	[bflag:$0x3] =	sbarrier.arrive $0xFFFF  }
0x94: {  	_ =	shalt  }

</sc_bundles>
